<compile_context>
chip_gen: v7x
topology: tpu7x:2x2x1
jax: 0.10.2.dev20260603
libtpu: 0.0.44.dev20260713+nightly
codegen_flags: <defaults>
</compile_context>

<pallas_src>
import functools

import jax
import jax.numpy as jnp
from jax import lax
from jax.experimental import pallas as pl
from jax.experimental.pallas import tpu as pltpu
from jax.experimental.pallas import tpu_sc as plsc

_NUM_CORES = 2
_NUM_SUBCORES = 16
_LANES = 16


def _make_scan_kernel(R, L):
    NW = _NUM_CORES * _NUM_SUBCORES
    RW = R // NW
    RG = _LANES
    NG = RW // RG
    CC = 2048
    NC = L // CC
    NT = NG * NC

    mesh = plsc.VectorSubcoreMesh(
        core_axis_name="c", subcore_axis_name="s",
        num_cores=_NUM_CORES, num_subcores=_NUM_SUBCORES)

    @functools.partial(
        pl.kernel,
        out_type=jax.ShapeDtypeStruct((R, L), jnp.float32),
        mesh=mesh,
        compiler_params=pltpu.CompilerParams(needs_layout_passes=False),
        scratch_types=[
            pltpu.VMEM((3, RG, CC), jnp.float32),
            pltpu.SemaphoreType.DMA,
            pltpu.SemaphoreType.DMA,
            pltpu.SemaphoreType.DMA,
            pltpu.SemaphoreType.DMA,
            pltpu.SemaphoreType.DMA,
            pltpu.SemaphoreType.DMA,
        ],
    )
    def scan_kernel(x_hbm, y_hbm, buf, in_sem0, in_sem1, in_sem2,
                    out_sem0, out_sem1, out_sem2):
        cid = lax.axis_index("c")
        sid = lax.axis_index("s")
        wid = sid * _NUM_CORES + cid
        r0 = wid * RW
        in_sems = (in_sem0, in_sem1, in_sem2)
        out_sems = (out_sem0, out_sem1, out_sem2)
        last_lane = jnp.full((_LANES,), _LANES - 1, jnp.int32)

        def mk_in(t, slot):
            g, c = t // NC, t % NC
            return pltpu.make_async_copy(
                x_hbm.at[pl.ds(r0 + g * RG, RG), pl.ds(c * CC, CC)],
                buf.at[slot],
                in_sems[slot],
            )

        def mk_out(t, slot):
            g, c = t // NC, t % NC
            return pltpu.make_async_copy(
                buf.at[slot],
                y_hbm.at[pl.ds(r0 + g * RG, RG), pl.ds(c * CC, CC)],
                out_sems[slot],
            )

        def compute(slot, accs):
            def body(k, accs):
                col = k * _LANES
                new = []
                for r in range(RG):
                    v = buf[slot, r, pl.ds(col, _LANES)]
                    s = plsc.cumsum(v)
                    out = s + accs[r]
                    buf[slot, r, pl.ds(col, _LANES)] = out
                    new.append(jnp.full((_LANES,), out[_LANES - 1],
                                        jnp.float32))
                return tuple(new)

            return lax.fori_loop(0, CC // _LANES, body, accs)

        NB = 3
        in_copies = [None] * NB
        out_copies = [None] * NB
        for p in range(min(2, NT)):
            in_copies[p] = mk_in(p, p)
            in_copies[p].start()
        accs = tuple(jnp.zeros((_LANES,), jnp.float32) for _ in range(RG))
        for t in range(NT):
            slot = t % NB
            if t + 2 < NT:
                nxt = (t + 2) % NB
                if out_copies[nxt] is not None:
                    out_copies[nxt].wait()
                in_copies[nxt] = mk_in(t + 2, nxt)
                in_copies[nxt].start()
            in_copies[slot].wait()
            if t % NC == 0:
                accs = tuple(
                    jnp.zeros((_LANES,), jnp.float32) for _ in range(RG))
            accs = compute(slot, accs)
            out_copies[slot] = mk_out(t, slot)
            out_copies[slot].start()
        for p in range(min(NB, NT)):
            out_copies[(NT - 1 - p) % NB].wait()

    return scan_kernel


@jax.jit
def kernel(X_in):
    B, L, D, N = X_in.shape
    xt = jnp.transpose(X_in, (0, 2, 3, 1)).reshape(B * D * N, L)
    y = _make_scan_kernel(B * D * N, L)(xt)
    return jnp.transpose(y.reshape(B, D, N, L), (0, 3, 1, 2))

# --- scband reference (transcript-rebuilt; emitter-appended) ---
"""Pipeline reference for scband-blelloch-scan-1967095021837 (READ-ONLY COPY).

The authoritative reference and input builder live on the scoring server;
editing this copy changes nothing except your own understanding.
"""

import math
import jax, jax.numpy as jnp
import numpy as np


def combine_fn(a, b):
    return a + b


def setup_inputs(seed: int = 0) -> dict:
    key = jax.random.key(seed)
    X_in = jax.random.normal(key, (2, 4096, 16, 64), dtype=jnp.float32)
    return {"X_in": X_in}


def reference(X_in):
    B, L, D, N = X_in.shape
    P = 1 << (int(L) - 1).bit_length()
    X = jnp.transpose(X_in, (0, 2, 1, 3))
    id_val = jnp.zeros((D, N), dtype=X.dtype)
    if P != L:
        pad = jnp.broadcast_to(id_val[None, :, None, :], (B, D, P - L, N))
        X = jnp.concatenate([X, pad], axis=2)
    X_orig = X
    levels = int(math.log2(P))
    # upsweep
    for lvl in range(levels):
        step = 2 ** lvl
        idx_l = jnp.arange(step - 1, P, 2 * step)
        idx_r = idx_l + step
        left = X[:, :, idx_l, :]
        right = X[:, :, idx_r, :]
        k = left.shape[2]
        left_flat = jnp.transpose(left, (0, 2, 1, 3)).reshape(B * k, D, N)
        right_flat = jnp.transpose(right, (0, 2, 1, 3)).reshape(B * k, D, N)
        merged_flat = combine_fn(left_flat, right_flat)
        merged = jnp.transpose(merged_flat.reshape(B, k, D, N), (0, 2, 1, 3))
        X = X.at[:, :, idx_r, :].set(merged)
    # downsweep
    X = X.at[:, :, -1, :].set(id_val)
    for lvl in reversed(range(levels)):
        step = 2 ** lvl
        idx_l = jnp.arange(step - 1, P, 2 * step)
        idx_r = idx_l + step
        left = X[:, :, idx_l, :]
        right = X[:, :, idx_r, :]
        k = left.shape[2]
        left_flat = jnp.transpose(left, (0, 2, 1, 3)).reshape(B * k, D, N)
        right_flat = jnp.transpose(right, (0, 2, 1, 3)).reshape(B * k, D, N)
        new_right_flat = combine_fn(left_flat, right_flat)
        new_right = jnp.transpose(new_right_flat.reshape(B, k, D, N), (0, 2, 1, 3))
        X = X.at[:, :, idx_l, :].set(right)
        X = X.at[:, :, idx_r, :].set(new_right)
    # inclusive scan
    X = combine_fn(X, X_orig)
    return jnp.transpose(X[:, :, :L, :], (0, 2, 1, 3))

if __name__ == "__main__":
    import jax
    _d = setup_inputs()
    print(jax.jit(kernel)(*tuple(_d.values())))

</pallas_src>

<mosaic_0001>
#map = affine_map<(d0, d1) -> (0, 0)>
module attributes {stable_mosaic.version = 14 : i64} {
  func.func @scan_kernel(%arg0: i32, %arg1: i32, %arg2: memref<2048x4096xf32, #tpu.memory_space<hbm>>, %arg3: memref<2048x4096xf32, #tpu.memory_space<hbm>>, %arg4: memref<3x16x2048xf32, #tpu.memory_space<vmem>>, %arg5: memref<!tpu.dma_semaphore, #tpu.memory_space<semaphore_mem>>, %arg6: memref<!tpu.dma_semaphore, #tpu.memory_space<semaphore_mem>>, %arg7: memref<!tpu.dma_semaphore, #tpu.memory_space<semaphore_mem>>, %arg8: memref<!tpu.dma_semaphore, #tpu.memory_space<semaphore_mem>>, %arg9: memref<!tpu.dma_semaphore, #tpu.memory_space<semaphore_mem>>, %arg10: memref<!tpu.dma_semaphore, #tpu.memory_space<semaphore_mem>>) attributes {dimension_semantics = [#tpu.dimension_semantics<core_parallel>, #tpu.dimension_semantics<subcore_parallel>], iteration_bounds = array<i64: 2, 16>, scalar_prefetch = 0 : i64, scratch_operands = 7 : i64, tpu.core_type = #tpu.core_type<sc_vector_subcore>, window_params = [{transform_indices = #map}, {transform_indices = #map}]} {
    %mul3A = arith.constant 2 : i32
    %mul3A_0 = arith.muli %arg1, %mul3A : i32
    %add3A = arith.addi %mul3A_0, %arg0 : i32
    %mul3A_1 = arith.constant 64 : i32
    %mul3A_2 = arith.muli %add3A, %mul3A_1 : i32
    %broadcast_in_dim3A = arith.constant 15 : i32
    %broadcast_in_dim3A_3 = vector.broadcast %broadcast_in_dim3A : i32 to vector<16xi32>
    %add3A_4 = arith.constant 0 : i32
    %add3A_5 = arith.addi %mul3A_2, %add3A_4 : i32
    %dma_start3A = arith.constant 0 : i32
    %dma_start3A_6 = arith.constant 0 : i32
    %dma_start3A_7 = arith.constant 0 : i32
    %dma_start3A_8 = tpu.memref_slice %arg4[%dma_start3A, %dma_start3A_6, %dma_start3A_7] : memref<3x16x2048xf32, #tpu.memory_space<vmem>> -> memref<1x16x2048xf32, #tpu.memory_space<vmem>>
    %dma_start3A_9 = tpu.memref_squeeze %dma_start3A_8 : memref<1x16x2048xf32, #tpu.memory_space<vmem>> -> memref<16x2048xf32, #tpu.memory_space<vmem>>
    %dma_start3A_10 = arith.constant 0 : i32
    %dma_start3A_11 = tpu.memref_slice %arg2[%add3A_5, %dma_start3A_10] : memref<2048x4096xf32, #tpu.memory_space<hbm>> -> memref<16x2048xf32, #tpu.memory_space<hbm>>
    %dma_start3A_12 = arith.constant 0 : i32
    %dma_start3A_13 = arith.constant 0 : i32
    %dma_start3A_14 = tpu.memref_slice %arg4[%dma_start3A, %dma_start3A_12, %dma_start3A_13] : memref<3x16x2048xf32, #tpu.memory_space<vmem>> -> memref<1x16x2048xf32, #tpu.memory_space<vmem>>
    %dma_start3A_15 = tpu.memref_squeeze %dma_start3A_14 : memref<1x16x2048xf32, #tpu.memory_space<vmem>> -> memref<16x2048xf32, #tpu.memory_space<vmem>>
    %dma_start3A_16 = arith.constant 0 : i32
    %dma_start3A_17 = tpu.memref_slice %arg2[%add3A_5, %dma_start3A_16] : memref<2048x4096xf32, #tpu.memory_space<hbm>> -> memref<16x2048xf32, #tpu.memory_space<hbm>>
    tpu.enqueue_dma source(%dma_start3A_17 : memref<16x2048xf32, #tpu.memory_space<hbm>>) target(%dma_start3A_15 : memref<16x2048xf32, #tpu.memory_space<vmem>>) target_semaphore(%arg5 : memref<!tpu.dma_semaphore, #tpu.memory_space<semaphore_mem>>)
    %add3A_18 = arith.constant 0 : i32
    %add3A_19 = arith.addi %mul3A_2, %add3A_18 : i32
    %dma_start3A_20 = arith.constant 1 : i32
    %dma_start3A_21 = arith.constant 0 : i32
    %dma_start3A_22 = arith.constant 0 : i32
    %dma_start3A_23 = tpu.memref_slice %arg4[%dma_start3A_20, %dma_start3A_21, %dma_start3A_22] : memref<3x16x2048xf32, #tpu.memory_space<vmem>> -> memref<1x16x2048xf32, #tpu.memory_space<vmem>>
    %dma_start3A_24 = tpu.memref_squeeze %dma_start3A_23 : memref<1x16x2048xf32, #tpu.memory_space<vmem>> -> memref<16x2048xf32, #tpu.memory_space<vmem>>
    %dma_start3A_25 = arith.constant 2048 : i32
    %dma_start3A_26 = tpu.memref_slice %arg2[%add3A_19, %dma_start3A_25] : memref<2048x4096xf32, #tpu.memory_space<hbm>> -> memref<16x2048xf32, #tpu.memory_space<hbm>>
    %dma_start3A_27 = arith.constant 0 : i32
    %dma_start3A_28 = arith.constant 0 : i32
    %dma_start3A_29 = tpu.memref_slice %arg4[%dma_start3A_20, %dma_start3A_27, %dma_start3A_28] : memref<3x16x2048xf32, #tpu.memory_space<vmem>> -> memref<1x16x2048xf32, #tpu.memory_space<vmem>>
    %dma_start3A_30 = tpu.memref_squeeze %dma_start3A_29 : memref<1x16x2048xf32, #tpu.memory_space<vmem>> -> memref<16x2048xf32, #tpu.memory_space<vmem>>
    %dma_start3A_31 = arith.constant 2048 : i32
    %dma_start3A_32 = tpu.memref_slice %arg2[%add3A_19, %dma_start3A_31] : memref<2048x4096xf32, #tpu.memory_space<hbm>> -> memref<16x2048xf32, #tpu.memory_space<hbm>>
    tpu.enqueue_dma source(%dma_start3A_32 : memref<16x2048xf32, #tpu.memory_space<hbm>>) target(%dma_start3A_30 : memref<16x2048xf32, #tpu.memory_space<vmem>>) target_semaphore(%arg6 : memref<!tpu.dma_semaphore, #tpu.memory_space<semaphore_mem>>)
    %broadcast_in_dim3A_33 = arith.constant 0.000000e+00 : f32
    %broadcast_in_dim3A_34 = vector.broadcast %broadcast_in_dim3A_33 : f32 to vector<16xf32>
    %broadcast_in_dim3A_35 = arith.constant 0.000000e+00 : f32
    %broadcast_in_dim3A_36 = vector.broadcast %broadcast_in_dim3A_35 : f32 to vector<16xf32>
    %broadcast_in_dim3A_37 = arith.constant 0.000000e+00 : f32
    %broadcast_in_dim3A_38 = vector.broadcast %broadcast_in_dim3A_37 : f32 to vector<16xf32>
    %broadcast_in_dim3A_39 = arith.constant 0.000000e+00 : f32
    %broadcast_in_dim3A_40 = vector.broadcast %broadcast_in_dim3A_39 : f32 to vector<16xf32>
    %broadcast_in_dim3A_41 = arith.constant 0.000000e+00 : f32
    %broadcast_in_dim3A_42 = vector.broadcast %broadcast_in_dim3A_41 : f32 to vector<16xf32>
    %broadcast_in_dim3A_43 = arith.constant 0.000000e+00 : f32
    %broadcast_in_dim3A_44 = vector.broadcast %broadcast_in_dim3A_43 : f32 to vector<16xf32>
    %broadcast_in_dim3A_45 = arith.constant 0.000000e+00 : f32
    %broadcast_in_dim3A_46 = vector.broadcast %broadcast_in_dim3A_45 : f32 to vector<16xf32>
    %broadcast_in_dim3A_47 = arith.constant 0.000000e+00 : f32
    %broadcast_in_dim3A_48 = vector.broadcast %broadcast_in_dim3A_47 : f32 to vector<16xf32>
    %broadcast_in_dim3A_49 = arith.constant 0.000000e+00 : f32
    %broadcast_in_dim3A_50 = vector.broadcast %broadcast_in_dim3A_49 : f32 to vector<16xf32>
    %broadcast_in_dim3A_51 = arith.constant 0.000000e+00 : f32
    %broadcast_in_dim3A_52 = vector.broadcast %broadcast_in_dim3A_51 : f32 to vector<16xf32>
    %broadcast_in_dim3A_53 = arith.constant 0.000000e+00 : f32
    %broadcast_in_dim3A_54 = vector.broadcast %broadcast_in_dim3A_53 : f32 to vector<16xf32>
    %broadcast_in_dim3A_55 = arith.constant 0.000000e+00 : f32
    %broadcast_in_dim3A_56 = vector.broadcast %broadcast_in_dim3A_55 : f32 to vector<16xf32>
    %broadcast_in_dim3A_57 = arith.constant 0.000000e+00 : f32
    %broadcast_in_dim3A_58 = vector.broadcast %broadcast_in_dim3A_57 : f32 to vector<16xf32>
    %broadcast_in_dim3A_59 = arith.constant 0.000000e+00 : f32
    %broadcast_in_dim3A_60 = vector.broadcast %broadcast_in_dim3A_59 : f32 to vector<16xf32>
    %broadcast_in_dim3A_61 = arith.constant 0.000000e+00 : f32
    %broadcast_in_dim3A_62 = vector.broadcast %broadcast_in_dim3A_61 : f32 to vector<16xf32>
    %broadcast_in_dim3A_63 = arith.constant 0.000000e+00 : f32
    %broadcast_in_dim3A_64 = vector.broadcast %broadcast_in_dim3A_63 : f32 to vector<16xf32>
    %add3A_65 = arith.constant 16 : i32
    %add3A_66 = arith.addi %mul3A_2, %add3A_65 : i32
    %dma_start3A_67 = arith.constant 2 : i32
    %dma_start3A_68 = arith.constant 0 : i32
    %dma_start3A_69 = arith.constant 0 : i32
    %dma_start3A_70 = tpu.memref_slice %arg4[%dma_start3A_67, %dma_start3A_68, %dma_start3A_69] : memref<3x16x2048xf32, #tpu.memory_space<vmem>> -> memref<1x16x2048xf32, #tpu.memory_space<vmem>>
    %dma_start3A_71 = tpu.memref_squeeze %dma_start3A_70 : memref<1x16x2048xf32, #tpu.memory_space<vmem>> -> memref<16x2048xf32, #tpu.memory_space<vmem>>
    %dma_start3A_72 = arith.constant 0 : i32
    %dma_start3A_73 = tpu.memref_slice %arg2[%add3A_66, %dma_start3A_72] : memref<2048x4096xf32, #tpu.memory_space<hbm>> -> memref<16x2048xf32, #tpu.memory_space<hbm>>
    %dma_start3A_74 = arith.constant 0 : i32
    %dma_start3A_75 = arith.constant 0 : i32
    %dma_start3A_76 = tpu.memref_slice %arg4[%dma_start3A_67, %dma_start3A_74, %dma_start3A_75] : memref<3x16x2048xf32, #tpu.memory_space<vmem>> -> memref<1x16x2048xf32, #tpu.memory_space<vmem>>
    %dma_start3A_77 = tpu.memref_squeeze %dma_start3A_76 : memref<1x16x2048xf32, #tpu.memory_space<vmem>> -> memref<16x2048xf32, #tpu.memory_space<vmem>>
    %dma_start3A_78 = arith.constant 0 : i32
    %dma_start3A_79 = tpu.memref_slice %arg2[%add3A_66, %dma_start3A_78] : memref<2048x4096xf32, #tpu.memory_space<hbm>> -> memref<16x2048xf32, #tpu.memory_space<hbm>>
    tpu.enqueue_dma source(%dma_start3A_79 : memref<16x2048xf32, #tpu.memory_space<hbm>>) target(%dma_start3A_77 : memref<16x2048xf32, #tpu.memory_space<vmem>>) target_semaphore(%arg7 : memref<!tpu.dma_semaphore, #tpu.memory_space<semaphore_mem>>)
    %dma_wait3A = arith.constant 0 : i32
    %dma_wait3A_80 = arith.constant 0 : i32
    %dma_wait3A_81 = arith.constant 0 : i32
    %dma_wait3A_82 = tpu.memref_slice %arg4[%dma_wait3A, %dma_wait3A_80, %dma_wait3A_81] : memref<3x16x2048xf32, #tpu.memory_space<vmem>> -> memref<1x16x2048xf32, #tpu.memory_space<vmem>>
    %dma_wait3A_83 = tpu.memref_squeeze %dma_wait3A_82 : memref<1x16x2048xf32, #tpu.memory_space<vmem>> -> memref<16x2048xf32, #tpu.memory_space<vmem>>
    %dma_wait3A_84 = arith.constant 0 : i32
    %dma_wait3A_85 = tpu.memref_slice %arg2[%add3A_5, %dma_wait3A_84] : memref<2048x4096xf32, #tpu.memory_space<hbm>> -> memref<16x2048xf32, #tpu.memory_space<hbm>>
    %dma_wait3A_86 = arith.constant 0 : i32
    %dma_wait3A_87 = arith.constant 0 : i32
    %dma_wait3A_88 = tpu.memref_slice %arg4[%dma_wait3A, %dma_wait3A_86, %dma_wait3A_87] : memref<3x16x2048xf32, #tpu.memory_space<vmem>> -> memref<1x16x2048xf32, #tpu.memory_space<vmem>>
    %dma_wait3A_89 = tpu.memref_squeeze %dma_wait3A_88 : memref<1x16x2048xf32, #tpu.memory_space<vmem>> -> memref<16x2048xf32, #tpu.memory_space<vmem>>
    %dma_wait3A_90 = arith.constant 0 : i32
    %dma_wait3A_91 = tpu.memref_slice %arg2[%add3A_5, %dma_wait3A_90] : memref<2048x4096xf32, #tpu.memory_space<hbm>> -> memref<16x2048xf32, #tpu.memory_space<hbm>>
    tpu.wait_dma2 semaphore(%arg5 : memref<!tpu.dma_semaphore, #tpu.memory_space<semaphore_mem>>) src(%dma_wait3A_91 : memref<16x2048xf32, #tpu.memory_space<hbm>>) dst(%dma_wait3A_89 : memref<16x2048xf32, #tpu.memory_space<vmem>>)
    %broadcast_in_dim3A_92 = arith.constant 0.000000e+00 : f32
    %broadcast_in_dim3A_93 = vector.broadcast %broadcast_in_dim3A_92 : f32 to vector<16xf32>
    %broadcast_in_dim3A_94 = arith.constant 0.000000e+00 : f32
    %broadcast_in_dim3A_95 = vector.broadcast %broadcast_in_dim3A_94 : f32 to vector<16xf32>
    %broadcast_in_dim3A_96 = arith.constant 0.000000e+00 : f32
    %broadcast_in_dim3A_97 = vector.broadcast %broadcast_in_dim3A_96 : f32 to vector<16xf32>
    %broadcast_in_dim3A_98 = arith.constant 0.000000e+00 : f32
    %broadcast_in_dim3A_99 = vector.broadcast %broadcast_in_dim3A_98 : f32 to vector<16xf32>
    %broadcast_in_dim3A_100 = arith.constant 0.000000e+00 : f32
    %broadcast_in_dim3A_101 = vector.broadcast %broadcast_in_dim3A_100 : f32 to vector<16xf32>
    %broadcast_in_dim3A_102 = arith.constant 0.000000e+00 : f32
    %broadcast_in_dim3A_103 = vector.broadcast %broadcast_in_dim3A_102 : f32 to vector<16xf32>
    %broadcast_in_dim3A_104 = arith.constant 0.000000e+00 : f32
    %broadcast_in_dim3A_105 = vector.broadcast %broadcast_in_dim3A_104 : f32 to vector<16xf32>
    %broadcast_in_dim3A_106 = arith.constant 0.000000e+00 : f32
    %broadcast_in_dim3A_107 = vector.broadcast %broadcast_in_dim3A_106 : f32 to vector<16xf32>
    %broadcast_in_dim3A_108 = arith.constant 0.000000e+00 : f32
    %broadcast_in_dim3A_109 = vector.broadcast %broadcast_in_dim3A_108 : f32 to vector<16xf32>
    %broadcast_in_dim3A_110 = arith.constant 0.000000e+00 : f32
    %broadcast_in_dim3A_111 = vector.broadcast %broadcast_in_dim3A_110 : f32 to vector<16xf32>
    %broadcast_in_dim3A_112 = arith.constant 0.000000e+00 : f32
    %broadcast_in_dim3A_113 = vector.broadcast %broadcast_in_dim3A_112 : f32 to vector<16xf32>
    %broadcast_in_dim3A_114 = arith.constant 0.000000e+00 : f32
    %broadcast_in_dim3A_115 = vector.broadcast %broadcast_in_dim3A_114 : f32 to vector<16xf32>
    %broadcast_in_dim3A_116 = arith.constant 0.000000e+00 : f32
    %broadcast_in_dim3A_117 = vector.broadcast %broadcast_in_dim3A_116 : f32 to vector<16xf32>
    %broadcast_in_dim3A_118 = arith.constant 0.000000e+00 : f32
    %broadcast_in_dim3A_119 = vector.broadcast %broadcast_in_dim3A_118 : f32 to vector<16xf32>
    %broadcast_in_dim3A_120 = arith.constant 0.000000e+00 : f32
    %broadcast_in_dim3A_121 = vector.broadcast %broadcast_in_dim3A_120 : f32 to vector<16xf32>
    %broadcast_in_dim3A_122 = arith.constant 0.000000e+00 : f32
    %broadcast_in_dim3A_123 = vector.broadcast %broadcast_in_dim3A_122 : f32 to vector<16xf32>
    %scan3A = arith.constant 0 : i32
    %scan3A_124 = arith.constant 128 : i32
    %scan3A_125 = arith.addi %scan3A, %scan3A_124 : i32
    %scan3A_126 = arith.constant 1 : i32
    %scan3A_127:16 = scf.for %scan3A_657 = %scan3A to %scan3A_125 step %scan3A_126 iter_args(%scan3A_658 = %broadcast_in_dim3A_93, %scan3A_659 = %broadcast_in_dim3A_95, %scan3A_660 = %broadcast_in_dim3A_97, %scan3A_661 = %broadcast_in_dim3A_99, %scan3A_662 = %broadcast_in_dim3A_101, %scan3A_663 = %broadcast_in_dim3A_103, %scan3A_664 = %broadcast_in_dim3A_105, %scan3A_665 = %broadcast_in_dim3A_107, %scan3A_666 = %broadcast_in_dim3A_109, %scan3A_667 = %broadcast_in_dim3A_111, %scan3A_668 = %broadcast_in_dim3A_113, %scan3A_669 = %broadcast_in_dim3A_115, %scan3A_670 = %broadcast_in_dim3A_117, %scan3A_671 = %broadcast_in_dim3A_119, %scan3A_672 = %broadcast_in_dim3A_121, %scan3A_673 = %broadcast_in_dim3A_123) -> (vector<16xf32>, vector<16xf32>, vector<16xf32>, vector<16xf32>, vector<16xf32>, vector<16xf32>, vector<16xf32>, vector<16xf32>, vector<16xf32>, vector<16xf32>, vector<16xf32>, vector<16xf32>, vector<16xf32>, vector<16xf32>, vector<16xf32>, vector<16xf32>)  : i32 {
      %mul3A_674 = arith.constant 16 : i32
      %mul3A_675 = arith.muli %scan3A_657, %mul3A_674 : i32
      %get3A = arith.constant 0 : i32
      %get3A_676 = arith.constant 0 : i32
      %get3A_677 = arith.index_cast %get3A : i32 to index
      %get3A_678 = arith.index_cast %get3A_676 : i32 to index
      %get3A_679 = arith.index_cast %mul3A_675 : i32 to index
      %get3A_680 = tpu.vector_load %arg4[%get3A_677, %get3A_678, %get3A_679] {strides = array<i32>} : memref<3x16x2048xf32, #tpu.memory_space<vmem>>, vector<16xf32>,
      %broadcast_in_dim3A_681 = arith.constant true
      %broadcast_in_dim3A_682 = vector.broadcast %broadcast_in_dim3A_681 : i1 to vector<16xi1>
      %masked_cumsum3A = tpu.scan <sum>, %get3A_680 masked %broadcast_in_dim3A_682 : vector<16xf32>, vector<16xi1> -> vector<16xf32>
      %add3A_683 = arith.addf %masked_cumsum3A, %scan3A_658 : vector<16xf32>
      %swap3A = arith.constant 0 : i32
      %swap3A_684 = arith.constant 0 : i32
      %swap3A_685 = arith.index_cast %swap3A : i32 to index
      %swap3A_686 = arith.index_cast %swap3A_684 : i32 to index
      %swap3A_687 = arith.index_cast %mul3A_675 : i32 to index
      %swap3A_688 = tpu.vector_load %arg4[%swap3A_685, %swap3A_686, %swap3A_687] {strides = array<i32>} : memref<3x16x2048xf32, #tpu.memory_space<vmem>>, vector<16xf32>,
      tpu.vector_store %arg4[%swap3A_685, %swap3A_686, %swap3A_687], %add3A_683 {strides = array<i32>} : memref<3x16x2048xf32, #tpu.memory_space<vmem>>, vector<16xf32>,
      %slice3A = vector.extract_strided_slice %add3A_683 {offsets = [15], sizes = [1], strides = [1]} : vector<16xf32> to vector<1xf32>
      %squeeze3A = vector.extract %slice3A[0] : f32 from vector<1xf32>
      %broadcast_in_dim3A_689 = vector.broadcast %squeeze3A : f32 to vector<16xf32>
      %get3A_690 = arith.constant 0 : i32
      %get3A_691 = arith.constant 1 : i32
      %get3A_692 = arith.index_cast %get3A_690 : i32 to index
      %get3A_693 = arith.index_cast %get3A_691 : i32 to index
      %get3A_694 = arith.index_cast %mul3A_675 : i32 to index
      %get3A_695 = tpu.vector_load %arg4[%get3A_692, %get3A_693, %get3A_694] {strides = array<i32>} : memref<3x16x2048xf32, #tpu.memory_space<vmem>>, vector<16xf32>,
      %broadcast_in_dim3A_696 = arith.constant true
      %broadcast_in_dim3A_697 = vector.broadcast %broadcast_in_dim3A_696 : i1 to vector<16xi1>
      %masked_cumsum3A_698 = tpu.scan <sum>, %get3A_695 masked %broadcast_in_dim3A_697 : vector<16xf32>, vector<16xi1> -> vector<16xf32>
      %add3A_699 = arith.addf %masked_cumsum3A_698, %scan3A_659 : vector<16xf32>
      %swap3A_700 = arith.constant 0 : i32
      %swap3A_701 = arith.constant 1 : i32
      %swap3A_702 = arith.index_cast %swap3A_700 : i32 to index
      %swap3A_703 = arith.index_cast %swap3A_701 : i32 to index
      %swap3A_704 = arith.index_cast %mul3A_675 : i32 to index
      %swap3A_705 = tpu.vector_load %arg4[%swap3A_702, %swap3A_703, %swap3A_704] {strides = array<i32>} : memref<3x16x2048xf32, #tpu.memory_space<vmem>>, vector<16xf32>,
      tpu.vector_store %arg4[%swap3A_702, %swap3A_703, %swap3A_704], %add3A_699 {strides = array<i32>} : memref<3x16x2048xf32, #tpu.memory_space<vmem>>, vector<16xf32>,
      %slice3A_706 = vector.extract_strided_slice %add3A_699 {offsets = [15], sizes = [1], strides = [1]} : vector<16xf32> to vector<1xf32>
      %squeeze3A_707 = vector.extract %slice3A_706[0] : f32 from vector<1xf32>
      %broadcast_in_dim3A_708 = vector.broadcast %squeeze3A_707 : f32 to vector<16xf32>
      %get3A_709 = arith.constant 0 : i32
      %get3A_710 = arith.constant 2 : i32
      %get3A_711 = arith.index_cast %get3A_709 : i32 to index
      %get3A_712 = arith.index_cast %get3A_710 : i32 to index
      %get3A_713 = arith.index_cast %mul3A_675 : i32 to index
      %get3A_714 = tpu.vector_load %arg4[%get3A_711, %get3A_712, %get3A_713] {strides = array<i32>} : memref<3x16x2048xf32, #tpu.memory_space<vmem>>, vector<16xf32>,
      %broadcast_in_dim3A_715 = arith.constant true
      %broadcast_in_dim3A_716 = vector.broadcast %broadcast_in_dim3A_715 : i1 to vector<16xi1>
      %masked_cumsum3A_717 = tpu.scan <sum>, %get3A_714 masked %broadcast_in_dim3A_716 : vector<16xf32>, vector<16xi1> -> vector<16xf32>
      %add3A_718 = arith.addf %masked_cumsum3A_717, %scan3A_660 : vector<16xf32>
      %swap3A_719 = arith.constant 0 : i32
      %swap3A_720 = arith.constant 2 : i32
      %swap3A_721 = arith.index_cast %swap3A_719 : i32 to index
      %swap3A_722 = arith.index_cast %swap3A_720 : i32 to index
      %swap3A_723 = arith.index_cast %mul3A_675 : i32 to index
      %swap3A_724 = tpu.vector_load %arg4[%swap3A_721, %swap3A_722, %swap3A_723] {strides = array<i32>} : memref<3x16x2048xf32, #tpu.memory_space<vmem>>, vector<16xf32>,
      tpu.vector_store %arg4[%swap3A_721, %swap3A_722, %swap3A_723], %add3A_718 {strides = array<i32>} : memref<3x16x2048xf32, #tpu.memory_space<vmem>>, vector<16xf32>,
      %slice3A_725 = vector.extract_strided_slice %add3A_718 {offsets = [15], sizes = [1], strides = [1]} : vector<16xf32> to vector<1xf32>
      %squeeze3A_726 = vector.extract %slice3A_725[0] : f32 from vector<1xf32>
      %broadcast_in_dim3A_727 = vector.broadcast %squeeze3A_726 : f32 to vector<16xf32>
      %get3A_728 = arith.constant 0 : i32
      %get3A_729 = arith.constant 3 : i32
      %get3A_730 = arith.index_cast %get3A_728 : i32 to index
      %get3A_731 = arith.index_cast %get3A_729 : i32 to index
      %get3A_732 = arith.index_cast %mul3A_675 : i32 to index
      %get3A_733 = tpu.vector_load %arg4[%get3A_730, %get3A_731, %get3A_732] {strides = array<i32>} : memref<3x16x2048xf32, #tpu.memory_space<vmem>>, vector<16xf32>,
      %broadcast_in_dim3A_734 = arith.constant true
      %broadcast_in_dim3A_735 = vector.broadcast %broadcast_in_dim3A_734 : i1 to vector<16xi1>
      %masked_cumsum3A_736 = tpu.scan <sum>, %get3A_733 masked %broadcast_in_dim3A_735 : vector<16xf32>, vector<16xi1> -> vector<16xf32>
      %add3A_737 = arith.addf %masked_cumsum3A_736, %scan3A_661 : vector<16xf32>
      %swap3A_738 = arith.constant 0 : i32
      %swap3A_739 = arith.constant 3 : i32
      %swap3A_740 = arith.index_cast %swap3A_738 : i32 to index
      %swap3A_741 = arith.index_cast %swap3A_739 : i32 to index
      %swap3A_742 = arith.index_cast %mul3A_675 : i32 to index
      %swap3A_743 = tpu.vector_load %arg4[%swap3A_740, %swap3A_741, %swap3A_742] {strides = array<i32>} : memref<3x16x2048xf32, #tpu.memory_space<vmem>>, vector<16xf32>,
      tpu.vector_store %arg4[%swap3A_740, %swap3A_741, %swap3A_742], %add3A_737 {strides = array<i32>} : memref<3x16x2048xf32, #tpu.memory_space<vmem>>, vector<16xf32>,
      %slice3A_744 = vector.extract_strided_slice %add3A_737 {offsets = [15], sizes = [1], strides = [1]} : vector<16xf32> to vector<1xf32>
      %squeeze3A_745 = vector.extract %slice3A_744[0] : f32 from vector<1xf32>
      %broadcast_in_dim3A_746 = vector.broadcast %squeeze3A_745 : f32 to vector<16xf32>
      %get3A_747 = arith.constant 0 : i32
      %get3A_748 = arith.constant 4 : i32
      %get3A_749 = arith.index_cast %get3A_747 : i32 to index
      %get3A_750 = arith.index_cast %get3A_748 : i32 to index
      %get3A_751 = arith.index_cast %mul3A_675 : i32 to index
      %get3A_752 = tpu.vector_load %arg4[%get3A_749, %get3A_750, %get3A_751] {strides = array<i32>} : memref<3x16x2048xf32, #tpu.memory_space<vmem>>, vector<16xf32>,
      %broadcast_in_dim3A_753 = arith.constant true
      %broadcast_in_dim3A_754 = vector.broadcast %broadcast_in_dim3A_753 : i1 to vector<16xi1>
      %masked_cumsum3A_755 = tpu.scan <sum>, %get3A_752 masked %broadcast_in_dim3A_754 : vector<16xf32>, vector<16xi1> -> vector<16xf32>
      %add3A_756 = arith.addf %masked_cumsum3A_755, %scan3A_662 : vector<16xf32>
      %swap3A_757 = arith.constant 0 : i32
      %swap3A_758 = arith.constant 4 : i32
      %swap3A_759 = arith.index_cast %swap3A_757 : i32 to index
      %swap3A_760 = arith.index_cast %swap3A_758 : i32 to index
      %swap3A_761 = arith.index_cast %mul3A_675 : i32 to index
      %swap3A_762 = tpu.vector_load %arg4[%swap3A_759, %swap3A_760, %swap3A_761] {strides = array<i32>} : memref<3x16x2048xf32, #tpu.memory_space<vmem>>, vector<16xf32>,
      tpu.vector_store %arg4[%swap3A_759, %swap3A_760, %swap3A_761], %add3A_756 {strides = array<i32>} : memref<3x16x2048xf32, #tpu.memory_space<vmem>>, vector<16xf32>,
      %slice3A_763 = vector.extract_strided_slice %add3A_756 {offsets = [15], sizes = [1], strides = [1]} : vector<16xf32> to vector<1xf32>
      %squeeze3A_764 = vector.extract %slice3A_763[0] : f32 from vector<1xf32>
      %broadcast_in_dim3A_765 = vector.broadcast %squeeze3A_764 : f32 to vector<16xf32>
      %get3A_766 = arith.constant 0 : i32
      %get3A_767 = arith.constant 5 : i32
      %get3A_768 = arith.index_cast %get3A_766 : i32 to index
      %get3A_769 = arith.index_cast %get3A_767 : i32 to index
      %get3A_770 = arith.index_cast %mul3A_675 : i32 to index
      %get3A_771 = tpu.vector_load %arg4[%get3A_768, %get3A_769, %get3A_770] {strides = array<i32>} : memref<3x16x2048xf32, #tpu.memory_space<vmem>>, vector<16xf32>,
      %broadcast_in_dim3A_772 = arith.constant true
      %broadcast_in_dim3A_773 = vector.broadcast %broadcast_in_dim3A_772 : i1 to vector<16xi1>
      %masked_cumsum3A_774 = tpu.scan <sum>, %get3A_771 masked %broadcast_in_dim3A_773 : vector<16xf32>, vector<16xi1> -> vector<16xf32>
      %add3A_775 = arith.addf %masked_cumsum3A_774, %scan3A_663 : vector<16xf32>
      %swap3A_776 = arith.constant 0 : i32
      %swap3A_777 = arith.constant 5 : i32
      %swap3A_778 = arith.index_cast %swap3A_776 : i32 to index
      %swap3A_779 = arith.index_cast %swap3A_777 : i32 to index
      %swap3A_780 = arith.index_cast %mul3A_675 : i32 to index
      %swap3A_781 = tpu.vector_load %arg4[%swap3A_778, %swap3A_779, %swap3A_780] {strides = array<i32>} : memref<3x16x2048xf32, #tpu.memory_space<vmem>>, vector<16xf32>,
      tpu.vector_store %arg4[%swap3A_778, %swap3A_779, %swap3A_780], %add3A_775 {strides = array<i32>} : memref<3x16x2048xf32, #tpu.memory_space<vmem>>, vector<16xf32>,
      %slice3A_782 = vector.extract_strided_slice %add3A_775 {offsets = [15], sizes = [1], strides = [1]} : vector<16xf32> to vector<1xf32>
      %squeeze3A_783 = vector.extract %slice3A_782[0] : f32 from vector<1xf32>
      %broadcast_in_dim3A_784 = vector.broadcast %squeeze3A_783 : f32 to vector<16xf32>
      %get3A_785 = arith.constant 0 : i32
      %get3A_786 = arith.constant 6 : i32
      %get3A_787 = arith.index_cast %get3A_785 : i32 to index
      %get3A_788 = arith.index_cast %get3A_786 : i32 to index
      %get3A_789 = arith.index_cast %mul3A_675 : i32 to index
      %get3A_790 = tpu.vector_load %arg4[%get3A_787, %get3A_788, %get3A_789] {strides = array<i32>} : memref<3x16x2048xf32, #tpu.memory_space<vmem>>, vector<16xf32>,
      %broadcast_in_dim3A_791 = arith.constant true
      %broadcast_in_dim3A_792 = vector.broadcast %broadcast_in_dim3A_791 : i1 to vector<16xi1>
      %masked_cumsum3A_793 = tpu.scan <sum>, %get3A_790 masked %broadcast_in_dim3A_792 : vector<16xf32>, vector<16xi1> -> vector<16xf32>
      %add3A_794 = arith.addf %masked_cumsum3A_793, %scan3A_664 : vector<16xf32>
      %swap3A_795 = arith.constant 0 : i32
      %swap3A_796 = arith.constant 6 : i32
      %swap3A_797 = arith.index_cast %swap3A_795 : i32 to index
      %swap3A_798 = arith.index_cast %swap3A_796 : i32 to index
      %swap3A_799 = arith.index_cast %mul3A_675 : i32 to index
      %swap3A_800 = tpu.vector_load %arg4[%swap3A_797, %swap3A_798, %swap3A_799] {strides = array<i32>} : memref<3x16x2048xf32, #tpu.memory_space<vmem>>, vector<16xf32>,
      tpu.vector_store %arg4[%swap3A_797, %swap3A_798, %swap3A_799], %add3A_794 {strides = array<i32>} : memref<3x16x2048xf32, #tpu.memory_space<vmem>>, vector<16xf32>,
      %slice3A_801 = vector.extract_strided_slice %add3A_794 {offsets = [15], sizes = [1], strides = [1]} : vector<16xf32> to vector<1xf32>
      %squeeze3A_802 = vector.extract %slice3A_801[0] : f32 from vector<1xf32>
      %broadcast_in_dim3A_803 = vector.broadcast %squeeze3A_802 : f32 to vector<16xf32>
      %get3A_804 = arith.constant 0 : i32
      %get3A_805 = arith.constant 7 : i32
      %get3A_806 = arith.index_cast %get3A_804 : i32 to index
      %get3A_807 = arith.index_cast %get3A_805 : i32 to index
      %get3A_808 = arith.index_cast %mul3A_675 : i32 to index
      %get3A_809 = tpu.vector_load %arg4[%get3A_806, %get3A_807, %get3A_808] {strides = array<i32>} : memref<3x16x2048xf32, #tpu.memory_space<vmem>>, vector<16xf32>,
      %broadcast_in_dim3A_810 = arith.constant true
      %broadcast_in_dim3A_811 = vector.broadcast %broadcast_in_dim3A_810 : i1 to vector<16xi1>
      %masked_cumsum3A_812 = tpu.scan <sum>, %get3A_809 masked %broadcast_in_dim3A_811 : vector<16xf32>, vector<16xi1> -> vector<16xf32>
      %add3A_813 = arith.addf %masked_cumsum3A_812, %scan3A_665 : vector<16xf32>
      %swap3A_814 = arith.constant 0 : i32
      %swap3A_815 = arith.constant 7 : i32
      %swap3A_816 = arith.index_cast %swap3A_814 : i32 to index
      %swap3A_817 = arith.index_cast %swap3A_815 : i32 to index
      %swap3A_818 = arith.index_cast %mul3A_675 : i32 to index
      %swap3A_819 = tpu.vector_load %arg4[%swap3A_816, %swap3A_817, %swap3A_818] {strides = array<i32>} : memref<3x16x2048xf32, #tpu.memory_space<vmem>>, vector<16xf32>,
      tpu.vector_store %arg4[%swap3A_816, %swap3A_817, %swap3A_818], %add3A_813 {strides = array<i32>} : memref<3x16x2048xf32, #tpu.memory_space<vmem>>, vector<16xf32>,
      %slice3A_820 = vector.extract_strided_slice %add3A_813 {offsets = [15], sizes = [1], strides = [1]} : vector<16xf32> to vector<1xf32>
      %squeeze3A_821 = vector.extract %slice3A_820[0] : f32 from vector<1xf32>
      %broadcast_in_dim3A_822 = vector.broadcast %squeeze3A_821 : f32 to vector<16xf32>
      %get3A_823 = arith.constant 0 : i32
      %get3A_824 = arith.constant 8 : i32
      %get3A_825 = arith.index_cast %get3A_823 : i32 to index
      %get3A_826 = arith.index_cast %get3A_824 : i32 to index
      %get3A_827 = arith.index_cast %mul3A_675 : i32 to index
      %get3A_828 = tpu.vector_load %arg4[%get3A_825, %get3A_826, %get3A_827] {strides = array<i32>} : memref<3x16x2048xf32, #tpu.memory_space<vmem>>, vector<16xf32>,
      %broadcast_in_dim3A_829 = arith.constant true
      %broadcast_in_dim3A_830 = vector.broadcast %broadcast_in_dim3A_829 : i1 to vector<16xi1>
      %masked_cumsum3A_831 = tpu.scan <sum>, %get3A_828 masked %broadcast_in_dim3A_830 : vector<16xf32>, vector<16xi1> -> vector<16xf32>
      %add3A_832 = arith.addf %masked_cumsum3A_831, %scan3A_666 : vector<16xf32>
      %swap3A_833 = arith.constant 0 : i32
      %swap3A_834 = arith.constant 8 : i32
      %swap3A_835 = arith.index_cast %swap3A_833 : i32 to index
      %swap3A_836 = arith.index_cast %swap3A_834 : i32 to index
      %swap3A_837 = arith.index_cast %mul3A_675 : i32 to index
      %swap3A_838 = tpu.vector_load %arg4[%swap3A_835, %swap3A_836, %swap3A_837] {strides = array<i32>} : memref<3x16x2048xf32, #tpu.memory_space<vmem>>, vector<16xf32>,
      tpu.vector_store %arg4[%swap3A_835, %swap3A_836, %swap3A_837], %add3A_832 {strides = array<i32>} : memref<3x16x2048xf32, #tpu.memory_space<vmem>>, vector<16xf32>,
      %slice3A_839 = vector.extract_strided_slice %add3A_832 {offsets = [15], sizes = [1], strides = [1]} : vector<16xf32> to vector<1xf32>
      %squeeze3A_840 = vector.extract %slice3A_839[0] : f32 from vector<1xf32>
      %broadcast_in_dim3A_841 = vector.broadcast %squeeze3A_840 : f32 to vector<16xf32>
      %get3A_842 = arith.constant 0 : i32
      %get3A_843 = arith.constant 9 : i32
      %get3A_844 = arith.index_cast %get3A_842 : i32 to index
      %get3A_845 = arith.index_cast %get3A_843 : i32 to index
      %get3A_846 = arith.index_cast %mul3A_675 : i32 to index
      %get3A_847 = tpu.vector_load %arg4[%get3A_844, %get3A_845, %get3A_846] {strides = array<i32>} : memref<3x16x2048xf32, #tpu.memory_space<vmem>>, vector<16xf32>,
      %broadcast_in_dim3A_848 = arith.constant true
      %broadcast_in_dim3A_849 = vector.broadcast %broadcast_in_dim3A_848 : i1 to vector<16xi1>
      %masked_cumsum3A_850 = tpu.scan <sum>, %get3A_847 masked %broadcast_in_dim3A_849 : vector<16xf32>, vector<16xi1> -> vector<16xf32>
      %add3A_851 = arith.addf %masked_cumsum3A_850, %scan3A_667 : vector<16xf32>
      %swap3A_852 = arith.constant 0 : i32
      %swap3A_853 = arith.constant 9 : i32
      %swap3A_854 = arith.index_cast %swap3A_852 : i32 to index
      %swap3A_855 = arith.index_cast %swap3A_853 : i32 to index
      %swap3A_856 = arith.index_cast %mul3A_675 : i32 to index
      %swap3A_857 = tpu.vector_load %arg4[%swap3A_854, %swap3A_855, %swap3A_856] {strides = array<i32>} : memref<3x16x2048xf32, #tpu.memory_space<vmem>>, vector<16xf32>,
      tpu.vector_store %arg4[%swap3A_854, %swap3A_855, %swap3A_856], %add3A_851 {strides = array<i32>} : memref<3x16x2048xf32, #tpu.memory_space<vmem>>, vector<16xf32>,
      %slice3A_858 = vector.extract_strided_slice %add3A_851 {offsets = [15], sizes = [1], strides = [1]} : vector<16xf32> to vector<1xf32>
      %squeeze3A_859 = vector.extract %slice3A_858[0] : f32 from vector<1xf32>
      %broadcast_in_dim3A_860 = vector.broadcast %squeeze3A_859 : f32 to vector<16xf32>
      %get3A_861 = arith.constant 0 : i32
      %get3A_862 = arith.constant 10 : i32
      %get3A_863 = arith.index_cast %get3A_861 : i32 to index
      %get3A_864 = arith.index_cast %get3A_862 : i32 to index
      %get3A_865 = arith.index_cast %mul3A_675 : i32 to index
      %get3A_866 = tpu.vector_load %arg4[%get3A_863, %get3A_864, %get3A_865] {strides = array<i32>} : memref<3x16x2048xf32, #tpu.memory_space<vmem>>, vector<16xf32>,
      %broadcast_in_dim3A_867 = arith.constant true
      %broadcast_in_dim3A_868 = vector.broadcast %broadcast_in_dim3A_867 : i1 to vector<16xi1>
      %masked_cumsum3A_869 = tpu.scan <sum>, %get3A_866 masked %broadcast_in_dim3A_868 : vector<16xf32>, vector<16xi1> -> vector<16xf32>
      %add3A_870 = arith.addf %masked_cumsum3A_869, %scan3A_668 : vector<16xf32>
      %swap3A_871 = arith.constant 0 : i32
      %swap3A_872 = arith.constant 10 : i32
      %swap3A_873 = arith.index_cast %swap3A_871 : i32 to index
      %swap3A_874 = arith.index_cast %swap3A_872 : i32 to index
      %swap3A_875 = arith.index_cast %mul3A_675 : i32 to index
      %swap3A_876 = tpu.vector_load %arg4[%swap3A_873, %swap3A_874, %swap3A_875] {strides = array<i32>} : memref<3x16x2048xf32, #tpu.memory_space<vmem>>, vector<16xf32>,
      tpu.vector_store %arg4[%swap3A_873, %swap3A_874, %swap3A_875], %add3A_870 {strides = array<i32>} : memref<3x16x2048xf32, #tpu.memory_space<vmem>>, vector<16xf32>,
      %slice3A_877 = vector.extract_strided_slice %add3A_870 {offsets = [15], sizes = [1], strides = [1]} : vector<16xf32> to vector<1xf32>
      %squeeze3A_878 = vector.extract %slice3A_877[0] : f32 from vector<1xf32>
      %broadcast_in_dim3A_879 = vector.broadcast %squeeze3A_878 : f32 to vector<16xf32>
      %get3A_880 = arith.constant 0 : i32
      %get3A_881 = arith.constant 11 : i32
      %get3A_882 = arith.index_cast %get3A_880 : i32 to index
      %get3A_883 = arith.index_cast %get3A_881 : i32 to index
      %get3A_884 = arith.index_cast %mul3A_675 : i32 to index
      %get3A_885 = tpu.vector_load %arg4[%get3A_882, %get3A_883, %get3A_884] {strides = array<i32>} : memref<3x16x2048xf32, #tpu.memory_space<vmem>>, vector<16xf32>,
      %broadcast_in_dim3A_886 = arith.constant true
      %broadcast_in_dim3A_887 = vector.broadcast %broadcast_in_dim3A_886 : i1 to vector<16xi1>
      %masked_cumsum3A_888 = tpu.scan <sum>, %get3A_885 masked %broadcast_in_dim3A_887 : vector<16xf32>, vector<16xi1> -> vector<16xf32>
      %add3A_889 = arith.addf %masked_cumsum3A_888, %scan3A_669 : vector<16xf32>
      %swap3A_890 = arith.constant 0 : i32
      %swap3A_891 = arith.constant 11 : i32
      %swap3A_892 = arith.index_cast %swap3A_890 : i32 to index
      %swap3A_893 = arith.index_cast %swap3A_891 : i32 to index
      %swap3A_894 = arith.index_cast %mul3A_675 : i32 to index
      %swap3A_895 = tpu.vector_load %arg4[%swap3A_892, %swap3A_893, %swap3A_894] {strides = array<i32>} : memref<3x16x2048xf32, #tpu.memory_space<vmem>>, vector<16xf32>,
      tpu.vector_store %arg4[%swap3A_892, %swap3A_893, %swap3A_894], %add3A_889 {strides = array<i32>} : memref<3x16x2048xf32, #tpu.memory_space<vmem>>, vector<16xf32>,
      %slice3A_896 = vector.extract_strided_slice %add3A_889 {offsets = [15], sizes = [1], strides = [1]} : vector<16xf32> to vector<1xf32>
      %squeeze3A_897 = vector.extract %slice3A_896[0] : f32 from vector<1xf32>
      %broadcast_in_dim3A_898 = vector.broadcast %squeeze3A_897 : f32 to vector<16xf32>
      %get3A_899 = arith.constant 0 : i32
      %get3A_900 = arith.constant 12 : i32
      %get3A_901 = arith.index_cast %get3A_899 : i32 to index
      %get3A_902 = arith.index_cast %get3A_900 : i32 to index
      %get3A_903 = arith.index_cast %mul3A_675 : i32 to index
      %get3A_904 = tpu.vector_load %arg4[%get3A_901, %get3A_902, %get3A_903] {strides = array<i32>} : memref<3x16x2048xf32, #tpu.memory_space<vmem>>, vector<16xf32>,
      %broadcast_in_dim3A_905 = arith.constant true
      %broadcast_in_dim3A_906 = vector.broadcast %broadcast_in_dim3A_905 : i1 to vector<16xi1>
      %masked_cumsum3A_907 = tpu.scan <sum>, %get3A_904 masked %broadcast_in_dim3A_906 : vector<16xf32>, vector<16xi1> -> vector<16xf32>
      %add3A_908 = arith.addf %masked_cumsum3A_907, %scan3A_670 : vector<16xf32>
      %swap3A_909 = arith.constant 0 : i32
      %swap3A_910 = arith.constant 12 : i32
      %swap3A_911 = arith.index_cast %swap3A_909 : i32 to index
      %swap3A_912 = arith.index_cast %swap3A_910 : i32 to index
      %swap3A_913 = arith.index_cast %mul3A_675 : i32 to index
      %swap3A_914 = tpu.vector_load %arg4[%swap3A_911, %swap3A_912, %swap3A_913] {strides = array<i32>} : memref<3x16x2048xf32, #tpu.memory_space<vmem>>, vector<16xf32>,
      tpu.vector_store %arg4[%swap3A_911, %swap3A_912, %swap3A_913], %add3A_908 {strides = array<i32>} : memref<3x16x2048xf32, #tpu.memory_space<vmem>>, vector<16xf32>,
      %slice3A_915 = vector.extract_strided_slice %add3A_908 {offsets = [15], sizes = [1], strides = [1]} : vector<16xf32> to vector<1xf32>
      %squeeze3A_916 = vector.extract %slice3A_915[0] : f32 from vector<1xf32>
      %broadcast_in_dim3A_917 = vector.broadcast %squeeze3A_916 : f32 to vector<16xf32>
      %get3A_918 = arith.constant 0 : i32
      %get3A_919 = arith.constant 13 : i32
      %get3A_920 = arith.index_cast %get3A_918 : i32 to index
      %get3A_921 = arith.index_cast %get3A_919 : i32 to index
      %get3A_922 = arith.index_cast %mul3A_675 : i32 to index
      %get3A_923 = tpu.vector_load %arg4[%get3A_920, %get3A_921, %get3A_922] {strides = array<i32>} : memref<3x16x2048xf32, #tpu.memory_space<vmem>>, vector<16xf32>,
      %broadcast_in_dim3A_924 = arith.constant true
      %broadcast_in_dim3A_925 = vector.broadcast %broadcast_in_dim3A_924 : i1 to vector<16xi1>
      %masked_cumsum3A_926 = tpu.scan <sum>, %get3A_923 masked %broadcast_in_dim3A_925 : vector<16xf32>, vector<16xi1> -> vector<16xf32>
      %add3A_927 = arith.addf %masked_cumsum3A_926, %scan3A_671 : vector<16xf32>
      %swap3A_928 = arith.constant 0 : i32
      %swap3A_929 = arith.constant 13 : i32
      %swap3A_930 = arith.index_cast %swap3A_928 : i32 to index
      %swap3A_931 = arith.index_cast %swap3A_929 : i32 to index
      %swap3A_932 = arith.index_cast %mul3A_675 : i32 to index
      %swap3A_933 = tpu.vector_load %arg4[%swap3A_930, %swap3A_931, %swap3A_932] {strides = array<i32>} : memref<3x16x2048xf32, #tpu.memory_space<vmem>>, vector<16xf32>,
      tpu.vector_store %arg4[%swap3A_930, %swap3A_931, %swap3A_932], %add3A_927 {strides = array<i32>} : memref<3x16x2048xf32, #tpu.memory_space<vmem>>, vector<16xf32>,
      %slice3A_934 = vector.extract_strided_slice %add3A_927 {offsets = [15], sizes = [1], strides = [1]} : vector<16xf32> to vector<1xf32>
      %squeeze3A_935 = vector.extract %slice3A_934[0] : f32 from vector<1xf32>
      %broadcast_in_dim3A_936 = vector.broadcast %squeeze3A_935 : f32 to vector<16xf32>
      %get3A_937 = arith.constant 0 : i32
      %get3A_938 = arith.constant 14 : i32
      %get3A_939 = arith.index_cast %get3A_937 : i32 to index
      %get3A_940 = arith.index_cast %get3A_938 : i32 to index
      %get3A_941 = arith.index_cast %mul3A_675 : i32 to index
      %get3A_942 = tpu.vector_load %arg4[%get3A_939, %get3A_940, %get3A_941] {strides = array<i32>} : memref<3x16x2048xf32, #tpu.memory_space<vmem>>, vector<16xf32>,
      %broadcast_in_dim3A_943 = arith.constant true
      %broadcast_in_dim3A_944 = vector.broadcast %broadcast_in_dim3A_943 : i1 to vector<16xi1>
      %masked_cumsum3A_945 = tpu.scan <sum>, %get3A_942 masked %broadcast_in_dim3A_944 : vector<16xf32>, vector<16xi1> -> vector<16xf32>
      %add3A_946 = arith.addf %masked_cumsum3A_945, %scan3A_672 : vector<16xf32>
      %swap3A_947 = arith.constant 0 : i32
      %swap3A_948 = arith.constant 14 : i32
      %swap3A_949 = arith.index_cast %swap3A_947 : i32 to index
      %swap3A_950 = arith.index_cast %swap3A_948 : i32 to index
      %swap3A_951 = arith.index_cast %mul3A_675 : i32 to index
      %swap3A_952 = tpu.vector_load %arg4[%swap3A_949, %swap3A_950, %swap3A_951] {strides = array<i32>} : memref<3x16x2048xf32, #tpu.memory_space<vmem>>, vector<16xf32>,
      tpu.vector_store %arg4[%swap3A_949, %swap3A_950, %swap3A_951], %add3A_946 {strides = array<i32>} : memref<3x16x2048xf32, #tpu.memory_space<vmem>>, vector<16xf32>,
      %slice3A_953 = vector.extract_strided_slice %add3A_946 {offsets = [15], sizes = [1], strides = [1]} : vector<16xf32> to vector<1xf32>
      %squeeze3A_954 = vector.extract %slice3A_953[0] : f32 from vector<1xf32>
      %broadcast_in_dim3A_955 = vector.broadcast %squeeze3A_954 : f32 to vector<16xf32>
      %get3A_956 = arith.constant 0 : i32
      %get3A_957 = arith.constant 15 : i32
      %get3A_958 = arith.index_cast %get3A_956 : i32 to index
      %get3A_959 = arith.index_cast %get3A_957 : i32 to index
      %get3A_960 = arith.index_cast %mul3A_675 : i32 to index
      %get3A_961 = tpu.vector_load %arg4[%get3A_958, %get3A_959, %get3A_960] {strides = array<i32>} : memref<3x16x2048xf32, #tpu.memory_space<vmem>>, vector<16xf32>,
      %broadcast_in_dim3A_962 = arith.constant true
      %broadcast_in_dim3A_963 = vector.broadcast %broadcast_in_dim3A_962 : i1 to vector<16xi1>
      %masked_cumsum3A_964 = tpu.scan <sum>, %get3A_961 masked %broadcast_in_dim3A_963 : vector<16xf32>, vector<16xi1> -> vector<16xf32>
      %add3A_965 = arith.addf %masked_cumsum3A_964, %scan3A_673 : vector<16xf32>
      %swap3A_966 = arith.constant 0 : i32
      %swap3A_967 = arith.constant 15 : i32
      %swap3A_968 = arith.index_cast %swap3A_966 : i32 to index
      %swap3A_969 = arith.index_cast %swap3A_967 : i32 to index
      %swap3A_970 = arith.index_cast %mul3A_675 : i32 to index
      %swap3A_971 = tpu.vector_load %arg4[%swap3A_968, %swap3A_969, %swap3A_970] {strides = array<i32>} : memref<3x16x2048xf32, #tpu.memory_space<vmem>>, vector<16xf32>,
      tpu.vector_store %arg4[%swap3A_968, %swap3A_969, %swap3A_970], %add3A_965 {strides = array<i32>} : memref<3x16x2048xf32, #tpu.memory_space<vmem>>, vector<16xf32>,
      %slice3A_972 = vector.extract_strided_slice %add3A_965 {offsets = [15], sizes = [1], strides = [1]} : vector<16xf32> to vector<1xf32>
      %squeeze3A_973 = vector.extract %slice3A_972[0] : f32 from vector<1xf32>
      %broadcast_in_dim3A_974 = vector.broadcast %squeeze3A_973 : f32 to vector<16xf32>
      scf.yield %broadcast_in_dim3A_689, %broadcast_in_dim3A_708, %broadcast_in_dim3A_727, %broadcast_in_dim3A_746, %broadcast_in_dim3A_765, %broadcast_in_dim3A_784, %broadcast_in_dim3A_803, %broadcast_in_dim3A_822, %broadcast_in_dim3A_841, %broadcast_in_dim3A_860, %broadcast_in_dim3A_879, %broadcast_in_dim3A_898, %broadcast_in_dim3A_917, %broadcast_in_dim3A_936, %broadcast_in_dim3A_955, %broadcast_in_dim3A_974 : vector<16xf32>, vector<16xf32>, vector<16xf32>, vector<16xf32>, vector<16xf32>, vector<16xf32>, vector<16xf32>, vector<16xf32>, vector<16xf32>, vector<16xf32>, vector<16xf32>, vector<16xf32>, vector<16xf32>, vector<16xf32>, vector<16xf32>, vector<16xf32>
    }
    %scan3A_128 = arith.constant 128 : i32
    %add3A_129 = arith.constant 0 : i32
    %add3A_130 = arith.addi %mul3A_2, %add3A_129 : i32
    %dma_start3A_131 = arith.constant 0 : i32
    %dma_start3A_132 = arith.constant 0 : i32
    %dma_start3A_133 = arith.constant 0 : i32
    %dma_start3A_134 = tpu.memref_slice %arg4[%dma_start3A_131, %dma_start3A_132, %dma_start3A_133] : memref<3x16x2048xf32, #tpu.memory_space<vmem>> -> memref<1x16x2048xf32, #tpu.memory_space<vmem>>
    %dma_start3A_135 = tpu.memref_squeeze %dma_start3A_134 : memref<1x16x2048xf32, #tpu.memory_space<vmem>> -> memref<16x2048xf32, #tpu.memory_space<vmem>>
    %dma_start3A_136 = arith.constant 0 : i32
    %dma_start3A_137 = tpu.memref_slice %arg3[%add3A_130, %dma_start3A_136] : memref<2048x4096xf32, #tpu.memory_space<hbm>> -> memref<16x2048xf32, #tpu.memory_space<hbm>>
    %dma_start3A_138 = arith.constant 0 : i32
    %dma_start3A_139 = tpu.memref_slice %arg3[%add3A_130, %dma_start3A_138] : memref<2048x4096xf32, #tpu.memory_space<hbm>> -> memref<16x2048xf32, #tpu.memory_space<hbm>>
    %dma_start3A_140 = arith.constant 0 : i32
    %dma_start3A_141 = arith.constant 0 : i32
    %dma_start3A_142 = tpu.memref_slice %arg4[%dma_start3A_131, %dma_start3A_140, %dma_start3A_141] : memref<3x16x2048xf32, #tpu.memory_space<vmem>> -> memref<1x16x2048xf32, #tpu.memory_space<vmem>>
    %dma_start3A_143 = tpu.memref_squeeze %dma_start3A_142 : memref<1x16x2048xf32, #tpu.memory_space<vmem>> -> memref<16x2048xf32, #tpu.memory_space<vmem>>
    tpu.enqueue_dma source(%dma_start3A_143 : memref<16x2048xf32, #tpu.memory_space<vmem>>) target(%dma_start3A_139 : memref<16x2048xf32, #tpu.memory_space<hbm>>) target_semaphore(%arg8 : memref<!tpu.dma_semaphore, #tpu.memory_space<semaphore_mem>>)
    %dma_wait3A_144 = arith.constant 0 : i32
    %dma_wait3A_145 = arith.constant 0 : i32
    %dma_wait3A_146 = arith.constant 0 : i32
    %dma_wait3A_147 = tpu.memref_slice %arg4[%dma_wait3A_144, %dma_wait3A_145, %dma_wait3A_146] : memref<3x16x2048xf32, #tpu.memory_space<vmem>> -> memref<1x16x2048xf32, #tpu.memory_space<vmem>>
    %dma_wait3A_148 = tpu.memref_squeeze %dma_wait3A_147 : memref<1x16x2048xf32, #tpu.memory_space<vmem>> -> memref<16x2048xf32, #tpu.memory_space<vmem>>
    %dma_wait3A_149 = arith.constant 0 : i32
    %dma_wait3A_150 = tpu.memref_slice %arg3[%add3A_130, %dma_wait3A_149] : memref<2048x4096xf32, #tpu.memory_space<hbm>> -> memref<16x2048xf32, #tpu.memory_space<hbm>>
    %dma_wait3A_151 = arith.constant 0 : i32
    %dma_wait3A_152 = tpu.memref_slice %arg3[%add3A_130, %dma_wait3A_151] : memref<2048x4096xf32, #tpu.memory_space<hbm>> -> memref<16x2048xf32, #tpu.memory_space<hbm>>
    %dma_wait3A_153 = arith.constant 0 : i32
    %dma_wait3A_154 = arith.constant 0 : i32
    %dma_wait3A_155 = tpu.memref_slice %arg4[%dma_wait3A_144, %dma_wait3A_153, %dma_wait3A_154] : memref<3x16x2048xf32, #tpu.memory_space<vmem>> -> memref<1x16x2048xf32, #tpu.memory_space<vmem>>
    %dma_wait3A_156 = tpu.memref_squeeze %dma_wait3A_155 : memref<1x16x2048xf32, #tpu.memory_space<vmem>> -> memref<16x2048xf32, #tpu.memory_space<vmem>>
    tpu.wait_dma2 semaphore(%arg8 : memref<!tpu.dma_semaphore, #tpu.memory_space<semaphore_mem>>) src(%dma_wait3A_156 : memref<16x2048xf32, #tpu.memory_space<vmem>>) dst(%dma_wait3A_152 : memref<16x2048xf32, #tpu.memory_space<hbm>>)
    %add3A_157 = arith.constant 16 : i32
    %add3A_158 = arith.addi %mul3A_2, %add3A_157 : i32
    %dma_start3A_159 = arith.constant 0 : i32
    %dma_start3A_160 = arith.constant 0 : i32
    %dma_start3A_161 = arith.constant 0 : i32
    %dma_start3A_162 = tpu.memref_slice %arg4[%dma_start3A_159, %dma_start3A_160, %dma_start3A_161] : memref<3x16x2048xf32, #tpu.memory_space<vmem>> -> memref<1x16x2048xf32, #tpu.memory_space<vmem>>
    %dma_start3A_163 = tpu.memref_squeeze %dma_start3A_162 : memref<1x16x2048xf32, #tpu.memory_space<vmem>> -> memref<16x2048xf32, #tpu.memory_space<vmem>>
    %dma_start3A_164 = arith.constant 2048 : i32
    %dma_start3A_165 = tpu.memref_slice %arg2[%add3A_158, %dma_start3A_164] : memref<2048x4096xf32, #tpu.memory_space<hbm>> -> memref<16x2048xf32, #tpu.memory_space<hbm>>
    %dma_start3A_166 = arith.constant 0 : i32
    %dma_start3A_167 = arith.constant 0 : i32
    %dma_start3A_168 = tpu.memref_slice %arg4[%dma_start3A_159, %dma_start3A_166, %dma_start3A_167] : memref<3x16x2048xf32, #tpu.memory_space<vmem>> -> memref<1x16x2048xf32, #tpu.memory_space<vmem>>
    %dma_start3A_169 = tpu.memref_squeeze %dma_start3A_168 : memref<1x16x2048xf32, #tpu.memory_space<vmem>> -> memref<16x2048xf32, #tpu.memory_space<vmem>>
    %dma_start3A_170 = arith.constant 2048 : i32
    %dma_start3A_171 = tpu.memref_slice %arg2[%add3A_158, %dma_start3A_170] : memref<2048x4096xf32, #tpu.memory_space<hbm>> -> memref<16x2048xf32, #tpu.memory_space<hbm>>
    tpu.enqueue_dma source(%dma_start3A_171 : memref<16x2048xf32, #tpu.memory_space<hbm>>) target(%dma_start3A_169 : memref<16x2048xf32, #tpu.memory_space<vmem>>) target_semaphore(%arg5 : memref<!tpu.dma_semaphore, #tpu.memory_space<semaphore_mem>>)
    %dma_wait3A_172 = arith.constant 1 : i32
    %dma_wait3A_173 = arith.constant 0 : i32
    %dma_wait3A_174 = arith.constant 0 : i32
    %dma_wait3A_175 = tpu.memref_slice %arg4[%dma_wait3A_172, %dma_wait3A_173, %dma_wait3A_174] : memref<3x16x2048xf32, #tpu.memory_space<vmem>> -> memref<1x16x2048xf32, #tpu.memory_space<vmem>>
    %dma_wait3A_176 = tpu.memref_squeeze %dma_wait3A_175 : memref<1x16x2048xf32, #tpu.memory_space<vmem>> -> memref<16x2048xf32, #tpu.memory_space<vmem>>
    %dma_wait3A_177 = arith.constant 2048 : i32
    %dma_wait3A_178 = tpu.memref_slice %arg2[%add3A_19, %dma_wait3A_177] : memref<2048x4096xf32, #tpu.memory_space<hbm>> -> memref<16x2048xf32, #tpu.memory_space<hbm>>
    %dma_wait3A_179 = arith.constant 0 : i32
    %dma_wait3A_180 = arith.constant 0 : i32
    %dma_wait3A_181 = tpu.memref_slice %arg4[%dma_wait3A_172, %dma_wait3A_179, %dma_wait3A_180] : memref<3x16x2048xf32, #tpu.memory_space<vmem>> -> memref<1x16x2048xf32, #tpu.memory_space<vmem>>
    %dma_wait3A_182 = tpu.memref_squeeze %dma_wait3A_181 : memref<1x16x2048xf32, #tpu.memory_space<vmem>> -> memref<16x2048xf32, #tpu.memory_space<vmem>>
    %dma_wait3A_183 = arith.constant 2048 : i32
    %dma_wait3A_184 = tpu.memref_slice %arg2[%add3A_19, %dma_wait3A_183] : memref<2048x4096xf32, #tpu.memory_space<hbm>> -> memref<16x2048xf32, #tpu.memory_space<hbm>>
    tpu.wait_dma2 semaphore(%arg6 : memref<!tpu.dma_semaphore, #tpu.memory_space<semaphore_mem>>) src(%dma_wait3A_184 : memref<16x2048xf32, #tpu.memory_space<hbm>>) dst(%dma_wait3A_182 : memref<16x2048xf32, #tpu.memory_space<vmem>>)
    %scan3A_185 = arith.constant 0 : i32
    %scan3A_186 = arith.constant 128 : i32
    %scan3A_187 = arith.addi %scan3A_185, %scan3A_186 : i32
    %scan3A_188 = arith.constant 1 : i32
    %scan3A_189:16 = scf.for %scan3A_657 = %scan3A_185 to %scan3A_187 step %scan3A_188 iter_args(%scan3A_658 = %scan3A_127#0, %scan3A_659 = %scan3A_127#1, %scan3A_660 = %scan3A_127#2, %scan3A_661 = %scan3A_127#3, %scan3A_662 = %scan3A_127#4, %scan3A_663 = %scan3A_127#5, %scan3A_664 = %scan3A_127#6, %scan3A_665 = %scan3A_127#7, %scan3A_666 = %scan3A_127#8, %scan3A_667 = %scan3A_127#9, %scan3A_668 = %scan3A_127#10, %scan3A_669 = %scan3A_127#11, %scan3A_670 = %scan3A_127#12, %scan3A_671 = %scan3A_127#13, %scan3A_672 = %scan3A_127#14, %scan3A_673 = %scan3A_127#15) -> (vector<16xf32>, vector<16xf32>, vector<16xf32>, vector<16xf32>, vector<16xf32>, vector<16xf32>, vector<16xf32>, vector<16xf32>, vector<16xf32>, vector<16xf32>, vector<16xf32>, vector<16xf32>, vector<16xf32>, vector<16xf32>, vector<16xf32>, vector<16xf32>)  : i32 {
      %mul3A_674 = arith.constant 16 : i32
      %mul3A_675 = arith.muli %scan3A_657, %mul3A_674 : i32
      %get3A = arith.constant 1 : i32
      %get3A_676 = arith.constant 0 : i32
      %get3A_677 = arith.index_cast %get3A : i32 to index
      %get3A_678 = arith.index_cast %get3A_676 : i32 to index
      %get3A_679 = arith.index_cast %mul3A_675 : i32 to index
      %get3A_680 = tpu.vector_load %arg4[%get3A_677, %get3A_678, %get3A_679] {strides = array<i32>} : memref<3x16x2048xf32, #tpu.memory_space<vmem>>, vector<16xf32>,
      %broadcast_in_dim3A_681 = arith.constant true
      %broadcast_in_dim3A_682 = vector.broadcast %broadcast_in_dim3A_681 : i1 to vector<16xi1>
      %masked_cumsum3A = tpu.scan <sum>, %get3A_680 masked %broadcast_in_dim3A_682 : vector<16xf32>, vector<16xi1> -> vector<16xf32>
      %add3A_683 = arith.addf %masked_cumsum3A, %scan3A_658 : vector<16xf32>
      %swap3A = arith.constant 1 : i32
      %swap3A_684 = arith.constant 0 : i32
      %swap3A_685 = arith.index_cast %swap3A : i32 to index
      %swap3A_686 = arith.index_cast %swap3A_684 : i32 to index
      %swap3A_687 = arith.index_cast %mul3A_675 : i32 to index
      %swap3A_688 = tpu.vector_load %arg4[%swap3A_685, %swap3A_686, %swap3A_687] {strides = array<i32>} : memref<3x16x2048xf32, #tpu.memory_space<vmem>>, vector<16xf32>,
      tpu.vector_store %arg4[%swap3A_685, %swap3A_686, %swap3A_687], %add3A_683 {strides = array<i32>} : memref<3x16x2048xf32, #tpu.memory_space<vmem>>, vector<16xf32>,
      %slice3A = vector.extract_strided_slice %add3A_683 {offsets = [15], sizes = [1], strides = [1]} : vector<16xf32> to vector<1xf32>
      %squeeze3A = vector.extract %slice3A[0] : f32 from vector<1xf32>
      %broadcast_in_dim3A_689 = vector.broadcast %squeeze3A : f32 to vector<16xf32>
      %get3A_690 = arith.constant 1 : i32
      %get3A_691 = arith.constant 1 : i32
      %get3A_692 = arith.index_cast %get3A_690 : i32 to index
      %get3A_693 = arith.index_cast %get3A_691 : i32 to index
      %get3A_694 = arith.index_cast %mul3A_675 : i32 to index
      %get3A_695 = tpu.vector_load %arg4[%get3A_692, %get3A_693, %get3A_694] {strides = array<i32>} : memref<3x16x2048xf32, #tpu.memory_space<vmem>>, vector<16xf32>,
      %broadcast_in_dim3A_696 = arith.constant true
      %broadcast_in_dim3A_697 = vector.broadcast %broadcast_in_dim3A_696 : i1 to vector<16xi1>
      %masked_cumsum3A_698 = tpu.scan <sum>, %get3A_695 masked %broadcast_in_dim3A_697 : vector<16xf32>, vector<16xi1> -> vector<16xf32>
      %add3A_699 = arith.addf %masked_cumsum3A_698, %scan3A_659 : vector<16xf32>
      %swap3A_700 = arith.constant 1 : i32
      %swap3A_701 = arith.constant 1 : i32
      %swap3A_702 = arith.index_cast %swap3A_700 : i32 to index
      %swap3A_703 = arith.index_cast %swap3A_701 : i32 to index
      %swap3A_704 = arith.index_cast %mul3A_675 : i32 to index
      %swap3A_705 = tpu.vector_load %arg4[%swap3A_702, %swap3A_703, %swap3A_704] {strides = array<i32>} : memref<3x16x2048xf32, #tpu.memory_space<vmem>>, vector<16xf32>,
      tpu.vector_store %arg4[%swap3A_702, %swap3A_703, %swap3A_704], %add3A_699 {strides = array<i32>} : memref<3x16x2048xf32, #tpu.memory_space<vmem>>, vector<16xf32>,
      %slice3A_706 = vector.extract_strided_slice %add3A_699 {offsets = [15], sizes = [1], strides = [1]} : vector<16xf32> to vector<1xf32>
      %squeeze3A_707 = vector.extract %slice3A_706[0] : f32 from vector<1xf32>
      %broadcast_in_dim3A_708 = vector.broadcast %squeeze3A_707 : f32 to vector<16xf32>
      %get3A_709 = arith.constant 1 : i32
      %get3A_710 = arith.constant 2 : i32
      %get3A_711 = arith.index_cast %get3A_709 : i32 to index
      %get3A_712 = arith.index_cast %get3A_710 : i32 to index
      %get3A_713 = arith.index_cast %mul3A_675 : i32 to index
      %get3A_714 = tpu.vector_load %arg4[%get3A_711, %get3A_712, %get3A_713] {strides = array<i32>} : memref<3x16x2048xf32, #tpu.memory_space<vmem>>, vector<16xf32>,
      %broadcast_in_dim3A_715 = arith.constant true
      %broadcast_in_dim3A_716 = vector.broadcast %broadcast_in_dim3A_715 : i1 to vector<16xi1>
      %masked_cumsum3A_717 = tpu.scan <sum>, %get3A_714 masked %broadcast_in_dim3A_716 : vector<16xf32>, vector<16xi1> -> vector<16xf32>
      %add3A_718 = arith.addf %masked_cumsum3A_717, %scan3A_660 : vector<16xf32>
      %swap3A_719 = arith.constant 1 : i32
      %swap3A_720 = arith.constant 2 : i32
      %swap3A_721 = arith.index_cast %swap3A_719 : i32 to index
      %swap3A_722 = arith.index_cast %swap3A_720 : i32 to index
      %swap3A_723 = arith.index_cast %mul3A_675 : i32 to index
      %swap3A_724 = tpu.vector_load %arg4[%swap3A_721, %swap3A_722, %swap3A_723] {strides = array<i32>} : memref<3x16x2048xf32, #tpu.memory_space<vmem>>, vector<16xf32>,
      tpu.vector_store %arg4[%swap3A_721, %swap3A_722, %swap3A_723], %add3A_718 {strides = array<i32>} : memref<3x16x2048xf32, #tpu.memory_space<vmem>>, vector<16xf32>,
      %slice3A_725 = vector.extract_strided_slice %add3A_718 {offsets = [15], sizes = [1], strides = [1]} : vector<16xf32> to vector<1xf32>
      %squeeze3A_726 = vector.extract %slice3A_725[0] : f32 from vector<1xf32>
      %broadcast_in_dim3A_727 = vector.broadcast %squeeze3A_726 : f32 to vector<16xf32>
      %get3A_728 = arith.constant 1 : i32
      %get3A_729 = arith.constant 3 : i32
      %get3A_730 = arith.index_cast %get3A_728 : i32 to index
      %get3A_731 = arith.index_cast %get3A_729 : i32 to index
      %get3A_732 = arith.index_cast %mul3A_675 : i32 to index
      %get3A_733 = tpu.vector_load %arg4[%get3A_730, %get3A_731, %get3A_732] {strides = array<i32>} : memref<3x16x2048xf32, #tpu.memory_space<vmem>>, vector<16xf32>,
      %broadcast_in_dim3A_734 = arith.constant true
      %broadcast_in_dim3A_735 = vector.broadcast %broadcast_in_dim3A_734 : i1 to vector<16xi1>
      %masked_cumsum3A_736 = tpu.scan <sum>, %get3A_733 masked %broadcast_in_dim3A_735 : vector<16xf32>, vector<16xi1> -> vector<16xf32>
      %add3A_737 = arith.addf %masked_cumsum3A_736, %scan3A_661 : vector<16xf32>
      %swap3A_738 = arith.constant 1 : i32
      %swap3A_739 = arith.constant 3 : i32
      %swap3A_740 = arith.index_cast %swap3A_738 : i32 to index
      %swap3A_741 = arith.index_cast %swap3A_739 : i32 to index
      %swap3A_742 = arith.index_cast %mul3A_675 : i32 to index
      %swap3A_743 = tpu.vector_load %arg4[%swap3A_740, %swap3A_741, %swap3A_742] {strides = array<i32>} : memref<3x16x2048xf32, #tpu.memory_space<vmem>>, vector<16xf32>,
      tpu.vector_store %arg4[%swap3A_740, %swap3A_741, %swap3A_742], %add3A_737 {strides = array<i32>} : memref<3x16x2048xf32, #tpu.memory_space<vmem>>, vector<16xf32>,
      %slice3A_744 = vector.extract_strided_slice %add3A_737 {offsets = [15], sizes = [1], strides = [1]} : vector<16xf32> to vector<1xf32>
      %squeeze3A_745 = vector.extract %slice3A_744[0] : f32 from vector<1xf32>
      %broadcast_in_dim3A_746 = vector.broadcast %squeeze3A_745 : f32 to vector<16xf32>
      %get3A_747 = arith.constant 1 : i32
      %get3A_748 = arith.constant 4 : i32
      %get3A_749 = arith.index_cast %get3A_747 : i32 to index
      %get3A_750 = arith.index_cast %get3A_748 : i32 to index
      %get3A_751 = arith.index_cast %mul3A_675 : i32 to index
      %get3A_752 = tpu.vector_load %arg4[%get3A_749, %get3A_750, %get3A_751] {strides = array<i32>} : memref<3x16x2048xf32, #tpu.memory_space<vmem>>, vector<16xf32>,
      %broadcast_in_dim3A_753 = arith.constant true
      %broadcast_in_dim3A_754 = vector.broadcast %broadcast_in_dim3A_753 : i1 to vector<16xi1>
      %masked_cumsum3A_755 = tpu.scan <sum>, %get3A_752 masked %broadcast_in_dim3A_754 : vector<16xf32>, vector<16xi1> -> vector<16xf32>
      %add3A_756 = arith.addf %masked_cumsum3A_755, %scan3A_662 : vector<16xf32>
      %swap3A_757 = arith.constant 1 : i32
      %swap3A_758 = arith.constant 4 : i32
      %swap3A_759 = arith.index_cast %swap3A_757 : i32 to index
      %swap3A_760 = arith.index_cast %swap3A_758 : i32 to index
      %swap3A_761 = arith.index_cast %mul3A_675 : i32 to index
      %swap3A_762 = tpu.vector_load %arg4[%swap3A_759, %swap3A_760, %swap3A_761] {strides = array<i32>} : memref<3x16x2048xf32, #tpu.memory_space<vmem>>, vector<16xf32>,
      tpu.vector_store %arg4[%swap3A_759, %swap3A_760, %swap3A_761], %add3A_756 {strides = array<i32>} : memref<3x16x2048xf32, #tpu.memory_space<vmem>>, vector<16xf32>,
      %slice3A_763 = vector.extract_strided_slice %add3A_756 {offsets = [15], sizes = [1], strides = [1]} : vector<16xf32> to vector<1xf32>
      %squeeze3A_764 = vector.extract %slice3A_763[0] : f32 from vector<1xf32>
      %broadcast_in_dim3A_765 = vector.broadcast %squeeze3A_764 : f32 to vector<16xf32>
      %get3A_766 = arith.constant 1 : i32
      %get3A_767 = arith.constant 5 : i32
      %get3A_768 = arith.index_cast %get3A_766 : i32 to index
      %get3A_769 = arith.index_cast %get3A_767 : i32 to index
      %get3A_770 = arith.index_cast %mul3A_675 : i32 to index
      %get3A_771 = tpu.vector_load %arg4[%get3A_768, %get3A_769, %get3A_770] {strides = array<i32>} : memref<3x16x2048xf32, #tpu.memory_space<vmem>>, vector<16xf32>,
      %broadcast_in_dim3A_772 = arith.constant true
      %broadcast_in_dim3A_773 = vector.broadcast %broadcast_in_dim3A_772 : i1 to vector<16xi1>
      %masked_cumsum3A_774 = tpu.scan <sum>, %get3A_771 masked %broadcast_in_dim3A_773 : vector<16xf32>, vector<16xi1> -> vector<16xf32>
      %add3A_775 = arith.addf %masked_cumsum3A_774, %scan3A_663 : vector<16xf32>
      %swap3A_776 = arith.constant 1 : i32
      %swap3A_777 = arith.constant 5 : i32
      %swap3A_778 = arith.index_cast %swap3A_776 : i32 to index
      %swap3A_779 = arith.index_cast %swap3A_777 : i32 to index
      %swap3A_780 = arith.index_cast %mul3A_675 : i32 to index
      %swap3A_781 = tpu.vector_load %arg4[%swap3A_778, %swap3A_779, %swap3A_780] {strides = array<i32>} : memref<3x16x2048xf32, #tpu.memory_space<vmem>>, vector<16xf32>,
      tpu.vector_store %arg4[%swap3A_778, %swap3A_779, %swap3A_780], %add3A_775 {strides = array<i32>} : memref<3x16x2048xf32, #tpu.memory_space<vmem>>, vector<16xf32>,
      %slice3A_782 = vector.extract_strided_slice %add3A_775 {offsets = [15], sizes = [1], strides = [1]} : vector<16xf32> to vector<1xf32>
      %squeeze3A_783 = vector.extract %slice3A_782[0] : f32 from vector<1xf32>
      %broadcast_in_dim3A_784 = vector.broadcast %squeeze3A_783 : f32 to vector<16xf32>
      %get3A_785 = arith.constant 1 : i32
      %get3A_786 = arith.constant 6 : i32
      %get3A_787 = arith.index_cast %get3A_785 : i32 to index
      %get3A_788 = arith.index_cast %get3A_786 : i32 to index
      %get3A_789 = arith.index_cast %mul3A_675 : i32 to index
      %get3A_790 = tpu.vector_load %arg4[%get3A_787, %get3A_788, %get3A_789] {strides = array<i32>} : memref<3x16x2048xf32, #tpu.memory_space<vmem>>, vector<16xf32>,
      %broadcast_in_dim3A_791 = arith.constant true
      %broadcast_in_dim3A_792 = vector.broadcast %broadcast_in_dim3A_791 : i1 to vector<16xi1>
      %masked_cumsum3A_793 = tpu.scan <sum>, %get3A_790 masked %broadcast_in_dim3A_792 : vector<16xf32>, vector<16xi1> -> vector<16xf32>
      %add3A_794 = arith.addf %masked_cumsum3A_793, %scan3A_664 : vector<16xf32>
      %swap3A_795 = arith.constant 1 : i32
      %swap3A_796 = arith.constant 6 : i32
      %swap3A_797 = arith.index_cast %swap3A_795 : i32 to index
      %swap3A_798 = arith.index_cast %swap3A_796 : i32 to index
      %swap3A_799 = arith.index_cast %mul3A_675 : i32 to index
      %swap3A_800 = tpu.vector_load %arg4[%swap3A_797, %swap3A_798, %swap3A_799] {strides = array<i32>} : memref<3x16x2048xf32, #tpu.memory_space<vmem>>, vector<16xf32>,
      tpu.vector_store %arg4[%swap3A_797, %swap3A_798, %swap3A_799], %add3A_794 {strides = array<i32>} : memref<3x16x2048xf32, #tpu.memory_space<vmem>>, vector<16xf32>,
      %slice3A_801 = vector.extract_strided_slice %add3A_794 {offsets = [15], sizes = [1], strides = [1]} : vector<16xf32> to vector<1xf32>
      %squeeze3A_802 = vector.extract %slice3A_801[0] : f32 from vector<1xf32>
      %broadcast_in_dim3A_803 = vector.broadcast %squeeze3A_802 : f32 to vector<16xf32>
      %get3A_804 = arith.constant 1 : i32
      %get3A_805 = arith.constant 7 : i32
      %get3A_806 = arith.index_cast %get3A_804 : i32 to index
      %get3A_807 = arith.index_cast %get3A_805 : i32 to index
      %get3A_808 = arith.index_cast %mul3A_675 : i32 to index
      %get3A_809 = tpu.vector_load %arg4[%get3A_806, %get3A_807, %get3A_808] {strides = array<i32>} : memref<3x16x2048xf32, #tpu.memory_space<vmem>>, vector<16xf32>,
      %broadcast_in_dim3A_810 = arith.constant true
      %broadcast_in_dim3A_811 = vector.broadcast %broadcast_in_dim3A_810 : i1 to vector<16xi1>
      %masked_cumsum3A_812 = tpu.scan <sum>, %get3A_809 masked %broadcast_in_dim3A_811 : vector<16xf32>, vector<16xi1> -> vector<16xf32>
      %add3A_813 = arith.addf %masked_cumsum3A_812, %scan3A_665 : vector<16xf32>
      %swap3A_814 = arith.constant 1 : i32
      %swap3A_815 = arith.constant 7 : i32
      %swap3A_816 = arith.index_cast %swap3A_814 : i32 to index
      %swap3A_817 = arith.index_cast %swap3A_815 : i32 to index
      %swap3A_818 = arith.index_cast %mul3A_675 : i32 to index
      %swap3A_819 = tpu.vector_load %arg4[%swap3A_816, %swap3A_817, %swap3A_818] {strides = array<i32>} : memref<3x16x2048xf32, #tpu.memory_space<vmem>>, vector<16xf32>,
      tpu.vector_store %arg4[%swap3A_816, %swap3A_817, %swap3A_818], %add3A_813 {strides = array<i32>} : memref<3x16x2048xf32, #tpu.memory_space<vmem>>, vector<16xf32>,
      %slice3A_820 = vector.extract_strided_slice %add3A_813 {offsets = [15], sizes = [1], strides = [1]} : vector<16xf32> to vector<1xf32>
      %squeeze3A_821 = vector.extract %slice3A_820[0] : f32 from vector<1xf32>
      %broadcast_in_dim3A_822 = vector.broadcast %squeeze3A_821 : f32 to vector<16xf32>
      %get3A_823 = arith.constant 1 : i32
      %get3A_824 = arith.constant 8 : i32
      %get3A_825 = arith.index_cast %get3A_823 : i32 to index
      %get3A_826 = arith.index_cast %get3A_824 : i32 to index
      %get3A_827 = arith.index_cast %mul3A_675 : i32 to index
      %get3A_828 = tpu.vector_load %arg4[%get3A_825, %get3A_826, %get3A_827] {strides = array<i32>} : memref<3x16x2048xf32, #tpu.memory_space<vmem>>, vector<16xf32>,
      %broadcast_in_dim3A_829 = arith.constant true
      %broadcast_in_dim3A_830 = vector.broadcast %broadcast_in_dim3A_829 : i1 to vector<16xi1>
      %masked_cumsum3A_831 = tpu.scan <sum>, %get3A_828 masked %broadcast_in_dim3A_830 : vector<16xf32>, vector<16xi1> -> vector<16xf32>
      %add3A_832 = arith.addf %masked_cumsum3A_831, %scan3A_666 : vector<16xf32>
      %swap3A_833 = arith.constant 1 : i32
      %swap3A_834 = arith.constant 8 : i32
      %swap3A_835 = arith.index_cast %swap3A_833 : i32 to index
      %swap3A_836 = arith.index_cast %swap3A_834 : i32 to index
      %swap3A_837 = arith.index_cast %mul3A_675 : i32 to index
      %swap3A_838 = tpu.vector_load %arg4[%swap3A_835, %swap3A_836, %swap3A_837] {strides = array<i32>} : memref<3x16x2048xf32, #tpu.memory_space<vmem>>, vector<16xf32>,
      tpu.vector_store %arg4[%swap3A_835, %swap3A_836, %swap3A_837], %add3A_832 {strides = array<i32>} : memref<3x16x2048xf32, #tpu.memory_space<vmem>>, vector<16xf32>,
      %slice3A_839 = vector.extract_strided_slice %add3A_832 {offsets = [15], sizes = [1], strides = [1]} : vector<16xf32> to vector<1xf32>
      %squeeze3A_840 = vector.extract %slice3A_839[0] : f32 from vector<1xf32>
      %broadcast_in_dim3A_841 = vector.broadcast %squeeze3A_840 : f32 to vector<16xf32>
      %get3A_842 = arith.constant 1 : i32
      %get3A_843 = arith.constant 9 : i32
      %get3A_844 = arith.index_cast %get3A_842 : i32 to index
      %get3A_845 = arith.index_cast %get3A_843 : i32 to index
      %get3A_846 = arith.index_cast %mul3A_675 : i32 to index
      %get3A_847 = tpu.vector_load %arg4[%get3A_844, %get3A_845, %get3A_846] {strides = array<i32>} : memref<3x16x2048xf32, #tpu.memory_space<vmem>>, vector<16xf32>,
      %broadcast_in_dim3A_848 = arith.constant true
      %broadcast_in_dim3A_849 = vector.broadcast %broadcast_in_dim3A_848 : i1 to vector<16xi1>
      %masked_cumsum3A_850 = tpu.scan <sum>, %get3A_847 masked %broadcast_in_dim3A_849 : vector<16xf32>, vector<16xi1> -> vector<16xf32>
      %add3A_851 = arith.addf %masked_cumsum3A_850, %scan3A_667 : vector<16xf32>
      %swap3A_852 = arith.constant 1 : i32
      %swap3A_853 = arith.constant 9 : i32
      %swap3A_854 = arith.index_cast %swap3A_852 : i32 to index
      %swap3A_855 = arith.index_cast %swap3A_853 : i32 to index
      %swap3A_856 = arith.index_cast %mul3A_675 : i32 to index
      %swap3A_857 = tpu.vector_load %arg4[%swap3A_854, %swap3A_855, %swap3A_856] {strides = array<i32>} : memref<3x16x2048xf32, #tpu.memory_space<vmem>>, vector<16xf32>,
      tpu.vector_store %arg4[%swap3A_854, %swap3A_855, %swap3A_856], %add3A_851 {strides = array<i32>} : memref<3x16x2048xf32, #tpu.memory_space<vmem>>, vector<16xf32>,
      %slice3A_858 = vector.extract_strided_slice %add3A_851 {offsets = [15], sizes = [1], strides = [1]} : vector<16xf32> to vector<1xf32>
      %squeeze3A_859 = vector.extract %slice3A_858[0] : f32 from vector<1xf32>
      %broadcast_in_dim3A_860 = vector.broadcast %squeeze3A_859 : f32 to vector<16xf32>
      %get3A_861 = arith.constant 1 : i32
      %get3A_862 = arith.constant 10 : i32
      %get3A_863 = arith.index_cast %get3A_861 : i32 to index
      %get3A_864 = arith.index_cast %get3A_862 : i32 to index
      %get3A_865 = arith.index_cast %mul3A_675 : i32 to index
      %get3A_866 = tpu.vector_load %arg4[%get3A_863, %get3A_864, %get3A_865] {strides = array<i32>} : memref<3x16x2048xf32, #tpu.memory_space<vmem>>, vector<16xf32>,
      %broadcast_in_dim3A_867 = arith.constant true
      %broadcast_in_dim3A_868 = vector.broadcast %broadcast_in_dim3A_867 : i1 to vector<16xi1>
      %masked_cumsum3A_869 = tpu.scan <sum>, %get3A_866 masked %broadcast_in_dim3A_868 : vector<16xf32>, vector<16xi1> -> vector<16xf32>
      %add3A_870 = arith.addf %masked_cumsum3A_869, %scan3A_668 : vector<16xf32>
      %swap3A_871 = arith.constant 1 : i32
      %swap3A_872 = arith.constant 10 : i32
      %swap3A_873 = arith.index_cast %swap3A_871 : i32 to index
      %swap3A_874 = arith.index_cast %swap3A_872 : i32 to index
      %swap3A_875 = arith.index_cast %mul3A_675 : i32 to index
      %swap3A_876 = tpu.vector_load %arg4[%swap3A_873, %swap3A_874, %swap3A_875] {strides = array<i32>} : memref<3x16x2048xf32, #tpu.memory_space<vmem>>, vector<16xf32>,
      tpu.vector_store %arg4[%swap3A_873, %swap3A_874, %swap3A_875], %add3A_870 {strides = array<i32>} : memref<3x16x2048xf32, #tpu.memory_space<vmem>>, vector<16xf32>,
      %slice3A_877 = vector.extract_strided_slice %add3A_870 {offsets = [15], sizes = [1], strides = [1]} : vector<16xf32> to vector<1xf32>
      %squeeze3A_878 = vector.extract %slice3A_877[0] : f32 from vector<1xf32>
      %broadcast_in_dim3A_879 = vector.broadcast %squeeze3A_878 : f32 to vector<16xf32>
      %get3A_880 = arith.constant 1 : i32
      %get3A_881 = arith.constant 11 : i32
      %get3A_882 = arith.index_cast %get3A_880 : i32 to index
      %get3A_883 = arith.index_cast %get3A_881 : i32 to index
      %get3A_884 = arith.index_cast %mul3A_675 : i32 to index
      %get3A_885 = tpu.vector_load %arg4[%get3A_882, %get3A_883, %get3A_884] {strides = array<i32>} : memref<3x16x2048xf32, #tpu.memory_space<vmem>>, vector<16xf32>,
      %broadcast_in_dim3A_886 = arith.constant true
      %broadcast_in_dim3A_887 = vector.broadcast %broadcast_in_dim3A_886 : i1 to vector<16xi1>
      %masked_cumsum3A_888 = tpu.scan <sum>, %get3A_885 masked %broadcast_in_dim3A_887 : vector<16xf32>, vector<16xi1> -> vector<16xf32>
      %add3A_889 = arith.addf %masked_cumsum3A_888, %scan3A_669 : vector<16xf32>
      %swap3A_890 = arith.constant 1 : i32
      %swap3A_891 = arith.constant 11 : i32
      %swap3A_892 = arith.index_cast %swap3A_890 : i32 to index
      %swap3A_893 = arith.index_cast %swap3A_891 : i32 to index
      %swap3A_894 = arith.index_cast %mul3A_675 : i32 to index
      %swap3A_895 = tpu.vector_load %arg4[%swap3A_892, %swap3A_893, %swap3A_894] {strides = array<i32>} : memref<3x16x2048xf32, #tpu.memory_space<vmem>>, vector<16xf32>,
      tpu.vector_store %arg4[%swap3A_892, %swap3A_893, %swap3A_894], %add3A_889 {strides = array<i32>} : memref<3x16x2048xf32, #tpu.memory_space<vmem>>, vector<16xf32>,
      %slice3A_896 = vector.extract_strided_slice %add3A_889 {offsets = [15], sizes = [1], strides = [1]} : vector<16xf32> to vector<1xf32>
      %squeeze3A_897 = vector.extract %slice3A_896[0] : f32 from vector<1xf32>
      %broadcast_in_dim3A_898 = vector.broadcast %squeeze3A_897 : f32 to vector<16xf32>
      %get3A_899 = arith.constant 1 : i32
      %get3A_900 = arith.constant 12 : i32
      %get3A_901 = arith.index_cast %get3A_899 : i32 to index
      %get3A_902 = arith.index_cast %get3A_900 : i32 to index
      %get3A_903 = arith.index_cast %mul3A_675 : i32 to index
      %get3A_904 = tpu.vector_load %arg4[%get3A_901, %get3A_902, %get3A_903] {strides = array<i32>} : memref<3x16x2048xf32, #tpu.memory_space<vmem>>, vector<16xf32>,
      %broadcast_in_dim3A_905 = arith.constant true
      %broadcast_in_dim3A_906 = vector.broadcast %broadcast_in_dim3A_905 : i1 to vector<16xi1>
      %masked_cumsum3A_907 = tpu.scan <sum>, %get3A_904 masked %broadcast_in_dim3A_906 : vector<16xf32>, vector<16xi1> -> vector<16xf32>
      %add3A_908 = arith.addf %masked_cumsum3A_907, %scan3A_670 : vector<16xf32>
      %swap3A_909 = arith.constant 1 : i32
      %swap3A_910 = arith.constant 12 : i32
      %swap3A_911 = arith.index_cast %swap3A_909 : i32 to index
      %swap3A_912 = arith.index_cast %swap3A_910 : i32 to index
      %swap3A_913 = arith.index_cast %mul3A_675 : i32 to index
      %swap3A_914 = tpu.vector_load %arg4[%swap3A_911, %swap3A_912, %swap3A_913] {strides = array<i32>} : memref<3x16x2048xf32, #tpu.memory_space<vmem>>, vector<16xf32>,
      tpu.vector_store %arg4[%swap3A_911, %swap3A_912, %swap3A_913], %add3A_908 {strides = array<i32>} : memref<3x16x2048xf32, #tpu.memory_space<vmem>>, vector<16xf32>,
      %slice3A_915 = vector.extract_strided_slice %add3A_908 {offsets = [15], sizes = [1], strides = [1]} : vector<16xf32> to vector<1xf32>
      %squeeze3A_916 = vector.extract %slice3A_915[0] : f32 from vector<1xf32>
      %broadcast_in_dim3A_917 = vector.broadcast %squeeze3A_916 : f32 to vector<16xf32>
      %get3A_918 = arith.constant 1 : i32
      %get3A_919 = arith.constant 13 : i32
      %get3A_920 = arith.index_cast %get3A_918 : i32 to index
      %get3A_921 = arith.index_cast %get3A_919 : i32 to index
      %get3A_922 = arith.index_cast %mul3A_675 : i32 to index
      %get3A_923 = tpu.vector_load %arg4[%get3A_920, %get3A_921, %get3A_922] {strides = array<i32>} : memref<3x16x2048xf32, #tpu.memory_space<vmem>>, vector<16xf32>,
      %broadcast_in_dim3A_924 = arith.constant true
      %broadcast_in_dim3A_925 = vector.broadcast %broadcast_in_dim3A_924 : i1 to vector<16xi1>
      %masked_cumsum3A_926 = tpu.scan <sum>, %get3A_923 masked %broadcast_in_dim3A_925 : vector<16xf32>, vector<16xi1> -> vector<16xf32>
      %add3A_927 = arith.addf %masked_cumsum3A_926, %scan3A_671 : vector<16xf32>
      %swap3A_928 = arith.constant 1 : i32
      %swap3A_929 = arith.constant 13 : i32
      %swap3A_930 = arith.index_cast %swap3A_928 : i32 to index
      %swap3A_931 = arith.index_cast %swap3A_929 : i32 to index
      %swap3A_932 = arith.index_cast %mul3A_675 : i32 to index
      %swap3A_933 = tpu.vector_load %arg4[%swap3A_930, %swap3A_931, %swap3A_932] {strides = array<i32>} : memref<3x16x2048xf32, #tpu.memory_space<vmem>>, vector<16xf32>,
      tpu.vector_store %arg4[%swap3A_930, %swap3A_931, %swap3A_932], %add3A_927 {strides = array<i32>} : memref<3x16x2048xf32, #tpu.memory_space<vmem>>, vector<16xf32>,
      %slice3A_934 = vector.extract_strided_slice %add3A_927 {offsets = [15], sizes = [1], strides = [1]} : vector<16xf32> to vector<1xf32>
      %squeeze3A_935 = vector.extract %slice3A_934[0] : f32 from vector<1xf32>
      %broadcast_in_dim3A_936 = vector.broadcast %squeeze3A_935 : f32 to vector<16xf32>
      %get3A_937 = arith.constant 1 : i32
      %get3A_938 = arith.constant 14 : i32
      %get3A_939 = arith.index_cast %get3A_937 : i32 to index
      %get3A_940 = arith.index_cast %get3A_938 : i32 to index
      %get3A_941 = arith.index_cast %mul3A_675 : i32 to index
      %get3A_942 = tpu.vector_load %arg4[%get3A_939, %get3A_940, %get3A_941] {strides = array<i32>} : memref<3x16x2048xf32, #tpu.memory_space<vmem>>, vector<16xf32>,
      %broadcast_in_dim3A_943 = arith.constant true
      %broadcast_in_dim3A_944 = vector.broadcast %broadcast_in_dim3A_943 : i1 to vector<16xi1>
      %masked_cumsum3A_945 = tpu.scan <sum>, %get3A_942 masked %broadcast_in_dim3A_944 : vector<16xf32>, vector<16xi1> -> vector<16xf32>
      %add3A_946 = arith.addf %masked_cumsum3A_945, %scan3A_672 : vector<16xf32>
      %swap3A_947 = arith.constant 1 : i32
      %swap3A_948 = arith.constant 14 : i32
      %swap3A_949 = arith.index_cast %swap3A_947 : i32 to index
      %swap3A_950 = arith.index_cast %swap3A_948 : i32 to index
      %swap3A_951 = arith.index_cast %mul3A_675 : i32 to index
      %swap3A_952 = tpu.vector_load %arg4[%swap3A_949, %swap3A_950, %swap3A_951] {strides = array<i32>} : memref<3x16x2048xf32, #tpu.memory_space<vmem>>, vector<16xf32>,
      tpu.vector_store %arg4[%swap3A_949, %swap3A_950, %swap3A_951], %add3A_946 {strides = array<i32>} : memref<3x16x2048xf32, #tpu.memory_space<vmem>>, vector<16xf32>,
      %slice3A_953 = vector.extract_strided_slice %add3A_946 {offsets = [15], sizes = [1], strides = [1]} : vector<16xf32> to vector<1xf32>
      %squeeze3A_954 = vector.extract %slice3A_953[0] : f32 from vector<1xf32>
      %broadcast_in_dim3A_955 = vector.broadcast %squeeze3A_954 : f32 to vector<16xf32>
      %get3A_956 = arith.constant 1 : i32
      %get3A_957 = arith.constant 15 : i32
      %get3A_958 = arith.index_cast %get3A_956 : i32 to index
      %get3A_959 = arith.index_cast %get3A_957 : i32 to index
      %get3A_960 = arith.index_cast %mul3A_675 : i32 to index
      %get3A_961 = tpu.vector_load %arg4[%get3A_958, %get3A_959, %get3A_960] {strides = array<i32>} : memref<3x16x2048xf32, #tpu.memory_space<vmem>>, vector<16xf32>,
      %broadcast_in_dim3A_962 = arith.constant true
      %broadcast_in_dim3A_963 = vector.broadcast %broadcast_in_dim3A_962 : i1 to vector<16xi1>
      %masked_cumsum3A_964 = tpu.scan <sum>, %get3A_961 masked %broadcast_in_dim3A_963 : vector<16xf32>, vector<16xi1> -> vector<16xf32>
      %add3A_965 = arith.addf %masked_cumsum3A_964, %scan3A_673 : vector<16xf32>
      %swap3A_966 = arith.constant 1 : i32
      %swap3A_967 = arith.constant 15 : i32
      %swap3A_968 = arith.index_cast %swap3A_966 : i32 to index
      %swap3A_969 = arith.index_cast %swap3A_967 : i32 to index
      %swap3A_970 = arith.index_cast %mul3A_675 : i32 to index
      %swap3A_971 = tpu.vector_load %arg4[%swap3A_968, %swap3A_969, %swap3A_970] {strides = array<i32>} : memref<3x16x2048xf32, #tpu.memory_space<vmem>>, vector<16xf32>,
      tpu.vector_store %arg4[%swap3A_968, %swap3A_969, %swap3A_970], %add3A_965 {strides = array<i32>} : memref<3x16x2048xf32, #tpu.memory_space<vmem>>, vector<16xf32>,
      %slice3A_972 = vector.extract_strided_slice %add3A_965 {offsets = [15], sizes = [1], strides = [1]} : vector<16xf32> to vector<1xf32>
      %squeeze3A_973 = vector.extract %slice3A_972[0] : f32 from vector<1xf32>
      %broadcast_in_dim3A_974 = vector.broadcast %squeeze3A_973 : f32 to vector<16xf32>
      scf.yield %broadcast_in_dim3A_689, %broadcast_in_dim3A_708, %broadcast_in_dim3A_727, %broadcast_in_dim3A_746, %broadcast_in_dim3A_765, %broadcast_in_dim3A_784, %broadcast_in_dim3A_803, %broadcast_in_dim3A_822, %broadcast_in_dim3A_841, %broadcast_in_dim3A_860, %broadcast_in_dim3A_879, %broadcast_in_dim3A_898, %broadcast_in_dim3A_917, %broadcast_in_dim3A_936, %broadcast_in_dim3A_955, %broadcast_in_dim3A_974 : vector<16xf32>, vector<16xf32>, vector<16xf32>, vector<16xf32>, vector<16xf32>, vector<16xf32>, vector<16xf32>, vector<16xf32>, vector<16xf32>, vector<16xf32>, vector<16xf32>, vector<16xf32>, vector<16xf32>, vector<16xf32>, vector<16xf32>, vector<16xf32>
    }
    %scan3A_190 = arith.constant 128 : i32
    %add3A_191 = arith.constant 0 : i32
    %add3A_192 = arith.addi %mul3A_2, %add3A_191 : i32
    %dma_start3A_193 = arith.constant 1 : i32
    %dma_start3A_194 = arith.constant 0 : i32
    %dma_start3A_195 = arith.constant 0 : i32
    %dma_start3A_196 = tpu.memref_slice %arg4[%dma_start3A_193, %dma_start3A_194, %dma_start3A_195] : memref<3x16x2048xf32, #tpu.memory_space<vmem>> -> memref<1x16x2048xf32, #tpu.memory_space<vmem>>
    %dma_start3A_197 = tpu.memref_squeeze %dma_start3A_196 : memref<1x16x2048xf32, #tpu.memory_space<vmem>> -> memref<16x2048xf32, #tpu.memory_space<vmem>>
    %dma_start3A_198 = arith.constant 2048 : i32
    %dma_start3A_199 = tpu.memref_slice %arg3[%add3A_192, %dma_start3A_198] : memref<2048x4096xf32, #tpu.memory_space<hbm>> -> memref<16x2048xf32, #tpu.memory_space<hbm>>
    %dma_start3A_200 = arith.constant 2048 : i32
    %dma_start3A_201 = tpu.memref_slice %arg3[%add3A_192, %dma_start3A_200] : memref<2048x4096xf32, #tpu.memory_space<hbm>> -> memref<16x2048xf32, #tpu.memory_space<hbm>>
    %dma_start3A_202 = arith.constant 0 : i32
    %dma_start3A_203 = arith.constant 0 : i32
    %dma_start3A_204 = tpu.memref_slice %arg4[%dma_start3A_193, %dma_start3A_202, %dma_start3A_203] : memref<3x16x2048xf32, #tpu.memory_space<vmem>> -> memref<1x16x2048xf32, #tpu.memory_space<vmem>>
    %dma_start3A_205 = tpu.memref_squeeze %dma_start3A_204 : memref<1x16x2048xf32, #tpu.memory_space<vmem>> -> memref<16x2048xf32, #tpu.memory_space<vmem>>
    tpu.enqueue_dma source(%dma_start3A_205 : memref<16x2048xf32, #tpu.memory_space<vmem>>) target(%dma_start3A_201 : memref<16x2048xf32, #tpu.memory_space<hbm>>) target_semaphore(%arg9 : memref<!tpu.dma_semaphore, #tpu.memory_space<semaphore_mem>>)
    %dma_wait3A_206 = arith.constant 1 : i32
    %dma_wait3A_207 = arith.constant 0 : i32
    %dma_wait3A_208 = arith.constant 0 : i32
    %dma_wait3A_209 = tpu.memref_slice %arg4[%dma_wait3A_206, %dma_wait3A_207, %dma_wait3A_208] : memref<3x16x2048xf32, #tpu.memory_space<vmem>> -> memref<1x16x2048xf32, #tpu.memory_space<vmem>>
    %dma_wait3A_210 = tpu.memref_squeeze %dma_wait3A_209 : memref<1x16x2048xf32, #tpu.memory_space<vmem>> -> memref<16x2048xf32, #tpu.memory_space<vmem>>
    %dma_wait3A_211 = arith.constant 2048 : i32
    %dma_wait3A_212 = tpu.memref_slice %arg3[%add3A_192, %dma_wait3A_211] : memref<2048x4096xf32, #tpu.memory_space<hbm>> -> memref<16x2048xf32, #tpu.memory_space<hbm>>
    %dma_wait3A_213 = arith.constant 2048 : i32
    %dma_wait3A_214 = tpu.memref_slice %arg3[%add3A_192, %dma_wait3A_213] : memref<2048x4096xf32, #tpu.memory_space<hbm>> -> memref<16x2048xf32, #tpu.memory_space<hbm>>
    %dma_wait3A_215 = arith.constant 0 : i32
    %dma_wait3A_216 = arith.constant 0 : i32
    %dma_wait3A_217 = tpu.memref_slice %arg4[%dma_wait3A_206, %dma_wait3A_215, %dma_wait3A_216] : memref<3x16x2048xf32, #tpu.memory_space<vmem>> -> memref<1x16x2048xf32, #tpu.memory_space<vmem>>
    %dma_wait3A_218 = tpu.memref_squeeze %dma_wait3A_217 : memref<1x16x2048xf32, #tpu.memory_space<vmem>> -> memref<16x2048xf32, #tpu.memory_space<vmem>>
    tpu.wait_dma2 semaphore(%arg9 : memref<!tpu.dma_semaphore, #tpu.memory_space<semaphore_mem>>) src(%dma_wait3A_218 : memref<16x2048xf32, #tpu.memory_space<vmem>>) dst(%dma_wait3A_214 : memref<16x2048xf32, #tpu.memory_space<hbm>>)
    %add3A_219 = arith.constant 32 : i32
    %add3A_220 = arith.addi %mul3A_2, %add3A_219 : i32
    %dma_start3A_221 = arith.constant 1 : i32
    %dma_start3A_222 = arith.constant 0 : i32
    %dma_start3A_223 = arith.constant 0 : i32
    %dma_start3A_224 = tpu.memref_slice %arg4[%dma_start3A_221, %dma_start3A_222, %dma_start3A_223] : memref<3x16x2048xf32, #tpu.memory_space<vmem>> -> memref<1x16x2048xf32, #tpu.memory_space<vmem>>
    %dma_start3A_225 = tpu.memref_squeeze %dma_start3A_224 : memref<1x16x2048xf32, #tpu.memory_space<vmem>> -> memref<16x2048xf32, #tpu.memory_space<vmem>>
    %dma_start3A_226 = arith.constant 0 : i32
    %dma_start3A_227 = tpu.memref_slice %arg2[%add3A_220, %dma_start3A_226] : memref<2048x4096xf32, #tpu.memory_space<hbm>> -> memref<16x2048xf32, #tpu.memory_space<hbm>>
    %dma_start3A_228 = arith.constant 0 : i32
    %dma_start3A_229 = arith.constant 0 : i32
    %dma_start3A_230 = tpu.memref_slice %arg4[%dma_start3A_221, %dma_start3A_228, %dma_start3A_229] : memref<3x16x2048xf32, #tpu.memory_space<vmem>> -> memref<1x16x2048xf32, #tpu.memory_space<vmem>>
    %dma_start3A_231 = tpu.memref_squeeze %dma_start3A_230 : memref<1x16x2048xf32, #tpu.memory_space<vmem>> -> memref<16x2048xf32, #tpu.memory_space<vmem>>
    %dma_start3A_232 = arith.constant 0 : i32
    %dma_start3A_233 = tpu.memref_slice %arg2[%add3A_220, %dma_start3A_232] : memref<2048x4096xf32, #tpu.memory_space<hbm>> -> memref<16x2048xf32, #tpu.memory_space<hbm>>
    tpu.enqueue_dma source(%dma_start3A_233 : memref<16x2048xf32, #tpu.memory_space<hbm>>) target(%dma_start3A_231 : memref<16x2048xf32, #tpu.memory_space<vmem>>) target_semaphore(%arg6 : memref<!tpu.dma_semaphore, #tpu.memory_space<semaphore_mem>>)
    %dma_wait3A_234 = arith.constant 2 : i32
    %dma_wait3A_235 = arith.constant 0 : i32
    %dma_wait3A_236 = arith.constant 0 : i32
    %dma_wait3A_237 = tpu.memref_slice %arg4[%dma_wait3A_234, %dma_wait3A_235, %dma_wait3A_236] : memref<3x16x2048xf32, #tpu.memory_space<vmem>> -> memref<1x16x2048xf32, #tpu.memory_space<vmem>>
    %dma_wait3A_238 = tpu.memref_squeeze %dma_wait3A_237 : memref<1x16x2048xf32, #tpu.memory_space<vmem>> -> memref<16x2048xf32, #tpu.memory_space<vmem>>
    %dma_wait3A_239 = arith.constant 0 : i32
    %dma_wait3A_240 = tpu.memref_slice %arg2[%add3A_66, %dma_wait3A_239] : memref<2048x4096xf32, #tpu.memory_space<hbm>> -> memref<16x2048xf32, #tpu.memory_space<hbm>>
    %dma_wait3A_241 = arith.constant 0 : i32
    %dma_wait3A_242 = arith.constant 0 : i32
    %dma_wait3A_243 = tpu.memref_slice %arg4[%dma_wait3A_234, %dma_wait3A_241, %dma_wait3A_242] : memref<3x16x2048xf32, #tpu.memory_space<vmem>> -> memref<1x16x2048xf32, #tpu.memory_space<vmem>>
    %dma_wait3A_244 = tpu.memref_squeeze %dma_wait3A_243 : memref<1x16x2048xf32, #tpu.memory_space<vmem>> -> memref<16x2048xf32, #tpu.memory_space<vmem>>
    %dma_wait3A_245 = arith.constant 0 : i32
    %dma_wait3A_246 = tpu.memref_slice %arg2[%add3A_66, %dma_wait3A_245] : memref<2048x4096xf32, #tpu.memory_space<hbm>> -> memref<16x2048xf32, #tpu.memory_space<hbm>>
    tpu.wait_dma2 semaphore(%arg7 : memref<!tpu.dma_semaphore, #tpu.memory_space<semaphore_mem>>) src(%dma_wait3A_246 : memref<16x2048xf32, #tpu.memory_space<hbm>>) dst(%dma_wait3A_244 : memref<16x2048xf32, #tpu.memory_space<vmem>>)
    %broadcast_in_dim3A_247 = arith.constant 0.000000e+00 : f32
    %broadcast_in_dim3A_248 = vector.broadcast %broadcast_in_dim3A_247 : f32 to vector<16xf32>
    %broadcast_in_dim3A_249 = arith.constant 0.000000e+00 : f32
    %broadcast_in_dim3A_250 = vector.broadcast %broadcast_in_dim3A_249 : f32 to vector<16xf32>
    %broadcast_in_dim3A_251 = arith.constant 0.000000e+00 : f32
    %broadcast_in_dim3A_252 = vector.broadcast %broadcast_in_dim3A_251 : f32 to vector<16xf32>
    %broadcast_in_dim3A_253 = arith.constant 0.000000e+00 : f32
    %broadcast_in_dim3A_254 = vector.broadcast %broadcast_in_dim3A_253 : f32 to vector<16xf32>
    %broadcast_in_dim3A_255 = arith.constant 0.000000e+00 : f32
    %broadcast_in_dim3A_256 = vector.broadcast %broadcast_in_dim3A_255 : f32 to vector<16xf32>
    %broadcast_in_dim3A_257 = arith.constant 0.000000e+00 : f32
    %broadcast_in_dim3A_258 = vector.broadcast %broadcast_in_dim3A_257 : f32 to vector<16xf32>
    %broadcast_in_dim3A_259 = arith.constant 0.000000e+00 : f32
    %broadcast_in_dim3A_260 = vector.broadcast %broadcast_in_dim3A_259 : f32 to vector<16xf32>
    %broadcast_in_dim3A_261 = arith.constant 0.000000e+00 : f32
    %broadcast_in_dim3A_262 = vector.broadcast %broadcast_in_dim3A_261 : f32 to vector<16xf32>
    %broadcast_in_dim3A_263 = arith.constant 0.000000e+00 : f32
    %broadcast_in_dim3A_264 = vector.broadcast %broadcast_in_dim3A_263 : f32 to vector<16xf32>
    %broadcast_in_dim3A_265 = arith.constant 0.000000e+00 : f32
    %broadcast_in_dim3A_266 = vector.broadcast %broadcast_in_dim3A_265 : f32 to vector<16xf32>
    %broadcast_in_dim3A_267 = arith.constant 0.000000e+00 : f32
    %broadcast_in_dim3A_268 = vector.broadcast %broadcast_in_dim3A_267 : f32 to vector<16xf32>
    %broadcast_in_dim3A_269 = arith.constant 0.000000e+00 : f32
    %broadcast_in_dim3A_270 = vector.broadcast %broadcast_in_dim3A_269 : f32 to vector<16xf32>
    %broadcast_in_dim3A_271 = arith.constant 0.000000e+00 : f32
    %broadcast_in_dim3A_272 = vector.broadcast %broadcast_in_dim3A_271 : f32 to vector<16xf32>
    %broadcast_in_dim3A_273 = arith.constant 0.000000e+00 : f32
    %broadcast_in_dim3A_274 = vector.broadcast %broadcast_in_dim3A_273 : f32 to vector<16xf32>
    %broadcast_in_dim3A_275 = arith.constant 0.000000e+00 : f32
    %broadcast_in_dim3A_276 = vector.broadcast %broadcast_in_dim3A_275 : f32 to vector<16xf32>
    %broadcast_in_dim3A_277 = arith.constant 0.000000e+00 : f32
    %broadcast_in_dim3A_278 = vector.broadcast %broadcast_in_dim3A_277 : f32 to vector<16xf32>
    %scan3A_279 = arith.constant 0 : i32
    %scan3A_280 = arith.constant 128 : i32
    %scan3A_281 = arith.addi %scan3A_279, %scan3A_280 : i32
    %scan3A_282 = arith.constant 1 : i32
    %scan3A_283:16 = scf.for %scan3A_657 = %scan3A_279 to %scan3A_281 step %scan3A_282 iter_args(%scan3A_658 = %broadcast_in_dim3A_248, %scan3A_659 = %broadcast_in_dim3A_250, %scan3A_660 = %broadcast_in_dim3A_252, %scan3A_661 = %broadcast_in_dim3A_254, %scan3A_662 = %broadcast_in_dim3A_256, %scan3A_663 = %broadcast_in_dim3A_258, %scan3A_664 = %broadcast_in_dim3A_260, %scan3A_665 = %broadcast_in_dim3A_262, %scan3A_666 = %broadcast_in_dim3A_264, %scan3A_667 = %broadcast_in_dim3A_266, %scan3A_668 = %broadcast_in_dim3A_268, %scan3A_669 = %broadcast_in_dim3A_270, %scan3A_670 = %broadcast_in_dim3A_272, %scan3A_671 = %broadcast_in_dim3A_274, %scan3A_672 = %broadcast_in_dim3A_276, %scan3A_673 = %broadcast_in_dim3A_278) -> (vector<16xf32>, vector<16xf32>, vector<16xf32>, vector<16xf32>, vector<16xf32>, vector<16xf32>, vector<16xf32>, vector<16xf32>, vector<16xf32>, vector<16xf32>, vector<16xf32>, vector<16xf32>, vector<16xf32>, vector<16xf32>, vector<16xf32>, vector<16xf32>)  : i32 {
      %mul3A_674 = arith.constant 16 : i32
      %mul3A_675 = arith.muli %scan3A_657, %mul3A_674 : i32
      %get3A = arith.constant 2 : i32
      %get3A_676 = arith.constant 0 : i32
      %get3A_677 = arith.index_cast %get3A : i32 to index
      %get3A_678 = arith.index_cast %get3A_676 : i32 to index
      %get3A_679 = arith.index_cast %mul3A_675 : i32 to index
      %get3A_680 = tpu.vector_load %arg4[%get3A_677, %get3A_678, %get3A_679] {strides = array<i32>} : memref<3x16x2048xf32, #tpu.memory_space<vmem>>, vector<16xf32>,
      %broadcast_in_dim3A_681 = arith.constant true
      %broadcast_in_dim3A_682 = vector.broadcast %broadcast_in_dim3A_681 : i1 to vector<16xi1>
      %masked_cumsum3A = tpu.scan <sum>, %get3A_680 masked %broadcast_in_dim3A_682 : vector<16xf32>, vector<16xi1> -> vector<16xf32>
      %add3A_683 = arith.addf %masked_cumsum3A, %scan3A_658 : vector<16xf32>
      %swap3A = arith.constant 2 : i32
      %swap3A_684 = arith.constant 0 : i32
      %swap3A_685 = arith.index_cast %swap3A : i32 to index
      %swap3A_686 = arith.index_cast %swap3A_684 : i32 to index
      %swap3A_687 = arith.index_cast %mul3A_675 : i32 to index
      %swap3A_688 = tpu.vector_load %arg4[%swap3A_685, %swap3A_686, %swap3A_687] {strides = array<i32>} : memref<3x16x2048xf32, #tpu.memory_space<vmem>>, vector<16xf32>,
      tpu.vector_store %arg4[%swap3A_685, %swap3A_686, %swap3A_687], %add3A_683 {strides = array<i32>} : memref<3x16x2048xf32, #tpu.memory_space<vmem>>, vector<16xf32>,
      %slice3A = vector.extract_strided_slice %add3A_683 {offsets = [15], sizes = [1], strides = [1]} : vector<16xf32> to vector<1xf32>
      %squeeze3A = vector.extract %slice3A[0] : f32 from vector<1xf32>
      %broadcast_in_dim3A_689 = vector.broadcast %squeeze3A : f32 to vector<16xf32>
      %get3A_690 = arith.constant 2 : i32
      %get3A_691 = arith.constant 1 : i32
      %get3A_692 = arith.index_cast %get3A_690 : i32 to index
      %get3A_693 = arith.index_cast %get3A_691 : i32 to index
      %get3A_694 = arith.index_cast %mul3A_675 : i32 to index
      %get3A_695 = tpu.vector_load %arg4[%get3A_692, %get3A_693, %get3A_694] {strides = array<i32>} : memref<3x16x2048xf32, #tpu.memory_space<vmem>>, vector<16xf32>,
      %broadcast_in_dim3A_696 = arith.constant true
      %broadcast_in_dim3A_697 = vector.broadcast %broadcast_in_dim3A_696 : i1 to vector<16xi1>
      %masked_cumsum3A_698 = tpu.scan <sum>, %get3A_695 masked %broadcast_in_dim3A_697 : vector<16xf32>, vector<16xi1> -> vector<16xf32>
      %add3A_699 = arith.addf %masked_cumsum3A_698, %scan3A_659 : vector<16xf32>
      %swap3A_700 = arith.constant 2 : i32
      %swap3A_701 = arith.constant 1 : i32
      %swap3A_702 = arith.index_cast %swap3A_700 : i32 to index
      %swap3A_703 = arith.index_cast %swap3A_701 : i32 to index
      %swap3A_704 = arith.index_cast %mul3A_675 : i32 to index
      %swap3A_705 = tpu.vector_load %arg4[%swap3A_702, %swap3A_703, %swap3A_704] {strides = array<i32>} : memref<3x16x2048xf32, #tpu.memory_space<vmem>>, vector<16xf32>,
      tpu.vector_store %arg4[%swap3A_702, %swap3A_703, %swap3A_704], %add3A_699 {strides = array<i32>} : memref<3x16x2048xf32, #tpu.memory_space<vmem>>, vector<16xf32>,
      %slice3A_706 = vector.extract_strided_slice %add3A_699 {offsets = [15], sizes = [1], strides = [1]} : vector<16xf32> to vector<1xf32>
      %squeeze3A_707 = vector.extract %slice3A_706[0] : f32 from vector<1xf32>
      %broadcast_in_dim3A_708 = vector.broadcast %squeeze3A_707 : f32 to vector<16xf32>
      %get3A_709 = arith.constant 2 : i32
      %get3A_710 = arith.constant 2 : i32
      %get3A_711 = arith.index_cast %get3A_709 : i32 to index
      %get3A_712 = arith.index_cast %get3A_710 : i32 to index
      %get3A_713 = arith.index_cast %mul3A_675 : i32 to index
      %get3A_714 = tpu.vector_load %arg4[%get3A_711, %get3A_712, %get3A_713] {strides = array<i32>} : memref<3x16x2048xf32, #tpu.memory_space<vmem>>, vector<16xf32>,
      %broadcast_in_dim3A_715 = arith.constant true
      %broadcast_in_dim3A_716 = vector.broadcast %broadcast_in_dim3A_715 : i1 to vector<16xi1>
      %masked_cumsum3A_717 = tpu.scan <sum>, %get3A_714 masked %broadcast_in_dim3A_716 : vector<16xf32>, vector<16xi1> -> vector<16xf32>
      %add3A_718 = arith.addf %masked_cumsum3A_717, %scan3A_660 : vector<16xf32>
      %swap3A_719 = arith.constant 2 : i32
      %swap3A_720 = arith.constant 2 : i32
      %swap3A_721 = arith.index_cast %swap3A_719 : i32 to index
      %swap3A_722 = arith.index_cast %swap3A_720 : i32 to index
      %swap3A_723 = arith.index_cast %mul3A_675 : i32 to index
      %swap3A_724 = tpu.vector_load %arg4[%swap3A_721, %swap3A_722, %swap3A_723] {strides = array<i32>} : memref<3x16x2048xf32, #tpu.memory_space<vmem>>, vector<16xf32>,
      tpu.vector_store %arg4[%swap3A_721, %swap3A_722, %swap3A_723], %add3A_718 {strides = array<i32>} : memref<3x16x2048xf32, #tpu.memory_space<vmem>>, vector<16xf32>,
      %slice3A_725 = vector.extract_strided_slice %add3A_718 {offsets = [15], sizes = [1], strides = [1]} : vector<16xf32> to vector<1xf32>
      %squeeze3A_726 = vector.extract %slice3A_725[0] : f32 from vector<1xf32>
      %broadcast_in_dim3A_727 = vector.broadcast %squeeze3A_726 : f32 to vector<16xf32>
      %get3A_728 = arith.constant 2 : i32
      %get3A_729 = arith.constant 3 : i32
      %get3A_730 = arith.index_cast %get3A_728 : i32 to index
      %get3A_731 = arith.index_cast %get3A_729 : i32 to index
      %get3A_732 = arith.index_cast %mul3A_675 : i32 to index
      %get3A_733 = tpu.vector_load %arg4[%get3A_730, %get3A_731, %get3A_732] {strides = array<i32>} : memref<3x16x2048xf32, #tpu.memory_space<vmem>>, vector<16xf32>,
      %broadcast_in_dim3A_734 = arith.constant true
      %broadcast_in_dim3A_735 = vector.broadcast %broadcast_in_dim3A_734 : i1 to vector<16xi1>
      %masked_cumsum3A_736 = tpu.scan <sum>, %get3A_733 masked %broadcast_in_dim3A_735 : vector<16xf32>, vector<16xi1> -> vector<16xf32>
      %add3A_737 = arith.addf %masked_cumsum3A_736, %scan3A_661 : vector<16xf32>
      %swap3A_738 = arith.constant 2 : i32
      %swap3A_739 = arith.constant 3 : i32
      %swap3A_740 = arith.index_cast %swap3A_738 : i32 to index
      %swap3A_741 = arith.index_cast %swap3A_739 : i32 to index
      %swap3A_742 = arith.index_cast %mul3A_675 : i32 to index
      %swap3A_743 = tpu.vector_load %arg4[%swap3A_740, %swap3A_741, %swap3A_742] {strides = array<i32>} : memref<3x16x2048xf32, #tpu.memory_space<vmem>>, vector<16xf32>,
      tpu.vector_store %arg4[%swap3A_740, %swap3A_741, %swap3A_742], %add3A_737 {strides = array<i32>} : memref<3x16x2048xf32, #tpu.memory_space<vmem>>, vector<16xf32>,
      %slice3A_744 = vector.extract_strided_slice %add3A_737 {offsets = [15], sizes = [1], strides = [1]} : vector<16xf32> to vector<1xf32>
      %squeeze3A_745 = vector.extract %slice3A_744[0] : f32 from vector<1xf32>
      %broadcast_in_dim3A_746 = vector.broadcast %squeeze3A_745 : f32 to vector<16xf32>
      %get3A_747 = arith.constant 2 : i32
      %get3A_748 = arith.constant 4 : i32
      %get3A_749 = arith.index_cast %get3A_747 : i32 to index
      %get3A_750 = arith.index_cast %get3A_748 : i32 to index
      %get3A_751 = arith.index_cast %mul3A_675 : i32 to index
      %get3A_752 = tpu.vector_load %arg4[%get3A_749, %get3A_750, %get3A_751] {strides = array<i32>} : memref<3x16x2048xf32, #tpu.memory_space<vmem>>, vector<16xf32>,
      %broadcast_in_dim3A_753 = arith.constant true
      %broadcast_in_dim3A_754 = vector.broadcast %broadcast_in_dim3A_753 : i1 to vector<16xi1>
      %masked_cumsum3A_755 = tpu.scan <sum>, %get3A_752 masked %broadcast_in_dim3A_754 : vector<16xf32>, vector<16xi1> -> vector<16xf32>
      %add3A_756 = arith.addf %masked_cumsum3A_755, %scan3A_662 : vector<16xf32>
      %swap3A_757 = arith.constant 2 : i32
      %swap3A_758 = arith.constant 4 : i32
      %swap3A_759 = arith.index_cast %swap3A_757 : i32 to index
      %swap3A_760 = arith.index_cast %swap3A_758 : i32 to index
      %swap3A_761 = arith.index_cast %mul3A_675 : i32 to index
      %swap3A_762 = tpu.vector_load %arg4[%swap3A_759, %swap3A_760, %swap3A_761] {strides = array<i32>} : memref<3x16x2048xf32, #tpu.memory_space<vmem>>, vector<16xf32>,
      tpu.vector_store %arg4[%swap3A_759, %swap3A_760, %swap3A_761], %add3A_756 {strides = array<i32>} : memref<3x16x2048xf32, #tpu.memory_space<vmem>>, vector<16xf32>,
      %slice3A_763 = vector.extract_strided_slice %add3A_756 {offsets = [15], sizes = [1], strides = [1]} : vector<16xf32> to vector<1xf32>
      %squeeze3A_764 = vector.extract %slice3A_763[0] : f32 from vector<1xf32>
      %broadcast_in_dim3A_765 = vector.broadcast %squeeze3A_764 : f32 to vector<16xf32>
      %get3A_766 = arith.constant 2 : i32
      %get3A_767 = arith.constant 5 : i32
      %get3A_768 = arith.index_cast %get3A_766 : i32 to index
      %get3A_769 = arith.index_cast %get3A_767 : i32 to index
      %get3A_770 = arith.index_cast %mul3A_675 : i32 to index
      %get3A_771 = tpu.vector_load %arg4[%get3A_768, %get3A_769, %get3A_770] {strides = array<i32>} : memref<3x16x2048xf32, #tpu.memory_space<vmem>>, vector<16xf32>,
      %broadcast_in_dim3A_772 = arith.constant true
      %broadcast_in_dim3A_773 = vector.broadcast %broadcast_in_dim3A_772 : i1 to vector<16xi1>
      %masked_cumsum3A_774 = tpu.scan <sum>, %get3A_771 masked %broadcast_in_dim3A_773 : vector<16xf32>, vector<16xi1> -> vector<16xf32>
      %add3A_775 = arith.addf %masked_cumsum3A_774, %scan3A_663 : vector<16xf32>
      %swap3A_776 = arith.constant 2 : i32
      %swap3A_777 = arith.constant 5 : i32
      %swap3A_778 = arith.index_cast %swap3A_776 : i32 to index
      %swap3A_779 = arith.index_cast %swap3A_777 : i32 to index
      %swap3A_780 = arith.index_cast %mul3A_675 : i32 to index
      %swap3A_781 = tpu.vector_load %arg4[%swap3A_778, %swap3A_779, %swap3A_780] {strides = array<i32>} : memref<3x16x2048xf32, #tpu.memory_space<vmem>>, vector<16xf32>,
      tpu.vector_store %arg4[%swap3A_778, %swap3A_779, %swap3A_780], %add3A_775 {strides = array<i32>} : memref<3x16x2048xf32, #tpu.memory_space<vmem>>, vector<16xf32>,
      %slice3A_782 = vector.extract_strided_slice %add3A_775 {offsets = [15], sizes = [1], strides = [1]} : vector<16xf32> to vector<1xf32>
      %squeeze3A_783 = vector.extract %slice3A_782[0] : f32 from vector<1xf32>
      %broadcast_in_dim3A_784 = vector.broadcast %squeeze3A_783 : f32 to vector<16xf32>
      %get3A_785 = arith.constant 2 : i32
      %get3A_786 = arith.constant 6 : i32
      %get3A_787 = arith.index_cast %get3A_785 : i32 to index
      %get3A_788 = arith.index_cast %get3A_786 : i32 to index
      %get3A_789 = arith.index_cast %mul3A_675 : i32 to index
      %get3A_790 = tpu.vector_load %arg4[%get3A_787, %get3A_788, %get3A_789] {strides = array<i32>} : memref<3x16x2048xf32, #tpu.memory_space<vmem>>, vector<16xf32>,
      %broadcast_in_dim3A_791 = arith.constant true
      %broadcast_in_dim3A_792 = vector.broadcast %broadcast_in_dim3A_791 : i1 to vector<16xi1>
      %masked_cumsum3A_793 = tpu.scan <sum>, %get3A_790 masked %broadcast_in_dim3A_792 : vector<16xf32>, vector<16xi1> -> vector<16xf32>
      %add3A_794 = arith.addf %masked_cumsum3A_793, %scan3A_664 : vector<16xf32>
      %swap3A_795 = arith.constant 2 : i32
      %swap3A_796 = arith.constant 6 : i32
      %swap3A_797 = arith.index_cast %swap3A_795 : i32 to index
      %swap3A_798 = arith.index_cast %swap3A_796 : i32 to index
      %swap3A_799 = arith.index_cast %mul3A_675 : i32 to index
      %swap3A_800 = tpu.vector_load %arg4[%swap3A_797, %swap3A_798, %swap3A_799] {strides = array<i32>} : memref<3x16x2048xf32, #tpu.memory_space<vmem>>, vector<16xf32>,
      tpu.vector_store %arg4[%swap3A_797, %swap3A_798, %swap3A_799], %add3A_794 {strides = array<i32>} : memref<3x16x2048xf32, #tpu.memory_space<vmem>>, vector<16xf32>,
      %slice3A_801 = vector.extract_strided_slice %add3A_794 {offsets = [15], sizes = [1], strides = [1]} : vector<16xf32> to vector<1xf32>
      %squeeze3A_802 = vector.extract %slice3A_801[0] : f32 from vector<1xf32>
      %broadcast_in_dim3A_803 = vector.broadcast %squeeze3A_802 : f32 to vector<16xf32>
      %get3A_804 = arith.constant 2 : i32
      %get3A_805 = arith.constant 7 : i32
      %get3A_806 = arith.index_cast %get3A_804 : i32 to index
      %get3A_807 = arith.index_cast %get3A_805 : i32 to index
      %get3A_808 = arith.index_cast %mul3A_675 : i32 to index
      %get3A_809 = tpu.vector_load %arg4[%get3A_806, %get3A_807, %get3A_808] {strides = array<i32>} : memref<3x16x2048xf32, #tpu.memory_space<vmem>>, vector<16xf32>,
      %broadcast_in_dim3A_810 = arith.constant true
      %broadcast_in_dim3A_811 = vector.broadcast %broadcast_in_dim3A_810 : i1 to vector<16xi1>
      %masked_cumsum3A_812 = tpu.scan <sum>, %get3A_809 masked %broadcast_in_dim3A_811 : vector<16xf32>, vector<16xi1> -> vector<16xf32>
      %add3A_813 = arith.addf %masked_cumsum3A_812, %scan3A_665 : vector<16xf32>
      %swap3A_814 = arith.constant 2 : i32
      %swap3A_815 = arith.constant 7 : i32
      %swap3A_816 = arith.index_cast %swap3A_814 : i32 to index
      %swap3A_817 = arith.index_cast %swap3A_815 : i32 to index
      %swap3A_818 = arith.index_cast %mul3A_675 : i32 to index
      %swap3A_819 = tpu.vector_load %arg4[%swap3A_816, %swap3A_817, %swap3A_818] {strides = array<i32>} : memref<3x16x2048xf32, #tpu.memory_space<vmem>>, vector<16xf32>,
      tpu.vector_store %arg4[%swap3A_816, %swap3A_817, %swap3A_818], %add3A_813 {strides = array<i32>} : memref<3x16x2048xf32, #tpu.memory_space<vmem>>, vector<16xf32>,
      %slice3A_820 = vector.extract_strided_slice %add3A_813 {offsets = [15], sizes = [1], strides = [1]} : vector<16xf32> to vector<1xf32>
      %squeeze3A_821 = vector.extract %slice3A_820[0] : f32 from vector<1xf32>
      %broadcast_in_dim3A_822 = vector.broadcast %squeeze3A_821 : f32 to vector<16xf32>
      %get3A_823 = arith.constant 2 : i32
      %get3A_824 = arith.constant 8 : i32
      %get3A_825 = arith.index_cast %get3A_823 : i32 to index
      %get3A_826 = arith.index_cast %get3A_824 : i32 to index
      %get3A_827 = arith.index_cast %mul3A_675 : i32 to index
      %get3A_828 = tpu.vector_load %arg4[%get3A_825, %get3A_826, %get3A_827] {strides = array<i32>} : memref<3x16x2048xf32, #tpu.memory_space<vmem>>, vector<16xf32>,
      %broadcast_in_dim3A_829 = arith.constant true
      %broadcast_in_dim3A_830 = vector.broadcast %broadcast_in_dim3A_829 : i1 to vector<16xi1>
      %masked_cumsum3A_831 = tpu.scan <sum>, %get3A_828 masked %broadcast_in_dim3A_830 : vector<16xf32>, vector<16xi1> -> vector<16xf32>
      %add3A_832 = arith.addf %masked_cumsum3A_831, %scan3A_666 : vector<16xf32>
      %swap3A_833 = arith.constant 2 : i32
      %swap3A_834 = arith.constant 8 : i32
      %swap3A_835 = arith.index_cast %swap3A_833 : i32 to index
      %swap3A_836 = arith.index_cast %swap3A_834 : i32 to index
      %swap3A_837 = arith.index_cast %mul3A_675 : i32 to index
      %swap3A_838 = tpu.vector_load %arg4[%swap3A_835, %swap3A_836, %swap3A_837] {strides = array<i32>} : memref<3x16x2048xf32, #tpu.memory_space<vmem>>, vector<16xf32>,
      tpu.vector_store %arg4[%swap3A_835, %swap3A_836, %swap3A_837], %add3A_832 {strides = array<i32>} : memref<3x16x2048xf32, #tpu.memory_space<vmem>>, vector<16xf32>,
      %slice3A_839 = vector.extract_strided_slice %add3A_832 {offsets = [15], sizes = [1], strides = [1]} : vector<16xf32> to vector<1xf32>
      %squeeze3A_840 = vector.extract %slice3A_839[0] : f32 from vector<1xf32>
      %broadcast_in_dim3A_841 = vector.broadcast %squeeze3A_840 : f32 to vector<16xf32>
      %get3A_842 = arith.constant 2 : i32
      %get3A_843 = arith.constant 9 : i32
      %get3A_844 = arith.index_cast %get3A_842 : i32 to index
      %get3A_845 = arith.index_cast %get3A_843 : i32 to index
      %get3A_846 = arith.index_cast %mul3A_675 : i32 to index
      %get3A_847 = tpu.vector_load %arg4[%get3A_844, %get3A_845, %get3A_846] {strides = array<i32>} : memref<3x16x2048xf32, #tpu.memory_space<vmem>>, vector<16xf32>,
      %broadcast_in_dim3A_848 = arith.constant true
      %broadcast_in_dim3A_849 = vector.broadcast %broadcast_in_dim3A_848 : i1 to vector<16xi1>
      %masked_cumsum3A_850 = tpu.scan <sum>, %get3A_847 masked %broadcast_in_dim3A_849 : vector<16xf32>, vector<16xi1> -> vector<16xf32>
      %add3A_851 = arith.addf %masked_cumsum3A_850, %scan3A_667 : vector<16xf32>
      %swap3A_852 = arith.constant 2 : i32
      %swap3A_853 = arith.constant 9 : i32
      %swap3A_854 = arith.index_cast %swap3A_852 : i32 to index
      %swap3A_855 = arith.index_cast %swap3A_853 : i32 to index
      %swap3A_856 = arith.index_cast %mul3A_675 : i32 to index
      %swap3A_857 = tpu.vector_load %arg4[%swap3A_854, %swap3A_855, %swap3A_856] {strides = array<i32>} : memref<3x16x2048xf32, #tpu.memory_space<vmem>>, vector<16xf32>,
      tpu.vector_store %arg4[%swap3A_854, %swap3A_855, %swap3A_856], %add3A_851 {strides = array<i32>} : memref<3x16x2048xf32, #tpu.memory_space<vmem>>, vector<16xf32>,
      %slice3A_858 = vector.extract_strided_slice %add3A_851 {offsets = [15], sizes = [1], strides = [1]} : vector<16xf32> to vector<1xf32>
      %squeeze3A_859 = vector.extract %slice3A_858[0] : f32 from vector<1xf32>
      %broadcast_in_dim3A_860 = vector.broadcast %squeeze3A_859 : f32 to vector<16xf32>
      %get3A_861 = arith.constant 2 : i32
      %get3A_862 = arith.constant 10 : i32
      %get3A_863 = arith.index_cast %get3A_861 : i32 to index
      %get3A_864 = arith.index_cast %get3A_862 : i32 to index
      %get3A_865 = arith.index_cast %mul3A_675 : i32 to index
      %get3A_866 = tpu.vector_load %arg4[%get3A_863, %get3A_864, %get3A_865] {strides = array<i32>} : memref<3x16x2048xf32, #tpu.memory_space<vmem>>, vector<16xf32>,
      %broadcast_in_dim3A_867 = arith.constant true
      %broadcast_in_dim3A_868 = vector.broadcast %broadcast_in_dim3A_867 : i1 to vector<16xi1>
      %masked_cumsum3A_869 = tpu.scan <sum>, %get3A_866 masked %broadcast_in_dim3A_868 : vector<16xf32>, vector<16xi1> -> vector<16xf32>
      %add3A_870 = arith.addf %masked_cumsum3A_869, %scan3A_668 : vector<16xf32>
      %swap3A_871 = arith.constant 2 : i32
      %swap3A_872 = arith.constant 10 : i32
      %swap3A_873 = arith.index_cast %swap3A_871 : i32 to index
      %swap3A_874 = arith.index_cast %swap3A_872 : i32 to index
      %swap3A_875 = arith.index_cast %mul3A_675 : i32 to index
      %swap3A_876 = tpu.vector_load %arg4[%swap3A_873, %swap3A_874, %swap3A_875] {strides = array<i32>} : memref<3x16x2048xf32, #tpu.memory_space<vmem>>, vector<16xf32>,
      tpu.vector_store %arg4[%swap3A_873, %swap3A_874, %swap3A_875], %add3A_870 {strides = array<i32>} : memref<3x16x2048xf32, #tpu.memory_space<vmem>>, vector<16xf32>,
      %slice3A_877 = vector.extract_strided_slice %add3A_870 {offsets = [15], sizes = [1], strides = [1]} : vector<16xf32> to vector<1xf32>
      %squeeze3A_878 = vector.extract %slice3A_877[0] : f32 from vector<1xf32>
      %broadcast_in_dim3A_879 = vector.broadcast %squeeze3A_878 : f32 to vector<16xf32>
      %get3A_880 = arith.constant 2 : i32
      %get3A_881 = arith.constant 11 : i32
      %get3A_882 = arith.index_cast %get3A_880 : i32 to index
      %get3A_883 = arith.index_cast %get3A_881 : i32 to index
      %get3A_884 = arith.index_cast %mul3A_675 : i32 to index
      %get3A_885 = tpu.vector_load %arg4[%get3A_882, %get3A_883, %get3A_884] {strides = array<i32>} : memref<3x16x2048xf32, #tpu.memory_space<vmem>>, vector<16xf32>,
      %broadcast_in_dim3A_886 = arith.constant true
      %broadcast_in_dim3A_887 = vector.broadcast %broadcast_in_dim3A_886 : i1 to vector<16xi1>
      %masked_cumsum3A_888 = tpu.scan <sum>, %get3A_885 masked %broadcast_in_dim3A_887 : vector<16xf32>, vector<16xi1> -> vector<16xf32>
      %add3A_889 = arith.addf %masked_cumsum3A_888, %scan3A_669 : vector<16xf32>
      %swap3A_890 = arith.constant 2 : i32
      %swap3A_891 = arith.constant 11 : i32
      %swap3A_892 = arith.index_cast %swap3A_890 : i32 to index
      %swap3A_893 = arith.index_cast %swap3A_891 : i32 to index
      %swap3A_894 = arith.index_cast %mul3A_675 : i32 to index
      %swap3A_895 = tpu.vector_load %arg4[%swap3A_892, %swap3A_893, %swap3A_894] {strides = array<i32>} : memref<3x16x2048xf32, #tpu.memory_space<vmem>>, vector<16xf32>,
      tpu.vector_store %arg4[%swap3A_892, %swap3A_893, %swap3A_894], %add3A_889 {strides = array<i32>} : memref<3x16x2048xf32, #tpu.memory_space<vmem>>, vector<16xf32>,
      %slice3A_896 = vector.extract_strided_slice %add3A_889 {offsets = [15], sizes = [1], strides = [1]} : vector<16xf32> to vector<1xf32>
      %squeeze3A_897 = vector.extract %slice3A_896[0] : f32 from vector<1xf32>
      %broadcast_in_dim3A_898 = vector.broadcast %squeeze3A_897 : f32 to vector<16xf32>
      %get3A_899 = arith.constant 2 : i32
      %get3A_900 = arith.constant 12 : i32
      %get3A_901 = arith.index_cast %get3A_899 : i32 to index
      %get3A_902 = arith.index_cast %get3A_900 : i32 to index
      %get3A_903 = arith.index_cast %mul3A_675 : i32 to index
      %get3A_904 = tpu.vector_load %arg4[%get3A_901, %get3A_902, %get3A_903] {strides = array<i32>} : memref<3x16x2048xf32, #tpu.memory_space<vmem>>, vector<16xf32>,
      %broadcast_in_dim3A_905 = arith.constant true
      %broadcast_in_dim3A_906 = vector.broadcast %broadcast_in_dim3A_905 : i1 to vector<16xi1>
      %masked_cumsum3A_907 = tpu.scan <sum>, %get3A_904 masked %broadcast_in_dim3A_906 : vector<16xf32>, vector<16xi1> -> vector<16xf32>
      %add3A_908 = arith.addf %masked_cumsum3A_907, %scan3A_670 : vector<16xf32>
      %swap3A_909 = arith.constant 2 : i32
      %swap3A_910 = arith.constant 12 : i32
      %swap3A_911 = arith.index_cast %swap3A_909 : i32 to index
      %swap3A_912 = arith.index_cast %swap3A_910 : i32 to index
      %swap3A_913 = arith.index_cast %mul3A_675 : i32 to index
      %swap3A_914 = tpu.vector_load %arg4[%swap3A_911, %swap3A_912, %swap3A_913] {strides = array<i32>} : memref<3x16x2048xf32, #tpu.memory_space<vmem>>, vector<16xf32>,
      tpu.vector_store %arg4[%swap3A_911, %swap3A_912, %swap3A_913], %add3A_908 {strides = array<i32>} : memref<3x16x2048xf32, #tpu.memory_space<vmem>>, vector<16xf32>,
      %slice3A_915 = vector.extract_strided_slice %add3A_908 {offsets = [15], sizes = [1], strides = [1]} : vector<16xf32> to vector<1xf32>
      %squeeze3A_916 = vector.extract %slice3A_915[0] : f32 from vector<1xf32>
      %broadcast_in_dim3A_917 = vector.broadcast %squeeze3A_916 : f32 to vector<16xf32>
      %get3A_918 = arith.constant 2 : i32
      %get3A_919 = arith.constant 13 : i32
      %get3A_920 = arith.index_cast %get3A_918 : i32 to index
      %get3A_921 = arith.index_cast %get3A_919 : i32 to index
      %get3A_922 = arith.index_cast %mul3A_675 : i32 to index
      %get3A_923 = tpu.vector_load %arg4[%get3A_920, %get3A_921, %get3A_922] {strides = array<i32>} : memref<3x16x2048xf32, #tpu.memory_space<vmem>>, vector<16xf32>,
      %broadcast_in_dim3A_924 = arith.constant true
      %broadcast_in_dim3A_925 = vector.broadcast %broadcast_in_dim3A_924 : i1 to vector<16xi1>
      %masked_cumsum3A_926 = tpu.scan <sum>, %get3A_923 masked %broadcast_in_dim3A_925 : vector<16xf32>, vector<16xi1> -> vector<16xf32>
      %add3A_927 = arith.addf %masked_cumsum3A_926, %scan3A_671 : vector<16xf32>
      %swap3A_928 = arith.constant 2 : i32
      %swap3A_929 = arith.constant 13 : i32
      %swap3A_930 = arith.index_cast %swap3A_928 : i32 to index
      %swap3A_931 = arith.index_cast %swap3A_929 : i32 to index
      %swap3A_932 = arith.index_cast %mul3A_675 : i32 to index
      %swap3A_933 = tpu.vector_load %arg4[%swap3A_930, %swap3A_931, %swap3A_932] {strides = array<i32>} : memref<3x16x2048xf32, #tpu.memory_space<vmem>>, vector<16xf32>,
      tpu.vector_store %arg4[%swap3A_930, %swap3A_931, %swap3A_932], %add3A_927 {strides = array<i32>} : memref<3x16x2048xf32, #tpu.memory_space<vmem>>, vector<16xf32>,
      %slice3A_934 = vector.extract_strided_slice %add3A_927 {offsets = [15], sizes = [1], strides = [1]} : vector<16xf32> to vector<1xf32>
      %squeeze3A_935 = vector.extract %slice3A_934[0] : f32 from vector<1xf32>
      %broadcast_in_dim3A_936 = vector.broadcast %squeeze3A_935 : f32 to vector<16xf32>
      %get3A_937 = arith.constant 2 : i32
      %get3A_938 = arith.constant 14 : i32
      %get3A_939 = arith.index_cast %get3A_937 : i32 to index
      %get3A_940 = arith.index_cast %get3A_938 : i32 to index
      %get3A_941 = arith.index_cast %mul3A_675 : i32 to index
      %get3A_942 = tpu.vector_load %arg4[%get3A_939, %get3A_940, %get3A_941] {strides = array<i32>} : memref<3x16x2048xf32, #tpu.memory_space<vmem>>, vector<16xf32>,
      %broadcast_in_dim3A_943 = arith.constant true
      %broadcast_in_dim3A_944 = vector.broadcast %broadcast_in_dim3A_943 : i1 to vector<16xi1>
      %masked_cumsum3A_945 = tpu.scan <sum>, %get3A_942 masked %broadcast_in_dim3A_944 : vector<16xf32>, vector<16xi1> -> vector<16xf32>
      %add3A_946 = arith.addf %masked_cumsum3A_945, %scan3A_672 : vector<16xf32>
      %swap3A_947 = arith.constant 2 : i32
      %swap3A_948 = arith.constant 14 : i32
      %swap3A_949 = arith.index_cast %swap3A_947 : i32 to index
      %swap3A_950 = arith.index_cast %swap3A_948 : i32 to index
      %swap3A_951 = arith.index_cast %mul3A_675 : i32 to index
      %swap3A_952 = tpu.vector_load %arg4[%swap3A_949, %swap3A_950, %swap3A_951] {strides = array<i32>} : memref<3x16x2048xf32, #tpu.memory_space<vmem>>, vector<16xf32>,
      tpu.vector_store %arg4[%swap3A_949, %swap3A_950, %swap3A_951], %add3A_946 {strides = array<i32>} : memref<3x16x2048xf32, #tpu.memory_space<vmem>>, vector<16xf32>,
      %slice3A_953 = vector.extract_strided_slice %add3A_946 {offsets = [15], sizes = [1], strides = [1]} : vector<16xf32> to vector<1xf32>
      %squeeze3A_954 = vector.extract %slice3A_953[0] : f32 from vector<1xf32>
      %broadcast_in_dim3A_955 = vector.broadcast %squeeze3A_954 : f32 to vector<16xf32>
      %get3A_956 = arith.constant 2 : i32
      %get3A_957 = arith.constant 15 : i32
      %get3A_958 = arith.index_cast %get3A_956 : i32 to index
      %get3A_959 = arith.index_cast %get3A_957 : i32 to index
      %get3A_960 = arith.index_cast %mul3A_675 : i32 to index
      %get3A_961 = tpu.vector_load %arg4[%get3A_958, %get3A_959, %get3A_960] {strides = array<i32>} : memref<3x16x2048xf32, #tpu.memory_space<vmem>>, vector<16xf32>,
      %broadcast_in_dim3A_962 = arith.constant true
      %broadcast_in_dim3A_963 = vector.broadcast %broadcast_in_dim3A_962 : i1 to vector<16xi1>
      %masked_cumsum3A_964 = tpu.scan <sum>, %get3A_961 masked %broadcast_in_dim3A_963 : vector<16xf32>, vector<16xi1> -> vector<16xf32>
      %add3A_965 = arith.addf %masked_cumsum3A_964, %scan3A_673 : vector<16xf32>
      %swap3A_966 = arith.constant 2 : i32
      %swap3A_967 = arith.constant 15 : i32
      %swap3A_968 = arith.index_cast %swap3A_966 : i32 to index
      %swap3A_969 = arith.index_cast %swap3A_967 : i32 to index
      %swap3A_970 = arith.index_cast %mul3A_675 : i32 to index
      %swap3A_971 = tpu.vector_load %arg4[%swap3A_968, %swap3A_969, %swap3A_970] {strides = array<i32>} : memref<3x16x2048xf32, #tpu.memory_space<vmem>>, vector<16xf32>,
      tpu.vector_store %arg4[%swap3A_968, %swap3A_969, %swap3A_970], %add3A_965 {strides = array<i32>} : memref<3x16x2048xf32, #tpu.memory_space<vmem>>, vector<16xf32>,
      %slice3A_972 = vector.extract_strided_slice %add3A_965 {offsets = [15], sizes = [1], strides = [1]} : vector<16xf32> to vector<1xf32>
      %squeeze3A_973 = vector.extract %slice3A_972[0] : f32 from vector<1xf32>
      %broadcast_in_dim3A_974 = vector.broadcast %squeeze3A_973 : f32 to vector<16xf32>
      scf.yield %broadcast_in_dim3A_689, %broadcast_in_dim3A_708, %broadcast_in_dim3A_727, %broadcast_in_dim3A_746, %broadcast_in_dim3A_765, %broadcast_in_dim3A_784, %broadcast_in_dim3A_803, %broadcast_in_dim3A_822, %broadcast_in_dim3A_841, %broadcast_in_dim3A_860, %broadcast_in_dim3A_879, %broadcast_in_dim3A_898, %broadcast_in_dim3A_917, %broadcast_in_dim3A_936, %broadcast_in_dim3A_955, %broadcast_in_dim3A_974 : vector<16xf32>, vector<16xf32>, vector<16xf32>, vector<16xf32>, vector<16xf32>, vector<16xf32>, vector<16xf32>, vector<16xf32>, vector<16xf32>, vector<16xf32>, vector<16xf32>, vector<16xf32>, vector<16xf32>, vector<16xf32>, vector<16xf32>, vector<16xf32>
    }
    %scan3A_284 = arith.constant 128 : i32
    %add3A_285 = arith.constant 16 : i32
    %add3A_286 = arith.addi %mul3A_2, %add3A_285 : i32
    %dma_start3A_287 = arith.constant 2 : i32
    %dma_start3A_288 = arith.constant 0 : i32
    %dma_start3A_289 = arith.constant 0 : i32
    %dma_start3A_290 = tpu.memref_slice %arg4[%dma_start3A_287, %dma_start3A_288, %dma_start3A_289] : memref<3x16x2048xf32, #tpu.memory_space<vmem>> -> memref<1x16x2048xf32, #tpu.memory_space<vmem>>
    %dma_start3A_291 = tpu.memref_squeeze %dma_start3A_290 : memref<1x16x2048xf32, #tpu.memory_space<vmem>> -> memref<16x2048xf32, #tpu.memory_space<vmem>>
    %dma_start3A_292 = arith.constant 0 : i32
    %dma_start3A_293 = tpu.memref_slice %arg3[%add3A_286, %dma_start3A_292] : memref<2048x4096xf32, #tpu.memory_space<hbm>> -> memref<16x2048xf32, #tpu.memory_space<hbm>>
    %dma_start3A_294 = arith.constant 0 : i32
    %dma_start3A_295 = tpu.memref_slice %arg3[%add3A_286, %dma_start3A_294] : memref<2048x4096xf32, #tpu.memory_space<hbm>> -> memref<16x2048xf32, #tpu.memory_space<hbm>>
    %dma_start3A_296 = arith.constant 0 : i32
    %dma_start3A_297 = arith.constant 0 : i32
    %dma_start3A_298 = tpu.memref_slice %arg4[%dma_start3A_287, %dma_start3A_296, %dma_start3A_297] : memref<3x16x2048xf32, #tpu.memory_space<vmem>> -> memref<1x16x2048xf32, #tpu.memory_space<vmem>>
    %dma_start3A_299 = tpu.memref_squeeze %dma_start3A_298 : memref<1x16x2048xf32, #tpu.memory_space<vmem>> -> memref<16x2048xf32, #tpu.memory_space<vmem>>
    tpu.enqueue_dma source(%dma_start3A_299 : memref<16x2048xf32, #tpu.memory_space<vmem>>) target(%dma_start3A_295 : memref<16x2048xf32, #tpu.memory_space<hbm>>) target_semaphore(%arg10 : memref<!tpu.dma_semaphore, #tpu.memory_space<semaphore_mem>>)
    %dma_wait3A_300 = arith.constant 2 : i32
    %dma_wait3A_301 = arith.constant 0 : i32
    %dma_wait3A_302 = arith.constant 0 : i32
    %dma_wait3A_303 = tpu.memref_slice %arg4[%dma_wait3A_300, %dma_wait3A_301, %dma_wait3A_302] : memref<3x16x2048xf32, #tpu.memory_space<vmem>> -> memref<1x16x2048xf32, #tpu.memory_space<vmem>>
    %dma_wait3A_304 = tpu.memref_squeeze %dma_wait3A_303 : memref<1x16x2048xf32, #tpu.memory_space<vmem>> -> memref<16x2048xf32, #tpu.memory_space<vmem>>
    %dma_wait3A_305 = arith.constant 0 : i32
    %dma_wait3A_306 = tpu.memref_slice %arg3[%add3A_286, %dma_wait3A_305] : memref<2048x4096xf32, #tpu.memory_space<hbm>> -> memref<16x2048xf32, #tpu.memory_space<hbm>>
    %dma_wait3A_307 = arith.constant 0 : i32
    %dma_wait3A_308 = tpu.memref_slice %arg3[%add3A_286, %dma_wait3A_307] : memref<2048x4096xf32, #tpu.memory_space<hbm>> -> memref<16x2048xf32, #tpu.memory_space<hbm>>
    %dma_wait3A_309 = arith.constant 0 : i32
    %dma_wait3A_310 = arith.constant 0 : i32
    %dma_wait3A_311 = tpu.memref_slice %arg4[%dma_wait3A_300, %dma_wait3A_309, %dma_wait3A_310] : memref<3x16x2048xf32, #tpu.memory_space<vmem>> -> memref<1x16x2048xf32, #tpu.memory_space<vmem>>
    %dma_wait3A_312 = tpu.memref_squeeze %dma_wait3A_311 : memref<1x16x2048xf32, #tpu.memory_space<vmem>> -> memref<16x2048xf32, #tpu.memory_space<vmem>>
    tpu.wait_dma2 semaphore(%arg10 : memref<!tpu.dma_semaphore, #tpu.memory_space<semaphore_mem>>) src(%dma_wait3A_312 : memref<16x2048xf32, #tpu.memory_space<vmem>>) dst(%dma_wait3A_308 : memref<16x2048xf32, #tpu.memory_space<hbm>>)
    %add3A_313 = arith.constant 32 : i32
    %add3A_314 = arith.addi %mul3A_2, %add3A_313 : i32
    %dma_start3A_315 = arith.constant 2 : i32
    %dma_start3A_316 = arith.constant 0 : i32
    %dma_start3A_317 = arith.constant 0 : i32
    %dma_start3A_318 = tpu.memref_slice %arg4[%dma_start3A_315, %dma_start3A_316, %dma_start3A_317] : memref<3x16x2048xf32, #tpu.memory_space<vmem>> -> memref<1x16x2048xf32, #tpu.memory_space<vmem>>
    %dma_start3A_319 = tpu.memref_squeeze %dma_start3A_318 : memref<1x16x2048xf32, #tpu.memory_space<vmem>> -> memref<16x2048xf32, #tpu.memory_space<vmem>>
    %dma_start3A_320 = arith.constant 2048 : i32
    %dma_start3A_321 = tpu.memref_slice %arg2[%add3A_314, %dma_start3A_320] : memref<2048x4096xf32, #tpu.memory_space<hbm>> -> memref<16x2048xf32, #tpu.memory_space<hbm>>
    %dma_start3A_322 = arith.constant 0 : i32
    %dma_start3A_323 = arith.constant 0 : i32
    %dma_start3A_324 = tpu.memref_slice %arg4[%dma_start3A_315, %dma_start3A_322, %dma_start3A_323] : memref<3x16x2048xf32, #tpu.memory_space<vmem>> -> memref<1x16x2048xf32, #tpu.memory_space<vmem>>
    %dma_start3A_325 = tpu.memref_squeeze %dma_start3A_324 : memref<1x16x2048xf32, #tpu.memory_space<vmem>> -> memref<16x2048xf32, #tpu.memory_space<vmem>>
    %dma_start3A_326 = arith.constant 2048 : i32
    %dma_start3A_327 = tpu.memref_slice %arg2[%add3A_314, %dma_start3A_326] : memref<2048x4096xf32, #tpu.memory_space<hbm>> -> memref<16x2048xf32, #tpu.memory_space<hbm>>
    tpu.enqueue_dma source(%dma_start3A_327 : memref<16x2048xf32, #tpu.memory_space<hbm>>) target(%dma_start3A_325 : memref<16x2048xf32, #tpu.memory_space<vmem>>) target_semaphore(%arg7 : memref<!tpu.dma_semaphore, #tpu.memory_space<semaphore_mem>>)
    %dma_wait3A_328 = arith.constant 0 : i32
    %dma_wait3A_329 = arith.constant 0 : i32
    %dma_wait3A_330 = arith.constant 0 : i32
    %dma_wait3A_331 = tpu.memref_slice %arg4[%dma_wait3A_328, %dma_wait3A_329, %dma_wait3A_330] : memref<3x16x2048xf32, #tpu.memory_space<vmem>> -> memref<1x16x2048xf32, #tpu.memory_space<vmem>>
    %dma_wait3A_332 = tpu.memref_squeeze %dma_wait3A_331 : memref<1x16x2048xf32, #tpu.memory_space<vmem>> -> memref<16x2048xf32, #tpu.memory_space<vmem>>
    %dma_wait3A_333 = arith.constant 2048 : i32
    %dma_wait3A_334 = tpu.memref_slice %arg2[%add3A_158, %dma_wait3A_333] : memref<2048x4096xf32, #tpu.memory_space<hbm>> -> memref<16x2048xf32, #tpu.memory_space<hbm>>
    %dma_wait3A_335 = arith.constant 0 : i32
    %dma_wait3A_336 = arith.constant 0 : i32
    %dma_wait3A_337 = tpu.memref_slice %arg4[%dma_wait3A_328, %dma_wait3A_335, %dma_wait3A_336] : memref<3x16x2048xf32, #tpu.memory_space<vmem>> -> memref<1x16x2048xf32, #tpu.memory_space<vmem>>
    %dma_wait3A_338 = tpu.memref_squeeze %dma_wait3A_337 : memref<1x16x2048xf32, #tpu.memory_space<vmem>> -> memref<16x2048xf32, #tpu.memory_space<vmem>>
    %dma_wait3A_339 = arith.constant 2048 : i32
    %dma_wait3A_340 = tpu.memref_slice %arg2[%add3A_158, %dma_wait3A_339] : memref<2048x4096xf32, #tpu.memory_space<hbm>> -> memref<16x2048xf32, #tpu.memory_space<hbm>>
    tpu.wait_dma2 semaphore(%arg5 : memref<!tpu.dma_semaphore, #tpu.memory_space<semaphore_mem>>) src(%dma_wait3A_340 : memref<16x2048xf32, #tpu.memory_space<hbm>>) dst(%dma_wait3A_338 : memref<16x2048xf32, #tpu.memory_space<vmem>>)
    %scan3A_341 = arith.constant 0 : i32
    %scan3A_342 = arith.constant 128 : i32
    %scan3A_343 = arith.addi %scan3A_341, %scan3A_342 : i32
    %scan3A_344 = arith.constant 1 : i32
    %scan3A_345:16 = scf.for %scan3A_657 = %scan3A_341 to %scan3A_343 step %scan3A_344 iter_args(%scan3A_658 = %scan3A_283#0, %scan3A_659 = %scan3A_283#1, %scan3A_660 = %scan3A_283#2, %scan3A_661 = %scan3A_283#3, %scan3A_662 = %scan3A_283#4, %scan3A_663 = %scan3A_283#5, %scan3A_664 = %scan3A_283#6, %scan3A_665 = %scan3A_283#7, %scan3A_666 = %scan3A_283#8, %scan3A_667 = %scan3A_283#9, %scan3A_668 = %scan3A_283#10, %scan3A_669 = %scan3A_283#11, %scan3A_670 = %scan3A_283#12, %scan3A_671 = %scan3A_283#13, %scan3A_672 = %scan3A_283#14, %scan3A_673 = %scan3A_283#15) -> (vector<16xf32>, vector<16xf32>, vector<16xf32>, vector<16xf32>, vector<16xf32>, vector<16xf32>, vector<16xf32>, vector<16xf32>, vector<16xf32>, vector<16xf32>, vector<16xf32>, vector<16xf32>, vector<16xf32>, vector<16xf32>, vector<16xf32>, vector<16xf32>)  : i32 {
      %mul3A_674 = arith.constant 16 : i32
      %mul3A_675 = arith.muli %scan3A_657, %mul3A_674 : i32
      %get3A = arith.constant 0 : i32
      %get3A_676 = arith.constant 0 : i32
      %get3A_677 = arith.index_cast %get3A : i32 to index
      %get3A_678 = arith.index_cast %get3A_676 : i32 to index
      %get3A_679 = arith.index_cast %mul3A_675 : i32 to index
      %get3A_680 = tpu.vector_load %arg4[%get3A_677, %get3A_678, %get3A_679] {strides = array<i32>} : memref<3x16x2048xf32, #tpu.memory_space<vmem>>, vector<16xf32>,
      %broadcast_in_dim3A_681 = arith.constant true
      %broadcast_in_dim3A_682 = vector.broadcast %broadcast_in_dim3A_681 : i1 to vector<16xi1>
      %masked_cumsum3A = tpu.scan <sum>, %get3A_680 masked %broadcast_in_dim3A_682 : vector<16xf32>, vector<16xi1> -> vector<16xf32>
      %add3A_683 = arith.addf %masked_cumsum3A, %scan3A_658 : vector<16xf32>
      %swap3A = arith.constant 0 : i32
      %swap3A_684 = arith.constant 0 : i32
      %swap3A_685 = arith.index_cast %swap3A : i32 to index
      %swap3A_686 = arith.index_cast %swap3A_684 : i32 to index
      %swap3A_687 = arith.index_cast %mul3A_675 : i32 to index
      %swap3A_688 = tpu.vector_load %arg4[%swap3A_685, %swap3A_686, %swap3A_687] {strides = array<i32>} : memref<3x16x2048xf32, #tpu.memory_space<vmem>>, vector<16xf32>,
      tpu.vector_store %arg4[%swap3A_685, %swap3A_686, %swap3A_687], %add3A_683 {strides = array<i32>} : memref<3x16x2048xf32, #tpu.memory_space<vmem>>, vector<16xf32>,
      %slice3A = vector.extract_strided_slice %add3A_683 {offsets = [15], sizes = [1], strides = [1]} : vector<16xf32> to vector<1xf32>
      %squeeze3A = vector.extract %slice3A[0] : f32 from vector<1xf32>
      %broadcast_in_dim3A_689 = vector.broadcast %squeeze3A : f32 to vector<16xf32>
      %get3A_690 = arith.constant 0 : i32
      %get3A_691 = arith.constant 1 : i32
      %get3A_692 = arith.index_cast %get3A_690 : i32 to index
      %get3A_693 = arith.index_cast %get3A_691 : i32 to index
      %get3A_694 = arith.index_cast %mul3A_675 : i32 to index
      %get3A_695 = tpu.vector_load %arg4[%get3A_692, %get3A_693, %get3A_694] {strides = array<i32>} : memref<3x16x2048xf32, #tpu.memory_space<vmem>>, vector<16xf32>,
      %broadcast_in_dim3A_696 = arith.constant true
      %broadcast_in_dim3A_697 = vector.broadcast %broadcast_in_dim3A_696 : i1 to vector<16xi1>
      %masked_cumsum3A_698 = tpu.scan <sum>, %get3A_695 masked %broadcast_in_dim3A_697 : vector<16xf32>, vector<16xi1> -> vector<16xf32>
      %add3A_699 = arith.addf %masked_cumsum3A_698, %scan3A_659 : vector<16xf32>
      %swap3A_700 = arith.constant 0 : i32
      %swap3A_701 = arith.constant 1 : i32
      %swap3A_702 = arith.index_cast %swap3A_700 : i32 to index
      %swap3A_703 = arith.index_cast %swap3A_701 : i32 to index
      %swap3A_704 = arith.index_cast %mul3A_675 : i32 to index
      %swap3A_705 = tpu.vector_load %arg4[%swap3A_702, %swap3A_703, %swap3A_704] {strides = array<i32>} : memref<3x16x2048xf32, #tpu.memory_space<vmem>>, vector<16xf32>,
      tpu.vector_store %arg4[%swap3A_702, %swap3A_703, %swap3A_704], %add3A_699 {strides = array<i32>} : memref<3x16x2048xf32, #tpu.memory_space<vmem>>, vector<16xf32>,
      %slice3A_706 = vector.extract_strided_slice %add3A_699 {offsets = [15], sizes = [1], strides = [1]} : vector<16xf32> to vector<1xf32>
      %squeeze3A_707 = vector.extract %slice3A_706[0] : f32 from vector<1xf32>
      %broadcast_in_dim3A_708 = vector.broadcast %squeeze3A_707 : f32 to vector<16xf32>
      %get3A_709 = arith.constant 0 : i32
      %get3A_710 = arith.constant 2 : i32
      %get3A_711 = arith.index_cast %get3A_709 : i32 to index
      %get3A_712 = arith.index_cast %get3A_710 : i32 to index
      %get3A_713 = arith.index_cast %mul3A_675 : i32 to index
      %get3A_714 = tpu.vector_load %arg4[%get3A_711, %get3A_712, %get3A_713] {strides = array<i32>} : memref<3x16x2048xf32, #tpu.memory_space<vmem>>, vector<16xf32>,
      %broadcast_in_dim3A_715 = arith.constant true
      %broadcast_in_dim3A_716 = vector.broadcast %broadcast_in_dim3A_715 : i1 to vector<16xi1>
      %masked_cumsum3A_717 = tpu.scan <sum>, %get3A_714 masked %broadcast_in_dim3A_716 : vector<16xf32>, vector<16xi1> -> vector<16xf32>
      %add3A_718 = arith.addf %masked_cumsum3A_717, %scan3A_660 : vector<16xf32>
      %swap3A_719 = arith.constant 0 : i32
      %swap3A_720 = arith.constant 2 : i32
      %swap3A_721 = arith.index_cast %swap3A_719 : i32 to index
      %swap3A_722 = arith.index_cast %swap3A_720 : i32 to index
      %swap3A_723 = arith.index_cast %mul3A_675 : i32 to index
      %swap3A_724 = tpu.vector_load %arg4[%swap3A_721, %swap3A_722, %swap3A_723] {strides = array<i32>} : memref<3x16x2048xf32, #tpu.memory_space<vmem>>, vector<16xf32>,
      tpu.vector_store %arg4[%swap3A_721, %swap3A_722, %swap3A_723], %add3A_718 {strides = array<i32>} : memref<3x16x2048xf32, #tpu.memory_space<vmem>>, vector<16xf32>,
      %slice3A_725 = vector.extract_strided_slice %add3A_718 {offsets = [15], sizes = [1], strides = [1]} : vector<16xf32> to vector<1xf32>
      %squeeze3A_726 = vector.extract %slice3A_725[0] : f32 from vector<1xf32>
      %broadcast_in_dim3A_727 = vector.broadcast %squeeze3A_726 : f32 to vector<16xf32>
      %get3A_728 = arith.constant 0 : i32
      %get3A_729 = arith.constant 3 : i32
      %get3A_730 = arith.index_cast %get3A_728 : i32 to index
      %get3A_731 = arith.index_cast %get3A_729 : i32 to index
      %get3A_732 = arith.index_cast %mul3A_675 : i32 to index
      %get3A_733 = tpu.vector_load %arg4[%get3A_730, %get3A_731, %get3A_732] {strides = array<i32>} : memref<3x16x2048xf32, #tpu.memory_space<vmem>>, vector<16xf32>,
      %broadcast_in_dim3A_734 = arith.constant true
      %broadcast_in_dim3A_735 = vector.broadcast %broadcast_in_dim3A_734 : i1 to vector<16xi1>
      %masked_cumsum3A_736 = tpu.scan <sum>, %get3A_733 masked %broadcast_in_dim3A_735 : vector<16xf32>, vector<16xi1> -> vector<16xf32>
      %add3A_737 = arith.addf %masked_cumsum3A_736, %scan3A_661 : vector<16xf32>
      %swap3A_738 = arith.constant 0 : i32
      %swap3A_739 = arith.constant 3 : i32
      %swap3A_740 = arith.index_cast %swap3A_738 : i32 to index
      %swap3A_741 = arith.index_cast %swap3A_739 : i32 to index
      %swap3A_742 = arith.index_cast %mul3A_675 : i32 to index
      %swap3A_743 = tpu.vector_load %arg4[%swap3A_740, %swap3A_741, %swap3A_742] {strides = array<i32>} : memref<3x16x2048xf32, #tpu.memory_space<vmem>>, vector<16xf32>,
      tpu.vector_store %arg4[%swap3A_740, %swap3A_741, %swap3A_742], %add3A_737 {strides = array<i32>} : memref<3x16x2048xf32, #tpu.memory_space<vmem>>, vector<16xf32>,
      %slice3A_744 = vector.extract_strided_slice %add3A_737 {offsets = [15], sizes = [1], strides = [1]} : vector<16xf32> to vector<1xf32>
      %squeeze3A_745 = vector.extract %slice3A_744[0] : f32 from vector<1xf32>
      %broadcast_in_dim3A_746 = vector.broadcast %squeeze3A_745 : f32 to vector<16xf32>
      %get3A_747 = arith.constant 0 : i32
      %get3A_748 = arith.constant 4 : i32
      %get3A_749 = arith.index_cast %get3A_747 : i32 to index
      %get3A_750 = arith.index_cast %get3A_748 : i32 to index
      %get3A_751 = arith.index_cast %mul3A_675 : i32 to index
      %get3A_752 = tpu.vector_load %arg4[%get3A_749, %get3A_750, %get3A_751] {strides = array<i32>} : memref<3x16x2048xf32, #tpu.memory_space<vmem>>, vector<16xf32>,
      %broadcast_in_dim3A_753 = arith.constant true
      %broadcast_in_dim3A_754 = vector.broadcast %broadcast_in_dim3A_753 : i1 to vector<16xi1>
      %masked_cumsum3A_755 = tpu.scan <sum>, %get3A_752 masked %broadcast_in_dim3A_754 : vector<16xf32>, vector<16xi1> -> vector<16xf32>
      %add3A_756 = arith.addf %masked_cumsum3A_755, %scan3A_662 : vector<16xf32>
      %swap3A_757 = arith.constant 0 : i32
      %swap3A_758 = arith.constant 4 : i32
      %swap3A_759 = arith.index_cast %swap3A_757 : i32 to index
      %swap3A_760 = arith.index_cast %swap3A_758 : i32 to index
      %swap3A_761 = arith.index_cast %mul3A_675 : i32 to index
      %swap3A_762 = tpu.vector_load %arg4[%swap3A_759, %swap3A_760, %swap3A_761] {strides = array<i32>} : memref<3x16x2048xf32, #tpu.memory_space<vmem>>, vector<16xf32>,
      tpu.vector_store %arg4[%swap3A_759, %swap3A_760, %swap3A_761], %add3A_756 {strides = array<i32>} : memref<3x16x2048xf32, #tpu.memory_space<vmem>>, vector<16xf32>,
      %slice3A_763 = vector.extract_strided_slice %add3A_756 {offsets = [15], sizes = [1], strides = [1]} : vector<16xf32> to vector<1xf32>
      %squeeze3A_764 = vector.extract %slice3A_763[0] : f32 from vector<1xf32>
      %broadcast_in_dim3A_765 = vector.broadcast %squeeze3A_764 : f32 to vector<16xf32>
      %get3A_766 = arith.constant 0 : i32
      %get3A_767 = arith.constant 5 : i32
      %get3A_768 = arith.index_cast %get3A_766 : i32 to index
      %get3A_769 = arith.index_cast %get3A_767 : i32 to index
      %get3A_770 = arith.index_cast %mul3A_675 : i32 to index
      %get3A_771 = tpu.vector_load %arg4[%get3A_768, %get3A_769, %get3A_770] {strides = array<i32>} : memref<3x16x2048xf32, #tpu.memory_space<vmem>>, vector<16xf32>,
      %broadcast_in_dim3A_772 = arith.constant true
      %broadcast_in_dim3A_773 = vector.broadcast %broadcast_in_dim3A_772 : i1 to vector<16xi1>
      %masked_cumsum3A_774 = tpu.scan <sum>, %get3A_771 masked %broadcast_in_dim3A_773 : vector<16xf32>, vector<16xi1> -> vector<16xf32>
      %add3A_775 = arith.addf %masked_cumsum3A_774, %scan3A_663 : vector<16xf32>
      %swap3A_776 = arith.constant 0 : i32
      %swap3A_777 = arith.constant 5 : i32
      %swap3A_778 = arith.index_cast %swap3A_776 : i32 to index
      %swap3A_779 = arith.index_cast %swap3A_777 : i32 to index
      %swap3A_780 = arith.index_cast %mul3A_675 : i32 to index
      %swap3A_781 = tpu.vector_load %arg4[%swap3A_778, %swap3A_779, %swap3A_780] {strides = array<i32>} : memref<3x16x2048xf32, #tpu.memory_space<vmem>>, vector<16xf32>,
      tpu.vector_store %arg4[%swap3A_778, %swap3A_779, %swap3A_780], %add3A_775 {strides = array<i32>} : memref<3x16x2048xf32, #tpu.memory_space<vmem>>, vector<16xf32>,
      %slice3A_782 = vector.extract_strided_slice %add3A_775 {offsets = [15], sizes = [1], strides = [1]} : vector<16xf32> to vector<1xf32>
      %squeeze3A_783 = vector.extract %slice3A_782[0] : f32 from vector<1xf32>
      %broadcast_in_dim3A_784 = vector.broadcast %squeeze3A_783 : f32 to vector<16xf32>
      %get3A_785 = arith.constant 0 : i32
      %get3A_786 = arith.constant 6 : i32
      %get3A_787 = arith.index_cast %get3A_785 : i32 to index
      %get3A_788 = arith.index_cast %get3A_786 : i32 to index
      %get3A_789 = arith.index_cast %mul3A_675 : i32 to index
      %get3A_790 = tpu.vector_load %arg4[%get3A_787, %get3A_788, %get3A_789] {strides = array<i32>} : memref<3x16x2048xf32, #tpu.memory_space<vmem>>, vector<16xf32>,
      %broadcast_in_dim3A_791 = arith.constant true
      %broadcast_in_dim3A_792 = vector.broadcast %broadcast_in_dim3A_791 : i1 to vector<16xi1>
      %masked_cumsum3A_793 = tpu.scan <sum>, %get3A_790 masked %broadcast_in_dim3A_792 : vector<16xf32>, vector<16xi1> -> vector<16xf32>
      %add3A_794 = arith.addf %masked_cumsum3A_793, %scan3A_664 : vector<16xf32>
      %swap3A_795 = arith.constant 0 : i32
      %swap3A_796 = arith.constant 6 : i32
      %swap3A_797 = arith.index_cast %swap3A_795 : i32 to index
      %swap3A_798 = arith.index_cast %swap3A_796 : i32 to index
      %swap3A_799 = arith.index_cast %mul3A_675 : i32 to index
      %swap3A_800 = tpu.vector_load %arg4[%swap3A_797, %swap3A_798, %swap3A_799] {strides = array<i32>} : memref<3x16x2048xf32, #tpu.memory_space<vmem>>, vector<16xf32>,
      tpu.vector_store %arg4[%swap3A_797, %swap3A_798, %swap3A_799], %add3A_794 {strides = array<i32>} : memref<3x16x2048xf32, #tpu.memory_space<vmem>>, vector<16xf32>,
      %slice3A_801 = vector.extract_strided_slice %add3A_794 {offsets = [15], sizes = [1], strides = [1]} : vector<16xf32> to vector<1xf32>
      %squeeze3A_802 = vector.extract %slice3A_801[0] : f32 from vector<1xf32>
      %broadcast_in_dim3A_803 = vector.broadcast %squeeze3A_802 : f32 to vector<16xf32>
      %get3A_804 = arith.constant 0 : i32
      %get3A_805 = arith.constant 7 : i32
      %get3A_806 = arith.index_cast %get3A_804 : i32 to index
      %get3A_807 = arith.index_cast %get3A_805 : i32 to index
      %get3A_808 = arith.index_cast %mul3A_675 : i32 to index
      %get3A_809 = tpu.vector_load %arg4[%get3A_806, %get3A_807, %get3A_808] {strides = array<i32>} : memref<3x16x2048xf32, #tpu.memory_space<vmem>>, vector<16xf32>,
      %broadcast_in_dim3A_810 = arith.constant true
      %broadcast_in_dim3A_811 = vector.broadcast %broadcast_in_dim3A_810 : i1 to vector<16xi1>
      %masked_cumsum3A_812 = tpu.scan <sum>, %get3A_809 masked %broadcast_in_dim3A_811 : vector<16xf32>, vector<16xi1> -> vector<16xf32>
      %add3A_813 = arith.addf %masked_cumsum3A_812, %scan3A_665 : vector<16xf32>
      %swap3A_814 = arith.constant 0 : i32
      %swap3A_815 = arith.constant 7 : i32
      %swap3A_816 = arith.index_cast %swap3A_814 : i32 to index
      %swap3A_817 = arith.index_cast %swap3A_815 : i32 to index
      %swap3A_818 = arith.index_cast %mul3A_675 : i32 to index
      %swap3A_819 = tpu.vector_load %arg4[%swap3A_816, %swap3A_817, %swap3A_818] {strides = array<i32>} : memref<3x16x2048xf32, #tpu.memory_space<vmem>>, vector<16xf32>,
      tpu.vector_store %arg4[%swap3A_816, %swap3A_817, %swap3A_818], %add3A_813 {strides = array<i32>} : memref<3x16x2048xf32, #tpu.memory_space<vmem>>, vector<16xf32>,
      %slice3A_820 = vector.extract_strided_slice %add3A_813 {offsets = [15], sizes = [1], strides = [1]} : vector<16xf32> to vector<1xf32>
      %squeeze3A_821 = vector.extract %slice3A_820[0] : f32 from vector<1xf32>
      %broadcast_in_dim3A_822 = vector.broadcast %squeeze3A_821 : f32 to vector<16xf32>
      %get3A_823 = arith.constant 0 : i32
      %get3A_824 = arith.constant 8 : i32
      %get3A_825 = arith.index_cast %get3A_823 : i32 to index
      %get3A_826 = arith.index_cast %get3A_824 : i32 to index
      %get3A_827 = arith.index_cast %mul3A_675 : i32 to index
      %get3A_828 = tpu.vector_load %arg4[%get3A_825, %get3A_826, %get3A_827] {strides = array<i32>} : memref<3x16x2048xf32, #tpu.memory_space<vmem>>, vector<16xf32>,
      %broadcast_in_dim3A_829 = arith.constant true
      %broadcast_in_dim3A_830 = vector.broadcast %broadcast_in_dim3A_829 : i1 to vector<16xi1>
      %masked_cumsum3A_831 = tpu.scan <sum>, %get3A_828 masked %broadcast_in_dim3A_830 : vector<16xf32>, vector<16xi1> -> vector<16xf32>
      %add3A_832 = arith.addf %masked_cumsum3A_831, %scan3A_666 : vector<16xf32>
      %swap3A_833 = arith.constant 0 : i32
      %swap3A_834 = arith.constant 8 : i32
      %swap3A_835 = arith.index_cast %swap3A_833 : i32 to index
      %swap3A_836 = arith.index_cast %swap3A_834 : i32 to index
      %swap3A_837 = arith.index_cast %mul3A_675 : i32 to index
      %swap3A_838 = tpu.vector_load %arg4[%swap3A_835, %swap3A_836, %swap3A_837] {strides = array<i32>} : memref<3x16x2048xf32, #tpu.memory_space<vmem>>, vector<16xf32>,
      tpu.vector_store %arg4[%swap3A_835, %swap3A_836, %swap3A_837], %add3A_832 {strides = array<i32>} : memref<3x16x2048xf32, #tpu.memory_space<vmem>>, vector<16xf32>,
      %slice3A_839 = vector.extract_strided_slice %add3A_832 {offsets = [15], sizes = [1], strides = [1]} : vector<16xf32> to vector<1xf32>
      %squeeze3A_840 = vector.extract %slice3A_839[0] : f32 from vector<1xf32>
      %broadcast_in_dim3A_841 = vector.broadcast %squeeze3A_840 : f32 to vector<16xf32>
      %get3A_842 = arith.constant 0 : i32
      %get3A_843 = arith.constant 9 : i32
      %get3A_844 = arith.index_cast %get3A_842 : i32 to index
      %get3A_845 = arith.index_cast %get3A_843 : i32 to index
      %get3A_846 = arith.index_cast %mul3A_675 : i32 to index
      %get3A_847 = tpu.vector_load %arg4[%get3A_844, %get3A_845, %get3A_846] {strides = array<i32>} : memref<3x16x2048xf32, #tpu.memory_space<vmem>>, vector<16xf32>,
      %broadcast_in_dim3A_848 = arith.constant true
      %broadcast_in_dim3A_849 = vector.broadcast %broadcast_in_dim3A_848 : i1 to vector<16xi1>
      %masked_cumsum3A_850 = tpu.scan <sum>, %get3A_847 masked %broadcast_in_dim3A_849 : vector<16xf32>, vector<16xi1> -> vector<16xf32>
      %add3A_851 = arith.addf %masked_cumsum3A_850, %scan3A_667 : vector<16xf32>
      %swap3A_852 = arith.constant 0 : i32
      %swap3A_853 = arith.constant 9 : i32
      %swap3A_854 = arith.index_cast %swap3A_852 : i32 to index
      %swap3A_855 = arith.index_cast %swap3A_853 : i32 to index
      %swap3A_856 = arith.index_cast %mul3A_675 : i32 to index
      %swap3A_857 = tpu.vector_load %arg4[%swap3A_854, %swap3A_855, %swap3A_856] {strides = array<i32>} : memref<3x16x2048xf32, #tpu.memory_space<vmem>>, vector<16xf32>,
      tpu.vector_store %arg4[%swap3A_854, %swap3A_855, %swap3A_856], %add3A_851 {strides = array<i32>} : memref<3x16x2048xf32, #tpu.memory_space<vmem>>, vector<16xf32>,
      %slice3A_858 = vector.extract_strided_slice %add3A_851 {offsets = [15], sizes = [1], strides = [1]} : vector<16xf32> to vector<1xf32>
      %squeeze3A_859 = vector.extract %slice3A_858[0] : f32 from vector<1xf32>
      %broadcast_in_dim3A_860 = vector.broadcast %squeeze3A_859 : f32 to vector<16xf32>
      %get3A_861 = arith.constant 0 : i32
      %get3A_862 = arith.constant 10 : i32
      %get3A_863 = arith.index_cast %get3A_861 : i32 to index
      %get3A_864 = arith.index_cast %get3A_862 : i32 to index
      %get3A_865 = arith.index_cast %mul3A_675 : i32 to index
      %get3A_866 = tpu.vector_load %arg4[%get3A_863, %get3A_864, %get3A_865] {strides = array<i32>} : memref<3x16x2048xf32, #tpu.memory_space<vmem>>, vector<16xf32>,
      %broadcast_in_dim3A_867 = arith.constant true
      %broadcast_in_dim3A_868 = vector.broadcast %broadcast_in_dim3A_867 : i1 to vector<16xi1>
      %masked_cumsum3A_869 = tpu.scan <sum>, %get3A_866 masked %broadcast_in_dim3A_868 : vector<16xf32>, vector<16xi1> -> vector<16xf32>
      %add3A_870 = arith.addf %masked_cumsum3A_869, %scan3A_668 : vector<16xf32>
      %swap3A_871 = arith.constant 0 : i32
      %swap3A_872 = arith.constant 10 : i32
      %swap3A_873 = arith.index_cast %swap3A_871 : i32 to index
      %swap3A_874 = arith.index_cast %swap3A_872 : i32 to index
      %swap3A_875 = arith.index_cast %mul3A_675 : i32 to index
      %swap3A_876 = tpu.vector_load %arg4[%swap3A_873, %swap3A_874, %swap3A_875] {strides = array<i32>} : memref<3x16x2048xf32, #tpu.memory_space<vmem>>, vector<16xf32>,
      tpu.vector_store %arg4[%swap3A_873, %swap3A_874, %swap3A_875], %add3A_870 {strides = array<i32>} : memref<3x16x2048xf32, #tpu.memory_space<vmem>>, vector<16xf32>,
      %slice3A_877 = vector.extract_strided_slice %add3A_870 {offsets = [15], sizes = [1], strides = [1]} : vector<16xf32> to vector<1xf32>
      %squeeze3A_878 = vector.extract %slice3A_877[0] : f32 from vector<1xf32>
      %broadcast_in_dim3A_879 = vector.broadcast %squeeze3A_878 : f32 to vector<16xf32>
      %get3A_880 = arith.constant 0 : i32
      %get3A_881 = arith.constant 11 : i32
      %get3A_882 = arith.index_cast %get3A_880 : i32 to index
      %get3A_883 = arith.index_cast %get3A_881 : i32 to index
      %get3A_884 = arith.index_cast %mul3A_675 : i32 to index
      %get3A_885 = tpu.vector_load %arg4[%get3A_882, %get3A_883, %get3A_884] {strides = array<i32>} : memref<3x16x2048xf32, #tpu.memory_space<vmem>>, vector<16xf32>,
      %broadcast_in_dim3A_886 = arith.constant true
      %broadcast_in_dim3A_887 = vector.broadcast %broadcast_in_dim3A_886 : i1 to vector<16xi1>
      %masked_cumsum3A_888 = tpu.scan <sum>, %get3A_885 masked %broadcast_in_dim3A_887 : vector<16xf32>, vector<16xi1> -> vector<16xf32>
      %add3A_889 = arith.addf %masked_cumsum3A_888, %scan3A_669 : vector<16xf32>
      %swap3A_890 = arith.constant 0 : i32
      %swap3A_891 = arith.constant 11 : i32
      %swap3A_892 = arith.index_cast %swap3A_890 : i32 to index
      %swap3A_893 = arith.index_cast %swap3A_891 : i32 to index
      %swap3A_894 = arith.index_cast %mul3A_675 : i32 to index
      %swap3A_895 = tpu.vector_load %arg4[%swap3A_892, %swap3A_893, %swap3A_894] {strides = array<i32>} : memref<3x16x2048xf32, #tpu.memory_space<vmem>>, vector<16xf32>,
      tpu.vector_store %arg4[%swap3A_892, %swap3A_893, %swap3A_894], %add3A_889 {strides = array<i32>} : memref<3x16x2048xf32, #tpu.memory_space<vmem>>, vector<16xf32>,
      %slice3A_896 = vector.extract_strided_slice %add3A_889 {offsets = [15], sizes = [1], strides = [1]} : vector<16xf32> to vector<1xf32>
      %squeeze3A_897 = vector.extract %slice3A_896[0] : f32 from vector<1xf32>
      %broadcast_in_dim3A_898 = vector.broadcast %squeeze3A_897 : f32 to vector<16xf32>
      %get3A_899 = arith.constant 0 : i32
      %get3A_900 = arith.constant 12 : i32
      %get3A_901 = arith.index_cast %get3A_899 : i32 to index
      %get3A_902 = arith.index_cast %get3A_900 : i32 to index
      %get3A_903 = arith.index_cast %mul3A_675 : i32 to index
      %get3A_904 = tpu.vector_load %arg4[%get3A_901, %get3A_902, %get3A_903] {strides = array<i32>} : memref<3x16x2048xf32, #tpu.memory_space<vmem>>, vector<16xf32>,
      %broadcast_in_dim3A_905 = arith.constant true
      %broadcast_in_dim3A_906 = vector.broadcast %broadcast_in_dim3A_905 : i1 to vector<16xi1>
      %masked_cumsum3A_907 = tpu.scan <sum>, %get3A_904 masked %broadcast_in_dim3A_906 : vector<16xf32>, vector<16xi1> -> vector<16xf32>
      %add3A_908 = arith.addf %masked_cumsum3A_907, %scan3A_670 : vector<16xf32>
      %swap3A_909 = arith.constant 0 : i32
      %swap3A_910 = arith.constant 12 : i32
      %swap3A_911 = arith.index_cast %swap3A_909 : i32 to index
      %swap3A_912 = arith.index_cast %swap3A_910 : i32 to index
      %swap3A_913 = arith.index_cast %mul3A_675 : i32 to index
      %swap3A_914 = tpu.vector_load %arg4[%swap3A_911, %swap3A_912, %swap3A_913] {strides = array<i32>} : memref<3x16x2048xf32, #tpu.memory_space<vmem>>, vector<16xf32>,
      tpu.vector_store %arg4[%swap3A_911, %swap3A_912, %swap3A_913], %add3A_908 {strides = array<i32>} : memref<3x16x2048xf32, #tpu.memory_space<vmem>>, vector<16xf32>,
      %slice3A_915 = vector.extract_strided_slice %add3A_908 {offsets = [15], sizes = [1], strides = [1]} : vector<16xf32> to vector<1xf32>
      %squeeze3A_916 = vector.extract %slice3A_915[0] : f32 from vector<1xf32>
      %broadcast_in_dim3A_917 = vector.broadcast %squeeze3A_916 : f32 to vector<16xf32>
      %get3A_918 = arith.constant 0 : i32
      %get3A_919 = arith.constant 13 : i32
      %get3A_920 = arith.index_cast %get3A_918 : i32 to index
      %get3A_921 = arith.index_cast %get3A_919 : i32 to index
      %get3A_922 = arith.index_cast %mul3A_675 : i32 to index
      %get3A_923 = tpu.vector_load %arg4[%get3A_920, %get3A_921, %get3A_922] {strides = array<i32>} : memref<3x16x2048xf32, #tpu.memory_space<vmem>>, vector<16xf32>,
      %broadcast_in_dim3A_924 = arith.constant true
      %broadcast_in_dim3A_925 = vector.broadcast %broadcast_in_dim3A_924 : i1 to vector<16xi1>
      %masked_cumsum3A_926 = tpu.scan <sum>, %get3A_923 masked %broadcast_in_dim3A_925 : vector<16xf32>, vector<16xi1> -> vector<16xf32>
      %add3A_927 = arith.addf %masked_cumsum3A_926, %scan3A_671 : vector<16xf32>
      %swap3A_928 = arith.constant 0 : i32
      %swap3A_929 = arith.constant 13 : i32
      %swap3A_930 = arith.index_cast %swap3A_928 : i32 to index
      %swap3A_931 = arith.index_cast %swap3A_929 : i32 to index
      %swap3A_932 = arith.index_cast %mul3A_675 : i32 to index
      %swap3A_933 = tpu.vector_load %arg4[%swap3A_930, %swap3A_931, %swap3A_932] {strides = array<i32>} : memref<3x16x2048xf32, #tpu.memory_space<vmem>>, vector<16xf32>,
      tpu.vector_store %arg4[%swap3A_930, %swap3A_931, %swap3A_932], %add3A_927 {strides = array<i32>} : memref<3x16x2048xf32, #tpu.memory_space<vmem>>, vector<16xf32>,
      %slice3A_934 = vector.extract_strided_slice %add3A_927 {offsets = [15], sizes = [1], strides = [1]} : vector<16xf32> to vector<1xf32>
      %squeeze3A_935 = vector.extract %slice3A_934[0] : f32 from vector<1xf32>
      %broadcast_in_dim3A_936 = vector.broadcast %squeeze3A_935 : f32 to vector<16xf32>
      %get3A_937 = arith.constant 0 : i32
      %get3A_938 = arith.constant 14 : i32
      %get3A_939 = arith.index_cast %get3A_937 : i32 to index
      %get3A_940 = arith.index_cast %get3A_938 : i32 to index
      %get3A_941 = arith.index_cast %mul3A_675 : i32 to index
      %get3A_942 = tpu.vector_load %arg4[%get3A_939, %get3A_940, %get3A_941] {strides = array<i32>} : memref<3x16x2048xf32, #tpu.memory_space<vmem>>, vector<16xf32>,
      %broadcast_in_dim3A_943 = arith.constant true
      %broadcast_in_dim3A_944 = vector.broadcast %broadcast_in_dim3A_943 : i1 to vector<16xi1>
      %masked_cumsum3A_945 = tpu.scan <sum>, %get3A_942 masked %broadcast_in_dim3A_944 : vector<16xf32>, vector<16xi1> -> vector<16xf32>
      %add3A_946 = arith.addf %masked_cumsum3A_945, %scan3A_672 : vector<16xf32>
      %swap3A_947 = arith.constant 0 : i32
      %swap3A_948 = arith.constant 14 : i32
      %swap3A_949 = arith.index_cast %swap3A_947 : i32 to index
      %swap3A_950 = arith.index_cast %swap3A_948 : i32 to index
      %swap3A_951 = arith.index_cast %mul3A_675 : i32 to index
      %swap3A_952 = tpu.vector_load %arg4[%swap3A_949, %swap3A_950, %swap3A_951] {strides = array<i32>} : memref<3x16x2048xf32, #tpu.memory_space<vmem>>, vector<16xf32>,
      tpu.vector_store %arg4[%swap3A_949, %swap3A_950, %swap3A_951], %add3A_946 {strides = array<i32>} : memref<3x16x2048xf32, #tpu.memory_space<vmem>>, vector<16xf32>,
      %slice3A_953 = vector.extract_strided_slice %add3A_946 {offsets = [15], sizes = [1], strides = [1]} : vector<16xf32> to vector<1xf32>
      %squeeze3A_954 = vector.extract %slice3A_953[0] : f32 from vector<1xf32>
      %broadcast_in_dim3A_955 = vector.broadcast %squeeze3A_954 : f32 to vector<16xf32>
      %get3A_956 = arith.constant 0 : i32
      %get3A_957 = arith.constant 15 : i32
      %get3A_958 = arith.index_cast %get3A_956 : i32 to index
      %get3A_959 = arith.index_cast %get3A_957 : i32 to index
      %get3A_960 = arith.index_cast %mul3A_675 : i32 to index
      %get3A_961 = tpu.vector_load %arg4[%get3A_958, %get3A_959, %get3A_960] {strides = array<i32>} : memref<3x16x2048xf32, #tpu.memory_space<vmem>>, vector<16xf32>,
      %broadcast_in_dim3A_962 = arith.constant true
      %broadcast_in_dim3A_963 = vector.broadcast %broadcast_in_dim3A_962 : i1 to vector<16xi1>
      %masked_cumsum3A_964 = tpu.scan <sum>, %get3A_961 masked %broadcast_in_dim3A_963 : vector<16xf32>, vector<16xi1> -> vector<16xf32>
      %add3A_965 = arith.addf %masked_cumsum3A_964, %scan3A_673 : vector<16xf32>
      %swap3A_966 = arith.constant 0 : i32
      %swap3A_967 = arith.constant 15 : i32
      %swap3A_968 = arith.index_cast %swap3A_966 : i32 to index
      %swap3A_969 = arith.index_cast %swap3A_967 : i32 to index
      %swap3A_970 = arith.index_cast %mul3A_675 : i32 to index
      %swap3A_971 = tpu.vector_load %arg4[%swap3A_968, %swap3A_969, %swap3A_970] {strides = array<i32>} : memref<3x16x2048xf32, #tpu.memory_space<vmem>>, vector<16xf32>,
      tpu.vector_store %arg4[%swap3A_968, %swap3A_969, %swap3A_970], %add3A_965 {strides = array<i32>} : memref<3x16x2048xf32, #tpu.memory_space<vmem>>, vector<16xf32>,
      %slice3A_972 = vector.extract_strided_slice %add3A_965 {offsets = [15], sizes = [1], strides = [1]} : vector<16xf32> to vector<1xf32>
      %squeeze3A_973 = vector.extract %slice3A_972[0] : f32 from vector<1xf32>
      %broadcast_in_dim3A_974 = vector.broadcast %squeeze3A_973 : f32 to vector<16xf32>
      scf.yield %broadcast_in_dim3A_689, %broadcast_in_dim3A_708, %broadcast_in_dim3A_727, %broadcast_in_dim3A_746, %broadcast_in_dim3A_765, %broadcast_in_dim3A_784, %broadcast_in_dim3A_803, %broadcast_in_dim3A_822, %broadcast_in_dim3A_841, %broadcast_in_dim3A_860, %broadcast_in_dim3A_879, %broadcast_in_dim3A_898, %broadcast_in_dim3A_917, %broadcast_in_dim3A_936, %broadcast_in_dim3A_955, %broadcast_in_dim3A_974 : vector<16xf32>, vector<16xf32>, vector<16xf32>, vector<16xf32>, vector<16xf32>, vector<16xf32>, vector<16xf32>, vector<16xf32>, vector<16xf32>, vector<16xf32>, vector<16xf32>, vector<16xf32>, vector<16xf32>, vector<16xf32>, vector<16xf32>, vector<16xf32>
    }
    %scan3A_346 = arith.constant 128 : i32
    %add3A_347 = arith.constant 16 : i32
    %add3A_348 = arith.addi %mul3A_2, %add3A_347 : i32
    %dma_start3A_349 = arith.constant 0 : i32
    %dma_start3A_350 = arith.constant 0 : i32
    %dma_start3A_351 = arith.constant 0 : i32
    %dma_start3A_352 = tpu.memref_slice %arg4[%dma_start3A_349, %dma_start3A_350, %dma_start3A_351] : memref<3x16x2048xf32, #tpu.memory_space<vmem>> -> memref<1x16x2048xf32, #tpu.memory_space<vmem>>
    %dma_start3A_353 = tpu.memref_squeeze %dma_start3A_352 : memref<1x16x2048xf32, #tpu.memory_space<vmem>> -> memref<16x2048xf32, #tpu.memory_space<vmem>>
    %dma_start3A_354 = arith.constant 2048 : i32
    %dma_start3A_355 = tpu.memref_slice %arg3[%add3A_348, %dma_start3A_354] : memref<2048x4096xf32, #tpu.memory_space<hbm>> -> memref<16x2048xf32, #tpu.memory_space<hbm>>
    %dma_start3A_356 = arith.constant 2048 : i32
    %dma_start3A_357 = tpu.memref_slice %arg3[%add3A_348, %dma_start3A_356] : memref<2048x4096xf32, #tpu.memory_space<hbm>> -> memref<16x2048xf32, #tpu.memory_space<hbm>>
    %dma_start3A_358 = arith.constant 0 : i32
    %dma_start3A_359 = arith.constant 0 : i32
    %dma_start3A_360 = tpu.memref_slice %arg4[%dma_start3A_349, %dma_start3A_358, %dma_start3A_359] : memref<3x16x2048xf32, #tpu.memory_space<vmem>> -> memref<1x16x2048xf32, #tpu.memory_space<vmem>>
    %dma_start3A_361 = tpu.memref_squeeze %dma_start3A_360 : memref<1x16x2048xf32, #tpu.memory_space<vmem>> -> memref<16x2048xf32, #tpu.memory_space<vmem>>
    tpu.enqueue_dma source(%dma_start3A_361 : memref<16x2048xf32, #tpu.memory_space<vmem>>) target(%dma_start3A_357 : memref<16x2048xf32, #tpu.memory_space<hbm>>) target_semaphore(%arg8 : memref<!tpu.dma_semaphore, #tpu.memory_space<semaphore_mem>>)
    %dma_wait3A_362 = arith.constant 0 : i32
    %dma_wait3A_363 = arith.constant 0 : i32
    %dma_wait3A_364 = arith.constant 0 : i32
    %dma_wait3A_365 = tpu.memref_slice %arg4[%dma_wait3A_362, %dma_wait3A_363, %dma_wait3A_364] : memref<3x16x2048xf32, #tpu.memory_space<vmem>> -> memref<1x16x2048xf32, #tpu.memory_space<vmem>>
    %dma_wait3A_366 = tpu.memref_squeeze %dma_wait3A_365 : memref<1x16x2048xf32, #tpu.memory_space<vmem>> -> memref<16x2048xf32, #tpu.memory_space<vmem>>
    %dma_wait3A_367 = arith.constant 2048 : i32
    %dma_wait3A_368 = tpu.memref_slice %arg3[%add3A_348, %dma_wait3A_367] : memref<2048x4096xf32, #tpu.memory_space<hbm>> -> memref<16x2048xf32, #tpu.memory_space<hbm>>
    %dma_wait3A_369 = arith.constant 2048 : i32
    %dma_wait3A_370 = tpu.memref_slice %arg3[%add3A_348, %dma_wait3A_369] : memref<2048x4096xf32, #tpu.memory_space<hbm>> -> memref<16x2048xf32, #tpu.memory_space<hbm>>
    %dma_wait3A_371 = arith.constant 0 : i32
    %dma_wait3A_372 = arith.constant 0 : i32
    %dma_wait3A_373 = tpu.memref_slice %arg4[%dma_wait3A_362, %dma_wait3A_371, %dma_wait3A_372] : memref<3x16x2048xf32, #tpu.memory_space<vmem>> -> memref<1x16x2048xf32, #tpu.memory_space<vmem>>
    %dma_wait3A_374 = tpu.memref_squeeze %dma_wait3A_373 : memref<1x16x2048xf32, #tpu.memory_space<vmem>> -> memref<16x2048xf32, #tpu.memory_space<vmem>>
    tpu.wait_dma2 semaphore(%arg8 : memref<!tpu.dma_semaphore, #tpu.memory_space<semaphore_mem>>) src(%dma_wait3A_374 : memref<16x2048xf32, #tpu.memory_space<vmem>>) dst(%dma_wait3A_370 : memref<16x2048xf32, #tpu.memory_space<hbm>>)
    %add3A_375 = arith.constant 48 : i32
    %add3A_376 = arith.addi %mul3A_2, %add3A_375 : i32
    %dma_start3A_377 = arith.constant 0 : i32
    %dma_start3A_378 = arith.constant 0 : i32
    %dma_start3A_379 = arith.constant 0 : i32
    %dma_start3A_380 = tpu.memref_slice %arg4[%dma_start3A_377, %dma_start3A_378, %dma_start3A_379] : memref<3x16x2048xf32, #tpu.memory_space<vmem>> -> memref<1x16x2048xf32, #tpu.memory_space<vmem>>
    %dma_start3A_381 = tpu.memref_squeeze %dma_start3A_380 : memref<1x16x2048xf32, #tpu.memory_space<vmem>> -> memref<16x2048xf32, #tpu.memory_space<vmem>>
    %dma_start3A_382 = arith.constant 0 : i32
    %dma_start3A_383 = tpu.memref_slice %arg2[%add3A_376, %dma_start3A_382] : memref<2048x4096xf32, #tpu.memory_space<hbm>> -> memref<16x2048xf32, #tpu.memory_space<hbm>>
    %dma_start3A_384 = arith.constant 0 : i32
    %dma_start3A_385 = arith.constant 0 : i32
    %dma_start3A_386 = tpu.memref_slice %arg4[%dma_start3A_377, %dma_start3A_384, %dma_start3A_385] : memref<3x16x2048xf32, #tpu.memory_space<vmem>> -> memref<1x16x2048xf32, #tpu.memory_space<vmem>>
    %dma_start3A_387 = tpu.memref_squeeze %dma_start3A_386 : memref<1x16x2048xf32, #tpu.memory_space<vmem>> -> memref<16x2048xf32, #tpu.memory_space<vmem>>
    %dma_start3A_388 = arith.constant 0 : i32
    %dma_start3A_389 = tpu.memref_slice %arg2[%add3A_376, %dma_start3A_388] : memref<2048x4096xf32, #tpu.memory_space<hbm>> -> memref<16x2048xf32, #tpu.memory_space<hbm>>
    tpu.enqueue_dma source(%dma_start3A_389 : memref<16x2048xf32, #tpu.memory_space<hbm>>) target(%dma_start3A_387 : memref<16x2048xf32, #tpu.memory_space<vmem>>) target_semaphore(%arg5 : memref<!tpu.dma_semaphore, #tpu.memory_space<semaphore_mem>>)
    %dma_wait3A_390 = arith.constant 1 : i32
    %dma_wait3A_391 = arith.constant 0 : i32
    %dma_wait3A_392 = arith.constant 0 : i32
    %dma_wait3A_393 = tpu.memref_slice %arg4[%dma_wait3A_390, %dma_wait3A_391, %dma_wait3A_392] : memref<3x16x2048xf32, #tpu.memory_space<vmem>> -> memref<1x16x2048xf32, #tpu.memory_space<vmem>>
    %dma_wait3A_394 = tpu.memref_squeeze %dma_wait3A_393 : memref<1x16x2048xf32, #tpu.memory_space<vmem>> -> memref<16x2048xf32, #tpu.memory_space<vmem>>
    %dma_wait3A_395 = arith.constant 0 : i32
    %dma_wait3A_396 = tpu.memref_slice %arg2[%add3A_220, %dma_wait3A_395] : memref<2048x4096xf32, #tpu.memory_space<hbm>> -> memref<16x2048xf32, #tpu.memory_space<hbm>>
    %dma_wait3A_397 = arith.constant 0 : i32
    %dma_wait3A_398 = arith.constant 0 : i32
    %dma_wait3A_399 = tpu.memref_slice %arg4[%dma_wait3A_390, %dma_wait3A_397, %dma_wait3A_398] : memref<3x16x2048xf32, #tpu.memory_space<vmem>> -> memref<1x16x2048xf32, #tpu.memory_space<vmem>>
    %dma_wait3A_400 = tpu.memref_squeeze %dma_wait3A_399 : memref<1x16x2048xf32, #tpu.memory_space<vmem>> -> memref<16x2048xf32, #tpu.memory_space<vmem>>
    %dma_wait3A_401 = arith.constant 0 : i32
    %dma_wait3A_402 = tpu.memref_slice %arg2[%add3A_220, %dma_wait3A_401] : memref<2048x4096xf32, #tpu.memory_space<hbm>> -> memref<16x2048xf32, #tpu.memory_space<hbm>>
    tpu.wait_dma2 semaphore(%arg6 : memref<!tpu.dma_semaphore, #tpu.memory_space<semaphore_mem>>) src(%dma_wait3A_402 : memref<16x2048xf32, #tpu.memory_space<hbm>>) dst(%dma_wait3A_400 : memref<16x2048xf32, #tpu.memory_space<vmem>>)
    %broadcast_in_dim3A_403 = arith.constant 0.000000e+00 : f32
    %broadcast_in_dim3A_404 = vector.broadcast %broadcast_in_dim3A_403 : f32 to vector<16xf32>
    %broadcast_in_dim3A_405 = arith.constant 0.000000e+00 : f32
    %broadcast_in_dim3A_406 = vector.broadcast %broadcast_in_dim3A_405 : f32 to vector<16xf32>
    %broadcast_in_dim3A_407 = arith.constant 0.000000e+00 : f32
    %broadcast_in_dim3A_408 = vector.broadcast %broadcast_in_dim3A_407 : f32 to vector<16xf32>
    %broadcast_in_dim3A_409 = arith.constant 0.000000e+00 : f32
    %broadcast_in_dim3A_410 = vector.broadcast %broadcast_in_dim3A_409 : f32 to vector<16xf32>
    %broadcast_in_dim3A_411 = arith.constant 0.000000e+00 : f32
    %broadcast_in_dim3A_412 = vector.broadcast %broadcast_in_dim3A_411 : f32 to vector<16xf32>
    %broadcast_in_dim3A_413 = arith.constant 0.000000e+00 : f32
    %broadcast_in_dim3A_414 = vector.broadcast %broadcast_in_dim3A_413 : f32 to vector<16xf32>
    %broadcast_in_dim3A_415 = arith.constant 0.000000e+00 : f32
    %broadcast_in_dim3A_416 = vector.broadcast %broadcast_in_dim3A_415 : f32 to vector<16xf32>
    %broadcast_in_dim3A_417 = arith.constant 0.000000e+00 : f32
    %broadcast_in_dim3A_418 = vector.broadcast %broadcast_in_dim3A_417 : f32 to vector<16xf32>
    %broadcast_in_dim3A_419 = arith.constant 0.000000e+00 : f32
    %broadcast_in_dim3A_420 = vector.broadcast %broadcast_in_dim3A_419 : f32 to vector<16xf32>
    %broadcast_in_dim3A_421 = arith.constant 0.000000e+00 : f32
    %broadcast_in_dim3A_422 = vector.broadcast %broadcast_in_dim3A_421 : f32 to vector<16xf32>
    %broadcast_in_dim3A_423 = arith.constant 0.000000e+00 : f32
    %broadcast_in_dim3A_424 = vector.broadcast %broadcast_in_dim3A_423 : f32 to vector<16xf32>
    %broadcast_in_dim3A_425 = arith.constant 0.000000e+00 : f32
    %broadcast_in_dim3A_426 = vector.broadcast %broadcast_in_dim3A_425 : f32 to vector<16xf32>
    %broadcast_in_dim3A_427 = arith.constant 0.000000e+00 : f32
    %broadcast_in_dim3A_428 = vector.broadcast %broadcast_in_dim3A_427 : f32 to vector<16xf32>
    %broadcast_in_dim3A_429 = arith.constant 0.000000e+00 : f32
    %broadcast_in_dim3A_430 = vector.broadcast %broadcast_in_dim3A_429 : f32 to vector<16xf32>
    %broadcast_in_dim3A_431 = arith.constant 0.000000e+00 : f32
    %broadcast_in_dim3A_432 = vector.broadcast %broadcast_in_dim3A_431 : f32 to vector<16xf32>
    %broadcast_in_dim3A_433 = arith.constant 0.000000e+00 : f32
    %broadcast_in_dim3A_434 = vector.broadcast %broadcast_in_dim3A_433 : f32 to vector<16xf32>
    %scan3A_435 = arith.constant 0 : i32
    %scan3A_436 = arith.constant 128 : i32
    %scan3A_437 = arith.addi %scan3A_435, %scan3A_436 : i32
    %scan3A_438 = arith.constant 1 : i32
    %scan3A_439:16 = scf.for %scan3A_657 = %scan3A_435 to %scan3A_437 step %scan3A_438 iter_args(%scan3A_658 = %broadcast_in_dim3A_404, %scan3A_659 = %broadcast_in_dim3A_406, %scan3A_660 = %broadcast_in_dim3A_408, %scan3A_661 = %broadcast_in_dim3A_410, %scan3A_662 = %broadcast_in_dim3A_412, %scan3A_663 = %broadcast_in_dim3A_414, %scan3A_664 = %broadcast_in_dim3A_416, %scan3A_665 = %broadcast_in_dim3A_418, %scan3A_666 = %broadcast_in_dim3A_420, %scan3A_667 = %broadcast_in_dim3A_422, %scan3A_668 = %broadcast_in_dim3A_424, %scan3A_669 = %broadcast_in_dim3A_426, %scan3A_670 = %broadcast_in_dim3A_428, %scan3A_671 = %broadcast_in_dim3A_430, %scan3A_672 = %broadcast_in_dim3A_432, %scan3A_673 = %broadcast_in_dim3A_434) -> (vector<16xf32>, vector<16xf32>, vector<16xf32>, vector<16xf32>, vector<16xf32>, vector<16xf32>, vector<16xf32>, vector<16xf32>, vector<16xf32>, vector<16xf32>, vector<16xf32>, vector<16xf32>, vector<16xf32>, vector<16xf32>, vector<16xf32>, vector<16xf32>)  : i32 {
      %mul3A_674 = arith.constant 16 : i32
      %mul3A_675 = arith.muli %scan3A_657, %mul3A_674 : i32
      %get3A = arith.constant 1 : i32
      %get3A_676 = arith.constant 0 : i32
      %get3A_677 = arith.index_cast %get3A : i32 to index
      %get3A_678 = arith.index_cast %get3A_676 : i32 to index
      %get3A_679 = arith.index_cast %mul3A_675 : i32 to index
      %get3A_680 = tpu.vector_load %arg4[%get3A_677, %get3A_678, %get3A_679] {strides = array<i32>} : memref<3x16x2048xf32, #tpu.memory_space<vmem>>, vector<16xf32>,
      %broadcast_in_dim3A_681 = arith.constant true
      %broadcast_in_dim3A_682 = vector.broadcast %broadcast_in_dim3A_681 : i1 to vector<16xi1>
      %masked_cumsum3A = tpu.scan <sum>, %get3A_680 masked %broadcast_in_dim3A_682 : vector<16xf32>, vector<16xi1> -> vector<16xf32>
      %add3A_683 = arith.addf %masked_cumsum3A, %scan3A_658 : vector<16xf32>
      %swap3A = arith.constant 1 : i32
      %swap3A_684 = arith.constant 0 : i32
      %swap3A_685 = arith.index_cast %swap3A : i32 to index
      %swap3A_686 = arith.index_cast %swap3A_684 : i32 to index
      %swap3A_687 = arith.index_cast %mul3A_675 : i32 to index
      %swap3A_688 = tpu.vector_load %arg4[%swap3A_685, %swap3A_686, %swap3A_687] {strides = array<i32>} : memref<3x16x2048xf32, #tpu.memory_space<vmem>>, vector<16xf32>,
      tpu.vector_store %arg4[%swap3A_685, %swap3A_686, %swap3A_687], %add3A_683 {strides = array<i32>} : memref<3x16x2048xf32, #tpu.memory_space<vmem>>, vector<16xf32>,
      %slice3A = vector.extract_strided_slice %add3A_683 {offsets = [15], sizes = [1], strides = [1]} : vector<16xf32> to vector<1xf32>
      %squeeze3A = vector.extract %slice3A[0] : f32 from vector<1xf32>
      %broadcast_in_dim3A_689 = vector.broadcast %squeeze3A : f32 to vector<16xf32>
      %get3A_690 = arith.constant 1 : i32
      %get3A_691 = arith.constant 1 : i32
      %get3A_692 = arith.index_cast %get3A_690 : i32 to index
      %get3A_693 = arith.index_cast %get3A_691 : i32 to index
      %get3A_694 = arith.index_cast %mul3A_675 : i32 to index
      %get3A_695 = tpu.vector_load %arg4[%get3A_692, %get3A_693, %get3A_694] {strides = array<i32>} : memref<3x16x2048xf32, #tpu.memory_space<vmem>>, vector<16xf32>,
      %broadcast_in_dim3A_696 = arith.constant true
      %broadcast_in_dim3A_697 = vector.broadcast %broadcast_in_dim3A_696 : i1 to vector<16xi1>
      %masked_cumsum3A_698 = tpu.scan <sum>, %get3A_695 masked %broadcast_in_dim3A_697 : vector<16xf32>, vector<16xi1> -> vector<16xf32>
      %add3A_699 = arith.addf %masked_cumsum3A_698, %scan3A_659 : vector<16xf32>
      %swap3A_700 = arith.constant 1 : i32
      %swap3A_701 = arith.constant 1 : i32
      %swap3A_702 = arith.index_cast %swap3A_700 : i32 to index
      %swap3A_703 = arith.index_cast %swap3A_701 : i32 to index
      %swap3A_704 = arith.index_cast %mul3A_675 : i32 to index
      %swap3A_705 = tpu.vector_load %arg4[%swap3A_702, %swap3A_703, %swap3A_704] {strides = array<i32>} : memref<3x16x2048xf32, #tpu.memory_space<vmem>>, vector<16xf32>,
      tpu.vector_store %arg4[%swap3A_702, %swap3A_703, %swap3A_704], %add3A_699 {strides = array<i32>} : memref<3x16x2048xf32, #tpu.memory_space<vmem>>, vector<16xf32>,
      %slice3A_706 = vector.extract_strided_slice %add3A_699 {offsets = [15], sizes = [1], strides = [1]} : vector<16xf32> to vector<1xf32>
      %squeeze3A_707 = vector.extract %slice3A_706[0] : f32 from vector<1xf32>
      %broadcast_in_dim3A_708 = vector.broadcast %squeeze3A_707 : f32 to vector<16xf32>
      %get3A_709 = arith.constant 1 : i32
      %get3A_710 = arith.constant 2 : i32
      %get3A_711 = arith.index_cast %get3A_709 : i32 to index
      %get3A_712 = arith.index_cast %get3A_710 : i32 to index
      %get3A_713 = arith.index_cast %mul3A_675 : i32 to index
      %get3A_714 = tpu.vector_load %arg4[%get3A_711, %get3A_712, %get3A_713] {strides = array<i32>} : memref<3x16x2048xf32, #tpu.memory_space<vmem>>, vector<16xf32>,
      %broadcast_in_dim3A_715 = arith.constant true
      %broadcast_in_dim3A_716 = vector.broadcast %broadcast_in_dim3A_715 : i1 to vector<16xi1>
      %masked_cumsum3A_717 = tpu.scan <sum>, %get3A_714 masked %broadcast_in_dim3A_716 : vector<16xf32>, vector<16xi1> -> vector<16xf32>
      %add3A_718 = arith.addf %masked_cumsum3A_717, %scan3A_660 : vector<16xf32>
      %swap3A_719 = arith.constant 1 : i32
      %swap3A_720 = arith.constant 2 : i32
      %swap3A_721 = arith.index_cast %swap3A_719 : i32 to index
      %swap3A_722 = arith.index_cast %swap3A_720 : i32 to index
      %swap3A_723 = arith.index_cast %mul3A_675 : i32 to index
      %swap3A_724 = tpu.vector_load %arg4[%swap3A_721, %swap3A_722, %swap3A_723] {strides = array<i32>} : memref<3x16x2048xf32, #tpu.memory_space<vmem>>, vector<16xf32>,
      tpu.vector_store %arg4[%swap3A_721, %swap3A_722, %swap3A_723], %add3A_718 {strides = array<i32>} : memref<3x16x2048xf32, #tpu.memory_space<vmem>>, vector<16xf32>,
      %slice3A_725 = vector.extract_strided_slice %add3A_718 {offsets = [15], sizes = [1], strides = [1]} : vector<16xf32> to vector<1xf32>
      %squeeze3A_726 = vector.extract %slice3A_725[0] : f32 from vector<1xf32>
      %broadcast_in_dim3A_727 = vector.broadcast %squeeze3A_726 : f32 to vector<16xf32>
      %get3A_728 = arith.constant 1 : i32
      %get3A_729 = arith.constant 3 : i32
      %get3A_730 = arith.index_cast %get3A_728 : i32 to index
      %get3A_731 = arith.index_cast %get3A_729 : i32 to index
      %get3A_732 = arith.index_cast %mul3A_675 : i32 to index
      %get3A_733 = tpu.vector_load %arg4[%get3A_730, %get3A_731, %get3A_732] {strides = array<i32>} : memref<3x16x2048xf32, #tpu.memory_space<vmem>>, vector<16xf32>,
      %broadcast_in_dim3A_734 = arith.constant true
      %broadcast_in_dim3A_735 = vector.broadcast %broadcast_in_dim3A_734 : i1 to vector<16xi1>
      %masked_cumsum3A_736 = tpu.scan <sum>, %get3A_733 masked %broadcast_in_dim3A_735 : vector<16xf32>, vector<16xi1> -> vector<16xf32>
      %add3A_737 = arith.addf %masked_cumsum3A_736, %scan3A_661 : vector<16xf32>
      %swap3A_738 = arith.constant 1 : i32
      %swap3A_739 = arith.constant 3 : i32
      %swap3A_740 = arith.index_cast %swap3A_738 : i32 to index
      %swap3A_741 = arith.index_cast %swap3A_739 : i32 to index
      %swap3A_742 = arith.index_cast %mul3A_675 : i32 to index
      %swap3A_743 = tpu.vector_load %arg4[%swap3A_740, %swap3A_741, %swap3A_742] {strides = array<i32>} : memref<3x16x2048xf32, #tpu.memory_space<vmem>>, vector<16xf32>,
      tpu.vector_store %arg4[%swap3A_740, %swap3A_741, %swap3A_742], %add3A_737 {strides = array<i32>} : memref<3x16x2048xf32, #tpu.memory_space<vmem>>, vector<16xf32>,
      %slice3A_744 = vector.extract_strided_slice %add3A_737 {offsets = [15], sizes = [1], strides = [1]} : vector<16xf32> to vector<1xf32>
      %squeeze3A_745 = vector.extract %slice3A_744[0] : f32 from vector<1xf32>
      %broadcast_in_dim3A_746 = vector.broadcast %squeeze3A_745 : f32 to vector<16xf32>
      %get3A_747 = arith.constant 1 : i32
      %get3A_748 = arith.constant 4 : i32
      %get3A_749 = arith.index_cast %get3A_747 : i32 to index
      %get3A_750 = arith.index_cast %get3A_748 : i32 to index
      %get3A_751 = arith.index_cast %mul3A_675 : i32 to index
      %get3A_752 = tpu.vector_load %arg4[%get3A_749, %get3A_750, %get3A_751] {strides = array<i32>} : memref<3x16x2048xf32, #tpu.memory_space<vmem>>, vector<16xf32>,
      %broadcast_in_dim3A_753 = arith.constant true
      %broadcast_in_dim3A_754 = vector.broadcast %broadcast_in_dim3A_753 : i1 to vector<16xi1>
      %masked_cumsum3A_755 = tpu.scan <sum>, %get3A_752 masked %broadcast_in_dim3A_754 : vector<16xf32>, vector<16xi1> -> vector<16xf32>
      %add3A_756 = arith.addf %masked_cumsum3A_755, %scan3A_662 : vector<16xf32>
      %swap3A_757 = arith.constant 1 : i32
      %swap3A_758 = arith.constant 4 : i32
      %swap3A_759 = arith.index_cast %swap3A_757 : i32 to index
      %swap3A_760 = arith.index_cast %swap3A_758 : i32 to index
      %swap3A_761 = arith.index_cast %mul3A_675 : i32 to index
      %swap3A_762 = tpu.vector_load %arg4[%swap3A_759, %swap3A_760, %swap3A_761] {strides = array<i32>} : memref<3x16x2048xf32, #tpu.memory_space<vmem>>, vector<16xf32>,
      tpu.vector_store %arg4[%swap3A_759, %swap3A_760, %swap3A_761], %add3A_756 {strides = array<i32>} : memref<3x16x2048xf32, #tpu.memory_space<vmem>>, vector<16xf32>,
      %slice3A_763 = vector.extract_strided_slice %add3A_756 {offsets = [15], sizes = [1], strides = [1]} : vector<16xf32> to vector<1xf32>
      %squeeze3A_764 = vector.extract %slice3A_763[0] : f32 from vector<1xf32>
      %broadcast_in_dim3A_765 = vector.broadcast %squeeze3A_764 : f32 to vector<16xf32>
      %get3A_766 = arith.constant 1 : i32
      %get3A_767 = arith.constant 5 : i32
      %get3A_768 = arith.index_cast %get3A_766 : i32 to index
      %get3A_769 = arith.index_cast %get3A_767 : i32 to index
      %get3A_770 = arith.index_cast %mul3A_675 : i32 to index
      %get3A_771 = tpu.vector_load %arg4[%get3A_768, %get3A_769, %get3A_770] {strides = array<i32>} : memref<3x16x2048xf32, #tpu.memory_space<vmem>>, vector<16xf32>,
      %broadcast_in_dim3A_772 = arith.constant true
      %broadcast_in_dim3A_773 = vector.broadcast %broadcast_in_dim3A_772 : i1 to vector<16xi1>
      %masked_cumsum3A_774 = tpu.scan <sum>, %get3A_771 masked %broadcast_in_dim3A_773 : vector<16xf32>, vector<16xi1> -> vector<16xf32>
      %add3A_775 = arith.addf %masked_cumsum3A_774, %scan3A_663 : vector<16xf32>
      %swap3A_776 = arith.constant 1 : i32
      %swap3A_777 = arith.constant 5 : i32
      %swap3A_778 = arith.index_cast %swap3A_776 : i32 to index
      %swap3A_779 = arith.index_cast %swap3A_777 : i32 to index
      %swap3A_780 = arith.index_cast %mul3A_675 : i32 to index
      %swap3A_781 = tpu.vector_load %arg4[%swap3A_778, %swap3A_779, %swap3A_780] {strides = array<i32>} : memref<3x16x2048xf32, #tpu.memory_space<vmem>>, vector<16xf32>,
      tpu.vector_store %arg4[%swap3A_778, %swap3A_779, %swap3A_780], %add3A_775 {strides = array<i32>} : memref<3x16x2048xf32, #tpu.memory_space<vmem>>, vector<16xf32>,
      %slice3A_782 = vector.extract_strided_slice %add3A_775 {offsets = [15], sizes = [1], strides = [1]} : vector<16xf32> to vector<1xf32>
      %squeeze3A_783 = vector.extract %slice3A_782[0] : f32 from vector<1xf32>
      %broadcast_in_dim3A_784 = vector.broadcast %squeeze3A_783 : f32 to vector<16xf32>
      %get3A_785 = arith.constant 1 : i32
      %get3A_786 = arith.constant 6 : i32
      %get3A_787 = arith.index_cast %get3A_785 : i32 to index
      %get3A_788 = arith.index_cast %get3A_786 : i32 to index
      %get3A_789 = arith.index_cast %mul3A_675 : i32 to index
      %get3A_790 = tpu.vector_load %arg4[%get3A_787, %get3A_788, %get3A_789] {strides = array<i32>} : memref<3x16x2048xf32, #tpu.memory_space<vmem>>, vector<16xf32>,
      %broadcast_in_dim3A_791 = arith.constant true
      %broadcast_in_dim3A_792 = vector.broadcast %broadcast_in_dim3A_791 : i1 to vector<16xi1>
      %masked_cumsum3A_793 = tpu.scan <sum>, %get3A_790 masked %broadcast_in_dim3A_792 : vector<16xf32>, vector<16xi1> -> vector<16xf32>
      %add3A_794 = arith.addf %masked_cumsum3A_793, %scan3A_664 : vector<16xf32>
      %swap3A_795 = arith.constant 1 : i32
      %swap3A_796 = arith.constant 6 : i32
      %swap3A_797 = arith.index_cast %swap3A_795 : i32 to index
      %swap3A_798 = arith.index_cast %swap3A_796 : i32 to index
      %swap3A_799 = arith.index_cast %mul3A_675 : i32 to index
      %swap3A_800 = tpu.vector_load %arg4[%swap3A_797, %swap3A_798, %swap3A_799] {strides = array<i32>} : memref<3x16x2048xf32, #tpu.memory_space<vmem>>, vector<16xf32>,
      tpu.vector_store %arg4[%swap3A_797, %swap3A_798, %swap3A_799], %add3A_794 {strides = array<i32>} : memref<3x16x2048xf32, #tpu.memory_space<vmem>>, vector<16xf32>,
      %slice3A_801 = vector.extract_strided_slice %add3A_794 {offsets = [15], sizes = [1], strides = [1]} : vector<16xf32> to vector<1xf32>
      %squeeze3A_802 = vector.extract %slice3A_801[0] : f32 from vector<1xf32>
      %broadcast_in_dim3A_803 = vector.broadcast %squeeze3A_802 : f32 to vector<16xf32>
      %get3A_804 = arith.constant 1 : i32
      %get3A_805 = arith.constant 7 : i32
      %get3A_806 = arith.index_cast %get3A_804 : i32 to index
      %get3A_807 = arith.index_cast %get3A_805 : i32 to index
      %get3A_808 = arith.index_cast %mul3A_675 : i32 to index
      %get3A_809 = tpu.vector_load %arg4[%get3A_806, %get3A_807, %get3A_808] {strides = array<i32>} : memref<3x16x2048xf32, #tpu.memory_space<vmem>>, vector<16xf32>,
      %broadcast_in_dim3A_810 = arith.constant true
      %broadcast_in_dim3A_811 = vector.broadcast %broadcast_in_dim3A_810 : i1 to vector<16xi1>
      %masked_cumsum3A_812 = tpu.scan <sum>, %get3A_809 masked %broadcast_in_dim3A_811 : vector<16xf32>, vector<16xi1> -> vector<16xf32>
      %add3A_813 = arith.addf %masked_cumsum3A_812, %scan3A_665 : vector<16xf32>
      %swap3A_814 = arith.constant 1 : i32
      %swap3A_815 = arith.constant 7 : i32
      %swap3A_816 = arith.index_cast %swap3A_814 : i32 to index
      %swap3A_817 = arith.index_cast %swap3A_815 : i32 to index
      %swap3A_818 = arith.index_cast %mul3A_675 : i32 to index
      %swap3A_819 = tpu.vector_load %arg4[%swap3A_816, %swap3A_817, %swap3A_818] {strides = array<i32>} : memref<3x16x2048xf32, #tpu.memory_space<vmem>>, vector<16xf32>,
      tpu.vector_store %arg4[%swap3A_816, %swap3A_817, %swap3A_818], %add3A_813 {strides = array<i32>} : memref<3x16x2048xf32, #tpu.memory_space<vmem>>, vector<16xf32>,
      %slice3A_820 = vector.extract_strided_slice %add3A_813 {offsets = [15], sizes = [1], strides = [1]} : vector<16xf32> to vector<1xf32>
      %squeeze3A_821 = vector.extract %slice3A_820[0] : f32 from vector<1xf32>
      %broadcast_in_dim3A_822 = vector.broadcast %squeeze3A_821 : f32 to vector<16xf32>
      %get3A_823 = arith.constant 1 : i32
      %get3A_824 = arith.constant 8 : i32
      %get3A_825 = arith.index_cast %get3A_823 : i32 to index
      %get3A_826 = arith.index_cast %get3A_824 : i32 to index
      %get3A_827 = arith.index_cast %mul3A_675 : i32 to index
      %get3A_828 = tpu.vector_load %arg4[%get3A_825, %get3A_826, %get3A_827] {strides = array<i32>} : memref<3x16x2048xf32, #tpu.memory_space<vmem>>, vector<16xf32>,
      %broadcast_in_dim3A_829 = arith.constant true
      %broadcast_in_dim3A_830 = vector.broadcast %broadcast_in_dim3A_829 : i1 to vector<16xi1>
      %masked_cumsum3A_831 = tpu.scan <sum>, %get3A_828 masked %broadcast_in_dim3A_830 : vector<16xf32>, vector<16xi1> -> vector<16xf32>
      %add3A_832 = arith.addf %masked_cumsum3A_831, %scan3A_666 : vector<16xf32>
      %swap3A_833 = arith.constant 1 : i32
      %swap3A_834 = arith.constant 8 : i32
      %swap3A_835 = arith.index_cast %swap3A_833 : i32 to index
      %swap3A_836 = arith.index_cast %swap3A_834 : i32 to index
      %swap3A_837 = arith.index_cast %mul3A_675 : i32 to index
      %swap3A_838 = tpu.vector_load %arg4[%swap3A_835, %swap3A_836, %swap3A_837] {strides = array<i32>} : memref<3x16x2048xf32, #tpu.memory_space<vmem>>, vector<16xf32>,
      tpu.vector_store %arg4[%swap3A_835, %swap3A_836, %swap3A_837], %add3A_832 {strides = array<i32>} : memref<3x16x2048xf32, #tpu.memory_space<vmem>>, vector<16xf32>,
      %slice3A_839 = vector.extract_strided_slice %add3A_832 {offsets = [15], sizes = [1], strides = [1]} : vector<16xf32> to vector<1xf32>
      %squeeze3A_840 = vector.extract %slice3A_839[0] : f32 from vector<1xf32>
      %broadcast_in_dim3A_841 = vector.broadcast %squeeze3A_840 : f32 to vector<16xf32>
      %get3A_842 = arith.constant 1 : i32
      %get3A_843 = arith.constant 9 : i32
      %get3A_844 = arith.index_cast %get3A_842 : i32 to index
      %get3A_845 = arith.index_cast %get3A_843 : i32 to index
      %get3A_846 = arith.index_cast %mul3A_675 : i32 to index
      %get3A_847 = tpu.vector_load %arg4[%get3A_844, %get3A_845, %get3A_846] {strides = array<i32>} : memref<3x16x2048xf32, #tpu.memory_space<vmem>>, vector<16xf32>,
      %broadcast_in_dim3A_848 = arith.constant true
      %broadcast_in_dim3A_849 = vector.broadcast %broadcast_in_dim3A_848 : i1 to vector<16xi1>
      %masked_cumsum3A_850 = tpu.scan <sum>, %get3A_847 masked %broadcast_in_dim3A_849 : vector<16xf32>, vector<16xi1> -> vector<16xf32>
      %add3A_851 = arith.addf %masked_cumsum3A_850, %scan3A_667 : vector<16xf32>
      %swap3A_852 = arith.constant 1 : i32
      %swap3A_853 = arith.constant 9 : i32
      %swap3A_854 = arith.index_cast %swap3A_852 : i32 to index
      %swap3A_855 = arith.index_cast %swap3A_853 : i32 to index
      %swap3A_856 = arith.index_cast %mul3A_675 : i32 to index
      %swap3A_857 = tpu.vector_load %arg4[%swap3A_854, %swap3A_855, %swap3A_856] {strides = array<i32>} : memref<3x16x2048xf32, #tpu.memory_space<vmem>>, vector<16xf32>,
      tpu.vector_store %arg4[%swap3A_854, %swap3A_855, %swap3A_856], %add3A_851 {strides = array<i32>} : memref<3x16x2048xf32, #tpu.memory_space<vmem>>, vector<16xf32>,
      %slice3A_858 = vector.extract_strided_slice %add3A_851 {offsets = [15], sizes = [1], strides = [1]} : vector<16xf32> to vector<1xf32>
      %squeeze3A_859 = vector.extract %slice3A_858[0] : f32 from vector<1xf32>
      %broadcast_in_dim3A_860 = vector.broadcast %squeeze3A_859 : f32 to vector<16xf32>
      %get3A_861 = arith.constant 1 : i32
      %get3A_862 = arith.constant 10 : i32
      %get3A_863 = arith.index_cast %get3A_861 : i32 to index
      %get3A_864 = arith.index_cast %get3A_862 : i32 to index
      %get3A_865 = arith.index_cast %mul3A_675 : i32 to index
      %get3A_866 = tpu.vector_load %arg4[%get3A_863, %get3A_864, %get3A_865] {strides = array<i32>} : memref<3x16x2048xf32, #tpu.memory_space<vmem>>, vector<16xf32>,
      %broadcast_in_dim3A_867 = arith.constant true
      %broadcast_in_dim3A_868 = vector.broadcast %broadcast_in_dim3A_867 : i1 to vector<16xi1>
      %masked_cumsum3A_869 = tpu.scan <sum>, %get3A_866 masked %broadcast_in_dim3A_868 : vector<16xf32>, vector<16xi1> -> vector<16xf32>
      %add3A_870 = arith.addf %masked_cumsum3A_869, %scan3A_668 : vector<16xf32>
      %swap3A_871 = arith.constant 1 : i32
      %swap3A_872 = arith.constant 10 : i32
      %swap3A_873 = arith.index_cast %swap3A_871 : i32 to index
      %swap3A_874 = arith.index_cast %swap3A_872 : i32 to index
      %swap3A_875 = arith.index_cast %mul3A_675 : i32 to index
      %swap3A_876 = tpu.vector_load %arg4[%swap3A_873, %swap3A_874, %swap3A_875] {strides = array<i32>} : memref<3x16x2048xf32, #tpu.memory_space<vmem>>, vector<16xf32>,
      tpu.vector_store %arg4[%swap3A_873, %swap3A_874, %swap3A_875], %add3A_870 {strides = array<i32>} : memref<3x16x2048xf32, #tpu.memory_space<vmem>>, vector<16xf32>,
      %slice3A_877 = vector.extract_strided_slice %add3A_870 {offsets = [15], sizes = [1], strides = [1]} : vector<16xf32> to vector<1xf32>
      %squeeze3A_878 = vector.extract %slice3A_877[0] : f32 from vector<1xf32>
      %broadcast_in_dim3A_879 = vector.broadcast %squeeze3A_878 : f32 to vector<16xf32>
      %get3A_880 = arith.constant 1 : i32
      %get3A_881 = arith.constant 11 : i32
      %get3A_882 = arith.index_cast %get3A_880 : i32 to index
      %get3A_883 = arith.index_cast %get3A_881 : i32 to index
      %get3A_884 = arith.index_cast %mul3A_675 : i32 to index
      %get3A_885 = tpu.vector_load %arg4[%get3A_882, %get3A_883, %get3A_884] {strides = array<i32>} : memref<3x16x2048xf32, #tpu.memory_space<vmem>>, vector<16xf32>,
      %broadcast_in_dim3A_886 = arith.constant true
      %broadcast_in_dim3A_887 = vector.broadcast %broadcast_in_dim3A_886 : i1 to vector<16xi1>
      %masked_cumsum3A_888 = tpu.scan <sum>, %get3A_885 masked %broadcast_in_dim3A_887 : vector<16xf32>, vector<16xi1> -> vector<16xf32>
      %add3A_889 = arith.addf %masked_cumsum3A_888, %scan3A_669 : vector<16xf32>
      %swap3A_890 = arith.constant 1 : i32
      %swap3A_891 = arith.constant 11 : i32
      %swap3A_892 = arith.index_cast %swap3A_890 : i32 to index
      %swap3A_893 = arith.index_cast %swap3A_891 : i32 to index
      %swap3A_894 = arith.index_cast %mul3A_675 : i32 to index
      %swap3A_895 = tpu.vector_load %arg4[%swap3A_892, %swap3A_893, %swap3A_894] {strides = array<i32>} : memref<3x16x2048xf32, #tpu.memory_space<vmem>>, vector<16xf32>,
      tpu.vector_store %arg4[%swap3A_892, %swap3A_893, %swap3A_894], %add3A_889 {strides = array<i32>} : memref<3x16x2048xf32, #tpu.memory_space<vmem>>, vector<16xf32>,
      %slice3A_896 = vector.extract_strided_slice %add3A_889 {offsets = [15], sizes = [1], strides = [1]} : vector<16xf32> to vector<1xf32>
      %squeeze3A_897 = vector.extract %slice3A_896[0] : f32 from vector<1xf32>
      %broadcast_in_dim3A_898 = vector.broadcast %squeeze3A_897 : f32 to vector<16xf32>
      %get3A_899 = arith.constant 1 : i32
      %get3A_900 = arith.constant 12 : i32
      %get3A_901 = arith.index_cast %get3A_899 : i32 to index
      %get3A_902 = arith.index_cast %get3A_900 : i32 to index
      %get3A_903 = arith.index_cast %mul3A_675 : i32 to index
      %get3A_904 = tpu.vector_load %arg4[%get3A_901, %get3A_902, %get3A_903] {strides = array<i32>} : memref<3x16x2048xf32, #tpu.memory_space<vmem>>, vector<16xf32>,
      %broadcast_in_dim3A_905 = arith.constant true
      %broadcast_in_dim3A_906 = vector.broadcast %broadcast_in_dim3A_905 : i1 to vector<16xi1>
      %masked_cumsum3A_907 = tpu.scan <sum>, %get3A_904 masked %broadcast_in_dim3A_906 : vector<16xf32>, vector<16xi1> -> vector<16xf32>
      %add3A_908 = arith.addf %masked_cumsum3A_907, %scan3A_670 : vector<16xf32>
      %swap3A_909 = arith.constant 1 : i32
      %swap3A_910 = arith.constant 12 : i32
      %swap3A_911 = arith.index_cast %swap3A_909 : i32 to index
      %swap3A_912 = arith.index_cast %swap3A_910 : i32 to index
      %swap3A_913 = arith.index_cast %mul3A_675 : i32 to index
      %swap3A_914 = tpu.vector_load %arg4[%swap3A_911, %swap3A_912, %swap3A_913] {strides = array<i32>} : memref<3x16x2048xf32, #tpu.memory_space<vmem>>, vector<16xf32>,
      tpu.vector_store %arg4[%swap3A_911, %swap3A_912, %swap3A_913], %add3A_908 {strides = array<i32>} : memref<3x16x2048xf32, #tpu.memory_space<vmem>>, vector<16xf32>,
      %slice3A_915 = vector.extract_strided_slice %add3A_908 {offsets = [15], sizes = [1], strides = [1]} : vector<16xf32> to vector<1xf32>
      %squeeze3A_916 = vector.extract %slice3A_915[0] : f32 from vector<1xf32>
      %broadcast_in_dim3A_917 = vector.broadcast %squeeze3A_916 : f32 to vector<16xf32>
      %get3A_918 = arith.constant 1 : i32
      %get3A_919 = arith.constant 13 : i32
      %get3A_920 = arith.index_cast %get3A_918 : i32 to index
      %get3A_921 = arith.index_cast %get3A_919 : i32 to index
      %get3A_922 = arith.index_cast %mul3A_675 : i32 to index
      %get3A_923 = tpu.vector_load %arg4[%get3A_920, %get3A_921, %get3A_922] {strides = array<i32>} : memref<3x16x2048xf32, #tpu.memory_space<vmem>>, vector<16xf32>,
      %broadcast_in_dim3A_924 = arith.constant true
      %broadcast_in_dim3A_925 = vector.broadcast %broadcast_in_dim3A_924 : i1 to vector<16xi1>
      %masked_cumsum3A_926 = tpu.scan <sum>, %get3A_923 masked %broadcast_in_dim3A_925 : vector<16xf32>, vector<16xi1> -> vector<16xf32>
      %add3A_927 = arith.addf %masked_cumsum3A_926, %scan3A_671 : vector<16xf32>
      %swap3A_928 = arith.constant 1 : i32
      %swap3A_929 = arith.constant 13 : i32
      %swap3A_930 = arith.index_cast %swap3A_928 : i32 to index
      %swap3A_931 = arith.index_cast %swap3A_929 : i32 to index
      %swap3A_932 = arith.index_cast %mul3A_675 : i32 to index
      %swap3A_933 = tpu.vector_load %arg4[%swap3A_930, %swap3A_931, %swap3A_932] {strides = array<i32>} : memref<3x16x2048xf32, #tpu.memory_space<vmem>>, vector<16xf32>,
      tpu.vector_store %arg4[%swap3A_930, %swap3A_931, %swap3A_932], %add3A_927 {strides = array<i32>} : memref<3x16x2048xf32, #tpu.memory_space<vmem>>, vector<16xf32>,
      %slice3A_934 = vector.extract_strided_slice %add3A_927 {offsets = [15], sizes = [1], strides = [1]} : vector<16xf32> to vector<1xf32>
      %squeeze3A_935 = vector.extract %slice3A_934[0] : f32 from vector<1xf32>
      %broadcast_in_dim3A_936 = vector.broadcast %squeeze3A_935 : f32 to vector<16xf32>
      %get3A_937 = arith.constant 1 : i32
      %get3A_938 = arith.constant 14 : i32
      %get3A_939 = arith.index_cast %get3A_937 : i32 to index
      %get3A_940 = arith.index_cast %get3A_938 : i32 to index
      %get3A_941 = arith.index_cast %mul3A_675 : i32 to index
      %get3A_942 = tpu.vector_load %arg4[%get3A_939, %get3A_940, %get3A_941] {strides = array<i32>} : memref<3x16x2048xf32, #tpu.memory_space<vmem>>, vector<16xf32>,
      %broadcast_in_dim3A_943 = arith.constant true
      %broadcast_in_dim3A_944 = vector.broadcast %broadcast_in_dim3A_943 : i1 to vector<16xi1>
      %masked_cumsum3A_945 = tpu.scan <sum>, %get3A_942 masked %broadcast_in_dim3A_944 : vector<16xf32>, vector<16xi1> -> vector<16xf32>
      %add3A_946 = arith.addf %masked_cumsum3A_945, %scan3A_672 : vector<16xf32>
      %swap3A_947 = arith.constant 1 : i32
      %swap3A_948 = arith.constant 14 : i32
      %swap3A_949 = arith.index_cast %swap3A_947 : i32 to index
      %swap3A_950 = arith.index_cast %swap3A_948 : i32 to index
      %swap3A_951 = arith.index_cast %mul3A_675 : i32 to index
      %swap3A_952 = tpu.vector_load %arg4[%swap3A_949, %swap3A_950, %swap3A_951] {strides = array<i32>} : memref<3x16x2048xf32, #tpu.memory_space<vmem>>, vector<16xf32>,
      tpu.vector_store %arg4[%swap3A_949, %swap3A_950, %swap3A_951], %add3A_946 {strides = array<i32>} : memref<3x16x2048xf32, #tpu.memory_space<vmem>>, vector<16xf32>,
      %slice3A_953 = vector.extract_strided_slice %add3A_946 {offsets = [15], sizes = [1], strides = [1]} : vector<16xf32> to vector<1xf32>
      %squeeze3A_954 = vector.extract %slice3A_953[0] : f32 from vector<1xf32>
      %broadcast_in_dim3A_955 = vector.broadcast %squeeze3A_954 : f32 to vector<16xf32>
      %get3A_956 = arith.constant 1 : i32
      %get3A_957 = arith.constant 15 : i32
      %get3A_958 = arith.index_cast %get3A_956 : i32 to index
      %get3A_959 = arith.index_cast %get3A_957 : i32 to index
      %get3A_960 = arith.index_cast %mul3A_675 : i32 to index
      %get3A_961 = tpu.vector_load %arg4[%get3A_958, %get3A_959, %get3A_960] {strides = array<i32>} : memref<3x16x2048xf32, #tpu.memory_space<vmem>>, vector<16xf32>,
      %broadcast_in_dim3A_962 = arith.constant true
      %broadcast_in_dim3A_963 = vector.broadcast %broadcast_in_dim3A_962 : i1 to vector<16xi1>
      %masked_cumsum3A_964 = tpu.scan <sum>, %get3A_961 masked %broadcast_in_dim3A_963 : vector<16xf32>, vector<16xi1> -> vector<16xf32>
      %add3A_965 = arith.addf %masked_cumsum3A_964, %scan3A_673 : vector<16xf32>
      %swap3A_966 = arith.constant 1 : i32
      %swap3A_967 = arith.constant 15 : i32
      %swap3A_968 = arith.index_cast %swap3A_966 : i32 to index
      %swap3A_969 = arith.index_cast %swap3A_967 : i32 to index
      %swap3A_970 = arith.index_cast %mul3A_675 : i32 to index
      %swap3A_971 = tpu.vector_load %arg4[%swap3A_968, %swap3A_969, %swap3A_970] {strides = array<i32>} : memref<3x16x2048xf32, #tpu.memory_space<vmem>>, vector<16xf32>,
      tpu.vector_store %arg4[%swap3A_968, %swap3A_969, %swap3A_970], %add3A_965 {strides = array<i32>} : memref<3x16x2048xf32, #tpu.memory_space<vmem>>, vector<16xf32>,
      %slice3A_972 = vector.extract_strided_slice %add3A_965 {offsets = [15], sizes = [1], strides = [1]} : vector<16xf32> to vector<1xf32>
      %squeeze3A_973 = vector.extract %slice3A_972[0] : f32 from vector<1xf32>
      %broadcast_in_dim3A_974 = vector.broadcast %squeeze3A_973 : f32 to vector<16xf32>
      scf.yield %broadcast_in_dim3A_689, %broadcast_in_dim3A_708, %broadcast_in_dim3A_727, %broadcast_in_dim3A_746, %broadcast_in_dim3A_765, %broadcast_in_dim3A_784, %broadcast_in_dim3A_803, %broadcast_in_dim3A_822, %broadcast_in_dim3A_841, %broadcast_in_dim3A_860, %broadcast_in_dim3A_879, %broadcast_in_dim3A_898, %broadcast_in_dim3A_917, %broadcast_in_dim3A_936, %broadcast_in_dim3A_955, %broadcast_in_dim3A_974 : vector<16xf32>, vector<16xf32>, vector<16xf32>, vector<16xf32>, vector<16xf32>, vector<16xf32>, vector<16xf32>, vector<16xf32>, vector<16xf32>, vector<16xf32>, vector<16xf32>, vector<16xf32>, vector<16xf32>, vector<16xf32>, vector<16xf32>, vector<16xf32>
    }
    %scan3A_440 = arith.constant 128 : i32
    %add3A_441 = arith.constant 32 : i32
    %add3A_442 = arith.addi %mul3A_2, %add3A_441 : i32
    %dma_start3A_443 = arith.constant 1 : i32
    %dma_start3A_444 = arith.constant 0 : i32
    %dma_start3A_445 = arith.constant 0 : i32
    %dma_start3A_446 = tpu.memref_slice %arg4[%dma_start3A_443, %dma_start3A_444, %dma_start3A_445] : memref<3x16x2048xf32, #tpu.memory_space<vmem>> -> memref<1x16x2048xf32, #tpu.memory_space<vmem>>
    %dma_start3A_447 = tpu.memref_squeeze %dma_start3A_446 : memref<1x16x2048xf32, #tpu.memory_space<vmem>> -> memref<16x2048xf32, #tpu.memory_space<vmem>>
    %dma_start3A_448 = arith.constant 0 : i32
    %dma_start3A_449 = tpu.memref_slice %arg3[%add3A_442, %dma_start3A_448] : memref<2048x4096xf32, #tpu.memory_space<hbm>> -> memref<16x2048xf32, #tpu.memory_space<hbm>>
    %dma_start3A_450 = arith.constant 0 : i32
    %dma_start3A_451 = tpu.memref_slice %arg3[%add3A_442, %dma_start3A_450] : memref<2048x4096xf32, #tpu.memory_space<hbm>> -> memref<16x2048xf32, #tpu.memory_space<hbm>>
    %dma_start3A_452 = arith.constant 0 : i32
    %dma_start3A_453 = arith.constant 0 : i32
    %dma_start3A_454 = tpu.memref_slice %arg4[%dma_start3A_443, %dma_start3A_452, %dma_start3A_453] : memref<3x16x2048xf32, #tpu.memory_space<vmem>> -> memref<1x16x2048xf32, #tpu.memory_space<vmem>>
    %dma_start3A_455 = tpu.memref_squeeze %dma_start3A_454 : memref<1x16x2048xf32, #tpu.memory_space<vmem>> -> memref<16x2048xf32, #tpu.memory_space<vmem>>
    tpu.enqueue_dma source(%dma_start3A_455 : memref<16x2048xf32, #tpu.memory_space<vmem>>) target(%dma_start3A_451 : memref<16x2048xf32, #tpu.memory_space<hbm>>) target_semaphore(%arg9 : memref<!tpu.dma_semaphore, #tpu.memory_space<semaphore_mem>>)
    %dma_wait3A_456 = arith.constant 1 : i32
    %dma_wait3A_457 = arith.constant 0 : i32
    %dma_wait3A_458 = arith.constant 0 : i32
    %dma_wait3A_459 = tpu.memref_slice %arg4[%dma_wait3A_456, %dma_wait3A_457, %dma_wait3A_458] : memref<3x16x2048xf32, #tpu.memory_space<vmem>> -> memref<1x16x2048xf32, #tpu.memory_space<vmem>>
    %dma_wait3A_460 = tpu.memref_squeeze %dma_wait3A_459 : memref<1x16x2048xf32, #tpu.memory_space<vmem>> -> memref<16x2048xf32, #tpu.memory_space<vmem>>
    %dma_wait3A_461 = arith.constant 0 : i32
    %dma_wait3A_462 = tpu.memref_slice %arg3[%add3A_442, %dma_wait3A_461] : memref<2048x4096xf32, #tpu.memory_space<hbm>> -> memref<16x2048xf32, #tpu.memory_space<hbm>>
    %dma_wait3A_463 = arith.constant 0 : i32
    %dma_wait3A_464 = tpu.memref_slice %arg3[%add3A_442, %dma_wait3A_463] : memref<2048x4096xf32, #tpu.memory_space<hbm>> -> memref<16x2048xf32, #tpu.memory_space<hbm>>
    %dma_wait3A_465 = arith.constant 0 : i32
    %dma_wait3A_466 = arith.constant 0 : i32
    %dma_wait3A_467 = tpu.memref_slice %arg4[%dma_wait3A_456, %dma_wait3A_465, %dma_wait3A_466] : memref<3x16x2048xf32, #tpu.memory_space<vmem>> -> memref<1x16x2048xf32, #tpu.memory_space<vmem>>
    %dma_wait3A_468 = tpu.memref_squeeze %dma_wait3A_467 : memref<1x16x2048xf32, #tpu.memory_space<vmem>> -> memref<16x2048xf32, #tpu.memory_space<vmem>>
    tpu.wait_dma2 semaphore(%arg9 : memref<!tpu.dma_semaphore, #tpu.memory_space<semaphore_mem>>) src(%dma_wait3A_468 : memref<16x2048xf32, #tpu.memory_space<vmem>>) dst(%dma_wait3A_464 : memref<16x2048xf32, #tpu.memory_space<hbm>>)
    %add3A_469 = arith.constant 48 : i32
    %add3A_470 = arith.addi %mul3A_2, %add3A_469 : i32
    %dma_start3A_471 = arith.constant 1 : i32
    %dma_start3A_472 = arith.constant 0 : i32
    %dma_start3A_473 = arith.constant 0 : i32
    %dma_start3A_474 = tpu.memref_slice %arg4[%dma_start3A_471, %dma_start3A_472, %dma_start3A_473] : memref<3x16x2048xf32, #tpu.memory_space<vmem>> -> memref<1x16x2048xf32, #tpu.memory_space<vmem>>
    %dma_start3A_475 = tpu.memref_squeeze %dma_start3A_474 : memref<1x16x2048xf32, #tpu.memory_space<vmem>> -> memref<16x2048xf32, #tpu.memory_space<vmem>>
    %dma_start3A_476 = arith.constant 2048 : i32
    %dma_start3A_477 = tpu.memref_slice %arg2[%add3A_470, %dma_start3A_476] : memref<2048x4096xf32, #tpu.memory_space<hbm>> -> memref<16x2048xf32, #tpu.memory_space<hbm>>
    %dma_start3A_478 = arith.constant 0 : i32
    %dma_start3A_479 = arith.constant 0 : i32
    %dma_start3A_480 = tpu.memref_slice %arg4[%dma_start3A_471, %dma_start3A_478, %dma_start3A_479] : memref<3x16x2048xf32, #tpu.memory_space<vmem>> -> memref<1x16x2048xf32, #tpu.memory_space<vmem>>
    %dma_start3A_481 = tpu.memref_squeeze %dma_start3A_480 : memref<1x16x2048xf32, #tpu.memory_space<vmem>> -> memref<16x2048xf32, #tpu.memory_space<vmem>>
    %dma_start3A_482 = arith.constant 2048 : i32
    %dma_start3A_483 = tpu.memref_slice %arg2[%add3A_470, %dma_start3A_482] : memref<2048x4096xf32, #tpu.memory_space<hbm>> -> memref<16x2048xf32, #tpu.memory_space<hbm>>
    tpu.enqueue_dma source(%dma_start3A_483 : memref<16x2048xf32, #tpu.memory_space<hbm>>) target(%dma_start3A_481 : memref<16x2048xf32, #tpu.memory_space<vmem>>) target_semaphore(%arg6 : memref<!tpu.dma_semaphore, #tpu.memory_space<semaphore_mem>>)
    %dma_wait3A_484 = arith.constant 2 : i32
    %dma_wait3A_485 = arith.constant 0 : i32
    %dma_wait3A_486 = arith.constant 0 : i32
    %dma_wait3A_487 = tpu.memref_slice %arg4[%dma_wait3A_484, %dma_wait3A_485, %dma_wait3A_486] : memref<3x16x2048xf32, #tpu.memory_space<vmem>> -> memref<1x16x2048xf32, #tpu.memory_space<vmem>>
    %dma_wait3A_488 = tpu.memref_squeeze %dma_wait3A_487 : memref<1x16x2048xf32, #tpu.memory_space<vmem>> -> memref<16x2048xf32, #tpu.memory_space<vmem>>
    %dma_wait3A_489 = arith.constant 2048 : i32
    %dma_wait3A_490 = tpu.memref_slice %arg2[%add3A_314, %dma_wait3A_489] : memref<2048x4096xf32, #tpu.memory_space<hbm>> -> memref<16x2048xf32, #tpu.memory_space<hbm>>
    %dma_wait3A_491 = arith.constant 0 : i32
    %dma_wait3A_492 = arith.constant 0 : i32
    %dma_wait3A_493 = tpu.memref_slice %arg4[%dma_wait3A_484, %dma_wait3A_491, %dma_wait3A_492] : memref<3x16x2048xf32, #tpu.memory_space<vmem>> -> memref<1x16x2048xf32, #tpu.memory_space<vmem>>
    %dma_wait3A_494 = tpu.memref_squeeze %dma_wait3A_493 : memref<1x16x2048xf32, #tpu.memory_space<vmem>> -> memref<16x2048xf32, #tpu.memory_space<vmem>>
    %dma_wait3A_495 = arith.constant 2048 : i32
    %dma_wait3A_496 = tpu.memref_slice %arg2[%add3A_314, %dma_wait3A_495] : memref<2048x4096xf32, #tpu.memory_space<hbm>> -> memref<16x2048xf32, #tpu.memory_space<hbm>>
    tpu.wait_dma2 semaphore(%arg7 : memref<!tpu.dma_semaphore, #tpu.memory_space<semaphore_mem>>) src(%dma_wait3A_496 : memref<16x2048xf32, #tpu.memory_space<hbm>>) dst(%dma_wait3A_494 : memref<16x2048xf32, #tpu.memory_space<vmem>>)
    %scan3A_497 = arith.constant 0 : i32
    %scan3A_498 = arith.constant 128 : i32
    %scan3A_499 = arith.addi %scan3A_497, %scan3A_498 : i32
    %scan3A_500 = arith.constant 1 : i32
    %scan3A_501:16 = scf.for %scan3A_657 = %scan3A_497 to %scan3A_499 step %scan3A_500 iter_args(%scan3A_658 = %scan3A_439#0, %scan3A_659 = %scan3A_439#1, %scan3A_660 = %scan3A_439#2, %scan3A_661 = %scan3A_439#3, %scan3A_662 = %scan3A_439#4, %scan3A_663 = %scan3A_439#5, %scan3A_664 = %scan3A_439#6, %scan3A_665 = %scan3A_439#7, %scan3A_666 = %scan3A_439#8, %scan3A_667 = %scan3A_439#9, %scan3A_668 = %scan3A_439#10, %scan3A_669 = %scan3A_439#11, %scan3A_670 = %scan3A_439#12, %scan3A_671 = %scan3A_439#13, %scan3A_672 = %scan3A_439#14, %scan3A_673 = %scan3A_439#15) -> (vector<16xf32>, vector<16xf32>, vector<16xf32>, vector<16xf32>, vector<16xf32>, vector<16xf32>, vector<16xf32>, vector<16xf32>, vector<16xf32>, vector<16xf32>, vector<16xf32>, vector<16xf32>, vector<16xf32>, vector<16xf32>, vector<16xf32>, vector<16xf32>)  : i32 {
      %mul3A_674 = arith.constant 16 : i32
      %mul3A_675 = arith.muli %scan3A_657, %mul3A_674 : i32
      %get3A = arith.constant 2 : i32
      %get3A_676 = arith.constant 0 : i32
      %get3A_677 = arith.index_cast %get3A : i32 to index
      %get3A_678 = arith.index_cast %get3A_676 : i32 to index
      %get3A_679 = arith.index_cast %mul3A_675 : i32 to index
      %get3A_680 = tpu.vector_load %arg4[%get3A_677, %get3A_678, %get3A_679] {strides = array<i32>} : memref<3x16x2048xf32, #tpu.memory_space<vmem>>, vector<16xf32>,
      %broadcast_in_dim3A_681 = arith.constant true
      %broadcast_in_dim3A_682 = vector.broadcast %broadcast_in_dim3A_681 : i1 to vector<16xi1>
      %masked_cumsum3A = tpu.scan <sum>, %get3A_680 masked %broadcast_in_dim3A_682 : vector<16xf32>, vector<16xi1> -> vector<16xf32>
      %add3A_683 = arith.addf %masked_cumsum3A, %scan3A_658 : vector<16xf32>
      %swap3A = arith.constant 2 : i32
      %swap3A_684 = arith.constant 0 : i32
      %swap3A_685 = arith.index_cast %swap3A : i32 to index
      %swap3A_686 = arith.index_cast %swap3A_684 : i32 to index
      %swap3A_687 = arith.index_cast %mul3A_675 : i32 to index
      %swap3A_688 = tpu.vector_load %arg4[%swap3A_685, %swap3A_686, %swap3A_687] {strides = array<i32>} : memref<3x16x2048xf32, #tpu.memory_space<vmem>>, vector<16xf32>,
      tpu.vector_store %arg4[%swap3A_685, %swap3A_686, %swap3A_687], %add3A_683 {strides = array<i32>} : memref<3x16x2048xf32, #tpu.memory_space<vmem>>, vector<16xf32>,
      %slice3A = vector.extract_strided_slice %add3A_683 {offsets = [15], sizes = [1], strides = [1]} : vector<16xf32> to vector<1xf32>
      %squeeze3A = vector.extract %slice3A[0] : f32 from vector<1xf32>
      %broadcast_in_dim3A_689 = vector.broadcast %squeeze3A : f32 to vector<16xf32>
      %get3A_690 = arith.constant 2 : i32
      %get3A_691 = arith.constant 1 : i32
      %get3A_692 = arith.index_cast %get3A_690 : i32 to index
      %get3A_693 = arith.index_cast %get3A_691 : i32 to index
      %get3A_694 = arith.index_cast %mul3A_675 : i32 to index
      %get3A_695 = tpu.vector_load %arg4[%get3A_692, %get3A_693, %get3A_694] {strides = array<i32>} : memref<3x16x2048xf32, #tpu.memory_space<vmem>>, vector<16xf32>,
      %broadcast_in_dim3A_696 = arith.constant true
      %broadcast_in_dim3A_697 = vector.broadcast %broadcast_in_dim3A_696 : i1 to vector<16xi1>
      %masked_cumsum3A_698 = tpu.scan <sum>, %get3A_695 masked %broadcast_in_dim3A_697 : vector<16xf32>, vector<16xi1> -> vector<16xf32>
      %add3A_699 = arith.addf %masked_cumsum3A_698, %scan3A_659 : vector<16xf32>
      %swap3A_700 = arith.constant 2 : i32
      %swap3A_701 = arith.constant 1 : i32
      %swap3A_702 = arith.index_cast %swap3A_700 : i32 to index
      %swap3A_703 = arith.index_cast %swap3A_701 : i32 to index
      %swap3A_704 = arith.index_cast %mul3A_675 : i32 to index
      %swap3A_705 = tpu.vector_load %arg4[%swap3A_702, %swap3A_703, %swap3A_704] {strides = array<i32>} : memref<3x16x2048xf32, #tpu.memory_space<vmem>>, vector<16xf32>,
      tpu.vector_store %arg4[%swap3A_702, %swap3A_703, %swap3A_704], %add3A_699 {strides = array<i32>} : memref<3x16x2048xf32, #tpu.memory_space<vmem>>, vector<16xf32>,
      %slice3A_706 = vector.extract_strided_slice %add3A_699 {offsets = [15], sizes = [1], strides = [1]} : vector<16xf32> to vector<1xf32>
      %squeeze3A_707 = vector.extract %slice3A_706[0] : f32 from vector<1xf32>
      %broadcast_in_dim3A_708 = vector.broadcast %squeeze3A_707 : f32 to vector<16xf32>
      %get3A_709 = arith.constant 2 : i32
      %get3A_710 = arith.constant 2 : i32
      %get3A_711 = arith.index_cast %get3A_709 : i32 to index
      %get3A_712 = arith.index_cast %get3A_710 : i32 to index
      %get3A_713 = arith.index_cast %mul3A_675 : i32 to index
      %get3A_714 = tpu.vector_load %arg4[%get3A_711, %get3A_712, %get3A_713] {strides = array<i32>} : memref<3x16x2048xf32, #tpu.memory_space<vmem>>, vector<16xf32>,
      %broadcast_in_dim3A_715 = arith.constant true
      %broadcast_in_dim3A_716 = vector.broadcast %broadcast_in_dim3A_715 : i1 to vector<16xi1>
      %masked_cumsum3A_717 = tpu.scan <sum>, %get3A_714 masked %broadcast_in_dim3A_716 : vector<16xf32>, vector<16xi1> -> vector<16xf32>
      %add3A_718 = arith.addf %masked_cumsum3A_717, %scan3A_660 : vector<16xf32>
      %swap3A_719 = arith.constant 2 : i32
      %swap3A_720 = arith.constant 2 : i32
      %swap3A_721 = arith.index_cast %swap3A_719 : i32 to index
      %swap3A_722 = arith.index_cast %swap3A_720 : i32 to index
      %swap3A_723 = arith.index_cast %mul3A_675 : i32 to index
      %swap3A_724 = tpu.vector_load %arg4[%swap3A_721, %swap3A_722, %swap3A_723] {strides = array<i32>} : memref<3x16x2048xf32, #tpu.memory_space<vmem>>, vector<16xf32>,
      tpu.vector_store %arg4[%swap3A_721, %swap3A_722, %swap3A_723], %add3A_718 {strides = array<i32>} : memref<3x16x2048xf32, #tpu.memory_space<vmem>>, vector<16xf32>,
      %slice3A_725 = vector.extract_strided_slice %add3A_718 {offsets = [15], sizes = [1], strides = [1]} : vector<16xf32> to vector<1xf32>
      %squeeze3A_726 = vector.extract %slice3A_725[0] : f32 from vector<1xf32>
      %broadcast_in_dim3A_727 = vector.broadcast %squeeze3A_726 : f32 to vector<16xf32>
      %get3A_728 = arith.constant 2 : i32
      %get3A_729 = arith.constant 3 : i32
      %get3A_730 = arith.index_cast %get3A_728 : i32 to index
      %get3A_731 = arith.index_cast %get3A_729 : i32 to index
      %get3A_732 = arith.index_cast %mul3A_675 : i32 to index
      %get3A_733 = tpu.vector_load %arg4[%get3A_730, %get3A_731, %get3A_732] {strides = array<i32>} : memref<3x16x2048xf32, #tpu.memory_space<vmem>>, vector<16xf32>,
      %broadcast_in_dim3A_734 = arith.constant true
      %broadcast_in_dim3A_735 = vector.broadcast %broadcast_in_dim3A_734 : i1 to vector<16xi1>
      %masked_cumsum3A_736 = tpu.scan <sum>, %get3A_733 masked %broadcast_in_dim3A_735 : vector<16xf32>, vector<16xi1> -> vector<16xf32>
      %add3A_737 = arith.addf %masked_cumsum3A_736, %scan3A_661 : vector<16xf32>
      %swap3A_738 = arith.constant 2 : i32
      %swap3A_739 = arith.constant 3 : i32
      %swap3A_740 = arith.index_cast %swap3A_738 : i32 to index
      %swap3A_741 = arith.index_cast %swap3A_739 : i32 to index
      %swap3A_742 = arith.index_cast %mul3A_675 : i32 to index
      %swap3A_743 = tpu.vector_load %arg4[%swap3A_740, %swap3A_741, %swap3A_742] {strides = array<i32>} : memref<3x16x2048xf32, #tpu.memory_space<vmem>>, vector<16xf32>,
      tpu.vector_store %arg4[%swap3A_740, %swap3A_741, %swap3A_742], %add3A_737 {strides = array<i32>} : memref<3x16x2048xf32, #tpu.memory_space<vmem>>, vector<16xf32>,
      %slice3A_744 = vector.extract_strided_slice %add3A_737 {offsets = [15], sizes = [1], strides = [1]} : vector<16xf32> to vector<1xf32>
      %squeeze3A_745 = vector.extract %slice3A_744[0] : f32 from vector<1xf32>
      %broadcast_in_dim3A_746 = vector.broadcast %squeeze3A_745 : f32 to vector<16xf32>
      %get3A_747 = arith.constant 2 : i32
      %get3A_748 = arith.constant 4 : i32
      %get3A_749 = arith.index_cast %get3A_747 : i32 to index
      %get3A_750 = arith.index_cast %get3A_748 : i32 to index
      %get3A_751 = arith.index_cast %mul3A_675 : i32 to index
      %get3A_752 = tpu.vector_load %arg4[%get3A_749, %get3A_750, %get3A_751] {strides = array<i32>} : memref<3x16x2048xf32, #tpu.memory_space<vmem>>, vector<16xf32>,
      %broadcast_in_dim3A_753 = arith.constant true
      %broadcast_in_dim3A_754 = vector.broadcast %broadcast_in_dim3A_753 : i1 to vector<16xi1>
      %masked_cumsum3A_755 = tpu.scan <sum>, %get3A_752 masked %broadcast_in_dim3A_754 : vector<16xf32>, vector<16xi1> -> vector<16xf32>
      %add3A_756 = arith.addf %masked_cumsum3A_755, %scan3A_662 : vector<16xf32>
      %swap3A_757 = arith.constant 2 : i32
      %swap3A_758 = arith.constant 4 : i32
      %swap3A_759 = arith.index_cast %swap3A_757 : i32 to index
      %swap3A_760 = arith.index_cast %swap3A_758 : i32 to index
      %swap3A_761 = arith.index_cast %mul3A_675 : i32 to index
      %swap3A_762 = tpu.vector_load %arg4[%swap3A_759, %swap3A_760, %swap3A_761] {strides = array<i32>} : memref<3x16x2048xf32, #tpu.memory_space<vmem>>, vector<16xf32>,
      tpu.vector_store %arg4[%swap3A_759, %swap3A_760, %swap3A_761], %add3A_756 {strides = array<i32>} : memref<3x16x2048xf32, #tpu.memory_space<vmem>>, vector<16xf32>,
      %slice3A_763 = vector.extract_strided_slice %add3A_756 {offsets = [15], sizes = [1], strides = [1]} : vector<16xf32> to vector<1xf32>
      %squeeze3A_764 = vector.extract %slice3A_763[0] : f32 from vector<1xf32>
      %broadcast_in_dim3A_765 = vector.broadcast %squeeze3A_764 : f32 to vector<16xf32>
      %get3A_766 = arith.constant 2 : i32
      %get3A_767 = arith.constant 5 : i32
      %get3A_768 = arith.index_cast %get3A_766 : i32 to index
      %get3A_769 = arith.index_cast %get3A_767 : i32 to index
      %get3A_770 = arith.index_cast %mul3A_675 : i32 to index
      %get3A_771 = tpu.vector_load %arg4[%get3A_768, %get3A_769, %get3A_770] {strides = array<i32>} : memref<3x16x2048xf32, #tpu.memory_space<vmem>>, vector<16xf32>,
      %broadcast_in_dim3A_772 = arith.constant true
      %broadcast_in_dim3A_773 = vector.broadcast %broadcast_in_dim3A_772 : i1 to vector<16xi1>
      %masked_cumsum3A_774 = tpu.scan <sum>, %get3A_771 masked %broadcast_in_dim3A_773 : vector<16xf32>, vector<16xi1> -> vector<16xf32>
      %add3A_775 = arith.addf %masked_cumsum3A_774, %scan3A_663 : vector<16xf32>
      %swap3A_776 = arith.constant 2 : i32
      %swap3A_777 = arith.constant 5 : i32
      %swap3A_778 = arith.index_cast %swap3A_776 : i32 to index
      %swap3A_779 = arith.index_cast %swap3A_777 : i32 to index
      %swap3A_780 = arith.index_cast %mul3A_675 : i32 to index
      %swap3A_781 = tpu.vector_load %arg4[%swap3A_778, %swap3A_779, %swap3A_780] {strides = array<i32>} : memref<3x16x2048xf32, #tpu.memory_space<vmem>>, vector<16xf32>,
      tpu.vector_store %arg4[%swap3A_778, %swap3A_779, %swap3A_780], %add3A_775 {strides = array<i32>} : memref<3x16x2048xf32, #tpu.memory_space<vmem>>, vector<16xf32>,
      %slice3A_782 = vector.extract_strided_slice %add3A_775 {offsets = [15], sizes = [1], strides = [1]} : vector<16xf32> to vector<1xf32>
      %squeeze3A_783 = vector.extract %slice3A_782[0] : f32 from vector<1xf32>
      %broadcast_in_dim3A_784 = vector.broadcast %squeeze3A_783 : f32 to vector<16xf32>
      %get3A_785 = arith.constant 2 : i32
      %get3A_786 = arith.constant 6 : i32
      %get3A_787 = arith.index_cast %get3A_785 : i32 to index
      %get3A_788 = arith.index_cast %get3A_786 : i32 to index
      %get3A_789 = arith.index_cast %mul3A_675 : i32 to index
      %get3A_790 = tpu.vector_load %arg4[%get3A_787, %get3A_788, %get3A_789] {strides = array<i32>} : memref<3x16x2048xf32, #tpu.memory_space<vmem>>, vector<16xf32>,
      %broadcast_in_dim3A_791 = arith.constant true
      %broadcast_in_dim3A_792 = vector.broadcast %broadcast_in_dim3A_791 : i1 to vector<16xi1>
      %masked_cumsum3A_793 = tpu.scan <sum>, %get3A_790 masked %broadcast_in_dim3A_792 : vector<16xf32>, vector<16xi1> -> vector<16xf32>
      %add3A_794 = arith.addf %masked_cumsum3A_793, %scan3A_664 : vector<16xf32>
      %swap3A_795 = arith.constant 2 : i32
      %swap3A_796 = arith.constant 6 : i32
      %swap3A_797 = arith.index_cast %swap3A_795 : i32 to index
      %swap3A_798 = arith.index_cast %swap3A_796 : i32 to index
      %swap3A_799 = arith.index_cast %mul3A_675 : i32 to index
      %swap3A_800 = tpu.vector_load %arg4[%swap3A_797, %swap3A_798, %swap3A_799] {strides = array<i32>} : memref<3x16x2048xf32, #tpu.memory_space<vmem>>, vector<16xf32>,
      tpu.vector_store %arg4[%swap3A_797, %swap3A_798, %swap3A_799], %add3A_794 {strides = array<i32>} : memref<3x16x2048xf32, #tpu.memory_space<vmem>>, vector<16xf32>,
      %slice3A_801 = vector.extract_strided_slice %add3A_794 {offsets = [15], sizes = [1], strides = [1]} : vector<16xf32> to vector<1xf32>
      %squeeze3A_802 = vector.extract %slice3A_801[0] : f32 from vector<1xf32>
      %broadcast_in_dim3A_803 = vector.broadcast %squeeze3A_802 : f32 to vector<16xf32>
      %get3A_804 = arith.constant 2 : i32
      %get3A_805 = arith.constant 7 : i32
      %get3A_806 = arith.index_cast %get3A_804 : i32 to index
      %get3A_807 = arith.index_cast %get3A_805 : i32 to index
      %get3A_808 = arith.index_cast %mul3A_675 : i32 to index
      %get3A_809 = tpu.vector_load %arg4[%get3A_806, %get3A_807, %get3A_808] {strides = array<i32>} : memref<3x16x2048xf32, #tpu.memory_space<vmem>>, vector<16xf32>,
      %broadcast_in_dim3A_810 = arith.constant true
      %broadcast_in_dim3A_811 = vector.broadcast %broadcast_in_dim3A_810 : i1 to vector<16xi1>
      %masked_cumsum3A_812 = tpu.scan <sum>, %get3A_809 masked %broadcast_in_dim3A_811 : vector<16xf32>, vector<16xi1> -> vector<16xf32>
      %add3A_813 = arith.addf %masked_cumsum3A_812, %scan3A_665 : vector<16xf32>
      %swap3A_814 = arith.constant 2 : i32
      %swap3A_815 = arith.constant 7 : i32
      %swap3A_816 = arith.index_cast %swap3A_814 : i32 to index
      %swap3A_817 = arith.index_cast %swap3A_815 : i32 to index
      %swap3A_818 = arith.index_cast %mul3A_675 : i32 to index
      %swap3A_819 = tpu.vector_load %arg4[%swap3A_816, %swap3A_817, %swap3A_818] {strides = array<i32>} : memref<3x16x2048xf32, #tpu.memory_space<vmem>>, vector<16xf32>,
      tpu.vector_store %arg4[%swap3A_816, %swap3A_817, %swap3A_818], %add3A_813 {strides = array<i32>} : memref<3x16x2048xf32, #tpu.memory_space<vmem>>, vector<16xf32>,
      %slice3A_820 = vector.extract_strided_slice %add3A_813 {offsets = [15], sizes = [1], strides = [1]} : vector<16xf32> to vector<1xf32>
      %squeeze3A_821 = vector.extract %slice3A_820[0] : f32 from vector<1xf32>
      %broadcast_in_dim3A_822 = vector.broadcast %squeeze3A_821 : f32 to vector<16xf32>
      %get3A_823 = arith.constant 2 : i32
      %get3A_824 = arith.constant 8 : i32
      %get3A_825 = arith.index_cast %get3A_823 : i32 to index
      %get3A_826 = arith.index_cast %get3A_824 : i32 to index
      %get3A_827 = arith.index_cast %mul3A_675 : i32 to index
      %get3A_828 = tpu.vector_load %arg4[%get3A_825, %get3A_826, %get3A_827] {strides = array<i32>} : memref<3x16x2048xf32, #tpu.memory_space<vmem>>, vector<16xf32>,
      %broadcast_in_dim3A_829 = arith.constant true
      %broadcast_in_dim3A_830 = vector.broadcast %broadcast_in_dim3A_829 : i1 to vector<16xi1>
      %masked_cumsum3A_831 = tpu.scan <sum>, %get3A_828 masked %broadcast_in_dim3A_830 : vector<16xf32>, vector<16xi1> -> vector<16xf32>
      %add3A_832 = arith.addf %masked_cumsum3A_831, %scan3A_666 : vector<16xf32>
      %swap3A_833 = arith.constant 2 : i32
      %swap3A_834 = arith.constant 8 : i32
      %swap3A_835 = arith.index_cast %swap3A_833 : i32 to index
      %swap3A_836 = arith.index_cast %swap3A_834 : i32 to index
      %swap3A_837 = arith.index_cast %mul3A_675 : i32 to index
      %swap3A_838 = tpu.vector_load %arg4[%swap3A_835, %swap3A_836, %swap3A_837] {strides = array<i32>} : memref<3x16x2048xf32, #tpu.memory_space<vmem>>, vector<16xf32>,
      tpu.vector_store %arg4[%swap3A_835, %swap3A_836, %swap3A_837], %add3A_832 {strides = array<i32>} : memref<3x16x2048xf32, #tpu.memory_space<vmem>>, vector<16xf32>,
      %slice3A_839 = vector.extract_strided_slice %add3A_832 {offsets = [15], sizes = [1], strides = [1]} : vector<16xf32> to vector<1xf32>
      %squeeze3A_840 = vector.extract %slice3A_839[0] : f32 from vector<1xf32>
      %broadcast_in_dim3A_841 = vector.broadcast %squeeze3A_840 : f32 to vector<16xf32>
      %get3A_842 = arith.constant 2 : i32
      %get3A_843 = arith.constant 9 : i32
      %get3A_844 = arith.index_cast %get3A_842 : i32 to index
      %get3A_845 = arith.index_cast %get3A_843 : i32 to index
      %get3A_846 = arith.index_cast %mul3A_675 : i32 to index
      %get3A_847 = tpu.vector_load %arg4[%get3A_844, %get3A_845, %get3A_846] {strides = array<i32>} : memref<3x16x2048xf32, #tpu.memory_space<vmem>>, vector<16xf32>,
      %broadcast_in_dim3A_848 = arith.constant true
      %broadcast_in_dim3A_849 = vector.broadcast %broadcast_in_dim3A_848 : i1 to vector<16xi1>
      %masked_cumsum3A_850 = tpu.scan <sum>, %get3A_847 masked %broadcast_in_dim3A_849 : vector<16xf32>, vector<16xi1> -> vector<16xf32>
      %add3A_851 = arith.addf %masked_cumsum3A_850, %scan3A_667 : vector<16xf32>
      %swap3A_852 = arith.constant 2 : i32
      %swap3A_853 = arith.constant 9 : i32
      %swap3A_854 = arith.index_cast %swap3A_852 : i32 to index
      %swap3A_855 = arith.index_cast %swap3A_853 : i32 to index
      %swap3A_856 = arith.index_cast %mul3A_675 : i32 to index
      %swap3A_857 = tpu.vector_load %arg4[%swap3A_854, %swap3A_855, %swap3A_856] {strides = array<i32>} : memref<3x16x2048xf32, #tpu.memory_space<vmem>>, vector<16xf32>,
      tpu.vector_store %arg4[%swap3A_854, %swap3A_855, %swap3A_856], %add3A_851 {strides = array<i32>} : memref<3x16x2048xf32, #tpu.memory_space<vmem>>, vector<16xf32>,
      %slice3A_858 = vector.extract_strided_slice %add3A_851 {offsets = [15], sizes = [1], strides = [1]} : vector<16xf32> to vector<1xf32>
      %squeeze3A_859 = vector.extract %slice3A_858[0] : f32 from vector<1xf32>
      %broadcast_in_dim3A_860 = vector.broadcast %squeeze3A_859 : f32 to vector<16xf32>
      %get3A_861 = arith.constant 2 : i32
      %get3A_862 = arith.constant 10 : i32
      %get3A_863 = arith.index_cast %get3A_861 : i32 to index
      %get3A_864 = arith.index_cast %get3A_862 : i32 to index
      %get3A_865 = arith.index_cast %mul3A_675 : i32 to index
      %get3A_866 = tpu.vector_load %arg4[%get3A_863, %get3A_864, %get3A_865] {strides = array<i32>} : memref<3x16x2048xf32, #tpu.memory_space<vmem>>, vector<16xf32>,
      %broadcast_in_dim3A_867 = arith.constant true
      %broadcast_in_dim3A_868 = vector.broadcast %broadcast_in_dim3A_867 : i1 to vector<16xi1>
      %masked_cumsum3A_869 = tpu.scan <sum>, %get3A_866 masked %broadcast_in_dim3A_868 : vector<16xf32>, vector<16xi1> -> vector<16xf32>
      %add3A_870 = arith.addf %masked_cumsum3A_869, %scan3A_668 : vector<16xf32>
      %swap3A_871 = arith.constant 2 : i32
      %swap3A_872 = arith.constant 10 : i32
      %swap3A_873 = arith.index_cast %swap3A_871 : i32 to index
      %swap3A_874 = arith.index_cast %swap3A_872 : i32 to index
      %swap3A_875 = arith.index_cast %mul3A_675 : i32 to index
      %swap3A_876 = tpu.vector_load %arg4[%swap3A_873, %swap3A_874, %swap3A_875] {strides = array<i32>} : memref<3x16x2048xf32, #tpu.memory_space<vmem>>, vector<16xf32>,
      tpu.vector_store %arg4[%swap3A_873, %swap3A_874, %swap3A_875], %add3A_870 {strides = array<i32>} : memref<3x16x2048xf32, #tpu.memory_space<vmem>>, vector<16xf32>,
      %slice3A_877 = vector.extract_strided_slice %add3A_870 {offsets = [15], sizes = [1], strides = [1]} : vector<16xf32> to vector<1xf32>
      %squeeze3A_878 = vector.extract %slice3A_877[0] : f32 from vector<1xf32>
      %broadcast_in_dim3A_879 = vector.broadcast %squeeze3A_878 : f32 to vector<16xf32>
      %get3A_880 = arith.constant 2 : i32
      %get3A_881 = arith.constant 11 : i32
      %get3A_882 = arith.index_cast %get3A_880 : i32 to index
      %get3A_883 = arith.index_cast %get3A_881 : i32 to index
      %get3A_884 = arith.index_cast %mul3A_675 : i32 to index
      %get3A_885 = tpu.vector_load %arg4[%get3A_882, %get3A_883, %get3A_884] {strides = array<i32>} : memref<3x16x2048xf32, #tpu.memory_space<vmem>>, vector<16xf32>,
      %broadcast_in_dim3A_886 = arith.constant true
      %broadcast_in_dim3A_887 = vector.broadcast %broadcast_in_dim3A_886 : i1 to vector<16xi1>
      %masked_cumsum3A_888 = tpu.scan <sum>, %get3A_885 masked %broadcast_in_dim3A_887 : vector<16xf32>, vector<16xi1> -> vector<16xf32>
      %add3A_889 = arith.addf %masked_cumsum3A_888, %scan3A_669 : vector<16xf32>
      %swap3A_890 = arith.constant 2 : i32
      %swap3A_891 = arith.constant 11 : i32
      %swap3A_892 = arith.index_cast %swap3A_890 : i32 to index
      %swap3A_893 = arith.index_cast %swap3A_891 : i32 to index
      %swap3A_894 = arith.index_cast %mul3A_675 : i32 to index
      %swap3A_895 = tpu.vector_load %arg4[%swap3A_892, %swap3A_893, %swap3A_894] {strides = array<i32>} : memref<3x16x2048xf32, #tpu.memory_space<vmem>>, vector<16xf32>,
      tpu.vector_store %arg4[%swap3A_892, %swap3A_893, %swap3A_894], %add3A_889 {strides = array<i32>} : memref<3x16x2048xf32, #tpu.memory_space<vmem>>, vector<16xf32>,
      %slice3A_896 = vector.extract_strided_slice %add3A_889 {offsets = [15], sizes = [1], strides = [1]} : vector<16xf32> to vector<1xf32>
      %squeeze3A_897 = vector.extract %slice3A_896[0] : f32 from vector<1xf32>
      %broadcast_in_dim3A_898 = vector.broadcast %squeeze3A_897 : f32 to vector<16xf32>
      %get3A_899 = arith.constant 2 : i32
      %get3A_900 = arith.constant 12 : i32
      %get3A_901 = arith.index_cast %get3A_899 : i32 to index
      %get3A_902 = arith.index_cast %get3A_900 : i32 to index
      %get3A_903 = arith.index_cast %mul3A_675 : i32 to index
      %get3A_904 = tpu.vector_load %arg4[%get3A_901, %get3A_902, %get3A_903] {strides = array<i32>} : memref<3x16x2048xf32, #tpu.memory_space<vmem>>, vector<16xf32>,
      %broadcast_in_dim3A_905 = arith.constant true
      %broadcast_in_dim3A_906 = vector.broadcast %broadcast_in_dim3A_905 : i1 to vector<16xi1>
      %masked_cumsum3A_907 = tpu.scan <sum>, %get3A_904 masked %broadcast_in_dim3A_906 : vector<16xf32>, vector<16xi1> -> vector<16xf32>
      %add3A_908 = arith.addf %masked_cumsum3A_907, %scan3A_670 : vector<16xf32>
      %swap3A_909 = arith.constant 2 : i32
      %swap3A_910 = arith.constant 12 : i32
      %swap3A_911 = arith.index_cast %swap3A_909 : i32 to index
      %swap3A_912 = arith.index_cast %swap3A_910 : i32 to index
      %swap3A_913 = arith.index_cast %mul3A_675 : i32 to index
      %swap3A_914 = tpu.vector_load %arg4[%swap3A_911, %swap3A_912, %swap3A_913] {strides = array<i32>} : memref<3x16x2048xf32, #tpu.memory_space<vmem>>, vector<16xf32>,
      tpu.vector_store %arg4[%swap3A_911, %swap3A_912, %swap3A_913], %add3A_908 {strides = array<i32>} : memref<3x16x2048xf32, #tpu.memory_space<vmem>>, vector<16xf32>,
      %slice3A_915 = vector.extract_strided_slice %add3A_908 {offsets = [15], sizes = [1], strides = [1]} : vector<16xf32> to vector<1xf32>
      %squeeze3A_916 = vector.extract %slice3A_915[0] : f32 from vector<1xf32>
      %broadcast_in_dim3A_917 = vector.broadcast %squeeze3A_916 : f32 to vector<16xf32>
      %get3A_918 = arith.constant 2 : i32
      %get3A_919 = arith.constant 13 : i32
      %get3A_920 = arith.index_cast %get3A_918 : i32 to index
      %get3A_921 = arith.index_cast %get3A_919 : i32 to index
      %get3A_922 = arith.index_cast %mul3A_675 : i32 to index
      %get3A_923 = tpu.vector_load %arg4[%get3A_920, %get3A_921, %get3A_922] {strides = array<i32>} : memref<3x16x2048xf32, #tpu.memory_space<vmem>>, vector<16xf32>,
      %broadcast_in_dim3A_924 = arith.constant true
      %broadcast_in_dim3A_925 = vector.broadcast %broadcast_in_dim3A_924 : i1 to vector<16xi1>
      %masked_cumsum3A_926 = tpu.scan <sum>, %get3A_923 masked %broadcast_in_dim3A_925 : vector<16xf32>, vector<16xi1> -> vector<16xf32>
      %add3A_927 = arith.addf %masked_cumsum3A_926, %scan3A_671 : vector<16xf32>
      %swap3A_928 = arith.constant 2 : i32
      %swap3A_929 = arith.constant 13 : i32
      %swap3A_930 = arith.index_cast %swap3A_928 : i32 to index
      %swap3A_931 = arith.index_cast %swap3A_929 : i32 to index
      %swap3A_932 = arith.index_cast %mul3A_675 : i32 to index
      %swap3A_933 = tpu.vector_load %arg4[%swap3A_930, %swap3A_931, %swap3A_932] {strides = array<i32>} : memref<3x16x2048xf32, #tpu.memory_space<vmem>>, vector<16xf32>,
      tpu.vector_store %arg4[%swap3A_930, %swap3A_931, %swap3A_932], %add3A_927 {strides = array<i32>} : memref<3x16x2048xf32, #tpu.memory_space<vmem>>, vector<16xf32>,
      %slice3A_934 = vector.extract_strided_slice %add3A_927 {offsets = [15], sizes = [1], strides = [1]} : vector<16xf32> to vector<1xf32>
      %squeeze3A_935 = vector.extract %slice3A_934[0] : f32 from vector<1xf32>
      %broadcast_in_dim3A_936 = vector.broadcast %squeeze3A_935 : f32 to vector<16xf32>
      %get3A_937 = arith.constant 2 : i32
      %get3A_938 = arith.constant 14 : i32
      %get3A_939 = arith.index_cast %get3A_937 : i32 to index
      %get3A_940 = arith.index_cast %get3A_938 : i32 to index
      %get3A_941 = arith.index_cast %mul3A_675 : i32 to index
      %get3A_942 = tpu.vector_load %arg4[%get3A_939, %get3A_940, %get3A_941] {strides = array<i32>} : memref<3x16x2048xf32, #tpu.memory_space<vmem>>, vector<16xf32>,
      %broadcast_in_dim3A_943 = arith.constant true
      %broadcast_in_dim3A_944 = vector.broadcast %broadcast_in_dim3A_943 : i1 to vector<16xi1>
      %masked_cumsum3A_945 = tpu.scan <sum>, %get3A_942 masked %broadcast_in_dim3A_944 : vector<16xf32>, vector<16xi1> -> vector<16xf32>
      %add3A_946 = arith.addf %masked_cumsum3A_945, %scan3A_672 : vector<16xf32>
      %swap3A_947 = arith.constant 2 : i32
      %swap3A_948 = arith.constant 14 : i32
      %swap3A_949 = arith.index_cast %swap3A_947 : i32 to index
      %swap3A_950 = arith.index_cast %swap3A_948 : i32 to index
      %swap3A_951 = arith.index_cast %mul3A_675 : i32 to index
      %swap3A_952 = tpu.vector_load %arg4[%swap3A_949, %swap3A_950, %swap3A_951] {strides = array<i32>} : memref<3x16x2048xf32, #tpu.memory_space<vmem>>, vector<16xf32>,
      tpu.vector_store %arg4[%swap3A_949, %swap3A_950, %swap3A_951], %add3A_946 {strides = array<i32>} : memref<3x16x2048xf32, #tpu.memory_space<vmem>>, vector<16xf32>,
      %slice3A_953 = vector.extract_strided_slice %add3A_946 {offsets = [15], sizes = [1], strides = [1]} : vector<16xf32> to vector<1xf32>
      %squeeze3A_954 = vector.extract %slice3A_953[0] : f32 from vector<1xf32>
      %broadcast_in_dim3A_955 = vector.broadcast %squeeze3A_954 : f32 to vector<16xf32>
      %get3A_956 = arith.constant 2 : i32
      %get3A_957 = arith.constant 15 : i32
      %get3A_958 = arith.index_cast %get3A_956 : i32 to index
      %get3A_959 = arith.index_cast %get3A_957 : i32 to index
      %get3A_960 = arith.index_cast %mul3A_675 : i32 to index
      %get3A_961 = tpu.vector_load %arg4[%get3A_958, %get3A_959, %get3A_960] {strides = array<i32>} : memref<3x16x2048xf32, #tpu.memory_space<vmem>>, vector<16xf32>,
      %broadcast_in_dim3A_962 = arith.constant true
      %broadcast_in_dim3A_963 = vector.broadcast %broadcast_in_dim3A_962 : i1 to vector<16xi1>
      %masked_cumsum3A_964 = tpu.scan <sum>, %get3A_961 masked %broadcast_in_dim3A_963 : vector<16xf32>, vector<16xi1> -> vector<16xf32>
      %add3A_965 = arith.addf %masked_cumsum3A_964, %scan3A_673 : vector<16xf32>
      %swap3A_966 = arith.constant 2 : i32
      %swap3A_967 = arith.constant 15 : i32
      %swap3A_968 = arith.index_cast %swap3A_966 : i32 to index
      %swap3A_969 = arith.index_cast %swap3A_967 : i32 to index
      %swap3A_970 = arith.index_cast %mul3A_675 : i32 to index
      %swap3A_971 = tpu.vector_load %arg4[%swap3A_968, %swap3A_969, %swap3A_970] {strides = array<i32>} : memref<3x16x2048xf32, #tpu.memory_space<vmem>>, vector<16xf32>,
      tpu.vector_store %arg4[%swap3A_968, %swap3A_969, %swap3A_970], %add3A_965 {strides = array<i32>} : memref<3x16x2048xf32, #tpu.memory_space<vmem>>, vector<16xf32>,
      %slice3A_972 = vector.extract_strided_slice %add3A_965 {offsets = [15], sizes = [1], strides = [1]} : vector<16xf32> to vector<1xf32>
      %squeeze3A_973 = vector.extract %slice3A_972[0] : f32 from vector<1xf32>
      %broadcast_in_dim3A_974 = vector.broadcast %squeeze3A_973 : f32 to vector<16xf32>
      scf.yield %broadcast_in_dim3A_689, %broadcast_in_dim3A_708, %broadcast_in_dim3A_727, %broadcast_in_dim3A_746, %broadcast_in_dim3A_765, %broadcast_in_dim3A_784, %broadcast_in_dim3A_803, %broadcast_in_dim3A_822, %broadcast_in_dim3A_841, %broadcast_in_dim3A_860, %broadcast_in_dim3A_879, %broadcast_in_dim3A_898, %broadcast_in_dim3A_917, %broadcast_in_dim3A_936, %broadcast_in_dim3A_955, %broadcast_in_dim3A_974 : vector<16xf32>, vector<16xf32>, vector<16xf32>, vector<16xf32>, vector<16xf32>, vector<16xf32>, vector<16xf32>, vector<16xf32>, vector<16xf32>, vector<16xf32>, vector<16xf32>, vector<16xf32>, vector<16xf32>, vector<16xf32>, vector<16xf32>, vector<16xf32>
    }
    %scan3A_502 = arith.constant 128 : i32
    %add3A_503 = arith.constant 32 : i32
    %add3A_504 = arith.addi %mul3A_2, %add3A_503 : i32
    %dma_start3A_505 = arith.constant 2 : i32
    %dma_start3A_506 = arith.constant 0 : i32
    %dma_start3A_507 = arith.constant 0 : i32
    %dma_start3A_508 = tpu.memref_slice %arg4[%dma_start3A_505, %dma_start3A_506, %dma_start3A_507] : memref<3x16x2048xf32, #tpu.memory_space<vmem>> -> memref<1x16x2048xf32, #tpu.memory_space<vmem>>
    %dma_start3A_509 = tpu.memref_squeeze %dma_start3A_508 : memref<1x16x2048xf32, #tpu.memory_space<vmem>> -> memref<16x2048xf32, #tpu.memory_space<vmem>>
    %dma_start3A_510 = arith.constant 2048 : i32
    %dma_start3A_511 = tpu.memref_slice %arg3[%add3A_504, %dma_start3A_510] : memref<2048x4096xf32, #tpu.memory_space<hbm>> -> memref<16x2048xf32, #tpu.memory_space<hbm>>
    %dma_start3A_512 = arith.constant 2048 : i32
    %dma_start3A_513 = tpu.memref_slice %arg3[%add3A_504, %dma_start3A_512] : memref<2048x4096xf32, #tpu.memory_space<hbm>> -> memref<16x2048xf32, #tpu.memory_space<hbm>>
    %dma_start3A_514 = arith.constant 0 : i32
    %dma_start3A_515 = arith.constant 0 : i32
    %dma_start3A_516 = tpu.memref_slice %arg4[%dma_start3A_505, %dma_start3A_514, %dma_start3A_515] : memref<3x16x2048xf32, #tpu.memory_space<vmem>> -> memref<1x16x2048xf32, #tpu.memory_space<vmem>>
    %dma_start3A_517 = tpu.memref_squeeze %dma_start3A_516 : memref<1x16x2048xf32, #tpu.memory_space<vmem>> -> memref<16x2048xf32, #tpu.memory_space<vmem>>
    tpu.enqueue_dma source(%dma_start3A_517 : memref<16x2048xf32, #tpu.memory_space<vmem>>) target(%dma_start3A_513 : memref<16x2048xf32, #tpu.memory_space<hbm>>) target_semaphore(%arg10 : memref<!tpu.dma_semaphore, #tpu.memory_space<semaphore_mem>>)
    %dma_wait3A_518 = arith.constant 0 : i32
    %dma_wait3A_519 = arith.constant 0 : i32
    %dma_wait3A_520 = arith.constant 0 : i32
    %dma_wait3A_521 = tpu.memref_slice %arg4[%dma_wait3A_518, %dma_wait3A_519, %dma_wait3A_520] : memref<3x16x2048xf32, #tpu.memory_space<vmem>> -> memref<1x16x2048xf32, #tpu.memory_space<vmem>>
    %dma_wait3A_522 = tpu.memref_squeeze %dma_wait3A_521 : memref<1x16x2048xf32, #tpu.memory_space<vmem>> -> memref<16x2048xf32, #tpu.memory_space<vmem>>
    %dma_wait3A_523 = arith.constant 0 : i32
    %dma_wait3A_524 = tpu.memref_slice %arg2[%add3A_376, %dma_wait3A_523] : memref<2048x4096xf32, #tpu.memory_space<hbm>> -> memref<16x2048xf32, #tpu.memory_space<hbm>>
    %dma_wait3A_525 = arith.constant 0 : i32
    %dma_wait3A_526 = arith.constant 0 : i32
    %dma_wait3A_527 = tpu.memref_slice %arg4[%dma_wait3A_518, %dma_wait3A_525, %dma_wait3A_526] : memref<3x16x2048xf32, #tpu.memory_space<vmem>> -> memref<1x16x2048xf32, #tpu.memory_space<vmem>>
    %dma_wait3A_528 = tpu.memref_squeeze %dma_wait3A_527 : memref<1x16x2048xf32, #tpu.memory_space<vmem>> -> memref<16x2048xf32, #tpu.memory_space<vmem>>
    %dma_wait3A_529 = arith.constant 0 : i32
    %dma_wait3A_530 = tpu.memref_slice %arg2[%add3A_376, %dma_wait3A_529] : memref<2048x4096xf32, #tpu.memory_space<hbm>> -> memref<16x2048xf32, #tpu.memory_space<hbm>>
    tpu.wait_dma2 semaphore(%arg5 : memref<!tpu.dma_semaphore, #tpu.memory_space<semaphore_mem>>) src(%dma_wait3A_530 : memref<16x2048xf32, #tpu.memory_space<hbm>>) dst(%dma_wait3A_528 : memref<16x2048xf32, #tpu.memory_space<vmem>>)
    %broadcast_in_dim3A_531 = arith.constant 0.000000e+00 : f32
    %broadcast_in_dim3A_532 = vector.broadcast %broadcast_in_dim3A_531 : f32 to vector<16xf32>
    %broadcast_in_dim3A_533 = arith.constant 0.000000e+00 : f32
    %broadcast_in_dim3A_534 = vector.broadcast %broadcast_in_dim3A_533 : f32 to vector<16xf32>
    %broadcast_in_dim3A_535 = arith.constant 0.000000e+00 : f32
    %broadcast_in_dim3A_536 = vector.broadcast %broadcast_in_dim3A_535 : f32 to vector<16xf32>
    %broadcast_in_dim3A_537 = arith.constant 0.000000e+00 : f32
    %broadcast_in_dim3A_538 = vector.broadcast %broadcast_in_dim3A_537 : f32 to vector<16xf32>
    %broadcast_in_dim3A_539 = arith.constant 0.000000e+00 : f32
    %broadcast_in_dim3A_540 = vector.broadcast %broadcast_in_dim3A_539 : f32 to vector<16xf32>
    %broadcast_in_dim3A_541 = arith.constant 0.000000e+00 : f32
    %broadcast_in_dim3A_542 = vector.broadcast %broadcast_in_dim3A_541 : f32 to vector<16xf32>
    %broadcast_in_dim3A_543 = arith.constant 0.000000e+00 : f32
    %broadcast_in_dim3A_544 = vector.broadcast %broadcast_in_dim3A_543 : f32 to vector<16xf32>
    %broadcast_in_dim3A_545 = arith.constant 0.000000e+00 : f32
    %broadcast_in_dim3A_546 = vector.broadcast %broadcast_in_dim3A_545 : f32 to vector<16xf32>
    %broadcast_in_dim3A_547 = arith.constant 0.000000e+00 : f32
    %broadcast_in_dim3A_548 = vector.broadcast %broadcast_in_dim3A_547 : f32 to vector<16xf32>
    %broadcast_in_dim3A_549 = arith.constant 0.000000e+00 : f32
    %broadcast_in_dim3A_550 = vector.broadcast %broadcast_in_dim3A_549 : f32 to vector<16xf32>
    %broadcast_in_dim3A_551 = arith.constant 0.000000e+00 : f32
    %broadcast_in_dim3A_552 = vector.broadcast %broadcast_in_dim3A_551 : f32 to vector<16xf32>
    %broadcast_in_dim3A_553 = arith.constant 0.000000e+00 : f32
    %broadcast_in_dim3A_554 = vector.broadcast %broadcast_in_dim3A_553 : f32 to vector<16xf32>
    %broadcast_in_dim3A_555 = arith.constant 0.000000e+00 : f32
    %broadcast_in_dim3A_556 = vector.broadcast %broadcast_in_dim3A_555 : f32 to vector<16xf32>
    %broadcast_in_dim3A_557 = arith.constant 0.000000e+00 : f32
    %broadcast_in_dim3A_558 = vector.broadcast %broadcast_in_dim3A_557 : f32 to vector<16xf32>
    %broadcast_in_dim3A_559 = arith.constant 0.000000e+00 : f32
    %broadcast_in_dim3A_560 = vector.broadcast %broadcast_in_dim3A_559 : f32 to vector<16xf32>
    %broadcast_in_dim3A_561 = arith.constant 0.000000e+00 : f32
    %broadcast_in_dim3A_562 = vector.broadcast %broadcast_in_dim3A_561 : f32 to vector<16xf32>
    %scan3A_563 = arith.constant 0 : i32
    %scan3A_564 = arith.constant 128 : i32
    %scan3A_565 = arith.addi %scan3A_563, %scan3A_564 : i32
    %scan3A_566 = arith.constant 1 : i32
    %scan3A_567:16 = scf.for %scan3A_657 = %scan3A_563 to %scan3A_565 step %scan3A_566 iter_args(%scan3A_658 = %broadcast_in_dim3A_532, %scan3A_659 = %broadcast_in_dim3A_534, %scan3A_660 = %broadcast_in_dim3A_536, %scan3A_661 = %broadcast_in_dim3A_538, %scan3A_662 = %broadcast_in_dim3A_540, %scan3A_663 = %broadcast_in_dim3A_542, %scan3A_664 = %broadcast_in_dim3A_544, %scan3A_665 = %broadcast_in_dim3A_546, %scan3A_666 = %broadcast_in_dim3A_548, %scan3A_667 = %broadcast_in_dim3A_550, %scan3A_668 = %broadcast_in_dim3A_552, %scan3A_669 = %broadcast_in_dim3A_554, %scan3A_670 = %broadcast_in_dim3A_556, %scan3A_671 = %broadcast_in_dim3A_558, %scan3A_672 = %broadcast_in_dim3A_560, %scan3A_673 = %broadcast_in_dim3A_562) -> (vector<16xf32>, vector<16xf32>, vector<16xf32>, vector<16xf32>, vector<16xf32>, vector<16xf32>, vector<16xf32>, vector<16xf32>, vector<16xf32>, vector<16xf32>, vector<16xf32>, vector<16xf32>, vector<16xf32>, vector<16xf32>, vector<16xf32>, vector<16xf32>)  : i32 {
      %mul3A_674 = arith.constant 16 : i32
      %mul3A_675 = arith.muli %scan3A_657, %mul3A_674 : i32
      %get3A = arith.constant 0 : i32
      %get3A_676 = arith.constant 0 : i32
      %get3A_677 = arith.index_cast %get3A : i32 to index
      %get3A_678 = arith.index_cast %get3A_676 : i32 to index
      %get3A_679 = arith.index_cast %mul3A_675 : i32 to index
      %get3A_680 = tpu.vector_load %arg4[%get3A_677, %get3A_678, %get3A_679] {strides = array<i32>} : memref<3x16x2048xf32, #tpu.memory_space<vmem>>, vector<16xf32>,
      %broadcast_in_dim3A_681 = arith.constant true
      %broadcast_in_dim3A_682 = vector.broadcast %broadcast_in_dim3A_681 : i1 to vector<16xi1>
      %masked_cumsum3A = tpu.scan <sum>, %get3A_680 masked %broadcast_in_dim3A_682 : vector<16xf32>, vector<16xi1> -> vector<16xf32>
      %add3A_683 = arith.addf %masked_cumsum3A, %scan3A_658 : vector<16xf32>
      %swap3A = arith.constant 0 : i32
      %swap3A_684 = arith.constant 0 : i32
      %swap3A_685 = arith.index_cast %swap3A : i32 to index
      %swap3A_686 = arith.index_cast %swap3A_684 : i32 to index
      %swap3A_687 = arith.index_cast %mul3A_675 : i32 to index
      %swap3A_688 = tpu.vector_load %arg4[%swap3A_685, %swap3A_686, %swap3A_687] {strides = array<i32>} : memref<3x16x2048xf32, #tpu.memory_space<vmem>>, vector<16xf32>,
      tpu.vector_store %arg4[%swap3A_685, %swap3A_686, %swap3A_687], %add3A_683 {strides = array<i32>} : memref<3x16x2048xf32, #tpu.memory_space<vmem>>, vector<16xf32>,
      %slice3A = vector.extract_strided_slice %add3A_683 {offsets = [15], sizes = [1], strides = [1]} : vector<16xf32> to vector<1xf32>
      %squeeze3A = vector.extract %slice3A[0] : f32 from vector<1xf32>
      %broadcast_in_dim3A_689 = vector.broadcast %squeeze3A : f32 to vector<16xf32>
      %get3A_690 = arith.constant 0 : i32
      %get3A_691 = arith.constant 1 : i32
      %get3A_692 = arith.index_cast %get3A_690 : i32 to index
      %get3A_693 = arith.index_cast %get3A_691 : i32 to index
      %get3A_694 = arith.index_cast %mul3A_675 : i32 to index
      %get3A_695 = tpu.vector_load %arg4[%get3A_692, %get3A_693, %get3A_694] {strides = array<i32>} : memref<3x16x2048xf32, #tpu.memory_space<vmem>>, vector<16xf32>,
      %broadcast_in_dim3A_696 = arith.constant true
      %broadcast_in_dim3A_697 = vector.broadcast %broadcast_in_dim3A_696 : i1 to vector<16xi1>
      %masked_cumsum3A_698 = tpu.scan <sum>, %get3A_695 masked %broadcast_in_dim3A_697 : vector<16xf32>, vector<16xi1> -> vector<16xf32>
      %add3A_699 = arith.addf %masked_cumsum3A_698, %scan3A_659 : vector<16xf32>
      %swap3A_700 = arith.constant 0 : i32
      %swap3A_701 = arith.constant 1 : i32
      %swap3A_702 = arith.index_cast %swap3A_700 : i32 to index
      %swap3A_703 = arith.index_cast %swap3A_701 : i32 to index
      %swap3A_704 = arith.index_cast %mul3A_675 : i32 to index
      %swap3A_705 = tpu.vector_load %arg4[%swap3A_702, %swap3A_703, %swap3A_704] {strides = array<i32>} : memref<3x16x2048xf32, #tpu.memory_space<vmem>>, vector<16xf32>,
      tpu.vector_store %arg4[%swap3A_702, %swap3A_703, %swap3A_704], %add3A_699 {strides = array<i32>} : memref<3x16x2048xf32, #tpu.memory_space<vmem>>, vector<16xf32>,
      %slice3A_706 = vector.extract_strided_slice %add3A_699 {offsets = [15], sizes = [1], strides = [1]} : vector<16xf32> to vector<1xf32>
      %squeeze3A_707 = vector.extract %slice3A_706[0] : f32 from vector<1xf32>
      %broadcast_in_dim3A_708 = vector.broadcast %squeeze3A_707 : f32 to vector<16xf32>
      %get3A_709 = arith.constant 0 : i32
      %get3A_710 = arith.constant 2 : i32
      %get3A_711 = arith.index_cast %get3A_709 : i32 to index
      %get3A_712 = arith.index_cast %get3A_710 : i32 to index
      %get3A_713 = arith.index_cast %mul3A_675 : i32 to index
      %get3A_714 = tpu.vector_load %arg4[%get3A_711, %get3A_712, %get3A_713] {strides = array<i32>} : memref<3x16x2048xf32, #tpu.memory_space<vmem>>, vector<16xf32>,
      %broadcast_in_dim3A_715 = arith.constant true
      %broadcast_in_dim3A_716 = vector.broadcast %broadcast_in_dim3A_715 : i1 to vector<16xi1>
      %masked_cumsum3A_717 = tpu.scan <sum>, %get3A_714 masked %broadcast_in_dim3A_716 : vector<16xf32>, vector<16xi1> -> vector<16xf32>
      %add3A_718 = arith.addf %masked_cumsum3A_717, %scan3A_660 : vector<16xf32>
      %swap3A_719 = arith.constant 0 : i32
      %swap3A_720 = arith.constant 2 : i32
      %swap3A_721 = arith.index_cast %swap3A_719 : i32 to index
      %swap3A_722 = arith.index_cast %swap3A_720 : i32 to index
      %swap3A_723 = arith.index_cast %mul3A_675 : i32 to index
      %swap3A_724 = tpu.vector_load %arg4[%swap3A_721, %swap3A_722, %swap3A_723] {strides = array<i32>} : memref<3x16x2048xf32, #tpu.memory_space<vmem>>, vector<16xf32>,
      tpu.vector_store %arg4[%swap3A_721, %swap3A_722, %swap3A_723], %add3A_718 {strides = array<i32>} : memref<3x16x2048xf32, #tpu.memory_space<vmem>>, vector<16xf32>,
      %slice3A_725 = vector.extract_strided_slice %add3A_718 {offsets = [15], sizes = [1], strides = [1]} : vector<16xf32> to vector<1xf32>
      %squeeze3A_726 = vector.extract %slice3A_725[0] : f32 from vector<1xf32>
      %broadcast_in_dim3A_727 = vector.broadcast %squeeze3A_726 : f32 to vector<16xf32>
      %get3A_728 = arith.constant 0 : i32
      %get3A_729 = arith.constant 3 : i32
      %get3A_730 = arith.index_cast %get3A_728 : i32 to index
      %get3A_731 = arith.index_cast %get3A_729 : i32 to index
      %get3A_732 = arith.index_cast %mul3A_675 : i32 to index
      %get3A_733 = tpu.vector_load %arg4[%get3A_730, %get3A_731, %get3A_732] {strides = array<i32>} : memref<3x16x2048xf32, #tpu.memory_space<vmem>>, vector<16xf32>,
      %broadcast_in_dim3A_734 = arith.constant true
      %broadcast_in_dim3A_735 = vector.broadcast %broadcast_in_dim3A_734 : i1 to vector<16xi1>
      %masked_cumsum3A_736 = tpu.scan <sum>, %get3A_733 masked %broadcast_in_dim3A_735 : vector<16xf32>, vector<16xi1> -> vector<16xf32>
      %add3A_737 = arith.addf %masked_cumsum3A_736, %scan3A_661 : vector<16xf32>
      %swap3A_738 = arith.constant 0 : i32
      %swap3A_739 = arith.constant 3 : i32
      %swap3A_740 = arith.index_cast %swap3A_738 : i32 to index
      %swap3A_741 = arith.index_cast %swap3A_739 : i32 to index
      %swap3A_742 = arith.index_cast %mul3A_675 : i32 to index
      %swap3A_743 = tpu.vector_load %arg4[%swap3A_740, %swap3A_741, %swap3A_742] {strides = array<i32>} : memref<3x16x2048xf32, #tpu.memory_space<vmem>>, vector<16xf32>,
      tpu.vector_store %arg4[%swap3A_740, %swap3A_741, %swap3A_742], %add3A_737 {strides = array<i32>} : memref<3x16x2048xf32, #tpu.memory_space<vmem>>, vector<16xf32>,
      %slice3A_744 = vector.extract_strided_slice %add3A_737 {offsets = [15], sizes = [1], strides = [1]} : vector<16xf32> to vector<1xf32>
      %squeeze3A_745 = vector.extract %slice3A_744[0] : f32 from vector<1xf32>
      %broadcast_in_dim3A_746 = vector.broadcast %squeeze3A_745 : f32 to vector<16xf32>
      %get3A_747 = arith.constant 0 : i32
      %get3A_748 = arith.constant 4 : i32
      %get3A_749 = arith.index_cast %get3A_747 : i32 to index
      %get3A_750 = arith.index_cast %get3A_748 : i32 to index
      %get3A_751 = arith.index_cast %mul3A_675 : i32 to index
      %get3A_752 = tpu.vector_load %arg4[%get3A_749, %get3A_750, %get3A_751] {strides = array<i32>} : memref<3x16x2048xf32, #tpu.memory_space<vmem>>, vector<16xf32>,
      %broadcast_in_dim3A_753 = arith.constant true
      %broadcast_in_dim3A_754 = vector.broadcast %broadcast_in_dim3A_753 : i1 to vector<16xi1>
      %masked_cumsum3A_755 = tpu.scan <sum>, %get3A_752 masked %broadcast_in_dim3A_754 : vector<16xf32>, vector<16xi1> -> vector<16xf32>
      %add3A_756 = arith.addf %masked_cumsum3A_755, %scan3A_662 : vector<16xf32>
      %swap3A_757 = arith.constant 0 : i32
      %swap3A_758 = arith.constant 4 : i32
      %swap3A_759 = arith.index_cast %swap3A_757 : i32 to index
      %swap3A_760 = arith.index_cast %swap3A_758 : i32 to index
      %swap3A_761 = arith.index_cast %mul3A_675 : i32 to index
      %swap3A_762 = tpu.vector_load %arg4[%swap3A_759, %swap3A_760, %swap3A_761] {strides = array<i32>} : memref<3x16x2048xf32, #tpu.memory_space<vmem>>, vector<16xf32>,
      tpu.vector_store %arg4[%swap3A_759, %swap3A_760, %swap3A_761], %add3A_756 {strides = array<i32>} : memref<3x16x2048xf32, #tpu.memory_space<vmem>>, vector<16xf32>,
      %slice3A_763 = vector.extract_strided_slice %add3A_756 {offsets = [15], sizes = [1], strides = [1]} : vector<16xf32> to vector<1xf32>
      %squeeze3A_764 = vector.extract %slice3A_763[0] : f32 from vector<1xf32>
      %broadcast_in_dim3A_765 = vector.broadcast %squeeze3A_764 : f32 to vector<16xf32>
      %get3A_766 = arith.constant 0 : i32
      %get3A_767 = arith.constant 5 : i32
      %get3A_768 = arith.index_cast %get3A_766 : i32 to index
      %get3A_769 = arith.index_cast %get3A_767 : i32 to index
      %get3A_770 = arith.index_cast %mul3A_675 : i32 to index
      %get3A_771 = tpu.vector_load %arg4[%get3A_768, %get3A_769, %get3A_770] {strides = array<i32>} : memref<3x16x2048xf32, #tpu.memory_space<vmem>>, vector<16xf32>,
      %broadcast_in_dim3A_772 = arith.constant true
      %broadcast_in_dim3A_773 = vector.broadcast %broadcast_in_dim3A_772 : i1 to vector<16xi1>
      %masked_cumsum3A_774 = tpu.scan <sum>, %get3A_771 masked %broadcast_in_dim3A_773 : vector<16xf32>, vector<16xi1> -> vector<16xf32>
      %add3A_775 = arith.addf %masked_cumsum3A_774, %scan3A_663 : vector<16xf32>
      %swap3A_776 = arith.constant 0 : i32
      %swap3A_777 = arith.constant 5 : i32
      %swap3A_778 = arith.index_cast %swap3A_776 : i32 to index
      %swap3A_779 = arith.index_cast %swap3A_777 : i32 to index
      %swap3A_780 = arith.index_cast %mul3A_675 : i32 to index
      %swap3A_781 = tpu.vector_load %arg4[%swap3A_778, %swap3A_779, %swap3A_780] {strides = array<i32>} : memref<3x16x2048xf32, #tpu.memory_space<vmem>>, vector<16xf32>,
      tpu.vector_store %arg4[%swap3A_778, %swap3A_779, %swap3A_780], %add3A_775 {strides = array<i32>} : memref<3x16x2048xf32, #tpu.memory_space<vmem>>, vector<16xf32>,
      %slice3A_782 = vector.extract_strided_slice %add3A_775 {offsets = [15], sizes = [1], strides = [1]} : vector<16xf32> to vector<1xf32>
      %squeeze3A_783 = vector.extract %slice3A_782[0] : f32 from vector<1xf32>
      %broadcast_in_dim3A_784 = vector.broadcast %squeeze3A_783 : f32 to vector<16xf32>
      %get3A_785 = arith.constant 0 : i32
      %get3A_786 = arith.constant 6 : i32
      %get3A_787 = arith.index_cast %get3A_785 : i32 to index
      %get3A_788 = arith.index_cast %get3A_786 : i32 to index
      %get3A_789 = arith.index_cast %mul3A_675 : i32 to index
      %get3A_790 = tpu.vector_load %arg4[%get3A_787, %get3A_788, %get3A_789] {strides = array<i32>} : memref<3x16x2048xf32, #tpu.memory_space<vmem>>, vector<16xf32>,
      %broadcast_in_dim3A_791 = arith.constant true
      %broadcast_in_dim3A_792 = vector.broadcast %broadcast_in_dim3A_791 : i1 to vector<16xi1>
      %masked_cumsum3A_793 = tpu.scan <sum>, %get3A_790 masked %broadcast_in_dim3A_792 : vector<16xf32>, vector<16xi1> -> vector<16xf32>
      %add3A_794 = arith.addf %masked_cumsum3A_793, %scan3A_664 : vector<16xf32>
      %swap3A_795 = arith.constant 0 : i32
      %swap3A_796 = arith.constant 6 : i32
      %swap3A_797 = arith.index_cast %swap3A_795 : i32 to index
      %swap3A_798 = arith.index_cast %swap3A_796 : i32 to index
      %swap3A_799 = arith.index_cast %mul3A_675 : i32 to index
      %swap3A_800 = tpu.vector_load %arg4[%swap3A_797, %swap3A_798, %swap3A_799] {strides = array<i32>} : memref<3x16x2048xf32, #tpu.memory_space<vmem>>, vector<16xf32>,
      tpu.vector_store %arg4[%swap3A_797, %swap3A_798, %swap3A_799], %add3A_794 {strides = array<i32>} : memref<3x16x2048xf32, #tpu.memory_space<vmem>>, vector<16xf32>,
      %slice3A_801 = vector.extract_strided_slice %add3A_794 {offsets = [15], sizes = [1], strides = [1]} : vector<16xf32> to vector<1xf32>
      %squeeze3A_802 = vector.extract %slice3A_801[0] : f32 from vector<1xf32>
      %broadcast_in_dim3A_803 = vector.broadcast %squeeze3A_802 : f32 to vector<16xf32>
      %get3A_804 = arith.constant 0 : i32
      %get3A_805 = arith.constant 7 : i32
      %get3A_806 = arith.index_cast %get3A_804 : i32 to index
      %get3A_807 = arith.index_cast %get3A_805 : i32 to index
      %get3A_808 = arith.index_cast %mul3A_675 : i32 to index
      %get3A_809 = tpu.vector_load %arg4[%get3A_806, %get3A_807, %get3A_808] {strides = array<i32>} : memref<3x16x2048xf32, #tpu.memory_space<vmem>>, vector<16xf32>,
      %broadcast_in_dim3A_810 = arith.constant true
      %broadcast_in_dim3A_811 = vector.broadcast %broadcast_in_dim3A_810 : i1 to vector<16xi1>
      %masked_cumsum3A_812 = tpu.scan <sum>, %get3A_809 masked %broadcast_in_dim3A_811 : vector<16xf32>, vector<16xi1> -> vector<16xf32>
      %add3A_813 = arith.addf %masked_cumsum3A_812, %scan3A_665 : vector<16xf32>
      %swap3A_814 = arith.constant 0 : i32
      %swap3A_815 = arith.constant 7 : i32
      %swap3A_816 = arith.index_cast %swap3A_814 : i32 to index
      %swap3A_817 = arith.index_cast %swap3A_815 : i32 to index
      %swap3A_818 = arith.index_cast %mul3A_675 : i32 to index
      %swap3A_819 = tpu.vector_load %arg4[%swap3A_816, %swap3A_817, %swap3A_818] {strides = array<i32>} : memref<3x16x2048xf32, #tpu.memory_space<vmem>>, vector<16xf32>,
      tpu.vector_store %arg4[%swap3A_816, %swap3A_817, %swap3A_818], %add3A_813 {strides = array<i32>} : memref<3x16x2048xf32, #tpu.memory_space<vmem>>, vector<16xf32>,
      %slice3A_820 = vector.extract_strided_slice %add3A_813 {offsets = [15], sizes = [1], strides = [1]} : vector<16xf32> to vector<1xf32>
      %squeeze3A_821 = vector.extract %slice3A_820[0] : f32 from vector<1xf32>
      %broadcast_in_dim3A_822 = vector.broadcast %squeeze3A_821 : f32 to vector<16xf32>
      %get3A_823 = arith.constant 0 : i32
      %get3A_824 = arith.constant 8 : i32
      %get3A_825 = arith.index_cast %get3A_823 : i32 to index
      %get3A_826 = arith.index_cast %get3A_824 : i32 to index
      %get3A_827 = arith.index_cast %mul3A_675 : i32 to index
      %get3A_828 = tpu.vector_load %arg4[%get3A_825, %get3A_826, %get3A_827] {strides = array<i32>} : memref<3x16x2048xf32, #tpu.memory_space<vmem>>, vector<16xf32>,
      %broadcast_in_dim3A_829 = arith.constant true
      %broadcast_in_dim3A_830 = vector.broadcast %broadcast_in_dim3A_829 : i1 to vector<16xi1>
      %masked_cumsum3A_831 = tpu.scan <sum>, %get3A_828 masked %broadcast_in_dim3A_830 : vector<16xf32>, vector<16xi1> -> vector<16xf32>
      %add3A_832 = arith.addf %masked_cumsum3A_831, %scan3A_666 : vector<16xf32>
      %swap3A_833 = arith.constant 0 : i32
      %swap3A_834 = arith.constant 8 : i32
      %swap3A_835 = arith.index_cast %swap3A_833 : i32 to index
      %swap3A_836 = arith.index_cast %swap3A_834 : i32 to index
      %swap3A_837 = arith.index_cast %mul3A_675 : i32 to index
      %swap3A_838 = tpu.vector_load %arg4[%swap3A_835, %swap3A_836, %swap3A_837] {strides = array<i32>} : memref<3x16x2048xf32, #tpu.memory_space<vmem>>, vector<16xf32>,
      tpu.vector_store %arg4[%swap3A_835, %swap3A_836, %swap3A_837], %add3A_832 {strides = array<i32>} : memref<3x16x2048xf32, #tpu.memory_space<vmem>>, vector<16xf32>,
      %slice3A_839 = vector.extract_strided_slice %add3A_832 {offsets = [15], sizes = [1], strides = [1]} : vector<16xf32> to vector<1xf32>
      %squeeze3A_840 = vector.extract %slice3A_839[0] : f32 from vector<1xf32>
      %broadcast_in_dim3A_841 = vector.broadcast %squeeze3A_840 : f32 to vector<16xf32>
      %get3A_842 = arith.constant 0 : i32
      %get3A_843 = arith.constant 9 : i32
      %get3A_844 = arith.index_cast %get3A_842 : i32 to index
      %get3A_845 = arith.index_cast %get3A_843 : i32 to index
      %get3A_846 = arith.index_cast %mul3A_675 : i32 to index
      %get3A_847 = tpu.vector_load %arg4[%get3A_844, %get3A_845, %get3A_846] {strides = array<i32>} : memref<3x16x2048xf32, #tpu.memory_space<vmem>>, vector<16xf32>,
      %broadcast_in_dim3A_848 = arith.constant true
      %broadcast_in_dim3A_849 = vector.broadcast %broadcast_in_dim3A_848 : i1 to vector<16xi1>
      %masked_cumsum3A_850 = tpu.scan <sum>, %get3A_847 masked %broadcast_in_dim3A_849 : vector<16xf32>, vector<16xi1> -> vector<16xf32>
      %add3A_851 = arith.addf %masked_cumsum3A_850, %scan3A_667 : vector<16xf32>
      %swap3A_852 = arith.constant 0 : i32
      %swap3A_853 = arith.constant 9 : i32
      %swap3A_854 = arith.index_cast %swap3A_852 : i32 to index
      %swap3A_855 = arith.index_cast %swap3A_853 : i32 to index
      %swap3A_856 = arith.index_cast %mul3A_675 : i32 to index
      %swap3A_857 = tpu.vector_load %arg4[%swap3A_854, %swap3A_855, %swap3A_856] {strides = array<i32>} : memref<3x16x2048xf32, #tpu.memory_space<vmem>>, vector<16xf32>,
      tpu.vector_store %arg4[%swap3A_854, %swap3A_855, %swap3A_856], %add3A_851 {strides = array<i32>} : memref<3x16x2048xf32, #tpu.memory_space<vmem>>, vector<16xf32>,
      %slice3A_858 = vector.extract_strided_slice %add3A_851 {offsets = [15], sizes = [1], strides = [1]} : vector<16xf32> to vector<1xf32>
      %squeeze3A_859 = vector.extract %slice3A_858[0] : f32 from vector<1xf32>
      %broadcast_in_dim3A_860 = vector.broadcast %squeeze3A_859 : f32 to vector<16xf32>
      %get3A_861 = arith.constant 0 : i32
      %get3A_862 = arith.constant 10 : i32
      %get3A_863 = arith.index_cast %get3A_861 : i32 to index
      %get3A_864 = arith.index_cast %get3A_862 : i32 to index
      %get3A_865 = arith.index_cast %mul3A_675 : i32 to index
      %get3A_866 = tpu.vector_load %arg4[%get3A_863, %get3A_864, %get3A_865] {strides = array<i32>} : memref<3x16x2048xf32, #tpu.memory_space<vmem>>, vector<16xf32>,
      %broadcast_in_dim3A_867 = arith.constant true
      %broadcast_in_dim3A_868 = vector.broadcast %broadcast_in_dim3A_867 : i1 to vector<16xi1>
      %masked_cumsum3A_869 = tpu.scan <sum>, %get3A_866 masked %broadcast_in_dim3A_868 : vector<16xf32>, vector<16xi1> -> vector<16xf32>
      %add3A_870 = arith.addf %masked_cumsum3A_869, %scan3A_668 : vector<16xf32>
      %swap3A_871 = arith.constant 0 : i32
      %swap3A_872 = arith.constant 10 : i32
      %swap3A_873 = arith.index_cast %swap3A_871 : i32 to index
      %swap3A_874 = arith.index_cast %swap3A_872 : i32 to index
      %swap3A_875 = arith.index_cast %mul3A_675 : i32 to index
      %swap3A_876 = tpu.vector_load %arg4[%swap3A_873, %swap3A_874, %swap3A_875] {strides = array<i32>} : memref<3x16x2048xf32, #tpu.memory_space<vmem>>, vector<16xf32>,
      tpu.vector_store %arg4[%swap3A_873, %swap3A_874, %swap3A_875], %add3A_870 {strides = array<i32>} : memref<3x16x2048xf32, #tpu.memory_space<vmem>>, vector<16xf32>,
      %slice3A_877 = vector.extract_strided_slice %add3A_870 {offsets = [15], sizes = [1], strides = [1]} : vector<16xf32> to vector<1xf32>
      %squeeze3A_878 = vector.extract %slice3A_877[0] : f32 from vector<1xf32>
      %broadcast_in_dim3A_879 = vector.broadcast %squeeze3A_878 : f32 to vector<16xf32>
      %get3A_880 = arith.constant 0 : i32
      %get3A_881 = arith.constant 11 : i32
      %get3A_882 = arith.index_cast %get3A_880 : i32 to index
      %get3A_883 = arith.index_cast %get3A_881 : i32 to index
      %get3A_884 = arith.index_cast %mul3A_675 : i32 to index
      %get3A_885 = tpu.vector_load %arg4[%get3A_882, %get3A_883, %get3A_884] {strides = array<i32>} : memref<3x16x2048xf32, #tpu.memory_space<vmem>>, vector<16xf32>,
      %broadcast_in_dim3A_886 = arith.constant true
      %broadcast_in_dim3A_887 = vector.broadcast %broadcast_in_dim3A_886 : i1 to vector<16xi1>
      %masked_cumsum3A_888 = tpu.scan <sum>, %get3A_885 masked %broadcast_in_dim3A_887 : vector<16xf32>, vector<16xi1> -> vector<16xf32>
      %add3A_889 = arith.addf %masked_cumsum3A_888, %scan3A_669 : vector<16xf32>
      %swap3A_890 = arith.constant 0 : i32
      %swap3A_891 = arith.constant 11 : i32
      %swap3A_892 = arith.index_cast %swap3A_890 : i32 to index
      %swap3A_893 = arith.index_cast %swap3A_891 : i32 to index
      %swap3A_894 = arith.index_cast %mul3A_675 : i32 to index
      %swap3A_895 = tpu.vector_load %arg4[%swap3A_892, %swap3A_893, %swap3A_894] {strides = array<i32>} : memref<3x16x2048xf32, #tpu.memory_space<vmem>>, vector<16xf32>,
      tpu.vector_store %arg4[%swap3A_892, %swap3A_893, %swap3A_894], %add3A_889 {strides = array<i32>} : memref<3x16x2048xf32, #tpu.memory_space<vmem>>, vector<16xf32>,
      %slice3A_896 = vector.extract_strided_slice %add3A_889 {offsets = [15], sizes = [1], strides = [1]} : vector<16xf32> to vector<1xf32>
      %squeeze3A_897 = vector.extract %slice3A_896[0] : f32 from vector<1xf32>
      %broadcast_in_dim3A_898 = vector.broadcast %squeeze3A_897 : f32 to vector<16xf32>
      %get3A_899 = arith.constant 0 : i32
      %get3A_900 = arith.constant 12 : i32
      %get3A_901 = arith.index_cast %get3A_899 : i32 to index
      %get3A_902 = arith.index_cast %get3A_900 : i32 to index
      %get3A_903 = arith.index_cast %mul3A_675 : i32 to index
      %get3A_904 = tpu.vector_load %arg4[%get3A_901, %get3A_902, %get3A_903] {strides = array<i32>} : memref<3x16x2048xf32, #tpu.memory_space<vmem>>, vector<16xf32>,
      %broadcast_in_dim3A_905 = arith.constant true
      %broadcast_in_dim3A_906 = vector.broadcast %broadcast_in_dim3A_905 : i1 to vector<16xi1>
      %masked_cumsum3A_907 = tpu.scan <sum>, %get3A_904 masked %broadcast_in_dim3A_906 : vector<16xf32>, vector<16xi1> -> vector<16xf32>
      %add3A_908 = arith.addf %masked_cumsum3A_907, %scan3A_670 : vector<16xf32>
      %swap3A_909 = arith.constant 0 : i32
      %swap3A_910 = arith.constant 12 : i32
      %swap3A_911 = arith.index_cast %swap3A_909 : i32 to index
      %swap3A_912 = arith.index_cast %swap3A_910 : i32 to index
      %swap3A_913 = arith.index_cast %mul3A_675 : i32 to index
      %swap3A_914 = tpu.vector_load %arg4[%swap3A_911, %swap3A_912, %swap3A_913] {strides = array<i32>} : memref<3x16x2048xf32, #tpu.memory_space<vmem>>, vector<16xf32>,
      tpu.vector_store %arg4[%swap3A_911, %swap3A_912, %swap3A_913], %add3A_908 {strides = array<i32>} : memref<3x16x2048xf32, #tpu.memory_space<vmem>>, vector<16xf32>,
      %slice3A_915 = vector.extract_strided_slice %add3A_908 {offsets = [15], sizes = [1], strides = [1]} : vector<16xf32> to vector<1xf32>
      %squeeze3A_916 = vector.extract %slice3A_915[0] : f32 from vector<1xf32>
      %broadcast_in_dim3A_917 = vector.broadcast %squeeze3A_916 : f32 to vector<16xf32>
      %get3A_918 = arith.constant 0 : i32
      %get3A_919 = arith.constant 13 : i32
      %get3A_920 = arith.index_cast %get3A_918 : i32 to index
      %get3A_921 = arith.index_cast %get3A_919 : i32 to index
      %get3A_922 = arith.index_cast %mul3A_675 : i32 to index
      %get3A_923 = tpu.vector_load %arg4[%get3A_920, %get3A_921, %get3A_922] {strides = array<i32>} : memref<3x16x2048xf32, #tpu.memory_space<vmem>>, vector<16xf32>,
      %broadcast_in_dim3A_924 = arith.constant true
      %broadcast_in_dim3A_925 = vector.broadcast %broadcast_in_dim3A_924 : i1 to vector<16xi1>
      %masked_cumsum3A_926 = tpu.scan <sum>, %get3A_923 masked %broadcast_in_dim3A_925 : vector<16xf32>, vector<16xi1> -> vector<16xf32>
      %add3A_927 = arith.addf %masked_cumsum3A_926, %scan3A_671 : vector<16xf32>
      %swap3A_928 = arith.constant 0 : i32
      %swap3A_929 = arith.constant 13 : i32
      %swap3A_930 = arith.index_cast %swap3A_928 : i32 to index
      %swap3A_931 = arith.index_cast %swap3A_929 : i32 to index
      %swap3A_932 = arith.index_cast %mul3A_675 : i32 to index
      %swap3A_933 = tpu.vector_load %arg4[%swap3A_930, %swap3A_931, %swap3A_932] {strides = array<i32>} : memref<3x16x2048xf32, #tpu.memory_space<vmem>>, vector<16xf32>,
      tpu.vector_store %arg4[%swap3A_930, %swap3A_931, %swap3A_932], %add3A_927 {strides = array<i32>} : memref<3x16x2048xf32, #tpu.memory_space<vmem>>, vector<16xf32>,
      %slice3A_934 = vector.extract_strided_slice %add3A_927 {offsets = [15], sizes = [1], strides = [1]} : vector<16xf32> to vector<1xf32>
      %squeeze3A_935 = vector.extract %slice3A_934[0] : f32 from vector<1xf32>
      %broadcast_in_dim3A_936 = vector.broadcast %squeeze3A_935 : f32 to vector<16xf32>
      %get3A_937 = arith.constant 0 : i32
      %get3A_938 = arith.constant 14 : i32
      %get3A_939 = arith.index_cast %get3A_937 : i32 to index
      %get3A_940 = arith.index_cast %get3A_938 : i32 to index
      %get3A_941 = arith.index_cast %mul3A_675 : i32 to index
      %get3A_942 = tpu.vector_load %arg4[%get3A_939, %get3A_940, %get3A_941] {strides = array<i32>} : memref<3x16x2048xf32, #tpu.memory_space<vmem>>, vector<16xf32>,
      %broadcast_in_dim3A_943 = arith.constant true
      %broadcast_in_dim3A_944 = vector.broadcast %broadcast_in_dim3A_943 : i1 to vector<16xi1>
      %masked_cumsum3A_945 = tpu.scan <sum>, %get3A_942 masked %broadcast_in_dim3A_944 : vector<16xf32>, vector<16xi1> -> vector<16xf32>
      %add3A_946 = arith.addf %masked_cumsum3A_945, %scan3A_672 : vector<16xf32>
      %swap3A_947 = arith.constant 0 : i32
      %swap3A_948 = arith.constant 14 : i32
      %swap3A_949 = arith.index_cast %swap3A_947 : i32 to index
      %swap3A_950 = arith.index_cast %swap3A_948 : i32 to index
      %swap3A_951 = arith.index_cast %mul3A_675 : i32 to index
      %swap3A_952 = tpu.vector_load %arg4[%swap3A_949, %swap3A_950, %swap3A_951] {strides = array<i32>} : memref<3x16x2048xf32, #tpu.memory_space<vmem>>, vector<16xf32>,
      tpu.vector_store %arg4[%swap3A_949, %swap3A_950, %swap3A_951], %add3A_946 {strides = array<i32>} : memref<3x16x2048xf32, #tpu.memory_space<vmem>>, vector<16xf32>,
      %slice3A_953 = vector.extract_strided_slice %add3A_946 {offsets = [15], sizes = [1], strides = [1]} : vector<16xf32> to vector<1xf32>
      %squeeze3A_954 = vector.extract %slice3A_953[0] : f32 from vector<1xf32>
      %broadcast_in_dim3A_955 = vector.broadcast %squeeze3A_954 : f32 to vector<16xf32>
      %get3A_956 = arith.constant 0 : i32
      %get3A_957 = arith.constant 15 : i32
      %get3A_958 = arith.index_cast %get3A_956 : i32 to index
      %get3A_959 = arith.index_cast %get3A_957 : i32 to index
      %get3A_960 = arith.index_cast %mul3A_675 : i32 to index
      %get3A_961 = tpu.vector_load %arg4[%get3A_958, %get3A_959, %get3A_960] {strides = array<i32>} : memref<3x16x2048xf32, #tpu.memory_space<vmem>>, vector<16xf32>,
      %broadcast_in_dim3A_962 = arith.constant true
      %broadcast_in_dim3A_963 = vector.broadcast %broadcast_in_dim3A_962 : i1 to vector<16xi1>
      %masked_cumsum3A_964 = tpu.scan <sum>, %get3A_961 masked %broadcast_in_dim3A_963 : vector<16xf32>, vector<16xi1> -> vector<16xf32>
      %add3A_965 = arith.addf %masked_cumsum3A_964, %scan3A_673 : vector<16xf32>
      %swap3A_966 = arith.constant 0 : i32
      %swap3A_967 = arith.constant 15 : i32
      %swap3A_968 = arith.index_cast %swap3A_966 : i32 to index
      %swap3A_969 = arith.index_cast %swap3A_967 : i32 to index
      %swap3A_970 = arith.index_cast %mul3A_675 : i32 to index
      %swap3A_971 = tpu.vector_load %arg4[%swap3A_968, %swap3A_969, %swap3A_970] {strides = array<i32>} : memref<3x16x2048xf32, #tpu.memory_space<vmem>>, vector<16xf32>,
      tpu.vector_store %arg4[%swap3A_968, %swap3A_969, %swap3A_970], %add3A_965 {strides = array<i32>} : memref<3x16x2048xf32, #tpu.memory_space<vmem>>, vector<16xf32>,
      %slice3A_972 = vector.extract_strided_slice %add3A_965 {offsets = [15], sizes = [1], strides = [1]} : vector<16xf32> to vector<1xf32>
      %squeeze3A_973 = vector.extract %slice3A_972[0] : f32 from vector<1xf32>
      %broadcast_in_dim3A_974 = vector.broadcast %squeeze3A_973 : f32 to vector<16xf32>
      scf.yield %broadcast_in_dim3A_689, %broadcast_in_dim3A_708, %broadcast_in_dim3A_727, %broadcast_in_dim3A_746, %broadcast_in_dim3A_765, %broadcast_in_dim3A_784, %broadcast_in_dim3A_803, %broadcast_in_dim3A_822, %broadcast_in_dim3A_841, %broadcast_in_dim3A_860, %broadcast_in_dim3A_879, %broadcast_in_dim3A_898, %broadcast_in_dim3A_917, %broadcast_in_dim3A_936, %broadcast_in_dim3A_955, %broadcast_in_dim3A_974 : vector<16xf32>, vector<16xf32>, vector<16xf32>, vector<16xf32>, vector<16xf32>, vector<16xf32>, vector<16xf32>, vector<16xf32>, vector<16xf32>, vector<16xf32>, vector<16xf32>, vector<16xf32>, vector<16xf32>, vector<16xf32>, vector<16xf32>, vector<16xf32>
    }
    %scan3A_568 = arith.constant 128 : i32
    %add3A_569 = arith.constant 48 : i32
    %add3A_570 = arith.addi %mul3A_2, %add3A_569 : i32
    %dma_start3A_571 = arith.constant 0 : i32
    %dma_start3A_572 = arith.constant 0 : i32
    %dma_start3A_573 = arith.constant 0 : i32
    %dma_start3A_574 = tpu.memref_slice %arg4[%dma_start3A_571, %dma_start3A_572, %dma_start3A_573] : memref<3x16x2048xf32, #tpu.memory_space<vmem>> -> memref<1x16x2048xf32, #tpu.memory_space<vmem>>
    %dma_start3A_575 = tpu.memref_squeeze %dma_start3A_574 : memref<1x16x2048xf32, #tpu.memory_space<vmem>> -> memref<16x2048xf32, #tpu.memory_space<vmem>>
    %dma_start3A_576 = arith.constant 0 : i32
    %dma_start3A_577 = tpu.memref_slice %arg3[%add3A_570, %dma_start3A_576] : memref<2048x4096xf32, #tpu.memory_space<hbm>> -> memref<16x2048xf32, #tpu.memory_space<hbm>>
    %dma_start3A_578 = arith.constant 0 : i32
    %dma_start3A_579 = tpu.memref_slice %arg3[%add3A_570, %dma_start3A_578] : memref<2048x4096xf32, #tpu.memory_space<hbm>> -> memref<16x2048xf32, #tpu.memory_space<hbm>>
    %dma_start3A_580 = arith.constant 0 : i32
    %dma_start3A_581 = arith.constant 0 : i32
    %dma_start3A_582 = tpu.memref_slice %arg4[%dma_start3A_571, %dma_start3A_580, %dma_start3A_581] : memref<3x16x2048xf32, #tpu.memory_space<vmem>> -> memref<1x16x2048xf32, #tpu.memory_space<vmem>>
    %dma_start3A_583 = tpu.memref_squeeze %dma_start3A_582 : memref<1x16x2048xf32, #tpu.memory_space<vmem>> -> memref<16x2048xf32, #tpu.memory_space<vmem>>
    tpu.enqueue_dma source(%dma_start3A_583 : memref<16x2048xf32, #tpu.memory_space<vmem>>) target(%dma_start3A_579 : memref<16x2048xf32, #tpu.memory_space<hbm>>) target_semaphore(%arg8 : memref<!tpu.dma_semaphore, #tpu.memory_space<semaphore_mem>>)
    %dma_wait3A_584 = arith.constant 1 : i32
    %dma_wait3A_585 = arith.constant 0 : i32
    %dma_wait3A_586 = arith.constant 0 : i32
    %dma_wait3A_587 = tpu.memref_slice %arg4[%dma_wait3A_584, %dma_wait3A_585, %dma_wait3A_586] : memref<3x16x2048xf32, #tpu.memory_space<vmem>> -> memref<1x16x2048xf32, #tpu.memory_space<vmem>>
    %dma_wait3A_588 = tpu.memref_squeeze %dma_wait3A_587 : memref<1x16x2048xf32, #tpu.memory_space<vmem>> -> memref<16x2048xf32, #tpu.memory_space<vmem>>
    %dma_wait3A_589 = arith.constant 2048 : i32
    %dma_wait3A_590 = tpu.memref_slice %arg2[%add3A_470, %dma_wait3A_589] : memref<2048x4096xf32, #tpu.memory_space<hbm>> -> memref<16x2048xf32, #tpu.memory_space<hbm>>
    %dma_wait3A_591 = arith.constant 0 : i32
    %dma_wait3A_592 = arith.constant 0 : i32
    %dma_wait3A_593 = tpu.memref_slice %arg4[%dma_wait3A_584, %dma_wait3A_591, %dma_wait3A_592] : memref<3x16x2048xf32, #tpu.memory_space<vmem>> -> memref<1x16x2048xf32, #tpu.memory_space<vmem>>
    %dma_wait3A_594 = tpu.memref_squeeze %dma_wait3A_593 : memref<1x16x2048xf32, #tpu.memory_space<vmem>> -> memref<16x2048xf32, #tpu.memory_space<vmem>>
    %dma_wait3A_595 = arith.constant 2048 : i32
    %dma_wait3A_596 = tpu.memref_slice %arg2[%add3A_470, %dma_wait3A_595] : memref<2048x4096xf32, #tpu.memory_space<hbm>> -> memref<16x2048xf32, #tpu.memory_space<hbm>>
    tpu.wait_dma2 semaphore(%arg6 : memref<!tpu.dma_semaphore, #tpu.memory_space<semaphore_mem>>) src(%dma_wait3A_596 : memref<16x2048xf32, #tpu.memory_space<hbm>>) dst(%dma_wait3A_594 : memref<16x2048xf32, #tpu.memory_space<vmem>>)
    %scan3A_597 = arith.constant 0 : i32
    %scan3A_598 = arith.constant 128 : i32
    %scan3A_599 = arith.addi %scan3A_597, %scan3A_598 : i32
    %scan3A_600 = arith.constant 1 : i32
    %scan3A_601:16 = scf.for %scan3A_657 = %scan3A_597 to %scan3A_599 step %scan3A_600 iter_args(%scan3A_658 = %scan3A_567#0, %scan3A_659 = %scan3A_567#1, %scan3A_660 = %scan3A_567#2, %scan3A_661 = %scan3A_567#3, %scan3A_662 = %scan3A_567#4, %scan3A_663 = %scan3A_567#5, %scan3A_664 = %scan3A_567#6, %scan3A_665 = %scan3A_567#7, %scan3A_666 = %scan3A_567#8, %scan3A_667 = %scan3A_567#9, %scan3A_668 = %scan3A_567#10, %scan3A_669 = %scan3A_567#11, %scan3A_670 = %scan3A_567#12, %scan3A_671 = %scan3A_567#13, %scan3A_672 = %scan3A_567#14, %scan3A_673 = %scan3A_567#15) -> (vector<16xf32>, vector<16xf32>, vector<16xf32>, vector<16xf32>, vector<16xf32>, vector<16xf32>, vector<16xf32>, vector<16xf32>, vector<16xf32>, vector<16xf32>, vector<16xf32>, vector<16xf32>, vector<16xf32>, vector<16xf32>, vector<16xf32>, vector<16xf32>)  : i32 {
      %mul3A_674 = arith.constant 16 : i32
      %mul3A_675 = arith.muli %scan3A_657, %mul3A_674 : i32
      %get3A = arith.constant 1 : i32
      %get3A_676 = arith.constant 0 : i32
      %get3A_677 = arith.index_cast %get3A : i32 to index
      %get3A_678 = arith.index_cast %get3A_676 : i32 to index
      %get3A_679 = arith.index_cast %mul3A_675 : i32 to index
      %get3A_680 = tpu.vector_load %arg4[%get3A_677, %get3A_678, %get3A_679] {strides = array<i32>} : memref<3x16x2048xf32, #tpu.memory_space<vmem>>, vector<16xf32>,
      %broadcast_in_dim3A_681 = arith.constant true
      %broadcast_in_dim3A_682 = vector.broadcast %broadcast_in_dim3A_681 : i1 to vector<16xi1>
      %masked_cumsum3A = tpu.scan <sum>, %get3A_680 masked %broadcast_in_dim3A_682 : vector<16xf32>, vector<16xi1> -> vector<16xf32>
      %add3A_683 = arith.addf %masked_cumsum3A, %scan3A_658 : vector<16xf32>
      %swap3A = arith.constant 1 : i32
      %swap3A_684 = arith.constant 0 : i32
      %swap3A_685 = arith.index_cast %swap3A : i32 to index
      %swap3A_686 = arith.index_cast %swap3A_684 : i32 to index
      %swap3A_687 = arith.index_cast %mul3A_675 : i32 to index
      %swap3A_688 = tpu.vector_load %arg4[%swap3A_685, %swap3A_686, %swap3A_687] {strides = array<i32>} : memref<3x16x2048xf32, #tpu.memory_space<vmem>>, vector<16xf32>,
      tpu.vector_store %arg4[%swap3A_685, %swap3A_686, %swap3A_687], %add3A_683 {strides = array<i32>} : memref<3x16x2048xf32, #tpu.memory_space<vmem>>, vector<16xf32>,
      %slice3A = vector.extract_strided_slice %add3A_683 {offsets = [15], sizes = [1], strides = [1]} : vector<16xf32> to vector<1xf32>
      %squeeze3A = vector.extract %slice3A[0] : f32 from vector<1xf32>
      %broadcast_in_dim3A_689 = vector.broadcast %squeeze3A : f32 to vector<16xf32>
      %get3A_690 = arith.constant 1 : i32
      %get3A_691 = arith.constant 1 : i32
      %get3A_692 = arith.index_cast %get3A_690 : i32 to index
      %get3A_693 = arith.index_cast %get3A_691 : i32 to index
      %get3A_694 = arith.index_cast %mul3A_675 : i32 to index
      %get3A_695 = tpu.vector_load %arg4[%get3A_692, %get3A_693, %get3A_694] {strides = array<i32>} : memref<3x16x2048xf32, #tpu.memory_space<vmem>>, vector<16xf32>,
      %broadcast_in_dim3A_696 = arith.constant true
      %broadcast_in_dim3A_697 = vector.broadcast %broadcast_in_dim3A_696 : i1 to vector<16xi1>
      %masked_cumsum3A_698 = tpu.scan <sum>, %get3A_695 masked %broadcast_in_dim3A_697 : vector<16xf32>, vector<16xi1> -> vector<16xf32>
      %add3A_699 = arith.addf %masked_cumsum3A_698, %scan3A_659 : vector<16xf32>
      %swap3A_700 = arith.constant 1 : i32
      %swap3A_701 = arith.constant 1 : i32
      %swap3A_702 = arith.index_cast %swap3A_700 : i32 to index
      %swap3A_703 = arith.index_cast %swap3A_701 : i32 to index
      %swap3A_704 = arith.index_cast %mul3A_675 : i32 to index
      %swap3A_705 = tpu.vector_load %arg4[%swap3A_702, %swap3A_703, %swap3A_704] {strides = array<i32>} : memref<3x16x2048xf32, #tpu.memory_space<vmem>>, vector<16xf32>,
      tpu.vector_store %arg4[%swap3A_702, %swap3A_703, %swap3A_704], %add3A_699 {strides = array<i32>} : memref<3x16x2048xf32, #tpu.memory_space<vmem>>, vector<16xf32>,
      %slice3A_706 = vector.extract_strided_slice %add3A_699 {offsets = [15], sizes = [1], strides = [1]} : vector<16xf32> to vector<1xf32>
      %squeeze3A_707 = vector.extract %slice3A_706[0] : f32 from vector<1xf32>
      %broadcast_in_dim3A_708 = vector.broadcast %squeeze3A_707 : f32 to vector<16xf32>
      %get3A_709 = arith.constant 1 : i32
      %get3A_710 = arith.constant 2 : i32
      %get3A_711 = arith.index_cast %get3A_709 : i32 to index
      %get3A_712 = arith.index_cast %get3A_710 : i32 to index
      %get3A_713 = arith.index_cast %mul3A_675 : i32 to index
      %get3A_714 = tpu.vector_load %arg4[%get3A_711, %get3A_712, %get3A_713] {strides = array<i32>} : memref<3x16x2048xf32, #tpu.memory_space<vmem>>, vector<16xf32>,
      %broadcast_in_dim3A_715 = arith.constant true
      %broadcast_in_dim3A_716 = vector.broadcast %broadcast_in_dim3A_715 : i1 to vector<16xi1>
      %masked_cumsum3A_717 = tpu.scan <sum>, %get3A_714 masked %broadcast_in_dim3A_716 : vector<16xf32>, vector<16xi1> -> vector<16xf32>
      %add3A_718 = arith.addf %masked_cumsum3A_717, %scan3A_660 : vector<16xf32>
      %swap3A_719 = arith.constant 1 : i32
      %swap3A_720 = arith.constant 2 : i32
      %swap3A_721 = arith.index_cast %swap3A_719 : i32 to index
      %swap3A_722 = arith.index_cast %swap3A_720 : i32 to index
      %swap3A_723 = arith.index_cast %mul3A_675 : i32 to index
      %swap3A_724 = tpu.vector_load %arg4[%swap3A_721, %swap3A_722, %swap3A_723] {strides = array<i32>} : memref<3x16x2048xf32, #tpu.memory_space<vmem>>, vector<16xf32>,
      tpu.vector_store %arg4[%swap3A_721, %swap3A_722, %swap3A_723], %add3A_718 {strides = array<i32>} : memref<3x16x2048xf32, #tpu.memory_space<vmem>>, vector<16xf32>,
      %slice3A_725 = vector.extract_strided_slice %add3A_718 {offsets = [15], sizes = [1], strides = [1]} : vector<16xf32> to vector<1xf32>
      %squeeze3A_726 = vector.extract %slice3A_725[0] : f32 from vector<1xf32>
      %broadcast_in_dim3A_727 = vector.broadcast %squeeze3A_726 : f32 to vector<16xf32>
      %get3A_728 = arith.constant 1 : i32
      %get3A_729 = arith.constant 3 : i32
      %get3A_730 = arith.index_cast %get3A_728 : i32 to index
      %get3A_731 = arith.index_cast %get3A_729 : i32 to index
      %get3A_732 = arith.index_cast %mul3A_675 : i32 to index
      %get3A_733 = tpu.vector_load %arg4[%get3A_730, %get3A_731, %get3A_732] {strides = array<i32>} : memref<3x16x2048xf32, #tpu.memory_space<vmem>>, vector<16xf32>,
      %broadcast_in_dim3A_734 = arith.constant true
      %broadcast_in_dim3A_735 = vector.broadcast %broadcast_in_dim3A_734 : i1 to vector<16xi1>
      %masked_cumsum3A_736 = tpu.scan <sum>, %get3A_733 masked %broadcast_in_dim3A_735 : vector<16xf32>, vector<16xi1> -> vector<16xf32>
      %add3A_737 = arith.addf %masked_cumsum3A_736, %scan3A_661 : vector<16xf32>
      %swap3A_738 = arith.constant 1 : i32
      %swap3A_739 = arith.constant 3 : i32
      %swap3A_740 = arith.index_cast %swap3A_738 : i32 to index
      %swap3A_741 = arith.index_cast %swap3A_739 : i32 to index
      %swap3A_742 = arith.index_cast %mul3A_675 : i32 to index
      %swap3A_743 = tpu.vector_load %arg4[%swap3A_740, %swap3A_741, %swap3A_742] {strides = array<i32>} : memref<3x16x2048xf32, #tpu.memory_space<vmem>>, vector<16xf32>,
      tpu.vector_store %arg4[%swap3A_740, %swap3A_741, %swap3A_742], %add3A_737 {strides = array<i32>} : memref<3x16x2048xf32, #tpu.memory_space<vmem>>, vector<16xf32>,
      %slice3A_744 = vector.extract_strided_slice %add3A_737 {offsets = [15], sizes = [1], strides = [1]} : vector<16xf32> to vector<1xf32>
      %squeeze3A_745 = vector.extract %slice3A_744[0] : f32 from vector<1xf32>
      %broadcast_in_dim3A_746 = vector.broadcast %squeeze3A_745 : f32 to vector<16xf32>
      %get3A_747 = arith.constant 1 : i32
      %get3A_748 = arith.constant 4 : i32
      %get3A_749 = arith.index_cast %get3A_747 : i32 to index
      %get3A_750 = arith.index_cast %get3A_748 : i32 to index
      %get3A_751 = arith.index_cast %mul3A_675 : i32 to index
      %get3A_752 = tpu.vector_load %arg4[%get3A_749, %get3A_750, %get3A_751] {strides = array<i32>} : memref<3x16x2048xf32, #tpu.memory_space<vmem>>, vector<16xf32>,
      %broadcast_in_dim3A_753 = arith.constant true
      %broadcast_in_dim3A_754 = vector.broadcast %broadcast_in_dim3A_753 : i1 to vector<16xi1>
      %masked_cumsum3A_755 = tpu.scan <sum>, %get3A_752 masked %broadcast_in_dim3A_754 : vector<16xf32>, vector<16xi1> -> vector<16xf32>
      %add3A_756 = arith.addf %masked_cumsum3A_755, %scan3A_662 : vector<16xf32>
      %swap3A_757 = arith.constant 1 : i32
      %swap3A_758 = arith.constant 4 : i32
      %swap3A_759 = arith.index_cast %swap3A_757 : i32 to index
      %swap3A_760 = arith.index_cast %swap3A_758 : i32 to index
      %swap3A_761 = arith.index_cast %mul3A_675 : i32 to index
      %swap3A_762 = tpu.vector_load %arg4[%swap3A_759, %swap3A_760, %swap3A_761] {strides = array<i32>} : memref<3x16x2048xf32, #tpu.memory_space<vmem>>, vector<16xf32>,
      tpu.vector_store %arg4[%swap3A_759, %swap3A_760, %swap3A_761], %add3A_756 {strides = array<i32>} : memref<3x16x2048xf32, #tpu.memory_space<vmem>>, vector<16xf32>,
      %slice3A_763 = vector.extract_strided_slice %add3A_756 {offsets = [15], sizes = [1], strides = [1]} : vector<16xf32> to vector<1xf32>
      %squeeze3A_764 = vector.extract %slice3A_763[0] : f32 from vector<1xf32>
      %broadcast_in_dim3A_765 = vector.broadcast %squeeze3A_764 : f32 to vector<16xf32>
      %get3A_766 = arith.constant 1 : i32
      %get3A_767 = arith.constant 5 : i32
      %get3A_768 = arith.index_cast %get3A_766 : i32 to index
      %get3A_769 = arith.index_cast %get3A_767 : i32 to index
      %get3A_770 = arith.index_cast %mul3A_675 : i32 to index
      %get3A_771 = tpu.vector_load %arg4[%get3A_768, %get3A_769, %get3A_770] {strides = array<i32>} : memref<3x16x2048xf32, #tpu.memory_space<vmem>>, vector<16xf32>,
      %broadcast_in_dim3A_772 = arith.constant true
      %broadcast_in_dim3A_773 = vector.broadcast %broadcast_in_dim3A_772 : i1 to vector<16xi1>
      %masked_cumsum3A_774 = tpu.scan <sum>, %get3A_771 masked %broadcast_in_dim3A_773 : vector<16xf32>, vector<16xi1> -> vector<16xf32>
      %add3A_775 = arith.addf %masked_cumsum3A_774, %scan3A_663 : vector<16xf32>
      %swap3A_776 = arith.constant 1 : i32
      %swap3A_777 = arith.constant 5 : i32
      %swap3A_778 = arith.index_cast %swap3A_776 : i32 to index
      %swap3A_779 = arith.index_cast %swap3A_777 : i32 to index
      %swap3A_780 = arith.index_cast %mul3A_675 : i32 to index
      %swap3A_781 = tpu.vector_load %arg4[%swap3A_778, %swap3A_779, %swap3A_780] {strides = array<i32>} : memref<3x16x2048xf32, #tpu.memory_space<vmem>>, vector<16xf32>,
      tpu.vector_store %arg4[%swap3A_778, %swap3A_779, %swap3A_780], %add3A_775 {strides = array<i32>} : memref<3x16x2048xf32, #tpu.memory_space<vmem>>, vector<16xf32>,
      %slice3A_782 = vector.extract_strided_slice %add3A_775 {offsets = [15], sizes = [1], strides = [1]} : vector<16xf32> to vector<1xf32>
      %squeeze3A_783 = vector.extract %slice3A_782[0] : f32 from vector<1xf32>
      %broadcast_in_dim3A_784 = vector.broadcast %squeeze3A_783 : f32 to vector<16xf32>
      %get3A_785 = arith.constant 1 : i32
      %get3A_786 = arith.constant 6 : i32
      %get3A_787 = arith.index_cast %get3A_785 : i32 to index
      %get3A_788 = arith.index_cast %get3A_786 : i32 to index
      %get3A_789 = arith.index_cast %mul3A_675 : i32 to index
      %get3A_790 = tpu.vector_load %arg4[%get3A_787, %get3A_788, %get3A_789] {strides = array<i32>} : memref<3x16x2048xf32, #tpu.memory_space<vmem>>, vector<16xf32>,
      %broadcast_in_dim3A_791 = arith.constant true
      %broadcast_in_dim3A_792 = vector.broadcast %broadcast_in_dim3A_791 : i1 to vector<16xi1>
      %masked_cumsum3A_793 = tpu.scan <sum>, %get3A_790 masked %broadcast_in_dim3A_792 : vector<16xf32>, vector<16xi1> -> vector<16xf32>
      %add3A_794 = arith.addf %masked_cumsum3A_793, %scan3A_664 : vector<16xf32>
      %swap3A_795 = arith.constant 1 : i32
      %swap3A_796 = arith.constant 6 : i32
      %swap3A_797 = arith.index_cast %swap3A_795 : i32 to index
      %swap3A_798 = arith.index_cast %swap3A_796 : i32 to index
      %swap3A_799 = arith.index_cast %mul3A_675 : i32 to index
      %swap3A_800 = tpu.vector_load %arg4[%swap3A_797, %swap3A_798, %swap3A_799] {strides = array<i32>} : memref<3x16x2048xf32, #tpu.memory_space<vmem>>, vector<16xf32>,
      tpu.vector_store %arg4[%swap3A_797, %swap3A_798, %swap3A_799], %add3A_794 {strides = array<i32>} : memref<3x16x2048xf32, #tpu.memory_space<vmem>>, vector<16xf32>,
      %slice3A_801 = vector.extract_strided_slice %add3A_794 {offsets = [15], sizes = [1], strides = [1]} : vector<16xf32> to vector<1xf32>
      %squeeze3A_802 = vector.extract %slice3A_801[0] : f32 from vector<1xf32>
      %broadcast_in_dim3A_803 = vector.broadcast %squeeze3A_802 : f32 to vector<16xf32>
      %get3A_804 = arith.constant 1 : i32
      %get3A_805 = arith.constant 7 : i32
      %get3A_806 = arith.index_cast %get3A_804 : i32 to index
      %get3A_807 = arith.index_cast %get3A_805 : i32 to index
      %get3A_808 = arith.index_cast %mul3A_675 : i32 to index
      %get3A_809 = tpu.vector_load %arg4[%get3A_806, %get3A_807, %get3A_808] {strides = array<i32>} : memref<3x16x2048xf32, #tpu.memory_space<vmem>>, vector<16xf32>,
      %broadcast_in_dim3A_810 = arith.constant true
      %broadcast_in_dim3A_811 = vector.broadcast %broadcast_in_dim3A_810 : i1 to vector<16xi1>
      %masked_cumsum3A_812 = tpu.scan <sum>, %get3A_809 masked %broadcast_in_dim3A_811 : vector<16xf32>, vector<16xi1> -> vector<16xf32>
      %add3A_813 = arith.addf %masked_cumsum3A_812, %scan3A_665 : vector<16xf32>
      %swap3A_814 = arith.constant 1 : i32
      %swap3A_815 = arith.constant 7 : i32
      %swap3A_816 = arith.index_cast %swap3A_814 : i32 to index
      %swap3A_817 = arith.index_cast %swap3A_815 : i32 to index
      %swap3A_818 = arith.index_cast %mul3A_675 : i32 to index
      %swap3A_819 = tpu.vector_load %arg4[%swap3A_816, %swap3A_817, %swap3A_818] {strides = array<i32>} : memref<3x16x2048xf32, #tpu.memory_space<vmem>>, vector<16xf32>,
      tpu.vector_store %arg4[%swap3A_816, %swap3A_817, %swap3A_818], %add3A_813 {strides = array<i32>} : memref<3x16x2048xf32, #tpu.memory_space<vmem>>, vector<16xf32>,
      %slice3A_820 = vector.extract_strided_slice %add3A_813 {offsets = [15], sizes = [1], strides = [1]} : vector<16xf32> to vector<1xf32>
      %squeeze3A_821 = vector.extract %slice3A_820[0] : f32 from vector<1xf32>
      %broadcast_in_dim3A_822 = vector.broadcast %squeeze3A_821 : f32 to vector<16xf32>
      %get3A_823 = arith.constant 1 : i32
      %get3A_824 = arith.constant 8 : i32
      %get3A_825 = arith.index_cast %get3A_823 : i32 to index
      %get3A_826 = arith.index_cast %get3A_824 : i32 to index
      %get3A_827 = arith.index_cast %mul3A_675 : i32 to index
      %get3A_828 = tpu.vector_load %arg4[%get3A_825, %get3A_826, %get3A_827] {strides = array<i32>} : memref<3x16x2048xf32, #tpu.memory_space<vmem>>, vector<16xf32>,
      %broadcast_in_dim3A_829 = arith.constant true
      %broadcast_in_dim3A_830 = vector.broadcast %broadcast_in_dim3A_829 : i1 to vector<16xi1>
      %masked_cumsum3A_831 = tpu.scan <sum>, %get3A_828 masked %broadcast_in_dim3A_830 : vector<16xf32>, vector<16xi1> -> vector<16xf32>
      %add3A_832 = arith.addf %masked_cumsum3A_831, %scan3A_666 : vector<16xf32>
      %swap3A_833 = arith.constant 1 : i32
      %swap3A_834 = arith.constant 8 : i32
      %swap3A_835 = arith.index_cast %swap3A_833 : i32 to index
      %swap3A_836 = arith.index_cast %swap3A_834 : i32 to index
      %swap3A_837 = arith.index_cast %mul3A_675 : i32 to index
      %swap3A_838 = tpu.vector_load %arg4[%swap3A_835, %swap3A_836, %swap3A_837] {strides = array<i32>} : memref<3x16x2048xf32, #tpu.memory_space<vmem>>, vector<16xf32>,
      tpu.vector_store %arg4[%swap3A_835, %swap3A_836, %swap3A_837], %add3A_832 {strides = array<i32>} : memref<3x16x2048xf32, #tpu.memory_space<vmem>>, vector<16xf32>,
      %slice3A_839 = vector.extract_strided_slice %add3A_832 {offsets = [15], sizes = [1], strides = [1]} : vector<16xf32> to vector<1xf32>
      %squeeze3A_840 = vector.extract %slice3A_839[0] : f32 from vector<1xf32>
      %broadcast_in_dim3A_841 = vector.broadcast %squeeze3A_840 : f32 to vector<16xf32>
      %get3A_842 = arith.constant 1 : i32
      %get3A_843 = arith.constant 9 : i32
      %get3A_844 = arith.index_cast %get3A_842 : i32 to index
      %get3A_845 = arith.index_cast %get3A_843 : i32 to index
      %get3A_846 = arith.index_cast %mul3A_675 : i32 to index
      %get3A_847 = tpu.vector_load %arg4[%get3A_844, %get3A_845, %get3A_846] {strides = array<i32>} : memref<3x16x2048xf32, #tpu.memory_space<vmem>>, vector<16xf32>,
      %broadcast_in_dim3A_848 = arith.constant true
      %broadcast_in_dim3A_849 = vector.broadcast %broadcast_in_dim3A_848 : i1 to vector<16xi1>
      %masked_cumsum3A_850 = tpu.scan <sum>, %get3A_847 masked %broadcast_in_dim3A_849 : vector<16xf32>, vector<16xi1> -> vector<16xf32>
      %add3A_851 = arith.addf %masked_cumsum3A_850, %scan3A_667 : vector<16xf32>
      %swap3A_852 = arith.constant 1 : i32
      %swap3A_853 = arith.constant 9 : i32
      %swap3A_854 = arith.index_cast %swap3A_852 : i32 to index
      %swap3A_855 = arith.index_cast %swap3A_853 : i32 to index
      %swap3A_856 = arith.index_cast %mul3A_675 : i32 to index
      %swap3A_857 = tpu.vector_load %arg4[%swap3A_854, %swap3A_855, %swap3A_856] {strides = array<i32>} : memref<3x16x2048xf32, #tpu.memory_space<vmem>>, vector<16xf32>,
      tpu.vector_store %arg4[%swap3A_854, %swap3A_855, %swap3A_856], %add3A_851 {strides = array<i32>} : memref<3x16x2048xf32, #tpu.memory_space<vmem>>, vector<16xf32>,
      %slice3A_858 = vector.extract_strided_slice %add3A_851 {offsets = [15], sizes = [1], strides = [1]} : vector<16xf32> to vector<1xf32>
      %squeeze3A_859 = vector.extract %slice3A_858[0] : f32 from vector<1xf32>
      %broadcast_in_dim3A_860 = vector.broadcast %squeeze3A_859 : f32 to vector<16xf32>
      %get3A_861 = arith.constant 1 : i32
      %get3A_862 = arith.constant 10 : i32
      %get3A_863 = arith.index_cast %get3A_861 : i32 to index
      %get3A_864 = arith.index_cast %get3A_862 : i32 to index
      %get3A_865 = arith.index_cast %mul3A_675 : i32 to index
      %get3A_866 = tpu.vector_load %arg4[%get3A_863, %get3A_864, %get3A_865] {strides = array<i32>} : memref<3x16x2048xf32, #tpu.memory_space<vmem>>, vector<16xf32>,
      %broadcast_in_dim3A_867 = arith.constant true
      %broadcast_in_dim3A_868 = vector.broadcast %broadcast_in_dim3A_867 : i1 to vector<16xi1>
      %masked_cumsum3A_869 = tpu.scan <sum>, %get3A_866 masked %broadcast_in_dim3A_868 : vector<16xf32>, vector<16xi1> -> vector<16xf32>
      %add3A_870 = arith.addf %masked_cumsum3A_869, %scan3A_668 : vector<16xf32>
      %swap3A_871 = arith.constant 1 : i32
      %swap3A_872 = arith.constant 10 : i32
      %swap3A_873 = arith.index_cast %swap3A_871 : i32 to index
      %swap3A_874 = arith.index_cast %swap3A_872 : i32 to index
      %swap3A_875 = arith.index_cast %mul3A_675 : i32 to index
      %swap3A_876 = tpu.vector_load %arg4[%swap3A_873, %swap3A_874, %swap3A_875] {strides = array<i32>} : memref<3x16x2048xf32, #tpu.memory_space<vmem>>, vector<16xf32>,
      tpu.vector_store %arg4[%swap3A_873, %swap3A_874, %swap3A_875], %add3A_870 {strides = array<i32>} : memref<3x16x2048xf32, #tpu.memory_space<vmem>>, vector<16xf32>,
      %slice3A_877 = vector.extract_strided_slice %add3A_870 {offsets = [15], sizes = [1], strides = [1]} : vector<16xf32> to vector<1xf32>
      %squeeze3A_878 = vector.extract %slice3A_877[0] : f32 from vector<1xf32>
      %broadcast_in_dim3A_879 = vector.broadcast %squeeze3A_878 : f32 to vector<16xf32>
      %get3A_880 = arith.constant 1 : i32
      %get3A_881 = arith.constant 11 : i32
      %get3A_882 = arith.index_cast %get3A_880 : i32 to index
      %get3A_883 = arith.index_cast %get3A_881 : i32 to index
      %get3A_884 = arith.index_cast %mul3A_675 : i32 to index
      %get3A_885 = tpu.vector_load %arg4[%get3A_882, %get3A_883, %get3A_884] {strides = array<i32>} : memref<3x16x2048xf32, #tpu.memory_space<vmem>>, vector<16xf32>,
      %broadcast_in_dim3A_886 = arith.constant true
      %broadcast_in_dim3A_887 = vector.broadcast %broadcast_in_dim3A_886 : i1 to vector<16xi1>
      %masked_cumsum3A_888 = tpu.scan <sum>, %get3A_885 masked %broadcast_in_dim3A_887 : vector<16xf32>, vector<16xi1> -> vector<16xf32>
      %add3A_889 = arith.addf %masked_cumsum3A_888, %scan3A_669 : vector<16xf32>
      %swap3A_890 = arith.constant 1 : i32
      %swap3A_891 = arith.constant 11 : i32
      %swap3A_892 = arith.index_cast %swap3A_890 : i32 to index
      %swap3A_893 = arith.index_cast %swap3A_891 : i32 to index
      %swap3A_894 = arith.index_cast %mul3A_675 : i32 to index
      %swap3A_895 = tpu.vector_load %arg4[%swap3A_892, %swap3A_893, %swap3A_894] {strides = array<i32>} : memref<3x16x2048xf32, #tpu.memory_space<vmem>>, vector<16xf32>,
      tpu.vector_store %arg4[%swap3A_892, %swap3A_893, %swap3A_894], %add3A_889 {strides = array<i32>} : memref<3x16x2048xf32, #tpu.memory_space<vmem>>, vector<16xf32>,
      %slice3A_896 = vector.extract_strided_slice %add3A_889 {offsets = [15], sizes = [1], strides = [1]} : vector<16xf32> to vector<1xf32>
      %squeeze3A_897 = vector.extract %slice3A_896[0] : f32 from vector<1xf32>
      %broadcast_in_dim3A_898 = vector.broadcast %squeeze3A_897 : f32 to vector<16xf32>
      %get3A_899 = arith.constant 1 : i32
      %get3A_900 = arith.constant 12 : i32
      %get3A_901 = arith.index_cast %get3A_899 : i32 to index
      %get3A_902 = arith.index_cast %get3A_900 : i32 to index
      %get3A_903 = arith.index_cast %mul3A_675 : i32 to index
      %get3A_904 = tpu.vector_load %arg4[%get3A_901, %get3A_902, %get3A_903] {strides = array<i32>} : memref<3x16x2048xf32, #tpu.memory_space<vmem>>, vector<16xf32>,
      %broadcast_in_dim3A_905 = arith.constant true
      %broadcast_in_dim3A_906 = vector.broadcast %broadcast_in_dim3A_905 : i1 to vector<16xi1>
      %masked_cumsum3A_907 = tpu.scan <sum>, %get3A_904 masked %broadcast_in_dim3A_906 : vector<16xf32>, vector<16xi1> -> vector<16xf32>
      %add3A_908 = arith.addf %masked_cumsum3A_907, %scan3A_670 : vector<16xf32>
      %swap3A_909 = arith.constant 1 : i32
      %swap3A_910 = arith.constant 12 : i32
      %swap3A_911 = arith.index_cast %swap3A_909 : i32 to index
      %swap3A_912 = arith.index_cast %swap3A_910 : i32 to index
      %swap3A_913 = arith.index_cast %mul3A_675 : i32 to index
      %swap3A_914 = tpu.vector_load %arg4[%swap3A_911, %swap3A_912, %swap3A_913] {strides = array<i32>} : memref<3x16x2048xf32, #tpu.memory_space<vmem>>, vector<16xf32>,
      tpu.vector_store %arg4[%swap3A_911, %swap3A_912, %swap3A_913], %add3A_908 {strides = array<i32>} : memref<3x16x2048xf32, #tpu.memory_space<vmem>>, vector<16xf32>,
      %slice3A_915 = vector.extract_strided_slice %add3A_908 {offsets = [15], sizes = [1], strides = [1]} : vector<16xf32> to vector<1xf32>
      %squeeze3A_916 = vector.extract %slice3A_915[0] : f32 from vector<1xf32>
      %broadcast_in_dim3A_917 = vector.broadcast %squeeze3A_916 : f32 to vector<16xf32>
      %get3A_918 = arith.constant 1 : i32
      %get3A_919 = arith.constant 13 : i32
      %get3A_920 = arith.index_cast %get3A_918 : i32 to index
      %get3A_921 = arith.index_cast %get3A_919 : i32 to index
      %get3A_922 = arith.index_cast %mul3A_675 : i32 to index
      %get3A_923 = tpu.vector_load %arg4[%get3A_920, %get3A_921, %get3A_922] {strides = array<i32>} : memref<3x16x2048xf32, #tpu.memory_space<vmem>>, vector<16xf32>,
      %broadcast_in_dim3A_924 = arith.constant true
      %broadcast_in_dim3A_925 = vector.broadcast %broadcast_in_dim3A_924 : i1 to vector<16xi1>
      %masked_cumsum3A_926 = tpu.scan <sum>, %get3A_923 masked %broadcast_in_dim3A_925 : vector<16xf32>, vector<16xi1> -> vector<16xf32>
      %add3A_927 = arith.addf %masked_cumsum3A_926, %scan3A_671 : vector<16xf32>
      %swap3A_928 = arith.constant 1 : i32
      %swap3A_929 = arith.constant 13 : i32
      %swap3A_930 = arith.index_cast %swap3A_928 : i32 to index
      %swap3A_931 = arith.index_cast %swap3A_929 : i32 to index
      %swap3A_932 = arith.index_cast %mul3A_675 : i32 to index
      %swap3A_933 = tpu.vector_load %arg4[%swap3A_930, %swap3A_931, %swap3A_932] {strides = array<i32>} : memref<3x16x2048xf32, #tpu.memory_space<vmem>>, vector<16xf32>,
      tpu.vector_store %arg4[%swap3A_930, %swap3A_931, %swap3A_932], %add3A_927 {strides = array<i32>} : memref<3x16x2048xf32, #tpu.memory_space<vmem>>, vector<16xf32>,
      %slice3A_934 = vector.extract_strided_slice %add3A_927 {offsets = [15], sizes = [1], strides = [1]} : vector<16xf32> to vector<1xf32>
      %squeeze3A_935 = vector.extract %slice3A_934[0] : f32 from vector<1xf32>
      %broadcast_in_dim3A_936 = vector.broadcast %squeeze3A_935 : f32 to vector<16xf32>
      %get3A_937 = arith.constant 1 : i32
      %get3A_938 = arith.constant 14 : i32
      %get3A_939 = arith.index_cast %get3A_937 : i32 to index
      %get3A_940 = arith.index_cast %get3A_938 : i32 to index
      %get3A_941 = arith.index_cast %mul3A_675 : i32 to index
      %get3A_942 = tpu.vector_load %arg4[%get3A_939, %get3A_940, %get3A_941] {strides = array<i32>} : memref<3x16x2048xf32, #tpu.memory_space<vmem>>, vector<16xf32>,
      %broadcast_in_dim3A_943 = arith.constant true
      %broadcast_in_dim3A_944 = vector.broadcast %broadcast_in_dim3A_943 : i1 to vector<16xi1>
      %masked_cumsum3A_945 = tpu.scan <sum>, %get3A_942 masked %broadcast_in_dim3A_944 : vector<16xf32>, vector<16xi1> -> vector<16xf32>
      %add3A_946 = arith.addf %masked_cumsum3A_945, %scan3A_672 : vector<16xf32>
      %swap3A_947 = arith.constant 1 : i32
      %swap3A_948 = arith.constant 14 : i32
      %swap3A_949 = arith.index_cast %swap3A_947 : i32 to index
      %swap3A_950 = arith.index_cast %swap3A_948 : i32 to index
      %swap3A_951 = arith.index_cast %mul3A_675 : i32 to index
      %swap3A_952 = tpu.vector_load %arg4[%swap3A_949, %swap3A_950, %swap3A_951] {strides = array<i32>} : memref<3x16x2048xf32, #tpu.memory_space<vmem>>, vector<16xf32>,
      tpu.vector_store %arg4[%swap3A_949, %swap3A_950, %swap3A_951], %add3A_946 {strides = array<i32>} : memref<3x16x2048xf32, #tpu.memory_space<vmem>>, vector<16xf32>,
      %slice3A_953 = vector.extract_strided_slice %add3A_946 {offsets = [15], sizes = [1], strides = [1]} : vector<16xf32> to vector<1xf32>
      %squeeze3A_954 = vector.extract %slice3A_953[0] : f32 from vector<1xf32>
      %broadcast_in_dim3A_955 = vector.broadcast %squeeze3A_954 : f32 to vector<16xf32>
      %get3A_956 = arith.constant 1 : i32
      %get3A_957 = arith.constant 15 : i32
      %get3A_958 = arith.index_cast %get3A_956 : i32 to index
      %get3A_959 = arith.index_cast %get3A_957 : i32 to index
      %get3A_960 = arith.index_cast %mul3A_675 : i32 to index
      %get3A_961 = tpu.vector_load %arg4[%get3A_958, %get3A_959, %get3A_960] {strides = array<i32>} : memref<3x16x2048xf32, #tpu.memory_space<vmem>>, vector<16xf32>,
      %broadcast_in_dim3A_962 = arith.constant true
      %broadcast_in_dim3A_963 = vector.broadcast %broadcast_in_dim3A_962 : i1 to vector<16xi1>
      %masked_cumsum3A_964 = tpu.scan <sum>, %get3A_961 masked %broadcast_in_dim3A_963 : vector<16xf32>, vector<16xi1> -> vector<16xf32>
      %add3A_965 = arith.addf %masked_cumsum3A_964, %scan3A_673 : vector<16xf32>
      %swap3A_966 = arith.constant 1 : i32
      %swap3A_967 = arith.constant 15 : i32
      %swap3A_968 = arith.index_cast %swap3A_966 : i32 to index
      %swap3A_969 = arith.index_cast %swap3A_967 : i32 to index
      %swap3A_970 = arith.index_cast %mul3A_675 : i32 to index
      %swap3A_971 = tpu.vector_load %arg4[%swap3A_968, %swap3A_969, %swap3A_970] {strides = array<i32>} : memref<3x16x2048xf32, #tpu.memory_space<vmem>>, vector<16xf32>,
      tpu.vector_store %arg4[%swap3A_968, %swap3A_969, %swap3A_970], %add3A_965 {strides = array<i32>} : memref<3x16x2048xf32, #tpu.memory_space<vmem>>, vector<16xf32>,
      %slice3A_972 = vector.extract_strided_slice %add3A_965 {offsets = [15], sizes = [1], strides = [1]} : vector<16xf32> to vector<1xf32>
      %squeeze3A_973 = vector.extract %slice3A_972[0] : f32 from vector<1xf32>
      %broadcast_in_dim3A_974 = vector.broadcast %squeeze3A_973 : f32 to vector<16xf32>
      scf.yield %broadcast_in_dim3A_689, %broadcast_in_dim3A_708, %broadcast_in_dim3A_727, %broadcast_in_dim3A_746, %broadcast_in_dim3A_765, %broadcast_in_dim3A_784, %broadcast_in_dim3A_803, %broadcast_in_dim3A_822, %broadcast_in_dim3A_841, %broadcast_in_dim3A_860, %broadcast_in_dim3A_879, %broadcast_in_dim3A_898, %broadcast_in_dim3A_917, %broadcast_in_dim3A_936, %broadcast_in_dim3A_955, %broadcast_in_dim3A_974 : vector<16xf32>, vector<16xf32>, vector<16xf32>, vector<16xf32>, vector<16xf32>, vector<16xf32>, vector<16xf32>, vector<16xf32>, vector<16xf32>, vector<16xf32>, vector<16xf32>, vector<16xf32>, vector<16xf32>, vector<16xf32>, vector<16xf32>, vector<16xf32>
    }
    %scan3A_602 = arith.constant 128 : i32
    %add3A_603 = arith.constant 48 : i32
    %add3A_604 = arith.addi %mul3A_2, %add3A_603 : i32
    %dma_start3A_605 = arith.constant 1 : i32
    %dma_start3A_606 = arith.constant 0 : i32
    %dma_start3A_607 = arith.constant 0 : i32
    %dma_start3A_608 = tpu.memref_slice %arg4[%dma_start3A_605, %dma_start3A_606, %dma_start3A_607] : memref<3x16x2048xf32, #tpu.memory_space<vmem>> -> memref<1x16x2048xf32, #tpu.memory_space<vmem>>
    %dma_start3A_609 = tpu.memref_squeeze %dma_start3A_608 : memref<1x16x2048xf32, #tpu.memory_space<vmem>> -> memref<16x2048xf32, #tpu.memory_space<vmem>>
    %dma_start3A_610 = arith.constant 2048 : i32
    %dma_start3A_611 = tpu.memref_slice %arg3[%add3A_604, %dma_start3A_610] : memref<2048x4096xf32, #tpu.memory_space<hbm>> -> memref<16x2048xf32, #tpu.memory_space<hbm>>
    %dma_start3A_612 = arith.constant 2048 : i32
    %dma_start3A_613 = tpu.memref_slice %arg3[%add3A_604, %dma_start3A_612] : memref<2048x4096xf32, #tpu.memory_space<hbm>> -> memref<16x2048xf32, #tpu.memory_space<hbm>>
    %dma_start3A_614 = arith.constant 0 : i32
    %dma_start3A_615 = arith.constant 0 : i32
    %dma_start3A_616 = tpu.memref_slice %arg4[%dma_start3A_605, %dma_start3A_614, %dma_start3A_615] : memref<3x16x2048xf32, #tpu.memory_space<vmem>> -> memref<1x16x2048xf32, #tpu.memory_space<vmem>>
    %dma_start3A_617 = tpu.memref_squeeze %dma_start3A_616 : memref<1x16x2048xf32, #tpu.memory_space<vmem>> -> memref<16x2048xf32, #tpu.memory_space<vmem>>
    tpu.enqueue_dma source(%dma_start3A_617 : memref<16x2048xf32, #tpu.memory_space<vmem>>) target(%dma_start3A_613 : memref<16x2048xf32, #tpu.memory_space<hbm>>) target_semaphore(%arg9 : memref<!tpu.dma_semaphore, #tpu.memory_space<semaphore_mem>>)
    %dma_wait3A_618 = arith.constant 1 : i32
    %dma_wait3A_619 = arith.constant 0 : i32
    %dma_wait3A_620 = arith.constant 0 : i32
    %dma_wait3A_621 = tpu.memref_slice %arg4[%dma_wait3A_618, %dma_wait3A_619, %dma_wait3A_620] : memref<3x16x2048xf32, #tpu.memory_space<vmem>> -> memref<1x16x2048xf32, #tpu.memory_space<vmem>>
    %dma_wait3A_622 = tpu.memref_squeeze %dma_wait3A_621 : memref<1x16x2048xf32, #tpu.memory_space<vmem>> -> memref<16x2048xf32, #tpu.memory_space<vmem>>
    %dma_wait3A_623 = arith.constant 2048 : i32
    %dma_wait3A_624 = tpu.memref_slice %arg3[%add3A_604, %dma_wait3A_623] : memref<2048x4096xf32, #tpu.memory_space<hbm>> -> memref<16x2048xf32, #tpu.memory_space<hbm>>
    %dma_wait3A_625 = arith.constant 2048 : i32
    %dma_wait3A_626 = tpu.memref_slice %arg3[%add3A_604, %dma_wait3A_625] : memref<2048x4096xf32, #tpu.memory_space<hbm>> -> memref<16x2048xf32, #tpu.memory_space<hbm>>
    %dma_wait3A_627 = arith.constant 0 : i32
    %dma_wait3A_628 = arith.constant 0 : i32
    %dma_wait3A_629 = tpu.memref_slice %arg4[%dma_wait3A_618, %dma_wait3A_627, %dma_wait3A_628] : memref<3x16x2048xf32, #tpu.memory_space<vmem>> -> memref<1x16x2048xf32, #tpu.memory_space<vmem>>
    %dma_wait3A_630 = tpu.memref_squeeze %dma_wait3A_629 : memref<1x16x2048xf32, #tpu.memory_space<vmem>> -> memref<16x2048xf32, #tpu.memory_space<vmem>>
    tpu.wait_dma2 semaphore(%arg9 : memref<!tpu.dma_semaphore, #tpu.memory_space<semaphore_mem>>) src(%dma_wait3A_630 : memref<16x2048xf32, #tpu.memory_space<vmem>>) dst(%dma_wait3A_626 : memref<16x2048xf32, #tpu.memory_space<hbm>>)
    %dma_wait3A_631 = arith.constant 0 : i32
    %dma_wait3A_632 = arith.constant 0 : i32
    %dma_wait3A_633 = arith.constant 0 : i32
    %dma_wait3A_634 = tpu.memref_slice %arg4[%dma_wait3A_631, %dma_wait3A_632, %dma_wait3A_633] : memref<3x16x2048xf32, #tpu.memory_space<vmem>> -> memref<1x16x2048xf32, #tpu.memory_space<vmem>>
    %dma_wait3A_635 = tpu.memref_squeeze %dma_wait3A_634 : memref<1x16x2048xf32, #tpu.memory_space<vmem>> -> memref<16x2048xf32, #tpu.memory_space<vmem>>
    %dma_wait3A_636 = arith.constant 0 : i32
    %dma_wait3A_637 = tpu.memref_slice %arg3[%add3A_570, %dma_wait3A_636] : memref<2048x4096xf32, #tpu.memory_space<hbm>> -> memref<16x2048xf32, #tpu.memory_space<hbm>>
    %dma_wait3A_638 = arith.constant 0 : i32
    %dma_wait3A_639 = tpu.memref_slice %arg3[%add3A_570, %dma_wait3A_638] : memref<2048x4096xf32, #tpu.memory_space<hbm>> -> memref<16x2048xf32, #tpu.memory_space<hbm>>
    %dma_wait3A_640 = arith.constant 0 : i32
    %dma_wait3A_641 = arith.constant 0 : i32
    %dma_wait3A_642 = tpu.memref_slice %arg4[%dma_wait3A_631, %dma_wait3A_640, %dma_wait3A_641] : memref<3x16x2048xf32, #tpu.memory_space<vmem>> -> memref<1x16x2048xf32, #tpu.memory_space<vmem>>
    %dma_wait3A_643 = tpu.memref_squeeze %dma_wait3A_642 : memref<1x16x2048xf32, #tpu.memory_space<vmem>> -> memref<16x2048xf32, #tpu.memory_space<vmem>>
    tpu.wait_dma2 semaphore(%arg8 : memref<!tpu.dma_semaphore, #tpu.memory_space<semaphore_mem>>) src(%dma_wait3A_643 : memref<16x2048xf32, #tpu.memory_space<vmem>>) dst(%dma_wait3A_639 : memref<16x2048xf32, #tpu.memory_space<hbm>>)
    %dma_wait3A_644 = arith.constant 2 : i32
    %dma_wait3A_645 = arith.constant 0 : i32
    %dma_wait3A_646 = arith.constant 0 : i32
    %dma_wait3A_647 = tpu.memref_slice %arg4[%dma_wait3A_644, %dma_wait3A_645, %dma_wait3A_646] : memref<3x16x2048xf32, #tpu.memory_space<vmem>> -> memref<1x16x2048xf32, #tpu.memory_space<vmem>>
    %dma_wait3A_648 = tpu.memref_squeeze %dma_wait3A_647 : memref<1x16x2048xf32, #tpu.memory_space<vmem>> -> memref<16x2048xf32, #tpu.memory_space<vmem>>
    %dma_wait3A_649 = arith.constant 2048 : i32
    %dma_wait3A_650 = tpu.memref_slice %arg3[%add3A_504, %dma_wait3A_649] : memref<2048x4096xf32, #tpu.memory_space<hbm>> -> memref<16x2048xf32, #tpu.memory_space<hbm>>
    %dma_wait3A_651 = arith.constant 2048 : i32
    %dma_wait3A_652 = tpu.memref_slice %arg3[%add3A_504, %dma_wait3A_651] : memref<2048x4096xf32, #tpu.memory_space<hbm>> -> memref<16x2048xf32, #tpu.memory_space<hbm>>
    %dma_wait3A_653 = arith.constant 0 : i32
    %dma_wait3A_654 = arith.constant 0 : i32
    %dma_wait3A_655 = tpu.memref_slice %arg4[%dma_wait3A_644, %dma_wait3A_653, %dma_wait3A_654] : memref<3x16x2048xf32, #tpu.memory_space<vmem>> -> memref<1x16x2048xf32, #tpu.memory_space<vmem>>
    %dma_wait3A_656 = tpu.memref_squeeze %dma_wait3A_655 : memref<1x16x2048xf32, #tpu.memory_space<vmem>> -> memref<16x2048xf32, #tpu.memory_space<vmem>>
    tpu.wait_dma2 semaphore(%arg10 : memref<!tpu.dma_semaphore, #tpu.memory_space<semaphore_mem>>) src(%dma_wait3A_656 : memref<16x2048xf32, #tpu.memory_space<vmem>>) dst(%dma_wait3A_652 : memref<16x2048xf32, #tpu.memory_space<hbm>>)
    return
  }
}

</mosaic_0001>

<sc_bundles>
// kernel: kernel.3.cloned.1.call-start
scs
__scs_entry_jumppad:
0x0: {  	(pc) =	sbr.rel $0x88, $3  }
0x1: {  	(tag) =	ssettag $0x0;
	lr =	simm.s32 $0x1  }
0x2: {  	[smem:$0x3FA0] =	sst lr;
	_ =	strace $0xD0000000  }
0x3: {  	_ = 	snop  }
0x4: {  	_ = 	snop  }
0x5: {  	_ = 	snop  }
0x6: {  	_ = 	snop  }
0x7: {  	_ = 	snop  }
__scs_overlays_trampoline_lowered:
0x8: {  	[smem:$0x3FAF] =	sst s0  }
0x9: {  	[smem:$0x3FB0] =	sst s1  }
0xa: {  	[smem:$0x3FB1] =	sst s2  }
0xb: {  	[smem:$0x3FB2] =	sst s3  }
0xc: {  	[smem:$0x3FB3] =	sst s4  }
0xd: {  	[smem:$0x3FB4] =	sst s5  }
0xe: {  	[smem:$0x3FB5] =	sst s6  }
0xf: {  	[smem:$0x3FB6] =	sst s7  }
0x10: {  	[smem:$0x3FB7] =	sst s8  }
0x11: {  	[smem:$0x3FB8] =	sst s9;
	s0 =	simm.s32 @!p0 $0x0  }
0x12: {  	s1 =	sld [smem:$0x3F9E];
	s0 =	simm.s32 @p0 $0x1  }
0x13: {  	[smem:$0x3FB9] =	sst s0;
	s0 =	simm.s32 @!p1 $0x0  }
0x14: {  	s2 =	sld [smem:$0x3F9D];
	s0 =	simm.s32 @p1 $0x1  }
0x15: {  	[smem:$0x3FBA] =	sst s0;
	s0 =	simm.s32 @!p2 $0x0  }
0x16: {  	s3 =	sld [smem:$0x3FDB];
	s0 =	simm.s32 @p2 $0x1  }
0x17: {  	s4 =	simm.s32 $0x1BF5;
	[smem:$0x3FBC] =	sst s0  }
0x18: {  	s0 =	sld [smem:$0x3F9F];
	_ =	swait.ge [sflag:s4], $0x0  }
0x19: {  	s7 =	sld [smem:$0x3FA0]  }
0x1a: {  	s8 =	sadd.s32 $0xFFFFE003, lr  }
0x1b: {  	s9 =	sadd.s32 $0xFFFFFEF7, lr;
	s5 =	simm.s32 $0xFFFFFFFF;
	p2 =	slt.u32 s8, $0xFFFFF086  }
0x1c: {  	p1 =	slt.u32 s9, $0xF7A;
	s5 =	simm.s32 @!p2 $0x0  }
0x1d: {  	s5 =	simm.s32 @p1 $0x1;
	p0 =	seq.s32 s7, s2  }
0x1e: {  	s7 =	smul.u32 @!p0 $0xF7A, s2;
	p2 =	seq.s32 @!p0 s5, $0x0  }
0x1f: {  	s9 =	smul.u32 $0xF7A, s1;
	s8 =	simm.s32 @!p0 $0x1BF5;
	p2 =	por !p2, p0  }
0x20: {  	[sflag:s8] =	ssyncset.s32 @!p0 $0xFFFFF086;
	s6 =	sadd.s32 @!p0 s3, s7;
	s7 =	simm.s32 @!p0 $0x108  }
0x21: {  	s3 =	sadd.s32 s3, s9;
	s6 =	sadd.s32 @!p0 $0x88, s6;
	s7 =	simm.s32 @p2 $0x1082  }
0x22: {  	[simem:s7], [sflag:s8] =	dma.local @!p0 [hbm:s6], $0xF7A  }
0x23: {  	s9 =	sor.u32 $0xD0000000, s2;
	s6 =	simm.s32 $0x108;
	_ =	swait.ge @!p0 [sflag:s8], $0x0  }
0x24: {  	s3 =	sadd.s32 $0x88, s3;
	s6 =	simm.s32 @!p1 $0x1082;
	[sflag:s4] =	ssyncset.s32 $0xFFFFF086  }
0x25: {  	[simem:s6], [sflag:s4] =	dma.local [hbm:s3], $0xF7A  }
0x26: {  	[smem:$0x3FA0] =	sst s1;
	(tag) =	ssettag s2;
	_ =	strace s9  }
0x27: {  	s1 =	sld [smem:$0x3FB0]  }
0x28: {  	s2 =	sld [smem:$0x3FB1]  }
0x29: {  	s4 =	sld [smem:$0x3FB3]  }
0x2a: {  	p0 =	seq.s32 s5, $0x0;
	s5 =	sld [smem:$0x3FB4]  }
0x2b: {  	s6 =	sld [smem:$0x3FB5]  }
0x2c: {  	s7 =	sld [smem:$0x3FB6]  }
0x2d: {  	s3 =	simm.s32 $0x108;
	s8 =	sld [smem:$0x3FB7]  }
0x2e: {  	s3 =	simm.s32 @!p0 $0x1082;
	s9 =	sld [smem:$0x3FB8]  }
0x2f: {  	lr =	sadd.s32 s0, s3;
	s0 =	sld [smem:$0x3FAF]  }
0x30: {  	s3 =	sld [smem:$0x3FB2]  }
0x31: {  	[smem:$0x3FBB] =	sst s10  }
0x32: {  	s10 =	sld [smem:$0x3FB9];
	_ =	sdelay $0x3  }
0x33: {  	p0 =	seq.s32 s10, $0x1;
	s10 =	sld [smem:$0x3FBB];
	_ =	sdelay $0x3  }
0x34: {  	[smem:$0x3FBB] =	sst s10  }
0x35: {  	s10 =	sld [smem:$0x3FBA];
	_ =	sdelay $0x3  }
0x36: {  	p1 =	seq.s32 s10, $0x1;
	s10 =	sld [smem:$0x3FBB];
	_ =	sdelay $0x3  }
0x37: {  	[smem:$0x3FBB] =	sst s10  }
0x38: {  	s10 =	sld [smem:$0x3FBC]  }
0x39: {  	_ = 	snop;
	(pc) =	sbr.ind lr, $3  }
0x3a: {  	_ = 	snop  }
0x3b: {  	_ = 	snop  }
0x3c: {  	p2 =	seq.s32 s10, $0x1;
	s10 =	sld [smem:$0x3FBB]  }
0x3d: {  	_ =	shalt  }
0x3e: {  	_ =	shalt  }
0x3f: {  	_ =	shalt  }
0x40: {  	_ =	shalt  }
0x41: {  	_ =	shalt  }
0x42: {  	_ =	shalt  }
0x43: {  	_ =	shalt  }
0x44: {  	_ =	shalt  }
0x45: {  	_ =	shalt  }
0x46: {  	_ =	shalt  }
0x47: {  	_ =	shalt  }
0x48: {  	_ =	shalt  }
0x49: {  	_ =	shalt  }
0x4a: {  	_ =	shalt  }
0x4b: {  	_ =	shalt  }
0x4c: {  	_ =	shalt  }
0x4d: {  	_ =	shalt  }
0x4e: {  	_ =	shalt  }
0x4f: {  	_ =	shalt  }
0x50: {  	_ =	shalt  }
0x51: {  	_ =	shalt  }
0x52: {  	_ =	shalt  }
0x53: {  	_ =	shalt  }
0x54: {  	_ =	shalt  }
0x55: {  	_ =	shalt  }
0x56: {  	_ =	shalt  }
0x57: {  	_ =	shalt  }
0x58: {  	_ =	shalt  }
0x59: {  	_ =	shalt  }
0x5a: {  	_ =	shalt  }
0x5b: {  	_ =	shalt  }
0x5c: {  	_ =	shalt  }
0x5d: {  	_ =	shalt  }
0x5e: {  	_ =	shalt  }
0x5f: {  	_ =	shalt  }
0x60: {  	_ =	shalt  }
0x61: {  	_ =	shalt  }
0x62: {  	_ =	shalt  }
0x63: {  	_ =	shalt  }
0x64: {  	_ =	shalt  }
0x65: {  	_ =	shalt  }
0x66: {  	_ =	shalt  }
0x67: {  	_ =	shalt  }
0x68: {  	_ =	shalt  }
0x69: {  	_ =	shalt  }
0x6a: {  	_ =	shalt  }
0x6b: {  	_ =	shalt  }
0x6c: {  	_ =	shalt  }
0x6d: {  	_ =	shalt  }
0x6e: {  	_ =	shalt  }
0x6f: {  	_ =	shalt  }
0x70: {  	_ =	shalt  }
0x71: {  	_ =	shalt  }
0x72: {  	_ =	shalt  }
0x73: {  	_ =	shalt  }
0x74: {  	_ =	shalt  }
0x75: {  	_ =	shalt  }
0x76: {  	_ =	shalt  }
0x77: {  	_ =	shalt  }
0x78: {  	_ =	shalt  }
0x79: {  	_ =	shalt  }
0x7a: {  	_ =	shalt  }
0x7b: {  	_ =	shalt  }
0x7c: {  	_ =	shalt  }
0x7d: {  	_ =	shalt  }
0x7e: {  	_ =	shalt  }
0x7f: {  	_ =	shalt  }
0x80: {  	_ =	shalt  }
0x81: {  	_ =	shalt  }
0x82: {  	_ =	shalt  }
0x83: {  	_ =	shalt  }
0x84: {  	_ =	shalt  }
0x85: {  	_ =	shalt  }
0x86: {  	_ =	shalt  }
0x87: {  	_ =	shalt  }
.Lfunc_end0:
.L_simem_size_0:
called_computation_lowered:
.L_overlay_start_0:
0x88: {  	s2 =	sld [smem:$0x3FD9]  }
0x89: {  	s3 =	sld [smem:$0x3FFE];
	_ =	sdelay $0x1  }
0x8a: {  	s1 =	srdreg.scid  }
0x8b: {  	s0 =	sand.u32 $0x1, s1  }
0x8c: {  	s18 =	sshll.u32 s0, $0xA;
	s2 =	sadd.s32 s3, s2  }
0x8d: {  	s2 =	sadd.s32 s2, s18  }
0x8e: {  	[smem:$0x3FC7] =	sst s2  }
0x8f: {  	_ = 	snop  }
0x90: {  	s2 =	sld [smem:$0x3FC9]  }
0x91: {  	s19 =	sld [smem:$0x3FD0];
	(tm) =	ssettm $0x1  }
0x92: {  	s4 =	sld [smem:$0x3FFB];
	_ =	sdelay $0x3  }
0x93: {  	_ =	strace s4  }
0x94: {  	s4 =	sld [smem:$0x3FFC];
	_ =	sdelay $0x3  }
0x95: {  	_ =	strace s4  }
0x96: {  	s4 =	sld [smem:$0x3FFD];
	_ =	sdelay $0x3  }
0x97: {  	_ =	strace s4  }
0x98: {  	_ =	strace $0x8FFFFFFF  }
0x99: {  	s20 =	sld [smem:$0x3FDB];
	_ =	sdelay $0x1  }
0x9a: {  	s5 =	simm.s32 $_scs_section_size  }
0x9b: {  	s6 =	simm.s32 $_size__tile_overlayer_lowered;
	s7 =	simm.s32 $_tile_overlayer_lowered  }
0x9c: {  	s23 =	simm.s32 $0x1BFF;
	s22 =	sshll.u32 s7, $0x1;
	s4 =	sadd.s32 s5, s20  }
0x9d: {  	s8 =	simm.s32 $0x0;
	s21 =	sshll.u32 s6, $0x1;
	s6 =	sadd.s32 s22, s4  }
0x9e: {  	[timem:s8], [sflag:s23] =	dma.local [hbm:s6], s21  }
0x9f: {  	_ =	swait.ge [sflag:s23], s21  }
0xa0: {  	s5 =	ssub.s32 $0x0, s21;
	[sflag:s23] =	ssyncset.done $0x0  }
0xa1: {  	[sflag:s23] =	ssyncadd.s32 s5;
	_ =	sdelay $0x1  }
0xa2: {  	s24 =	simm.s32 $0x1B8B  }
0xa3: {  	_ =	swait.ge [sflag:s24], $0x1  }
0xa4: {  	[sflag:s24] =	ssyncset.done $0x0  }
0xa5: {  	s25 =	simm.s32 $0x1B8E;
	[sflag:s24] =	ssyncadd.s32 $0xFFFFFFFF  }
0xa6: {  	s26 =	simm.s32 $execute0_lowered;
	[smem:$0x3FD2] =	sst s25  }
0xa7: {  	s5 =	sshll.u32 s26, $0x1;
	_ =	strace $0x80000046;
	[dreg:$0x1] =	wrdreg $0xFFFFFFFF  }
0xa8: {  	s28 =	simm.s32 $_size_execute0_lowered;
	s4 =	sadd.s32 s4, s5;
	[dreg:$0x0] =	wrdreg $0x0  }
0xa9: {  	s5 =	sshll.u32 s28, $0x1;
	[dreg:$0x2] =	wrdreg s4  }
0xaa: {  	[dreg:$0x3] =	wrdreg s5  }
0xab: {  	[dreg:$0x4] =	wrdreg $0xC0  }
0xac: {  	_ =	task [dreg:s8], $0x5FFFF  }
0xad: {  	[dreg:$0x1] =	wrdreg $0xFFFFFFFF  }
0xae: {  	[dreg:$0x0] =	wrdreg $0x60  }
0xaf: {  	[dreg:$0x2] =	wrdreg s2  }
0xb0: {  	[dreg:$0x3] =	wrdreg s19  }
0xb1: {  	[dreg:$0x4] =	wrdreg $0x9  }
0xb2: {  	_ =	task.clear_ibuf [dreg:s8], $0x5FFFF;
	_ =	strace $0x90000046  }
0xb3: {  	s29 =	simm.s32 $0x9;
	_ =	strace $0x80000048  }
0xb4: {  	_ =	swait.ge [sflag:s29], $0x1  }
0xb5: {  	[sflag:s29] =	ssyncadd.s32 $0xFFFFFFFF  }
0xb6: {  	_ =	strace $0x90000048  }
0xb7: {  	_ =	sfence  }
0xb8: {  	s30 =	sld [smem:$0x0];
	_ =	sdelay $0x2  }
0xb9: {  	s31 =	sshll.u32 s1, $0xD;
	s1 =	sshrl.u32 s1, $0x2  }
0xba: {  	s3 =	sand.u32 $0x4000, s31;
	s1 =	sadd.s32 s1, s30  }
0xbb: {  	s0 =	sor.u32 s3, s0;
	s1 =	sshll.u32 s1, $0x11  }
0xbc: {  	s0 =	sor.u32 s1, s0  }
0xbd: {  	s0 =	sadd.s32 $0x8F2B, s0  }
0xbe: {  	[sflag:s0] =	ssyncadd.remote.s32 $0x1  }
0xbf: {  	_ =	sfence.sel $0xFFFF  }
0xc0: {  	[dreg:$0x0] =	wrdreg $0xFFFFFFFF;
	(pc) =	sbr.abs _section_cstart, $3  }
0xc1: {  	[dreg:$0x1] =	wrdreg $0xFFFFFFFF  }
0xc2: {  	_ =	task.clear_ibuf [dreg:s8], $0x2FFFF;
	_ =	strace $0x9FFFFFFF  }
0xc3: {  	(tm) =	ssettm $0x7FFFFFFF  }
tec
execute0_lowered:
.L_overlay_start_1:
0x0: {  	(tag) =	ssettag $0x1  }
0x1: {  	s0 =	rddreg [dreg:$0x0]  }
0x2: {  	s1 =	rddreg [dreg:$0x1];
	s2 =	srdreg.scid;
	s5 =	simm.s32 $0x0  }
0x3: {  	s4 =	stileid.u32;
	s20 =	simm.s32 $0x4000;
	s21 =	simm.s32 $0x8000  }
0x4: {  	s22 =	simm.s32 $0x10000;
	s23 =	simm.s32 $0x1;
	s24 =	simm.s32 $0x4  }
0x5: {  	s25 =	simm.s32 $0x2;
	s28 =	simm.s32 $0x3;
	s29 =	simm.s32 $0x6  }
0x6: {  	s30 =	simm.s32 $0x0;
	s2 =	sand.u32 $0x1, s2;
	s4 =	sshll.u32 s4, $0x10  }
0x7: {  	[smem:$0x7FF] =	sst s5;
	s3 =	ssub.s32 $0x2, s2;
	s2 =	sshll.u32 s2, $0xF  }
0x8: {  	_ =	strace $0x80000047;
	s26 =	sshrl.u32 s3, $0x1;
	s2 =	sor.u32 s2, s4  }
0x9: {  	s19 =	ssub.s32 s3, s26;
	s8 =	sor.u32 $0x800, s2;
	s31 =	sadd.s32 s0, s2  }
0xa: {  	s10 =	sor.u32 $0x2000, s2;
	s6 =	sadd.s32 s1, s2;
	s12 =	sor.u32 $0x2800, s2  }
0xb: {  	s14 =	sor.u32 $0x4000, s2;
	s16 =	sor.u32 $0x4800, s2;
	s17 =	sor.u32 $0x6000, s2  }
0xc: {  	s2 =	sor.u32 $0x6800, s2;
	s26 =	simm.s32 $0x5;
	[dreg:$0x3] =	wrdreg s31  }
0xd: {  	s4 =	sadd.s32 s0, s8;
	s5 =	sadd.s32 s0, s10;
	s7 =	sadd.s32 s0, s12  }
0xe: {  	s8 =	sadd.s32 s1, s8;
	s9 =	sadd.s32 s0, s14;
	s10 =	sadd.s32 s1, s10  }
0xf: {  	s11 =	sadd.s32 s0, s16;
	s12 =	sadd.s32 s1, s12;
	s13 =	sadd.s32 s0, s17  }
0x10: {  	s14 =	sadd.s32 s1, s14;
	s15 =	sadd.s32 s0, s2;
	s16 =	sadd.s32 s1, s16  }
0x11: {  	s17 =	sadd.s32 s1, s17;
	s18 =	sadd.s32 s1, s2;
	s19 =	smax.u32 s19, $0x1  }
.LBB2_1:
0x12: {  	s0 =	simm.s32 $0x0;
	s1 =	rddreg [dreg:$0x3]  }
0x13: {  	[tilespmem:s0], [sflag:$0x1] =	stream.strided.gather [hbm4b:s1+s20], $0x8000, s21, s20, $0x38;
	[tilespmem:$0x18000] =	vst v63  }
0x14: {  	_ = 	snop  }
0x15: {  	v0 =	vimm.f32 $0.0e+00;
	[tilespmem:s21], [sflag:$0x2] =	stream.strided.gather [hbm4b:s4+s20], $0x8000, s21, s20, $0x38;
	[tilespmem:$0x18000] =	vst v63  }
0x16: {  	v1 =	vimm.f32 $0.0e+00;
	v2 =	vimm.f32 $0.0e+00;
	v3 =	vimm.f32 $0.0e+00  }
0x17: {  	v4 =	vimm.f32 $0.0e+00;
	v5 =	vimm.f32 $0.0e+00;
	v6 =	vimm.f32 $0.0e+00;
	[tilespmem:s22], [sflag:$0x3] =	stream.strided.gather [hbm4b:s5+s20], $0x8000, s21, s20, $0x38;
	[tilespmem:$0x18000] =	vst v63  }
0x18: {  	v7 =	vimm.f32 $0.0e+00;
	v8 =	vimm.f32 $0.0e+00;
	v10 =	vimm.f32 $0.0e+00;
	_ =	swait.ge [sflag:s23], $0x8000  }
0x19: {  	v9 =	vimm.f32 $0.0e+00;
	v11 =	vimm.f32 $0.0e+00;
	v12 =	vimm.f32 $0.0e+00;
	s31 =	simm.s32 $0x0;
	[sflag:s23] =	ssyncset.done $0x0  }
0x1a: {  	v14 =	vimm.f32 $0.0e+00;
	v13 =	vimm.f32 $0.0e+00;
	v15 =	vimm.f32 $0.0e+00;
	s0 =	simm.s32 $0x0;
	s1 =	simm.s32 $0x0;
	[sflag:s23] =	ssyncadd.s32 $0xFFFF8000  }
.LBB2_2:
0x1b: {  	s2 =	sand.u32 $0x70, s1;
	s3 =	sand.u32 $0x3C00, s0  }
0x1c: {  	s2 =	sor.u32 s2, s3  }
0x1d: {  	v16 =	vld [tilespmem:s2+$0x0]  }
0x1e: {  	v17 =	vld [tilespmem:s2+$0x80]  }
0x1f: {  	v18 =	vld [tilespmem:s2+$0x100]  }
0x20: {  	v19 =	vld [tilespmem:s2+$0x180]  }
0x21: {  	v20 =	vld [tilespmem:s2+$0x200]  }
0x22: {  	(xrf2) =	vadd.scan.msk.f32 $0xffff, v16;
	v16 =	vld [tilespmem:s2+$0x280]  }
0x23: {  	(xrf2) =	vadd.scan.msk.f32 $0xffff, v17;
	v17 =	vld [tilespmem:s2+$0x300]  }
0x24: {  	(xrf2) =	vadd.scan.msk.f32 $0xffff, v18  }
0x25: {  	(xrf2) =	vadd.scan.msk.f32 $0xffff, v19  }
0x26: {  	(xrf2) =	vadd.scan.msk.f32 $0xffff, v20  }
0x27: {  	(xrf2) =	vadd.scan.msk.f32 $0xffff, v16  }
0x28: {  	(xrf2) =	vadd.scan.msk.f32 $0xffff, v17;
	_ =	sdelay $0x3  }
0x29: {  	v16, _, _ =	vpop (xrf2)  }
0x2a: {  	v15 =	vadd.f32 v16, v15;
	v16, _, _ =	vpop (xrf2)  }
0x2b: {  	v13 =	vadd.f32 v16, v13;
	v16, _, _ =	vpop (xrf2)  }
0x2c: {  	[tilespmem:s2+$0x0] =	vst v15;
	v14 =	vadd.f32 v16, v14;
	v16, _, _ =	vpop (xrf2)  }
0x2d: {  	[tilespmem:s2+$0x80] =	vst v13;
	v12 =	vadd.f32 v16, v12;
	v16, _, _ =	vpop (xrf2)  }
0x2e: {  	[tilespmem:s2+$0x100] =	vst v14;
	v11 =	vadd.f32 v16, v11;
	v16, _, _ =	vpop (xrf2)  }
0x2f: {  	s3 =	sand.u32 $0x7, s31;
	[tilespmem:s2+$0x180] =	vst v12;
	v9 =	vadd.f32 v16, v9;
	v16, _, _ =	vpop (xrf2)  }
0x30: {  	s3 =	sshll.u32 s3, $0x4;
	[tilespmem:s2+$0x200] =	vst v11;
	v10 =	vadd.f32 v16, v10  }
0x31: {  	s3 =	sadd.s32 s3, s0;
	[tilespmem:s2+$0x280] =	vst v9  }
0x32: {  	s3 =	sor.u32 $0x380, s3;
	[tilespmem:s2+$0x300] =	vst v10  }
0x33: {  	v16 =	vld [tilespmem:s3+$0x0];
	_ =	sdelay $0x4  }
0x34: {  	(xrf2) =	vadd.scan.msk.f32 $0xffff, v16;
	_ =	sdelay $0x9  }
0x35: {  	v16, _, _ =	vpop (xrf2)  }
0x36: {  	v8 =	vadd.f32 v16, v8;
	_ =	sdelay $0x1  }
0x37: {  	[tilespmem:s3+$0x0] =	vst v8  }
0x38: {  	v16 =	vld [tilespmem:s2+$0x4000]  }
0x39: {  	v17 =	vld [tilespmem:s2+$0x4080]  }
0x3a: {  	v60 =	vld [tilespmem:s2+$0x4100]  }
0x3b: {  	v61 =	vld [tilespmem:s2+$0x4180]  }
0x3c: {  	v62 =	vld [tilespmem:s2+$0x4200]  }
0x3d: {  	(xrf2) =	vadd.scan.msk.f32 $0xffff, v16;
	v16 =	vld [tilespmem:s2+$0x4280]  }
0x3e: {  	(xrf2) =	vadd.scan.msk.f32 $0xffff, v17;
	v17 =	vld [tilespmem:s2+$0x4300]  }
0x3f: {  	v63 =	vld [tilespmem:s2+$0x4380];
	(xrf2) =	vadd.scan.msk.f32 $0xffff, v60  }
0x40: {  	(xrf2) =	vadd.scan.msk.f32 $0xffff, v61  }
0x41: {  	(xrf2) =	vadd.scan.msk.f32 $0xffff, v62  }
0x42: {  	(xrf2) =	vadd.scan.msk.f32 $0xffff, v16  }
0x43: {  	(xrf2) =	vadd.scan.msk.f32 $0xffff, v17  }
0x44: {  	(xrf2) =	vadd.scan.msk.f32 $0xffff, v63;
	_ =	sdelay $0x2  }
0x45: {  	v16, _, _ =	vpop (xrf2)  }
0x46: {  	v17, _, _ =	vpop (xrf2);
	v7 =	vadd.f32 v16, v7  }
0x47: {  	v16, _, _ =	vpop (xrf2);
	v6 =	vadd.f32 v17, v6  }
0x48: {  	v15 =	vbroadcast v15, $0xF;
	v13 =	vbroadcast v13, $0xF;
	v17, _, _ =	vpop (xrf2);
	[tilespmem:s2+$0x4000] =	vst v7;
	v5 =	vadd.f32 v16, v5  }
0x49: {  	v14 =	vbroadcast v14, $0xF;
	v12 =	vbroadcast v12, $0xF;
	v16, _, _ =	vpop (xrf2);
	[tilespmem:s2+$0x4080] =	vst v6;
	v4 =	vadd.f32 v17, v4  }
0x4a: {  	p0 =	sne.s32 s1, $0x7F0;
	v11 =	vbroadcast v11, $0xF;
	v9 =	vbroadcast v9, $0xF;
	v17, _, _ =	vpop (xrf2);
	[tilespmem:s2+$0x4100] =	vst v5;
	v3 =	vadd.f32 v16, v3  }
.Ltmp0:
0x4b: {  	v10 =	vbroadcast v10, $0xF;
	v8 =	vbroadcast v8, $0xF;
	v16, _, _ =	vpop (xrf2);
	v2 =	vadd.f32 v17, v2;
	[tilespmem:s2+$0x4180] =	vst v4;
	(pc) =	sbr.rel @p0 .LBB2_2-.Ltmp0, $4  }
0x4c: {  	v7 =	vbroadcast v7, $0xF;
	v6 =	vbroadcast v6, $0xF;
	[tilespmem:s2+$0x4200] =	vst v3;
	v1 =	vadd.f32 v16, v1;
	v16, _, _ =	vpop (xrf2)  }
0x4d: {  	v5 =	vbroadcast v5, $0xF;
	v4 =	vbroadcast v4, $0xF;
	[tilespmem:s2+$0x4280] =	vst v2;
	v0 =	vadd.f32 v16, v0  }
0x4e: {  	v3 =	vbroadcast v3, $0xF;
	v2 =	vbroadcast v2, $0xF;
	[tilespmem:s2+$0x4300] =	vst v1  }
0x4f: {  	s1 =	sadd.s32 $0x10, s1;
	s31 =	sadd.s32 $0x1, s31;
	s0 =	sadd.s32 $0x80, s0;
	v1 =	vbroadcast v1, $0xF;
	[tilespmem:s2+$0x4380] =	vst v0;
	v0 =	vbroadcast v0, $0xF  }
0x50: {  	s0 =	simm.s32 $0x0  }
0x51: {  	[hbm4b:s6+s20] =	stream.strided.scatter [tilespmem:s0], [sflag:$0x4], $0x8000, s21, s20, $0x38;
	[tilespmem:$0x18000] =	vst v63  }
0x52: {  	_ =	swait.ge [sflag:s24], $0x8000  }
0x53: {  	[sflag:s24] =	ssyncset.done $0x0  }
0x54: {  	[sflag:s24] =	ssyncadd.s32 $0xFFFF8000  }
0x55: {  	[tilespmem:s0], [sflag:$0x1] =	stream.strided.gather [hbm4b:s7+s20], $0x8000, s21, s20, $0x38;
	[tilespmem:$0x18000] =	vst v63  }
0x56: {  	_ =	swait.ge [sflag:s25], $0x8000  }
0x57: {  	[sflag:s25] =	ssyncset.done $0x0  }
0x58: {  	s1 =	simm.s32 $0x0;
	[sflag:s25] =	ssyncadd.s32 $0xFFFF8000  }
.LBB2_4:
0x59: {  	s2 =	sand.u32 $0x70, s1;
	s3 =	sand.u32 $0x3C00, s0  }
0x5a: {  	s2 =	sor.u32 s2, s3  }
0x5b: {  	v16 =	vld [tilespmem:s2+$0x8000]  }
0x5c: {  	v17 =	vld [tilespmem:s2+$0x8080]  }
0x5d: {  	v18 =	vld [tilespmem:s2+$0x8100]  }
0x5e: {  	v19 =	vld [tilespmem:s2+$0x8180]  }
0x5f: {  	v20 =	vld [tilespmem:s2+$0x8200]  }
0x60: {  	(xrf2) =	vadd.scan.msk.f32 $0xffff, v16;
	v16 =	vld [tilespmem:s2+$0x8280]  }
0x61: {  	(xrf2) =	vadd.scan.msk.f32 $0xffff, v17;
	v17 =	vld [tilespmem:s2+$0x8300]  }
0x62: {  	v57 =	vld [tilespmem:s2+$0x8380];
	(xrf2) =	vadd.scan.msk.f32 $0xffff, v18  }
0x63: {  	v58 =	vld [tilespmem:s2+$0xC000];
	(xrf2) =	vadd.scan.msk.f32 $0xffff, v19  }
0x64: {  	v59 =	vld [tilespmem:s2+$0xC080];
	(xrf2) =	vadd.scan.msk.f32 $0xffff, v20  }
0x65: {  	(xrf2) =	vadd.scan.msk.f32 $0xffff, v16;
	v16 =	vld [tilespmem:s2+$0xC100]  }
0x66: {  	(xrf2) =	vadd.scan.msk.f32 $0xffff, v17;
	v17 =	vld [tilespmem:s2+$0xC180]  }
0x67: {  	v60 =	vld [tilespmem:s2+$0xC200];
	(xrf2) =	vadd.scan.msk.f32 $0xffff, v57  }
0x68: {  	v61 =	vld [tilespmem:s2+$0xC280];
	(xrf2) =	vadd.scan.msk.f32 $0xffff, v58  }
0x69: {  	v62 =	vld [tilespmem:s2+$0xC300];
	(xrf2) =	vadd.scan.msk.f32 $0xffff, v59  }
0x6a: {  	v21, _, _ =	vpop (xrf2);
	(xrf2) =	vadd.scan.msk.f32 $0xffff, v16;
	v16 =	vld [tilespmem:s2+$0xC380]  }
0x6b: {  	v15 =	vadd.f32 v21, v15;
	v63, _, _ =	vpop (xrf2);
	(xrf2) =	vadd.scan.msk.f32 $0xffff, v17  }
0x6c: {  	v13 =	vadd.f32 v63, v13;
	v17, _, _ =	vpop (xrf2);
	(xrf2) =	vadd.scan.msk.f32 $0xffff, v60  }
0x6d: {  	v14 =	vadd.f32 v17, v14;
	v17, _, _ =	vpop (xrf2);
	(xrf2) =	vadd.scan.msk.f32 $0xffff, v61;
	[tilespmem:s2+$0x8000] =	vst v15  }
0x6e: {  	v12 =	vadd.f32 v17, v12;
	v17, _, _ =	vpop (xrf2);
	(xrf2) =	vadd.scan.msk.f32 $0xffff, v62;
	[tilespmem:s2+$0x8080] =	vst v13  }
0x6f: {  	[tilespmem:s2+$0x8100] =	vst v14;
	v11 =	vadd.f32 v17, v11;
	v17, _, _ =	vpop (xrf2);
	(xrf2) =	vadd.scan.msk.f32 $0xffff, v16  }
0x70: {  	v16, _, _ =	vpop (xrf2);
	[tilespmem:s2+$0x8180] =	vst v12;
	v9 =	vadd.f32 v17, v9  }
0x71: {  	v17, _, _ =	vpop (xrf2);
	[tilespmem:s2+$0x8200] =	vst v11;
	v10 =	vadd.f32 v16, v10  }
0x72: {  	v16, _, _ =	vpop (xrf2);
	[tilespmem:s2+$0x8280] =	vst v9;
	v8 =	vadd.f32 v17, v8  }
0x73: {  	v17, _, _ =	vpop (xrf2);
	[tilespmem:s2+$0x8300] =	vst v10;
	v7 =	vadd.f32 v16, v7  }
0x74: {  	v16, _, _ =	vpop (xrf2);
	[tilespmem:s2+$0x8380] =	vst v8;
	v6 =	vadd.f32 v17, v6  }
0x75: {  	v15 =	vbroadcast v15, $0xF;
	v13 =	vbroadcast v13, $0xF;
	v17, _, _ =	vpop (xrf2);
	[tilespmem:s2+$0xC000] =	vst v7;
	v5 =	vadd.f32 v16, v5  }
0x76: {  	v14 =	vbroadcast v14, $0xF;
	v12 =	vbroadcast v12, $0xF;
	v16, _, _ =	vpop (xrf2);
	[tilespmem:s2+$0xC080] =	vst v6;
	v4 =	vadd.f32 v17, v4  }
0x77: {  	p0 =	sne.s32 s1, $0x7F0;
	v11 =	vbroadcast v11, $0xF;
	v9 =	vbroadcast v9, $0xF;
	v17, _, _ =	vpop (xrf2);
	[tilespmem:s2+$0xC100] =	vst v5;
	v3 =	vadd.f32 v16, v3  }
.Ltmp1:
0x78: {  	v10 =	vbroadcast v10, $0xF;
	v8 =	vbroadcast v8, $0xF;
	v16, _, _ =	vpop (xrf2);
	v2 =	vadd.f32 v17, v2;
	[tilespmem:s2+$0xC180] =	vst v4;
	(pc) =	sbr.rel @p0 .LBB2_4-.Ltmp1, $4  }
0x79: {  	v7 =	vbroadcast v7, $0xF;
	v6 =	vbroadcast v6, $0xF;
	[tilespmem:s2+$0xC200] =	vst v3;
	v1 =	vadd.f32 v16, v1;
	v16, _, _ =	vpop (xrf2)  }
0x7a: {  	v5 =	vbroadcast v5, $0xF;
	v4 =	vbroadcast v4, $0xF;
	[tilespmem:s2+$0xC280] =	vst v2;
	v0 =	vadd.f32 v16, v0  }
0x7b: {  	v3 =	vbroadcast v3, $0xF;
	v2 =	vbroadcast v2, $0xF;
	[tilespmem:s2+$0xC300] =	vst v1  }
0x7c: {  	s0 =	sadd.s32 $0x80, s0;
	s1 =	sadd.s32 $0x10, s1;
	v1 =	vbroadcast v1, $0xF;
	[tilespmem:s2+$0xC380] =	vst v0;
	v0 =	vbroadcast v0, $0xF  }
0x7d: {  	[hbm4b:s8+s20] =	stream.strided.scatter [tilespmem:s21], [sflag:$0x5], $0x8000, s21, s20, $0x38;
	[tilespmem:$0x18000] =	vst v63  }
0x7e: {  	_ =	swait.ge [sflag:s26], $0x8000  }
0x7f: {  	v0 =	vimm.f32 $0.0e+00;
	[sflag:s26] =	ssyncset.done $0x0  }
0x80: {  	v1 =	vimm.f32 $0.0e+00;
	v2 =	vimm.f32 $0.0e+00;
	v3 =	vimm.f32 $0.0e+00;
	[sflag:s26] =	ssyncadd.s32 $0xFFFF8000  }
0x81: {  	v4 =	vimm.f32 $0.0e+00;
	v5 =	vimm.f32 $0.0e+00;
	v6 =	vimm.f32 $0.0e+00;
	[tilespmem:s21], [sflag:$0x2] =	stream.strided.gather [hbm4b:s9+s20], $0x8000, s21, s20, $0x38;
	[tilespmem:$0x18000] =	vst v63  }
0x82: {  	v7 =	vimm.f32 $0.0e+00;
	v8 =	vimm.f32 $0.0e+00;
	v10 =	vimm.f32 $0.0e+00;
	_ =	swait.ge [sflag:s28], $0x8000  }
0x83: {  	v9 =	vimm.f32 $0.0e+00;
	v11 =	vimm.f32 $0.0e+00;
	v12 =	vimm.f32 $0.0e+00;
	[sflag:s28] =	ssyncset.done $0x0  }
0x84: {  	s0 =	simm.s32 $0x0;
	s1 =	simm.s32 $0x0;
	v14 =	vimm.f32 $0.0e+00;
	v13 =	vimm.f32 $0.0e+00;
	v15 =	vimm.f32 $0.0e+00;
	[sflag:s28] =	ssyncadd.s32 $0xFFFF8000  }
.LBB2_6:
0x85: {  	s2 =	sand.u32 $0x70, s1;
	s3 =	sand.u32 $0x3C00, s0  }
0x86: {  	s2 =	sor.u32 s2, s3  }
0x87: {  	v16 =	vld [tilespmem:s2+$0x10000]  }
0x88: {  	v17 =	vld [tilespmem:s2+$0x10080]  }
0x89: {  	v18 =	vld [tilespmem:s2+$0x10100]  }
0x8a: {  	v19 =	vld [tilespmem:s2+$0x10180]  }
0x8b: {  	v20 =	vld [tilespmem:s2+$0x10200]  }
0x8c: {  	(xrf2) =	vadd.scan.msk.f32 $0xffff, v16;
	v16 =	vld [tilespmem:s2+$0x10280]  }
0x8d: {  	(xrf2) =	vadd.scan.msk.f32 $0xffff, v17;
	v17 =	vld [tilespmem:s2+$0x10300]  }
0x8e: {  	v57 =	vld [tilespmem:s2+$0x10380];
	(xrf2) =	vadd.scan.msk.f32 $0xffff, v18  }
0x8f: {  	v58 =	vld [tilespmem:s2+$0x14000];
	(xrf2) =	vadd.scan.msk.f32 $0xffff, v19  }
0x90: {  	v59 =	vld [tilespmem:s2+$0x14080];
	(xrf2) =	vadd.scan.msk.f32 $0xffff, v20  }
0x91: {  	(xrf2) =	vadd.scan.msk.f32 $0xffff, v16;
	v16 =	vld [tilespmem:s2+$0x14100]  }
0x92: {  	(xrf2) =	vadd.scan.msk.f32 $0xffff, v17;
	v17 =	vld [tilespmem:s2+$0x14180]  }
0x93: {  	v60 =	vld [tilespmem:s2+$0x14200];
	(xrf2) =	vadd.scan.msk.f32 $0xffff, v57  }
0x94: {  	v61 =	vld [tilespmem:s2+$0x14280];
	(xrf2) =	vadd.scan.msk.f32 $0xffff, v58  }
0x95: {  	v62 =	vld [tilespmem:s2+$0x14300];
	(xrf2) =	vadd.scan.msk.f32 $0xffff, v59  }
0x96: {  	v21, _, _ =	vpop (xrf2);
	(xrf2) =	vadd.scan.msk.f32 $0xffff, v16;
	v16 =	vld [tilespmem:s2+$0x14380]  }
0x97: {  	v15 =	vadd.f32 v21, v15;
	v63, _, _ =	vpop (xrf2);
	(xrf2) =	vadd.scan.msk.f32 $0xffff, v17  }
0x98: {  	v13 =	vadd.f32 v63, v13;
	v17, _, _ =	vpop (xrf2);
	(xrf2) =	vadd.scan.msk.f32 $0xffff, v60  }
0x99: {  	v14 =	vadd.f32 v17, v14;
	v17, _, _ =	vpop (xrf2);
	(xrf2) =	vadd.scan.msk.f32 $0xffff, v61;
	[tilespmem:s2+$0x10000] =	vst v15  }
0x9a: {  	v12 =	vadd.f32 v17, v12;
	v17, _, _ =	vpop (xrf2);
	(xrf2) =	vadd.scan.msk.f32 $0xffff, v62;
	[tilespmem:s2+$0x10080] =	vst v13  }
0x9b: {  	[tilespmem:s2+$0x10100] =	vst v14;
	v11 =	vadd.f32 v17, v11;
	v17, _, _ =	vpop (xrf2);
	(xrf2) =	vadd.scan.msk.f32 $0xffff, v16  }
0x9c: {  	v16, _, _ =	vpop (xrf2);
	[tilespmem:s2+$0x10180] =	vst v12;
	v9 =	vadd.f32 v17, v9  }
0x9d: {  	v17, _, _ =	vpop (xrf2);
	[tilespmem:s2+$0x10200] =	vst v11;
	v10 =	vadd.f32 v16, v10  }
0x9e: {  	v16, _, _ =	vpop (xrf2);
	[tilespmem:s2+$0x10280] =	vst v9;
	v8 =	vadd.f32 v17, v8  }
0x9f: {  	v17, _, _ =	vpop (xrf2);
	[tilespmem:s2+$0x10300] =	vst v10;
	v7 =	vadd.f32 v16, v7  }
0xa0: {  	v16, _, _ =	vpop (xrf2);
	[tilespmem:s2+$0x10380] =	vst v8;
	v6 =	vadd.f32 v17, v6  }
0xa1: {  	v15 =	vbroadcast v15, $0xF;
	v13 =	vbroadcast v13, $0xF;
	v17, _, _ =	vpop (xrf2);
	[tilespmem:s2+$0x14000] =	vst v7;
	v5 =	vadd.f32 v16, v5  }
0xa2: {  	v14 =	vbroadcast v14, $0xF;
	v12 =	vbroadcast v12, $0xF;
	v16, _, _ =	vpop (xrf2);
	[tilespmem:s2+$0x14080] =	vst v6;
	v4 =	vadd.f32 v17, v4  }
0xa3: {  	p0 =	sne.s32 s1, $0x7F0;
	v11 =	vbroadcast v11, $0xF;
	v9 =	vbroadcast v9, $0xF;
	v17, _, _ =	vpop (xrf2);
	[tilespmem:s2+$0x14100] =	vst v5;
	v3 =	vadd.f32 v16, v3  }
.Ltmp2:
0xa4: {  	v10 =	vbroadcast v10, $0xF;
	v8 =	vbroadcast v8, $0xF;
	v16, _, _ =	vpop (xrf2);
	v2 =	vadd.f32 v17, v2;
	[tilespmem:s2+$0x14180] =	vst v4;
	(pc) =	sbr.rel @p0 .LBB2_6-.Ltmp2, $4  }
0xa5: {  	v7 =	vbroadcast v7, $0xF;
	v6 =	vbroadcast v6, $0xF;
	[tilespmem:s2+$0x14200] =	vst v3;
	v1 =	vadd.f32 v16, v1;
	v16, _, _ =	vpop (xrf2)  }
0xa6: {  	v5 =	vbroadcast v5, $0xF;
	v4 =	vbroadcast v4, $0xF;
	[tilespmem:s2+$0x14280] =	vst v2;
	v0 =	vadd.f32 v16, v0  }
0xa7: {  	v3 =	vbroadcast v3, $0xF;
	v2 =	vbroadcast v2, $0xF;
	[tilespmem:s2+$0x14300] =	vst v1  }
0xa8: {  	s0 =	sadd.s32 $0x80, s0;
	s1 =	sadd.s32 $0x10, s1;
	v1 =	vbroadcast v1, $0xF;
	[tilespmem:s2+$0x14380] =	vst v0;
	v0 =	vbroadcast v0, $0xF  }
0xa9: {  	[hbm4b:s10+s20] =	stream.strided.scatter [tilespmem:s22], [sflag:$0x6], $0x8000, s21, s20, $0x38;
	[tilespmem:$0x18000] =	vst v63  }
0xaa: {  	_ =	swait.ge [sflag:s29], $0x8000  }
0xab: {  	[sflag:s29] =	ssyncset.done $0x0  }
0xac: {  	[sflag:s29] =	ssyncadd.s32 $0xFFFF8000  }
0xad: {  	[tilespmem:s22], [sflag:$0x3] =	stream.strided.gather [hbm4b:s11+s20], $0x8000, s21, s20, $0x38;
	[tilespmem:$0x18000] =	vst v63  }
0xae: {  	_ =	swait.ge [sflag:s23], $0x8000  }
0xaf: {  	s0 =	simm.s32 $0x0;
	[sflag:s23] =	ssyncset.done $0x0  }
0xb0: {  	s1 =	simm.s32 $0x0;
	s31 =	simm.s32 $0x0;
	[sflag:s23] =	ssyncadd.s32 $0xFFFF8000  }
.LBB2_8:
0xb1: {  	s2 =	sand.u32 $0x70, s31;
	s3 =	sand.u32 $0x3C00, s1  }
0xb2: {  	s2 =	sor.u32 s2, s3  }
0xb3: {  	v16 =	vld [tilespmem:s2+$0x0]  }
0xb4: {  	v17 =	vld [tilespmem:s2+$0x80]  }
0xb5: {  	v18 =	vld [tilespmem:s2+$0x100]  }
0xb6: {  	v19 =	vld [tilespmem:s2+$0x180]  }
0xb7: {  	v20 =	vld [tilespmem:s2+$0x200]  }
0xb8: {  	(xrf2) =	vadd.scan.msk.f32 $0xffff, v16;
	v16 =	vld [tilespmem:s2+$0x280]  }
0xb9: {  	(xrf2) =	vadd.scan.msk.f32 $0xffff, v17;
	v17 =	vld [tilespmem:s2+$0x300]  }
0xba: {  	(xrf2) =	vadd.scan.msk.f32 $0xffff, v18  }
0xbb: {  	(xrf2) =	vadd.scan.msk.f32 $0xffff, v19  }
0xbc: {  	(xrf2) =	vadd.scan.msk.f32 $0xffff, v20  }
0xbd: {  	(xrf2) =	vadd.scan.msk.f32 $0xffff, v16  }
0xbe: {  	(xrf2) =	vadd.scan.msk.f32 $0xffff, v17;
	_ =	sdelay $0x3  }
0xbf: {  	v16, _, _ =	vpop (xrf2)  }
0xc0: {  	v15 =	vadd.f32 v16, v15;
	v16, _, _ =	vpop (xrf2)  }
0xc1: {  	v13 =	vadd.f32 v16, v13;
	v16, _, _ =	vpop (xrf2)  }
0xc2: {  	[tilespmem:s2+$0x0] =	vst v15;
	v14 =	vadd.f32 v16, v14;
	v16, _, _ =	vpop (xrf2)  }
0xc3: {  	[tilespmem:s2+$0x80] =	vst v13;
	v12 =	vadd.f32 v16, v12;
	v16, _, _ =	vpop (xrf2)  }
0xc4: {  	[tilespmem:s2+$0x100] =	vst v14;
	v11 =	vadd.f32 v16, v11;
	v16, _, _ =	vpop (xrf2)  }
0xc5: {  	s3 =	sand.u32 $0x7, s0;
	[tilespmem:s2+$0x180] =	vst v12;
	v9 =	vadd.f32 v16, v9;
	v16, _, _ =	vpop (xrf2)  }
0xc6: {  	s3 =	sshll.u32 s3, $0x4;
	[tilespmem:s2+$0x200] =	vst v11;
	v10 =	vadd.f32 v16, v10  }
0xc7: {  	s3 =	sadd.s32 s3, s1;
	[tilespmem:s2+$0x280] =	vst v9  }
0xc8: {  	s3 =	sor.u32 $0x380, s3;
	[tilespmem:s2+$0x300] =	vst v10  }
0xc9: {  	v16 =	vld [tilespmem:s3+$0x0];
	_ =	sdelay $0x4  }
0xca: {  	(xrf2) =	vadd.scan.msk.f32 $0xffff, v16;
	_ =	sdelay $0x9  }
0xcb: {  	v16, _, _ =	vpop (xrf2)  }
0xcc: {  	v8 =	vadd.f32 v16, v8;
	_ =	sdelay $0x1  }
0xcd: {  	[tilespmem:s3+$0x0] =	vst v8  }
0xce: {  	v16 =	vld [tilespmem:s2+$0x4000]  }
0xcf: {  	v17 =	vld [tilespmem:s2+$0x4080]  }
0xd0: {  	v60 =	vld [tilespmem:s2+$0x4100]  }
0xd1: {  	v61 =	vld [tilespmem:s2+$0x4180]  }
0xd2: {  	v62 =	vld [tilespmem:s2+$0x4200]  }
0xd3: {  	(xrf2) =	vadd.scan.msk.f32 $0xffff, v16;
	v16 =	vld [tilespmem:s2+$0x4280]  }
0xd4: {  	(xrf2) =	vadd.scan.msk.f32 $0xffff, v17;
	v17 =	vld [tilespmem:s2+$0x4300]  }
0xd5: {  	v63 =	vld [tilespmem:s2+$0x4380];
	(xrf2) =	vadd.scan.msk.f32 $0xffff, v60  }
0xd6: {  	(xrf2) =	vadd.scan.msk.f32 $0xffff, v61  }
0xd7: {  	(xrf2) =	vadd.scan.msk.f32 $0xffff, v62  }
0xd8: {  	(xrf2) =	vadd.scan.msk.f32 $0xffff, v16  }
0xd9: {  	(xrf2) =	vadd.scan.msk.f32 $0xffff, v17  }
0xda: {  	(xrf2) =	vadd.scan.msk.f32 $0xffff, v63;
	_ =	sdelay $0x2  }
0xdb: {  	v16, _, _ =	vpop (xrf2)  }
0xdc: {  	v17, _, _ =	vpop (xrf2);
	v7 =	vadd.f32 v16, v7  }
0xdd: {  	v16, _, _ =	vpop (xrf2);
	v6 =	vadd.f32 v17, v6  }
0xde: {  	v15 =	vbroadcast v15, $0xF;
	v13 =	vbroadcast v13, $0xF;
	v17, _, _ =	vpop (xrf2);
	[tilespmem:s2+$0x4000] =	vst v7;
	v5 =	vadd.f32 v16, v5  }
0xdf: {  	v14 =	vbroadcast v14, $0xF;
	v12 =	vbroadcast v12, $0xF;
	v16, _, _ =	vpop (xrf2);
	[tilespmem:s2+$0x4080] =	vst v6;
	v4 =	vadd.f32 v17, v4  }
0xe0: {  	p0 =	sne.s32 s31, $0x7F0;
	v11 =	vbroadcast v11, $0xF;
	v9 =	vbroadcast v9, $0xF;
	v17, _, _ =	vpop (xrf2);
	[tilespmem:s2+$0x4100] =	vst v5;
	v3 =	vadd.f32 v16, v3  }
.Ltmp3:
0xe1: {  	v10 =	vbroadcast v10, $0xF;
	v8 =	vbroadcast v8, $0xF;
	v16, _, _ =	vpop (xrf2);
	v2 =	vadd.f32 v17, v2;
	[tilespmem:s2+$0x4180] =	vst v4;
	(pc) =	sbr.rel @p0 .LBB2_8-.Ltmp3, $4  }
0xe2: {  	v7 =	vbroadcast v7, $0xF;
	v6 =	vbroadcast v6, $0xF;
	[tilespmem:s2+$0x4200] =	vst v3;
	v1 =	vadd.f32 v16, v1;
	v16, _, _ =	vpop (xrf2)  }
0xe3: {  	v5 =	vbroadcast v5, $0xF;
	v4 =	vbroadcast v4, $0xF;
	[tilespmem:s2+$0x4280] =	vst v2;
	v0 =	vadd.f32 v16, v0  }
0xe4: {  	v3 =	vbroadcast v3, $0xF;
	v2 =	vbroadcast v2, $0xF;
	[tilespmem:s2+$0x4300] =	vst v1  }
0xe5: {  	s31 =	sadd.s32 $0x10, s31;
	s0 =	sadd.s32 $0x1, s0;
	s1 =	sadd.s32 $0x80, s1;
	v1 =	vbroadcast v1, $0xF;
	[tilespmem:s2+$0x4380] =	vst v0;
	v0 =	vbroadcast v0, $0xF  }
0xe6: {  	s31 =	simm.s32 $0x0  }
0xe7: {  	[hbm4b:s12+s20] =	stream.strided.scatter [tilespmem:s31], [sflag:$0x4], $0x8000, s21, s20, $0x38;
	[tilespmem:$0x18000] =	vst v63  }
0xe8: {  	_ =	swait.ge [sflag:s24], $0x8000  }
0xe9: {  	v0 =	vimm.f32 $0.0e+00;
	[sflag:s24] =	ssyncset.done $0x0  }
0xea: {  	v1 =	vimm.f32 $0.0e+00;
	v2 =	vimm.f32 $0.0e+00;
	v3 =	vimm.f32 $0.0e+00;
	[sflag:s24] =	ssyncadd.s32 $0xFFFF8000  }
0xeb: {  	v4 =	vimm.f32 $0.0e+00;
	v5 =	vimm.f32 $0.0e+00;
	v6 =	vimm.f32 $0.0e+00;
	[tilespmem:s31], [sflag:$0x1] =	stream.strided.gather [hbm4b:s13+s20], $0x8000, s21, s20, $0x38;
	[tilespmem:$0x18000] =	vst v63  }
0xec: {  	v7 =	vimm.f32 $0.0e+00;
	v8 =	vimm.f32 $0.0e+00;
	v10 =	vimm.f32 $0.0e+00;
	_ =	swait.ge [sflag:s25], $0x8000  }
0xed: {  	v9 =	vimm.f32 $0.0e+00;
	v11 =	vimm.f32 $0.0e+00;
	v12 =	vimm.f32 $0.0e+00;
	[sflag:s25] =	ssyncset.done $0x0  }
0xee: {  	s0 =	simm.s32 $0x0;
	v14 =	vimm.f32 $0.0e+00;
	v13 =	vimm.f32 $0.0e+00;
	v15 =	vimm.f32 $0.0e+00;
	[sflag:s25] =	ssyncadd.s32 $0xFFFF8000  }
.LBB2_10:
0xef: {  	s1 =	sand.u32 $0x70, s0;
	s2 =	sand.u32 $0x3C00, s31  }
0xf0: {  	s1 =	sor.u32 s1, s2  }
0xf1: {  	v16 =	vld [tilespmem:s1+$0x8000]  }
0xf2: {  	v17 =	vld [tilespmem:s1+$0x8080]  }
0xf3: {  	v18 =	vld [tilespmem:s1+$0x8100]  }
0xf4: {  	v19 =	vld [tilespmem:s1+$0x8180]  }
0xf5: {  	v20 =	vld [tilespmem:s1+$0x8200]  }
0xf6: {  	(xrf2) =	vadd.scan.msk.f32 $0xffff, v16;
	v16 =	vld [tilespmem:s1+$0x8280]  }
0xf7: {  	(xrf2) =	vadd.scan.msk.f32 $0xffff, v17;
	v17 =	vld [tilespmem:s1+$0x8300]  }
0xf8: {  	v57 =	vld [tilespmem:s1+$0x8380];
	(xrf2) =	vadd.scan.msk.f32 $0xffff, v18  }
0xf9: {  	v58 =	vld [tilespmem:s1+$0xC000];
	(xrf2) =	vadd.scan.msk.f32 $0xffff, v19  }
0xfa: {  	v59 =	vld [tilespmem:s1+$0xC080];
	(xrf2) =	vadd.scan.msk.f32 $0xffff, v20  }
0xfb: {  	(xrf2) =	vadd.scan.msk.f32 $0xffff, v16;
	v16 =	vld [tilespmem:s1+$0xC100]  }
0xfc: {  	(xrf2) =	vadd.scan.msk.f32 $0xffff, v17;
	v17 =	vld [tilespmem:s1+$0xC180]  }
0xfd: {  	v60 =	vld [tilespmem:s1+$0xC200];
	(xrf2) =	vadd.scan.msk.f32 $0xffff, v57  }
0xfe: {  	v61 =	vld [tilespmem:s1+$0xC280];
	(xrf2) =	vadd.scan.msk.f32 $0xffff, v58  }
0xff: {  	v62 =	vld [tilespmem:s1+$0xC300];
	(xrf2) =	vadd.scan.msk.f32 $0xffff, v59  }
0x100: {  	v21, _, _ =	vpop (xrf2);
	(xrf2) =	vadd.scan.msk.f32 $0xffff, v16;
	v16 =	vld [tilespmem:s1+$0xC380]  }
0x101: {  	v15 =	vadd.f32 v21, v15;
	v63, _, _ =	vpop (xrf2);
	(xrf2) =	vadd.scan.msk.f32 $0xffff, v17  }
0x102: {  	v13 =	vadd.f32 v63, v13;
	v17, _, _ =	vpop (xrf2);
	(xrf2) =	vadd.scan.msk.f32 $0xffff, v60  }
0x103: {  	v14 =	vadd.f32 v17, v14;
	v17, _, _ =	vpop (xrf2);
	(xrf2) =	vadd.scan.msk.f32 $0xffff, v61;
	[tilespmem:s1+$0x8000] =	vst v15  }
0x104: {  	v12 =	vadd.f32 v17, v12;
	v17, _, _ =	vpop (xrf2);
	(xrf2) =	vadd.scan.msk.f32 $0xffff, v62;
	[tilespmem:s1+$0x8080] =	vst v13  }
0x105: {  	[tilespmem:s1+$0x8100] =	vst v14;
	v11 =	vadd.f32 v17, v11;
	v17, _, _ =	vpop (xrf2);
	(xrf2) =	vadd.scan.msk.f32 $0xffff, v16  }
0x106: {  	v16, _, _ =	vpop (xrf2);
	[tilespmem:s1+$0x8180] =	vst v12;
	v9 =	vadd.f32 v17, v9  }
0x107: {  	v17, _, _ =	vpop (xrf2);
	[tilespmem:s1+$0x8200] =	vst v11;
	v10 =	vadd.f32 v16, v10  }
0x108: {  	v16, _, _ =	vpop (xrf2);
	[tilespmem:s1+$0x8280] =	vst v9;
	v8 =	vadd.f32 v17, v8  }
0x109: {  	v17, _, _ =	vpop (xrf2);
	[tilespmem:s1+$0x8300] =	vst v10;
	v7 =	vadd.f32 v16, v7  }
0x10a: {  	v16, _, _ =	vpop (xrf2);
	[tilespmem:s1+$0x8380] =	vst v8;
	v6 =	vadd.f32 v17, v6  }
0x10b: {  	v15 =	vbroadcast v15, $0xF;
	v13 =	vbroadcast v13, $0xF;
	v17, _, _ =	vpop (xrf2);
	[tilespmem:s1+$0xC000] =	vst v7;
	v5 =	vadd.f32 v16, v5  }
0x10c: {  	v14 =	vbroadcast v14, $0xF;
	v12 =	vbroadcast v12, $0xF;
	v16, _, _ =	vpop (xrf2);
	[tilespmem:s1+$0xC080] =	vst v6;
	v4 =	vadd.f32 v17, v4  }
0x10d: {  	p0 =	sne.s32 s0, $0x7F0;
	v11 =	vbroadcast v11, $0xF;
	v9 =	vbroadcast v9, $0xF;
	v17, _, _ =	vpop (xrf2);
	[tilespmem:s1+$0xC100] =	vst v5;
	v3 =	vadd.f32 v16, v3  }
.Ltmp4:
0x10e: {  	v10 =	vbroadcast v10, $0xF;
	v8 =	vbroadcast v8, $0xF;
	v16, _, _ =	vpop (xrf2);
	v2 =	vadd.f32 v17, v2;
	[tilespmem:s1+$0xC180] =	vst v4;
	(pc) =	sbr.rel @p0 .LBB2_10-.Ltmp4, $4  }
0x10f: {  	v7 =	vbroadcast v7, $0xF;
	v6 =	vbroadcast v6, $0xF;
	[tilespmem:s1+$0xC200] =	vst v3;
	v1 =	vadd.f32 v16, v1;
	v16, _, _ =	vpop (xrf2)  }
0x110: {  	v5 =	vbroadcast v5, $0xF;
	v4 =	vbroadcast v4, $0xF;
	[tilespmem:s1+$0xC280] =	vst v2;
	v0 =	vadd.f32 v16, v0  }
0x111: {  	v3 =	vbroadcast v3, $0xF;
	v2 =	vbroadcast v2, $0xF;
	[tilespmem:s1+$0xC300] =	vst v1  }
0x112: {  	s31 =	sadd.s32 $0x80, s31;
	s0 =	sadd.s32 $0x10, s0;
	v1 =	vbroadcast v1, $0xF;
	[tilespmem:s1+$0xC380] =	vst v0;
	v0 =	vbroadcast v0, $0xF  }
0x113: {  	[hbm4b:s14+s20] =	stream.strided.scatter [tilespmem:s21], [sflag:$0x5], $0x8000, s21, s20, $0x38;
	[tilespmem:$0x18000] =	vst v63  }
0x114: {  	_ =	swait.ge [sflag:s26], $0x8000  }
0x115: {  	[sflag:s26] =	ssyncset.done $0x0  }
0x116: {  	[sflag:s26] =	ssyncadd.s32 $0xFFFF8000  }
0x117: {  	[tilespmem:s21], [sflag:$0x2] =	stream.strided.gather [hbm4b:s15+s20], $0x8000, s21, s20, $0x38;
	[tilespmem:$0x18000] =	vst v63  }
0x118: {  	_ =	swait.ge [sflag:s28], $0x8000  }
0x119: {  	[sflag:s28] =	ssyncset.done $0x0  }
0x11a: {  	s0 =	simm.s32 $0x0;
	s1 =	simm.s32 $0x0;
	[sflag:s28] =	ssyncadd.s32 $0xFFFF8000  }
.LBB2_12:
0x11b: {  	s2 =	sand.u32 $0x70, s1;
	s3 =	sand.u32 $0x3C00, s0  }
0x11c: {  	s2 =	sor.u32 s2, s3  }
0x11d: {  	v16 =	vld [tilespmem:s2+$0x10000]  }
0x11e: {  	v17 =	vld [tilespmem:s2+$0x10080]  }
0x11f: {  	v18 =	vld [tilespmem:s2+$0x10100]  }
0x120: {  	v19 =	vld [tilespmem:s2+$0x10180]  }
0x121: {  	v20 =	vld [tilespmem:s2+$0x10200]  }
0x122: {  	(xrf2) =	vadd.scan.msk.f32 $0xffff, v16;
	v16 =	vld [tilespmem:s2+$0x10280]  }
0x123: {  	(xrf2) =	vadd.scan.msk.f32 $0xffff, v17;
	v17 =	vld [tilespmem:s2+$0x10300]  }
0x124: {  	v57 =	vld [tilespmem:s2+$0x10380];
	(xrf2) =	vadd.scan.msk.f32 $0xffff, v18  }
0x125: {  	v58 =	vld [tilespmem:s2+$0x14000];
	(xrf2) =	vadd.scan.msk.f32 $0xffff, v19  }
0x126: {  	v59 =	vld [tilespmem:s2+$0x14080];
	(xrf2) =	vadd.scan.msk.f32 $0xffff, v20  }
0x127: {  	(xrf2) =	vadd.scan.msk.f32 $0xffff, v16;
	v16 =	vld [tilespmem:s2+$0x14100]  }
0x128: {  	(xrf2) =	vadd.scan.msk.f32 $0xffff, v17;
	v17 =	vld [tilespmem:s2+$0x14180]  }
0x129: {  	v60 =	vld [tilespmem:s2+$0x14200];
	(xrf2) =	vadd.scan.msk.f32 $0xffff, v57  }
0x12a: {  	v61 =	vld [tilespmem:s2+$0x14280];
	(xrf2) =	vadd.scan.msk.f32 $0xffff, v58  }
0x12b: {  	v62 =	vld [tilespmem:s2+$0x14300];
	(xrf2) =	vadd.scan.msk.f32 $0xffff, v59  }
0x12c: {  	v21, _, _ =	vpop (xrf2);
	(xrf2) =	vadd.scan.msk.f32 $0xffff, v16;
	v16 =	vld [tilespmem:s2+$0x14380]  }
0x12d: {  	v15 =	vadd.f32 v21, v15;
	v63, _, _ =	vpop (xrf2);
	(xrf2) =	vadd.scan.msk.f32 $0xffff, v17  }
0x12e: {  	v13 =	vadd.f32 v63, v13;
	v17, _, _ =	vpop (xrf2);
	(xrf2) =	vadd.scan.msk.f32 $0xffff, v60  }
0x12f: {  	v14 =	vadd.f32 v17, v14;
	v17, _, _ =	vpop (xrf2);
	(xrf2) =	vadd.scan.msk.f32 $0xffff, v61;
	[tilespmem:s2+$0x10000] =	vst v15  }
0x130: {  	v12 =	vadd.f32 v17, v12;
	v17, _, _ =	vpop (xrf2);
	(xrf2) =	vadd.scan.msk.f32 $0xffff, v62;
	[tilespmem:s2+$0x10080] =	vst v13  }
0x131: {  	[tilespmem:s2+$0x10100] =	vst v14;
	v11 =	vadd.f32 v17, v11;
	v17, _, _ =	vpop (xrf2);
	(xrf2) =	vadd.scan.msk.f32 $0xffff, v16  }
0x132: {  	v16, _, _ =	vpop (xrf2);
	[tilespmem:s2+$0x10180] =	vst v12;
	v9 =	vadd.f32 v17, v9  }
0x133: {  	v17, _, _ =	vpop (xrf2);
	[tilespmem:s2+$0x10200] =	vst v11;
	v10 =	vadd.f32 v16, v10  }
0x134: {  	v16, _, _ =	vpop (xrf2);
	[tilespmem:s2+$0x10280] =	vst v9;
	v8 =	vadd.f32 v17, v8  }
0x135: {  	v17, _, _ =	vpop (xrf2);
	[tilespmem:s2+$0x10300] =	vst v10;
	v7 =	vadd.f32 v16, v7  }
0x136: {  	v16, _, _ =	vpop (xrf2);
	[tilespmem:s2+$0x10380] =	vst v8;
	v6 =	vadd.f32 v17, v6  }
0x137: {  	v15 =	vbroadcast v15, $0xF;
	v13 =	vbroadcast v13, $0xF;
	v17, _, _ =	vpop (xrf2);
	[tilespmem:s2+$0x14000] =	vst v7;
	v5 =	vadd.f32 v16, v5  }
0x138: {  	v14 =	vbroadcast v14, $0xF;
	v12 =	vbroadcast v12, $0xF;
	v16, _, _ =	vpop (xrf2);
	[tilespmem:s2+$0x14080] =	vst v6;
	v4 =	vadd.f32 v17, v4  }
0x139: {  	p0 =	sne.s32 s1, $0x7F0;
	v11 =	vbroadcast v11, $0xF;
	v9 =	vbroadcast v9, $0xF;
	v17, _, _ =	vpop (xrf2);
	[tilespmem:s2+$0x14100] =	vst v5;
	v3 =	vadd.f32 v16, v3  }
.Ltmp5:
0x13a: {  	v10 =	vbroadcast v10, $0xF;
	v8 =	vbroadcast v8, $0xF;
	v16, _, _ =	vpop (xrf2);
	v2 =	vadd.f32 v17, v2;
	[tilespmem:s2+$0x14180] =	vst v4;
	(pc) =	sbr.rel @p0 .LBB2_12-.Ltmp5, $4  }
0x13b: {  	v7 =	vbroadcast v7, $0xF;
	v6 =	vbroadcast v6, $0xF;
	[tilespmem:s2+$0x14200] =	vst v3;
	v1 =	vadd.f32 v16, v1;
	v16, _, _ =	vpop (xrf2)  }
0x13c: {  	v5 =	vbroadcast v5, $0xF;
	v4 =	vbroadcast v4, $0xF;
	[tilespmem:s2+$0x14280] =	vst v2;
	v0 =	vadd.f32 v16, v0  }
0x13d: {  	v3 =	vbroadcast v3, $0xF;
	v2 =	vbroadcast v2, $0xF;
	[tilespmem:s2+$0x14300] =	vst v1  }
0x13e: {  	s0 =	sadd.s32 $0x80, s0;
	s1 =	sadd.s32 $0x10, s1;
	v1 =	vbroadcast v1, $0xF;
	[tilespmem:s2+$0x14380] =	vst v0;
	v0 =	vbroadcast v0, $0xF  }
0x13f: {  	v0 =	vimm.f32 $0.0e+00  }
0x140: {  	v1 =	vimm.f32 $0.0e+00;
	v2 =	vimm.f32 $0.0e+00;
	v3 =	vimm.f32 $0.0e+00  }
0x141: {  	[hbm4b:s16+s20] =	stream.strided.scatter [tilespmem:s22], [sflag:$0x6], $0x8000, s21, s20, $0x38;
	v4 =	vimm.f32 $0.0e+00;
	v5 =	vimm.f32 $0.0e+00;
	v6 =	vimm.f32 $0.0e+00;
	[tilespmem:$0x18000] =	vst v63  }
0x142: {  	v7 =	vimm.f32 $0.0e+00;
	v8 =	vimm.f32 $0.0e+00;
	v10 =	vimm.f32 $0.0e+00;
	_ =	swait.ge [sflag:s23], $0x8000  }
0x143: {  	v9 =	vimm.f32 $0.0e+00;
	v11 =	vimm.f32 $0.0e+00;
	v12 =	vimm.f32 $0.0e+00;
	s31 =	simm.s32 $0x0;
	[sflag:s23] =	ssyncset.done $0x0  }
0x144: {  	s0 =	simm.s32 $0x0;
	s1 =	simm.s32 $0x0;
	v14 =	vimm.f32 $0.0e+00;
	v13 =	vimm.f32 $0.0e+00;
	v15 =	vimm.f32 $0.0e+00;
	[sflag:s23] =	ssyncadd.s32 $0xFFFF8000  }
.LBB2_14:
0x145: {  	s2 =	sand.u32 $0x70, s1;
	s3 =	sand.u32 $0x3C00, s0  }
0x146: {  	s2 =	sor.u32 s2, s3  }
0x147: {  	v16 =	vld [tilespmem:s2+$0x0]  }
0x148: {  	v17 =	vld [tilespmem:s2+$0x80]  }
0x149: {  	v18 =	vld [tilespmem:s2+$0x100]  }
0x14a: {  	v19 =	vld [tilespmem:s2+$0x180]  }
0x14b: {  	v20 =	vld [tilespmem:s2+$0x200]  }
0x14c: {  	(xrf2) =	vadd.scan.msk.f32 $0xffff, v16;
	v16 =	vld [tilespmem:s2+$0x280]  }
0x14d: {  	(xrf2) =	vadd.scan.msk.f32 $0xffff, v17;
	v17 =	vld [tilespmem:s2+$0x300]  }
0x14e: {  	(xrf2) =	vadd.scan.msk.f32 $0xffff, v18  }
0x14f: {  	(xrf2) =	vadd.scan.msk.f32 $0xffff, v19  }
0x150: {  	(xrf2) =	vadd.scan.msk.f32 $0xffff, v20  }
0x151: {  	(xrf2) =	vadd.scan.msk.f32 $0xffff, v16  }
0x152: {  	(xrf2) =	vadd.scan.msk.f32 $0xffff, v17;
	_ =	sdelay $0x3  }
0x153: {  	v16, _, _ =	vpop (xrf2)  }
0x154: {  	v15 =	vadd.f32 v16, v15;
	v16, _, _ =	vpop (xrf2)  }
0x155: {  	v13 =	vadd.f32 v16, v13;
	v16, _, _ =	vpop (xrf2)  }
0x156: {  	[tilespmem:s2+$0x0] =	vst v15;
	v14 =	vadd.f32 v16, v14;
	v16, _, _ =	vpop (xrf2)  }
0x157: {  	[tilespmem:s2+$0x80] =	vst v13;
	v12 =	vadd.f32 v16, v12;
	v16, _, _ =	vpop (xrf2)  }
0x158: {  	[tilespmem:s2+$0x100] =	vst v14;
	v11 =	vadd.f32 v16, v11;
	v16, _, _ =	vpop (xrf2)  }
0x159: {  	s3 =	sand.u32 $0x7, s31;
	[tilespmem:s2+$0x180] =	vst v12;
	v9 =	vadd.f32 v16, v9;
	v16, _, _ =	vpop (xrf2)  }
0x15a: {  	s3 =	sshll.u32 s3, $0x4;
	[tilespmem:s2+$0x200] =	vst v11;
	v10 =	vadd.f32 v16, v10  }
0x15b: {  	s3 =	sadd.s32 s3, s0;
	[tilespmem:s2+$0x280] =	vst v9  }
0x15c: {  	s3 =	sor.u32 $0x380, s3;
	[tilespmem:s2+$0x300] =	vst v10  }
0x15d: {  	v16 =	vld [tilespmem:s3+$0x0];
	_ =	sdelay $0x4  }
0x15e: {  	(xrf2) =	vadd.scan.msk.f32 $0xffff, v16;
	_ =	sdelay $0x9  }
0x15f: {  	v16, _, _ =	vpop (xrf2)  }
0x160: {  	v8 =	vadd.f32 v16, v8;
	_ =	sdelay $0x1  }
0x161: {  	[tilespmem:s3+$0x0] =	vst v8  }
0x162: {  	v16 =	vld [tilespmem:s2+$0x4000]  }
0x163: {  	v17 =	vld [tilespmem:s2+$0x4080]  }
0x164: {  	v60 =	vld [tilespmem:s2+$0x4100]  }
0x165: {  	v61 =	vld [tilespmem:s2+$0x4180]  }
0x166: {  	v62 =	vld [tilespmem:s2+$0x4200]  }
0x167: {  	(xrf2) =	vadd.scan.msk.f32 $0xffff, v16;
	v16 =	vld [tilespmem:s2+$0x4280]  }
0x168: {  	(xrf2) =	vadd.scan.msk.f32 $0xffff, v17;
	v17 =	vld [tilespmem:s2+$0x4300]  }
0x169: {  	v63 =	vld [tilespmem:s2+$0x4380];
	(xrf2) =	vadd.scan.msk.f32 $0xffff, v60  }
0x16a: {  	(xrf2) =	vadd.scan.msk.f32 $0xffff, v61  }
0x16b: {  	(xrf2) =	vadd.scan.msk.f32 $0xffff, v62  }
0x16c: {  	(xrf2) =	vadd.scan.msk.f32 $0xffff, v16  }
0x16d: {  	(xrf2) =	vadd.scan.msk.f32 $0xffff, v17  }
0x16e: {  	(xrf2) =	vadd.scan.msk.f32 $0xffff, v63;
	_ =	sdelay $0x2  }
0x16f: {  	v16, _, _ =	vpop (xrf2)  }
0x170: {  	v17, _, _ =	vpop (xrf2);
	v7 =	vadd.f32 v16, v7  }
0x171: {  	v16, _, _ =	vpop (xrf2);
	v6 =	vadd.f32 v17, v6  }
0x172: {  	v15 =	vbroadcast v15, $0xF;
	v13 =	vbroadcast v13, $0xF;
	v17, _, _ =	vpop (xrf2);
	[tilespmem:s2+$0x4000] =	vst v7;
	v5 =	vadd.f32 v16, v5  }
0x173: {  	v14 =	vbroadcast v14, $0xF;
	v12 =	vbroadcast v12, $0xF;
	v16, _, _ =	vpop (xrf2);
	[tilespmem:s2+$0x4080] =	vst v6;
	v4 =	vadd.f32 v17, v4  }
0x174: {  	p0 =	sne.s32 s1, $0x7F0;
	v11 =	vbroadcast v11, $0xF;
	v9 =	vbroadcast v9, $0xF;
	v17, _, _ =	vpop (xrf2);
	[tilespmem:s2+$0x4100] =	vst v5;
	v3 =	vadd.f32 v16, v3  }
.Ltmp6:
0x175: {  	v10 =	vbroadcast v10, $0xF;
	v8 =	vbroadcast v8, $0xF;
	v16, _, _ =	vpop (xrf2);
	v2 =	vadd.f32 v17, v2;
	[tilespmem:s2+$0x4180] =	vst v4;
	(pc) =	sbr.rel @p0 .LBB2_14-.Ltmp6, $4  }
0x176: {  	v7 =	vbroadcast v7, $0xF;
	v6 =	vbroadcast v6, $0xF;
	[tilespmem:s2+$0x4200] =	vst v3;
	v1 =	vadd.f32 v16, v1;
	v16, _, _ =	vpop (xrf2)  }
0x177: {  	v5 =	vbroadcast v5, $0xF;
	v4 =	vbroadcast v4, $0xF;
	[tilespmem:s2+$0x4280] =	vst v2;
	v0 =	vadd.f32 v16, v0  }
0x178: {  	v3 =	vbroadcast v3, $0xF;
	v2 =	vbroadcast v2, $0xF;
	[tilespmem:s2+$0x4300] =	vst v1  }
0x179: {  	s1 =	sadd.s32 $0x10, s1;
	s31 =	sadd.s32 $0x1, s31;
	s0 =	sadd.s32 $0x80, s0;
	v1 =	vbroadcast v1, $0xF;
	[tilespmem:s2+$0x4380] =	vst v0;
	v0 =	vbroadcast v0, $0xF  }
0x17a: {  	s0 =	simm.s32 $0x0  }
0x17b: {  	[hbm4b:s17+s20] =	stream.strided.scatter [tilespmem:s0], [sflag:$0x4], $0x8000, s21, s20, $0x38;
	[tilespmem:$0x18000] =	vst v63  }
0x17c: {  	_ =	swait.ge [sflag:s25], $0x8000  }
0x17d: {  	[sflag:s25] =	ssyncset.done $0x0  }
0x17e: {  	s1 =	simm.s32 $0x0;
	[sflag:s25] =	ssyncadd.s32 $0xFFFF8000  }
.LBB2_16:
0x17f: {  	s2 =	sand.u32 $0x70, s1;
	s3 =	sand.u32 $0x3C00, s0  }
0x180: {  	s2 =	sor.u32 s2, s3  }
0x181: {  	v16 =	vld [tilespmem:s2+$0x8000]  }
0x182: {  	v17 =	vld [tilespmem:s2+$0x8080]  }
0x183: {  	v18 =	vld [tilespmem:s2+$0x8100]  }
0x184: {  	v19 =	vld [tilespmem:s2+$0x8180]  }
0x185: {  	v20 =	vld [tilespmem:s2+$0x8200]  }
0x186: {  	(xrf2) =	vadd.scan.msk.f32 $0xffff, v16;
	v16 =	vld [tilespmem:s2+$0x8280]  }
0x187: {  	(xrf2) =	vadd.scan.msk.f32 $0xffff, v17;
	v17 =	vld [tilespmem:s2+$0x8300]  }
0x188: {  	v57 =	vld [tilespmem:s2+$0x8380];
	(xrf2) =	vadd.scan.msk.f32 $0xffff, v18  }
0x189: {  	v58 =	vld [tilespmem:s2+$0xC000];
	(xrf2) =	vadd.scan.msk.f32 $0xffff, v19  }
0x18a: {  	v59 =	vld [tilespmem:s2+$0xC080];
	(xrf2) =	vadd.scan.msk.f32 $0xffff, v20  }
0x18b: {  	(xrf2) =	vadd.scan.msk.f32 $0xffff, v16;
	v16 =	vld [tilespmem:s2+$0xC100]  }
0x18c: {  	(xrf2) =	vadd.scan.msk.f32 $0xffff, v17;
	v17 =	vld [tilespmem:s2+$0xC180]  }
0x18d: {  	v60 =	vld [tilespmem:s2+$0xC200];
	(xrf2) =	vadd.scan.msk.f32 $0xffff, v57  }
0x18e: {  	v61 =	vld [tilespmem:s2+$0xC280];
	(xrf2) =	vadd.scan.msk.f32 $0xffff, v58  }
0x18f: {  	v62 =	vld [tilespmem:s2+$0xC300];
	(xrf2) =	vadd.scan.msk.f32 $0xffff, v59  }
0x190: {  	v21, _, _ =	vpop (xrf2);
	(xrf2) =	vadd.scan.msk.f32 $0xffff, v16;
	v16 =	vld [tilespmem:s2+$0xC380]  }
0x191: {  	v15 =	vadd.f32 v21, v15;
	v63, _, _ =	vpop (xrf2);
	(xrf2) =	vadd.scan.msk.f32 $0xffff, v17  }
0x192: {  	v13 =	vadd.f32 v63, v13;
	v17, _, _ =	vpop (xrf2);
	(xrf2) =	vadd.scan.msk.f32 $0xffff, v60  }
0x193: {  	v14 =	vadd.f32 v17, v14;
	v17, _, _ =	vpop (xrf2);
	(xrf2) =	vadd.scan.msk.f32 $0xffff, v61;
	[tilespmem:s2+$0x8000] =	vst v15  }
0x194: {  	v12 =	vadd.f32 v17, v12;
	v17, _, _ =	vpop (xrf2);
	(xrf2) =	vadd.scan.msk.f32 $0xffff, v62;
	[tilespmem:s2+$0x8080] =	vst v13  }
0x195: {  	[tilespmem:s2+$0x8100] =	vst v14;
	v11 =	vadd.f32 v17, v11;
	v17, _, _ =	vpop (xrf2);
	(xrf2) =	vadd.scan.msk.f32 $0xffff, v16  }
0x196: {  	v16, _, _ =	vpop (xrf2);
	[tilespmem:s2+$0x8180] =	vst v12;
	v9 =	vadd.f32 v17, v9  }
0x197: {  	v17, _, _ =	vpop (xrf2);
	[tilespmem:s2+$0x8200] =	vst v11;
	v10 =	vadd.f32 v16, v10  }
0x198: {  	v16, _, _ =	vpop (xrf2);
	[tilespmem:s2+$0x8280] =	vst v9;
	v8 =	vadd.f32 v17, v8  }
0x199: {  	v17, _, _ =	vpop (xrf2);
	[tilespmem:s2+$0x8300] =	vst v10;
	v7 =	vadd.f32 v16, v7  }
0x19a: {  	v16, _, _ =	vpop (xrf2);
	[tilespmem:s2+$0x8380] =	vst v8;
	v6 =	vadd.f32 v17, v6  }
0x19b: {  	v15 =	vbroadcast v15, $0xF;
	v13 =	vbroadcast v13, $0xF;
	v17, _, _ =	vpop (xrf2);
	[tilespmem:s2+$0xC000] =	vst v7;
	v5 =	vadd.f32 v16, v5  }
0x19c: {  	v14 =	vbroadcast v14, $0xF;
	v12 =	vbroadcast v12, $0xF;
	v16, _, _ =	vpop (xrf2);
	[tilespmem:s2+$0xC080] =	vst v6;
	v4 =	vadd.f32 v17, v4  }
0x19d: {  	p0 =	sne.s32 s1, $0x7F0;
	v11 =	vbroadcast v11, $0xF;
	v9 =	vbroadcast v9, $0xF;
	v17, _, _ =	vpop (xrf2);
	[tilespmem:s2+$0xC100] =	vst v5;
	v3 =	vadd.f32 v16, v3  }
.Ltmp7:
0x19e: {  	v10 =	vbroadcast v10, $0xF;
	v8 =	vbroadcast v8, $0xF;
	v16, _, _ =	vpop (xrf2);
	v2 =	vadd.f32 v17, v2;
	[tilespmem:s2+$0xC180] =	vst v4;
	(pc) =	sbr.rel @p0 .LBB2_16-.Ltmp7, $4  }
0x19f: {  	v7 =	vbroadcast v7, $0xF;
	v6 =	vbroadcast v6, $0xF;
	[tilespmem:s2+$0xC200] =	vst v3;
	v1 =	vadd.f32 v16, v1;
	v16, _, _ =	vpop (xrf2)  }
0x1a0: {  	v5 =	vbroadcast v5, $0xF;
	v4 =	vbroadcast v4, $0xF;
	[tilespmem:s2+$0xC280] =	vst v2;
	v0 =	vadd.f32 v16, v0  }
0x1a1: {  	v3 =	vbroadcast v3, $0xF;
	v2 =	vbroadcast v2, $0xF;
	[tilespmem:s2+$0xC300] =	vst v1  }
0x1a2: {  	s0 =	sadd.s32 $0x80, s0;
	s1 =	sadd.s32 $0x10, s1;
	v1 =	vbroadcast v1, $0xF;
	[tilespmem:s2+$0xC380] =	vst v0;
	v0 =	vbroadcast v0, $0xF  }
0x1a3: {  	[hbm4b:s18+s20] =	stream.strided.scatter [tilespmem:s21], [sflag:$0x5], $0x8000, s21, s20, $0x38;
	[tilespmem:$0x18000] =	vst v63  }
0x1a4: {  	_ =	swait.ge [sflag:s26], $0x8000  }
0x1a5: {  	[sflag:s26] =	ssyncset.done $0x0  }
0x1a6: {  	s30 =	sadd.s32 $0x1, s30;
	[sflag:s26] =	ssyncadd.s32 $0xFFFF8000  }
0x1a7: {  	p0 =	sne.s32 s30, s19;
	_ =	swait.ge [sflag:s24], $0x8000  }
.Ltmp8:
0x1a8: {  	[sflag:s24] =	ssyncset.done $0x0;
	(pc) =	sbr.rel @p0 .LBB2_1-.Ltmp8, $4  }
0x1a9: {  	[sflag:s24] =	ssyncadd.s32 $0xFFFF8000  }
0x1aa: {  	_ =	swait.ge [sflag:s29], $0x8000  }
0x1ab: {  	[sflag:s29] =	ssyncset.done $0x0  }
0x1ac: {  	[sflag:s29] =	ssyncadd.s32 $0xFFFF8000  }
0x1ad: {  	_ =	sfence.sel $0x180000  }
0x1ae: {  	[bflag:$0x0] =	sbarrier.arrive $0xFFFF  }
0x1af: {  	_ =	strace $0x90000047  }
0x1b0: {  	s0 =	stileid.u32;
	[bflag:$0x2] =	sbarrier.arrive $0xFFFF  }
0x1b1: {  	p0 =	sne.s32 s0, $0x0;
	s0 =	rddreg [dreg:$0x2]  }
0x1b2: {  	s0 =	sadd.s32 @!p0 $0x100000, s0  }
0x1b3: {  	[sflag:s0] =	ssyncadd.tile.s32 @!p0 $0x1;
	_ =	shalt  }
.Lfunc_end2:
_tile_overlayer_lowered:
.L_overlay_start_2:
0x1b4: {  	(tag) =	ssettag $0x2  }
0x1b5: {  	s0 =	rddreg [dreg:$0x0];
	s2 =	stileid.u32  }
0x1b6: {  	s1 =	rddreg [dreg:$0x1];
	p0 =	sne.s32 s2, $0x0  }
0x1b7: {  	s3 =	rddreg [dreg:$0x2];
	[bflag:$0x3] =	sbarrier.arrive $0xFFFF;
	s2 =	simm.s32 @!p0 $0x1C07  }
0x1b8: {  	[timem:s3], [sflag:s2] =	dma.local @!p0 [hbm:s0], s1  }
0x1b9: {  	s0 =	simm.s32 @!p0 $0x7  }
0x1ba: {  	_ =	swait.ge @!p0 [sflag:s0], s1  }
0x1bb: {  	s1 =	ssub.s32 @!p0 $0x0, s1;
	[sflag:s0] =	ssyncset.done @!p0 $0x0  }
0x1bc: {  	[sflag:s0] =	ssyncadd.s32 @!p0 s1  }
0x1bd: {  	[bflag:$0x3] =	sbarrier.arrive $0xFFFF  }
0x1be: {  	_ =	shalt  }

</sc_bundles>
